<compile_context>
chip_gen: v7x
topology: tpu7x:2x2x1
jax: 0.10.2.dev20260603
libtpu: 0.0.44.dev20260713+nightly
codegen_flags: <defaults>
</compile_context>

<pallas_src>
import functools

import jax
import jax.numpy as jnp
from jax import lax
from jax.experimental import pallas as pl
from jax.experimental.pallas import tpu as pltpu
from jax.experimental.pallas import tpu_sc as plsc

N_NODES = 10000
N_EDGES = 320000
D = 128

NC = 2
NS = 16
NW = NC * NS

NPT = 320
NPT_LAST = N_NODES - (NW - 1) * NPT
NPS = NS * NPT
ACC_ROWS = NPS + 8
PAD_ROW = NPS
CHUNK = 128
NBUF = 5
NBND = 48


def _sc_segment_sum(edges, idx, bounds):
    mesh = plsc.VectorSubcoreMesh(core_axis_name="c", subcore_axis_name="s")

    @functools.partial(
        pl.kernel,
        out_type=jax.ShapeDtypeStruct((N_NODES, D), jnp.float32),
        mesh=mesh,
        scratch_types=dict(
            sacc=pltpu.VMEM_SHARED((ACC_ROWS, D), jnp.float32),
            bvec=pltpu.VMEM((NBND,), jnp.int32),
            bsm=pltpu.SMEM((2,), jnp.int32),
            iraw=pltpu.VMEM((NBUF, CHUNK), jnp.int32),
            iloc=pltpu.VMEM((NBUF, 1, CHUNK), jnp.int32),
            ebuf=pltpu.VMEM((NBUF, CHUNK, D), jnp.float32),
            sems=pltpu.SemaphoreType.DMA((NBUF,)),
        ),
    )
    def k(edges_hbm, idx_hbm, bounds_hbm, out_hbm, sacc, bvec, bsm, iraw,
          iloc, ebuf, sems):
        core = lax.axis_index("c")
        sub = lax.axis_index("s")
        wid = core * NS + sub

        pltpu.sync_copy(bounds_hbm, bvec)
        lanes = lax.iota(jnp.int32, 16)

        for w in range(NW):
            @pl.when(wid == w)
            def _(w=w):
                q0, l0 = divmod(w, 16)
                q1, l1 = divmod(w + 1, 16)
                v0 = bvec[pl.ds(q0 * 16, 16)]
                bsm[0] = lax.squeeze(lax.slice(v0, (l0,), (l0 + 1,)), (0,))
                v1 = bvec[pl.ds(q1 * 16, 16)]
                bsm[1] = lax.squeeze(lax.slice(v1, (l1,), (l1 + 1,)), (0,))

        b_lo = bsm[0]
        b_hi = bsm[1]
        estart = (b_lo // 8) * 8
        eend = ((b_hi + 7) // 8) * 8
        nch = (eend - estart + (CHUNK - 1)) // CHUNK
        node_lo = wid * NPT
        node_hi = jnp.minimum((wid + 1) * NPT, N_NODES)
        sc_base = core * NPS

        def chunk_start(c):
            raw = estart + c * CHUNK
            return jnp.minimum(raw, N_EDGES - CHUNK), raw

        def start_gather(c, b):
            sc, _ = chunk_start(c)
            sc = pl.multiple_of(sc, 8)
            pltpu.async_copy(edges_hbm.at[pl.ds(sc, CHUNK)], ebuf.at[b], sems.at[b])
            pltpu.async_copy(idx_hbm.at[pl.ds(sc, CHUNK)], iraw.at[b], sems.at[b])

        def wait_gather(b):
            pltpu.make_async_copy(
                edges_hbm.at[pl.ds(0, CHUNK)], ebuf.at[b], sems.at[b]
            ).wait()
            pltpu.make_async_copy(
                idx_hbm.at[pl.ds(0, CHUNK)], iraw.at[b], sems.at[b]
            ).wait()

        def process_chunk(c, b):
            sc, raw = chunk_start(c)
            for q in range(CHUNK // 16):
                v = iraw[b, pl.ds(q * 16, 16)]
                e = sc + q * 16 + lanes
                keep = (v >= node_lo) & (v < node_hi) & (e >= raw)
                iloc[b, 0, pl.ds(q * 16, 16)] = jnp.where(
                    keep, v - sc_base, jnp.int32(PAD_ROW)
                )
            pltpu.sync_copy(ebuf.at[b], sacc.at[iloc.at[b, 0]], add=True)

        for b in range(1, NBUF):
            @pl.when(b < nch)
            def _(b=b):
                start_gather(b, b)

        def zero_row(r, carry):
            for j in range(D // 16):
                ebuf[0, r, pl.ds(j * 16, 16)] = jnp.zeros((16,), jnp.float32)
            return carry

        lax.fori_loop(0, CHUNK, zero_row, 0)
        for kk in range(NPT // CHUNK):
            pltpu.sync_copy(
                ebuf.at[0],
                sacc.at[pl.ds(sub * NPT + kk * CHUNK, CHUNK)],
            )
        if NPT % CHUNK:
            pltpu.sync_copy(
                ebuf.at[0, pl.ds(0, NPT % CHUNK)],
                sacc.at[pl.ds(sub * NPT + (NPT // CHUNK) * CHUNK, NPT % CHUNK)],
            )

        @pl.when(sub == NS - 1)
        def _():
            pltpu.sync_copy(ebuf.at[0, pl.ds(0, 8)], sacc.at[pl.ds(NPS, 8)])

        plsc.subcore_barrier()

        @pl.when(0 < nch)
        def _():
            start_gather(0, 0)

        def body(g, carry):
            for b in range(NBUF):
                c = g * NBUF + b

                @pl.when(c < nch)
                def _(c=c, b=b):
                    wait_gather(b)
                    process_chunk(c, b)

                    @pl.when(c + NBUF < nch)
                    def _():
                        start_gather(c + NBUF, b)

            return carry

        lax.fori_loop(0, (nch + NBUF - 1) // NBUF, body, 0)
        plsc.subcore_barrier()

        @pl.when(wid < NW - 1)
        def _():
            pltpu.sync_copy(
                sacc.at[pl.ds(sub * NPT, NPT)],
                out_hbm.at[pl.ds(wid * NPT, NPT)],
            )

        @pl.when(wid == NW - 1)
        def _():
            pltpu.sync_copy(
                sacc.at[pl.ds(sub * NPT, NPT_LAST)],
                out_hbm.at[pl.ds((NW - 1) * NPT, NPT_LAST)],
            )

    return k(edges, idx, bounds)


@jax.jit
def kernel(new_edges, recv_idx):
    idx = recv_idx.astype(jnp.int32)
    starts = jnp.arange(NBND, dtype=jnp.int32) * NPT
    bounds = jnp.sum(
        (idx[:, None] < starts[None, :]).astype(jnp.int32), axis=0
    )
    return _sc_segment_sum(new_edges, idx, bounds)

# --- scband reference (transcript-rebuilt; emitter-appended) ---
"""Pipeline reference for scband-edge-pool-block-5076651344272 (READ-ONLY COPY).

The authoritative reference and input builder live on the scoring server;
editing this copy changes nothing except your own understanding.
"""

import jax, jax.numpy as jnp
import numpy as np

N_NODES = 10000
N_EDGES = 320000
EDGE_DIM = 128

def setup_inputs(seed: int = 0) -> dict:
    key = jax.random.key(seed)
    k1, k2 = jax.random.split(key)
    new_edges = jax.random.normal(k1, (N_EDGES, EDGE_DIM), dtype=jnp.float32)
    recv_idx = jnp.sort(jax.random.randint(k2, (N_EDGES,), 0, N_NODES, dtype=jnp.int64))
    return {"new_edges": new_edges, "recv_idx": recv_idx}

def reference(new_edges, recv_idx):
    # EdgePoolBlock with pool_type='sum': aggr_via_sparse(new_edges, adjmat, reduction='sum', dim=1)
    # pools the compressed (flattened nonzero) edge features across the receiver dimension.
    # This is exactly a scatter-add / segment-sum of edge features into receiver node slots.
    pooled = jax.ops.segment_sum(new_edges, recv_idx, num_segments=N_NODES)
    # decompress(new_edges, adjmat.any(1)) scatters the pooled values back into the dense
    # node layout with zeros for nodes that receive no edges; segment_sum already yields
    # zeros for empty segments, so the dense [N_NODES, EDGE_DIM] tensor is the result.
    return pooled

if __name__ == "__main__":
    import jax
    _d = setup_inputs()
    print(jax.jit(kernel)(*tuple(_d.values())))

</pallas_src>

<mosaic_0001>
#map = affine_map<(d0, d1) -> (0, 0)>
#map1 = affine_map<(d0, d1) -> (0)>
module attributes {stable_mosaic.version = 14 : i64} {
  func.func @k(%arg0: i32, %arg1: i32, %arg2: memref<320000x128xf32, #tpu.memory_space<hbm>>, %arg3: memref<320000xi32, #tpu.memory_space<hbm>>, %arg4: memref<48xi32, #tpu.memory_space<hbm>>, %arg5: memref<10000x128xf32, #tpu.memory_space<hbm>>, %arg6: memref<2xi32, #tpu.memory_space<smem>>, %arg7: memref<48xi32, #tpu.memory_space<vmem>>, %arg8: memref<5x128x128xf32, #tpu.memory_space<vmem>>, %arg9: memref<5x1x128xi32, #tpu.memory_space<vmem>>, %arg10: memref<5x128xi32, #tpu.memory_space<vmem>>, %arg11: memref<5128x128xf32, #tpu.memory_space<vmem_shared>>, %arg12: memref<5x!tpu.dma_semaphore, #tpu.memory_space<semaphore_mem>>) attributes {dimension_semantics = [#tpu.dimension_semantics<core_parallel>, #tpu.dimension_semantics<subcore_parallel>], iteration_bounds = array<i64: 2, 16>, scalar_prefetch = 0 : i64, scratch_operands = 7 : i64, tpu.core_type = #tpu.core_type<sc_vector_subcore>, window_params = [{transform_indices = #map}, {transform_indices = #map1}, {transform_indices = #map1}, {transform_indices = #map}]} {
    %mul3A = arith.constant 16 : i32
    %mul3A_0 = arith.muli %arg0, %mul3A : i32
    %add3A = arith.addi %mul3A_0, %arg1 : i32
    "tpu.region"() ({
      %run_scoped3A_340 = tpu.sem_alloc : memref<!tpu.dma_semaphore, #tpu.memory_space<semaphore_mem>>
      tpu.enqueue_dma source(%arg4 : memref<48xi32, #tpu.memory_space<hbm>>) target(%arg7 : memref<48xi32, #tpu.memory_space<vmem>>) target_semaphore(%run_scoped3A_340 : memref<!tpu.dma_semaphore, #tpu.memory_space<semaphore_mem>>)
      tpu.wait_dma2 semaphore(%run_scoped3A_340 : memref<!tpu.dma_semaphore, #tpu.memory_space<semaphore_mem>>) src(%arg4 : memref<48xi32, #tpu.memory_space<hbm>>) dst(%arg7 : memref<48xi32, #tpu.memory_space<vmem>>)
      tpu.yield
    }) : () -> ()
    %iota3A = tpu.iota {dimensions = array<i32: 0>} : vector<16xi32>
    %eq3A = arith.constant 0 : i32
    %eq3A_1 = arith.cmpi eq, %add3A, %eq3A : i32
    %convert_element_type3A = arith.extui %eq3A_1 : i1 to i32
    %cond3A = arith.constant 0 : i32
    %cond3A_2 = arith.cmpi ne, %convert_element_type3A, %cond3A : i32
    scf.if %cond3A_2 {
      %get3A_340 = arith.constant 0 : index
      %get3A_341 = tpu.vector_load %arg7[%get3A_340] {strides = array<i32>} : memref<48xi32, #tpu.memory_space<vmem>>, vector<16xi32>,
      %get3A_342 = vector.shape_cast %get3A_341 : vector<16xi32> to vector<16xi32>
      %slice3A = vector.extract_strided_slice %get3A_342 {offsets = [0], sizes = [1], strides = [1]} : vector<16xi32> to vector<1xi32>
      %squeeze3A = vector.extract %slice3A[0] : i32 from vector<1xi32>
      %swap3A = arith.constant 0 : i32
      %swap3A_343 = arith.index_cast %swap3A : i32 to index
      %swap3A_344 = memref.load %arg6[%swap3A_343] : memref<2xi32, #tpu.memory_space<smem>>
      memref.store %squeeze3A, %arg6[%swap3A_343] : memref<2xi32, #tpu.memory_space<smem>>
      %get3A_345 = arith.constant 0 : index
      %get3A_346 = tpu.vector_load %arg7[%get3A_345] {strides = array<i32>} : memref<48xi32, #tpu.memory_space<vmem>>, vector<16xi32>,
      %get3A_347 = vector.shape_cast %get3A_346 : vector<16xi32> to vector<16xi32>
      %slice3A_348 = vector.extract_strided_slice %get3A_347 {offsets = [1], sizes = [1], strides = [1]} : vector<16xi32> to vector<1xi32>
      %squeeze3A_349 = vector.extract %slice3A_348[0] : i32 from vector<1xi32>
      %swap3A_350 = arith.constant 1 : i32
      %swap3A_351 = arith.index_cast %swap3A_350 : i32 to index
      %swap3A_352 = memref.load %arg6[%swap3A_351] : memref<2xi32, #tpu.memory_space<smem>>
      memref.store %squeeze3A_349, %arg6[%swap3A_351] : memref<2xi32, #tpu.memory_space<smem>>
    } else {
    }
    %eq3A_3 = arith.constant 1 : i32
    %eq3A_4 = arith.cmpi eq, %add3A, %eq3A_3 : i32
    %convert_element_type3A_5 = arith.extui %eq3A_4 : i1 to i32
    %cond3A_6 = arith.constant 0 : i32
    %cond3A_7 = arith.cmpi ne, %convert_element_type3A_5, %cond3A_6 : i32
    scf.if %cond3A_7 {
      %get3A_340 = arith.constant 0 : index
      %get3A_341 = tpu.vector_load %arg7[%get3A_340] {strides = array<i32>} : memref<48xi32, #tpu.memory_space<vmem>>, vector<16xi32>,
      %get3A_342 = vector.shape_cast %get3A_341 : vector<16xi32> to vector<16xi32>
      %slice3A = vector.extract_strided_slice %get3A_342 {offsets = [1], sizes = [1], strides = [1]} : vector<16xi32> to vector<1xi32>
      %squeeze3A = vector.extract %slice3A[0] : i32 from vector<1xi32>
      %swap3A = arith.constant 0 : i32
      %swap3A_343 = arith.index_cast %swap3A : i32 to index
      %swap3A_344 = memref.load %arg6[%swap3A_343] : memref<2xi32, #tpu.memory_space<smem>>
      memref.store %squeeze3A, %arg6[%swap3A_343] : memref<2xi32, #tpu.memory_space<smem>>
      %get3A_345 = arith.constant 0 : index
      %get3A_346 = tpu.vector_load %arg7[%get3A_345] {strides = array<i32>} : memref<48xi32, #tpu.memory_space<vmem>>, vector<16xi32>,
      %get3A_347 = vector.shape_cast %get3A_346 : vector<16xi32> to vector<16xi32>
      %slice3A_348 = vector.extract_strided_slice %get3A_347 {offsets = [2], sizes = [1], strides = [1]} : vector<16xi32> to vector<1xi32>
      %squeeze3A_349 = vector.extract %slice3A_348[0] : i32 from vector<1xi32>
      %swap3A_350 = arith.constant 1 : i32
      %swap3A_351 = arith.index_cast %swap3A_350 : i32 to index
      %swap3A_352 = memref.load %arg6[%swap3A_351] : memref<2xi32, #tpu.memory_space<smem>>
      memref.store %squeeze3A_349, %arg6[%swap3A_351] : memref<2xi32, #tpu.memory_space<smem>>
    } else {
    }
    %eq3A_8 = arith.constant 2 : i32
    %eq3A_9 = arith.cmpi eq, %add3A, %eq3A_8 : i32
    %convert_element_type3A_10 = arith.extui %eq3A_9 : i1 to i32
    %cond3A_11 = arith.constant 0 : i32
    %cond3A_12 = arith.cmpi ne, %convert_element_type3A_10, %cond3A_11 : i32
    scf.if %cond3A_12 {
      %get3A_340 = arith.constant 0 : index
      %get3A_341 = tpu.vector_load %arg7[%get3A_340] {strides = array<i32>} : memref<48xi32, #tpu.memory_space<vmem>>, vector<16xi32>,
      %get3A_342 = vector.shape_cast %get3A_341 : vector<16xi32> to vector<16xi32>
      %slice3A = vector.extract_strided_slice %get3A_342 {offsets = [2], sizes = [1], strides = [1]} : vector<16xi32> to vector<1xi32>
      %squeeze3A = vector.extract %slice3A[0] : i32 from vector<1xi32>
      %swap3A = arith.constant 0 : i32
      %swap3A_343 = arith.index_cast %swap3A : i32 to index
      %swap3A_344 = memref.load %arg6[%swap3A_343] : memref<2xi32, #tpu.memory_space<smem>>
      memref.store %squeeze3A, %arg6[%swap3A_343] : memref<2xi32, #tpu.memory_space<smem>>
      %get3A_345 = arith.constant 0 : index
      %get3A_346 = tpu.vector_load %arg7[%get3A_345] {strides = array<i32>} : memref<48xi32, #tpu.memory_space<vmem>>, vector<16xi32>,
      %get3A_347 = vector.shape_cast %get3A_346 : vector<16xi32> to vector<16xi32>
      %slice3A_348 = vector.extract_strided_slice %get3A_347 {offsets = [3], sizes = [1], strides = [1]} : vector<16xi32> to vector<1xi32>
      %squeeze3A_349 = vector.extract %slice3A_348[0] : i32 from vector<1xi32>
      %swap3A_350 = arith.constant 1 : i32
      %swap3A_351 = arith.index_cast %swap3A_350 : i32 to index
      %swap3A_352 = memref.load %arg6[%swap3A_351] : memref<2xi32, #tpu.memory_space<smem>>
      memref.store %squeeze3A_349, %arg6[%swap3A_351] : memref<2xi32, #tpu.memory_space<smem>>
    } else {
    }
    %eq3A_13 = arith.constant 3 : i32
    %eq3A_14 = arith.cmpi eq, %add3A, %eq3A_13 : i32
    %convert_element_type3A_15 = arith.extui %eq3A_14 : i1 to i32
    %cond3A_16 = arith.constant 0 : i32
    %cond3A_17 = arith.cmpi ne, %convert_element_type3A_15, %cond3A_16 : i32
    scf.if %cond3A_17 {
      %get3A_340 = arith.constant 0 : index
      %get3A_341 = tpu.vector_load %arg7[%get3A_340] {strides = array<i32>} : memref<48xi32, #tpu.memory_space<vmem>>, vector<16xi32>,
      %get3A_342 = vector.shape_cast %get3A_341 : vector<16xi32> to vector<16xi32>
      %slice3A = vector.extract_strided_slice %get3A_342 {offsets = [3], sizes = [1], strides = [1]} : vector<16xi32> to vector<1xi32>
      %squeeze3A = vector.extract %slice3A[0] : i32 from vector<1xi32>
      %swap3A = arith.constant 0 : i32
      %swap3A_343 = arith.index_cast %swap3A : i32 to index
      %swap3A_344 = memref.load %arg6[%swap3A_343] : memref<2xi32, #tpu.memory_space<smem>>
      memref.store %squeeze3A, %arg6[%swap3A_343] : memref<2xi32, #tpu.memory_space<smem>>
      %get3A_345 = arith.constant 0 : index
      %get3A_346 = tpu.vector_load %arg7[%get3A_345] {strides = array<i32>} : memref<48xi32, #tpu.memory_space<vmem>>, vector<16xi32>,
      %get3A_347 = vector.shape_cast %get3A_346 : vector<16xi32> to vector<16xi32>
      %slice3A_348 = vector.extract_strided_slice %get3A_347 {offsets = [4], sizes = [1], strides = [1]} : vector<16xi32> to vector<1xi32>
      %squeeze3A_349 = vector.extract %slice3A_348[0] : i32 from vector<1xi32>
      %swap3A_350 = arith.constant 1 : i32
      %swap3A_351 = arith.index_cast %swap3A_350 : i32 to index
      %swap3A_352 = memref.load %arg6[%swap3A_351] : memref<2xi32, #tpu.memory_space<smem>>
      memref.store %squeeze3A_349, %arg6[%swap3A_351] : memref<2xi32, #tpu.memory_space<smem>>
    } else {
    }
    %eq3A_18 = arith.constant 4 : i32
    %eq3A_19 = arith.cmpi eq, %add3A, %eq3A_18 : i32
    %convert_element_type3A_20 = arith.extui %eq3A_19 : i1 to i32
    %cond3A_21 = arith.constant 0 : i32
    %cond3A_22 = arith.cmpi ne, %convert_element_type3A_20, %cond3A_21 : i32
    scf.if %cond3A_22 {
      %get3A_340 = arith.constant 0 : index
      %get3A_341 = tpu.vector_load %arg7[%get3A_340] {strides = array<i32>} : memref<48xi32, #tpu.memory_space<vmem>>, vector<16xi32>,
      %get3A_342 = vector.shape_cast %get3A_341 : vector<16xi32> to vector<16xi32>
      %slice3A = vector.extract_strided_slice %get3A_342 {offsets = [4], sizes = [1], strides = [1]} : vector<16xi32> to vector<1xi32>
      %squeeze3A = vector.extract %slice3A[0] : i32 from vector<1xi32>
      %swap3A = arith.constant 0 : i32
      %swap3A_343 = arith.index_cast %swap3A : i32 to index
      %swap3A_344 = memref.load %arg6[%swap3A_343] : memref<2xi32, #tpu.memory_space<smem>>
      memref.store %squeeze3A, %arg6[%swap3A_343] : memref<2xi32, #tpu.memory_space<smem>>
      %get3A_345 = arith.constant 0 : index
      %get3A_346 = tpu.vector_load %arg7[%get3A_345] {strides = array<i32>} : memref<48xi32, #tpu.memory_space<vmem>>, vector<16xi32>,
      %get3A_347 = vector.shape_cast %get3A_346 : vector<16xi32> to vector<16xi32>
      %slice3A_348 = vector.extract_strided_slice %get3A_347 {offsets = [5], sizes = [1], strides = [1]} : vector<16xi32> to vector<1xi32>
      %squeeze3A_349 = vector.extract %slice3A_348[0] : i32 from vector<1xi32>
      %swap3A_350 = arith.constant 1 : i32
      %swap3A_351 = arith.index_cast %swap3A_350 : i32 to index
      %swap3A_352 = memref.load %arg6[%swap3A_351] : memref<2xi32, #tpu.memory_space<smem>>
      memref.store %squeeze3A_349, %arg6[%swap3A_351] : memref<2xi32, #tpu.memory_space<smem>>
    } else {
    }
    %eq3A_23 = arith.constant 5 : i32
    %eq3A_24 = arith.cmpi eq, %add3A, %eq3A_23 : i32
    %convert_element_type3A_25 = arith.extui %eq3A_24 : i1 to i32
    %cond3A_26 = arith.constant 0 : i32
    %cond3A_27 = arith.cmpi ne, %convert_element_type3A_25, %cond3A_26 : i32
    scf.if %cond3A_27 {
      %get3A_340 = arith.constant 0 : index
      %get3A_341 = tpu.vector_load %arg7[%get3A_340] {strides = array<i32>} : memref<48xi32, #tpu.memory_space<vmem>>, vector<16xi32>,
      %get3A_342 = vector.shape_cast %get3A_341 : vector<16xi32> to vector<16xi32>
      %slice3A = vector.extract_strided_slice %get3A_342 {offsets = [5], sizes = [1], strides = [1]} : vector<16xi32> to vector<1xi32>
      %squeeze3A = vector.extract %slice3A[0] : i32 from vector<1xi32>
      %swap3A = arith.constant 0 : i32
      %swap3A_343 = arith.index_cast %swap3A : i32 to index
      %swap3A_344 = memref.load %arg6[%swap3A_343] : memref<2xi32, #tpu.memory_space<smem>>
      memref.store %squeeze3A, %arg6[%swap3A_343] : memref<2xi32, #tpu.memory_space<smem>>
      %get3A_345 = arith.constant 0 : index
      %get3A_346 = tpu.vector_load %arg7[%get3A_345] {strides = array<i32>} : memref<48xi32, #tpu.memory_space<vmem>>, vector<16xi32>,
      %get3A_347 = vector.shape_cast %get3A_346 : vector<16xi32> to vector<16xi32>
      %slice3A_348 = vector.extract_strided_slice %get3A_347 {offsets = [6], sizes = [1], strides = [1]} : vector<16xi32> to vector<1xi32>
      %squeeze3A_349 = vector.extract %slice3A_348[0] : i32 from vector<1xi32>
      %swap3A_350 = arith.constant 1 : i32
      %swap3A_351 = arith.index_cast %swap3A_350 : i32 to index
      %swap3A_352 = memref.load %arg6[%swap3A_351] : memref<2xi32, #tpu.memory_space<smem>>
      memref.store %squeeze3A_349, %arg6[%swap3A_351] : memref<2xi32, #tpu.memory_space<smem>>
    } else {
    }
    %eq3A_28 = arith.constant 6 : i32
    %eq3A_29 = arith.cmpi eq, %add3A, %eq3A_28 : i32
    %convert_element_type3A_30 = arith.extui %eq3A_29 : i1 to i32
    %cond3A_31 = arith.constant 0 : i32
    %cond3A_32 = arith.cmpi ne, %convert_element_type3A_30, %cond3A_31 : i32
    scf.if %cond3A_32 {
      %get3A_340 = arith.constant 0 : index
      %get3A_341 = tpu.vector_load %arg7[%get3A_340] {strides = array<i32>} : memref<48xi32, #tpu.memory_space<vmem>>, vector<16xi32>,
      %get3A_342 = vector.shape_cast %get3A_341 : vector<16xi32> to vector<16xi32>
      %slice3A = vector.extract_strided_slice %get3A_342 {offsets = [6], sizes = [1], strides = [1]} : vector<16xi32> to vector<1xi32>
      %squeeze3A = vector.extract %slice3A[0] : i32 from vector<1xi32>
      %swap3A = arith.constant 0 : i32
      %swap3A_343 = arith.index_cast %swap3A : i32 to index
      %swap3A_344 = memref.load %arg6[%swap3A_343] : memref<2xi32, #tpu.memory_space<smem>>
      memref.store %squeeze3A, %arg6[%swap3A_343] : memref<2xi32, #tpu.memory_space<smem>>
      %get3A_345 = arith.constant 0 : index
      %get3A_346 = tpu.vector_load %arg7[%get3A_345] {strides = array<i32>} : memref<48xi32, #tpu.memory_space<vmem>>, vector<16xi32>,
      %get3A_347 = vector.shape_cast %get3A_346 : vector<16xi32> to vector<16xi32>
      %slice3A_348 = vector.extract_strided_slice %get3A_347 {offsets = [7], sizes = [1], strides = [1]} : vector<16xi32> to vector<1xi32>
      %squeeze3A_349 = vector.extract %slice3A_348[0] : i32 from vector<1xi32>
      %swap3A_350 = arith.constant 1 : i32
      %swap3A_351 = arith.index_cast %swap3A_350 : i32 to index
      %swap3A_352 = memref.load %arg6[%swap3A_351] : memref<2xi32, #tpu.memory_space<smem>>
      memref.store %squeeze3A_349, %arg6[%swap3A_351] : memref<2xi32, #tpu.memory_space<smem>>
    } else {
    }
    %eq3A_33 = arith.constant 7 : i32
    %eq3A_34 = arith.cmpi eq, %add3A, %eq3A_33 : i32
    %convert_element_type3A_35 = arith.extui %eq3A_34 : i1 to i32
    %cond3A_36 = arith.constant 0 : i32
    %cond3A_37 = arith.cmpi ne, %convert_element_type3A_35, %cond3A_36 : i32
    scf.if %cond3A_37 {
      %get3A_340 = arith.constant 0 : index
      %get3A_341 = tpu.vector_load %arg7[%get3A_340] {strides = array<i32>} : memref<48xi32, #tpu.memory_space<vmem>>, vector<16xi32>,
      %get3A_342 = vector.shape_cast %get3A_341 : vector<16xi32> to vector<16xi32>
      %slice3A = vector.extract_strided_slice %get3A_342 {offsets = [7], sizes = [1], strides = [1]} : vector<16xi32> to vector<1xi32>
      %squeeze3A = vector.extract %slice3A[0] : i32 from vector<1xi32>
      %swap3A = arith.constant 0 : i32
      %swap3A_343 = arith.index_cast %swap3A : i32 to index
      %swap3A_344 = memref.load %arg6[%swap3A_343] : memref<2xi32, #tpu.memory_space<smem>>
      memref.store %squeeze3A, %arg6[%swap3A_343] : memref<2xi32, #tpu.memory_space<smem>>
      %get3A_345 = arith.constant 0 : index
      %get3A_346 = tpu.vector_load %arg7[%get3A_345] {strides = array<i32>} : memref<48xi32, #tpu.memory_space<vmem>>, vector<16xi32>,
      %get3A_347 = vector.shape_cast %get3A_346 : vector<16xi32> to vector<16xi32>
      %slice3A_348 = vector.extract_strided_slice %get3A_347 {offsets = [8], sizes = [1], strides = [1]} : vector<16xi32> to vector<1xi32>
      %squeeze3A_349 = vector.extract %slice3A_348[0] : i32 from vector<1xi32>
      %swap3A_350 = arith.constant 1 : i32
      %swap3A_351 = arith.index_cast %swap3A_350 : i32 to index
      %swap3A_352 = memref.load %arg6[%swap3A_351] : memref<2xi32, #tpu.memory_space<smem>>
      memref.store %squeeze3A_349, %arg6[%swap3A_351] : memref<2xi32, #tpu.memory_space<smem>>
    } else {
    }
    %eq3A_38 = arith.constant 8 : i32
    %eq3A_39 = arith.cmpi eq, %add3A, %eq3A_38 : i32
    %convert_element_type3A_40 = arith.extui %eq3A_39 : i1 to i32
    %cond3A_41 = arith.constant 0 : i32
    %cond3A_42 = arith.cmpi ne, %convert_element_type3A_40, %cond3A_41 : i32
    scf.if %cond3A_42 {
      %get3A_340 = arith.constant 0 : index
      %get3A_341 = tpu.vector_load %arg7[%get3A_340] {strides = array<i32>} : memref<48xi32, #tpu.memory_space<vmem>>, vector<16xi32>,
      %get3A_342 = vector.shape_cast %get3A_341 : vector<16xi32> to vector<16xi32>
      %slice3A = vector.extract_strided_slice %get3A_342 {offsets = [8], sizes = [1], strides = [1]} : vector<16xi32> to vector<1xi32>
      %squeeze3A = vector.extract %slice3A[0] : i32 from vector<1xi32>
      %swap3A = arith.constant 0 : i32
      %swap3A_343 = arith.index_cast %swap3A : i32 to index
      %swap3A_344 = memref.load %arg6[%swap3A_343] : memref<2xi32, #tpu.memory_space<smem>>
      memref.store %squeeze3A, %arg6[%swap3A_343] : memref<2xi32, #tpu.memory_space<smem>>
      %get3A_345 = arith.constant 0 : index
      %get3A_346 = tpu.vector_load %arg7[%get3A_345] {strides = array<i32>} : memref<48xi32, #tpu.memory_space<vmem>>, vector<16xi32>,
      %get3A_347 = vector.shape_cast %get3A_346 : vector<16xi32> to vector<16xi32>
      %slice3A_348 = vector.extract_strided_slice %get3A_347 {offsets = [9], sizes = [1], strides = [1]} : vector<16xi32> to vector<1xi32>
      %squeeze3A_349 = vector.extract %slice3A_348[0] : i32 from vector<1xi32>
      %swap3A_350 = arith.constant 1 : i32
      %swap3A_351 = arith.index_cast %swap3A_350 : i32 to index
      %swap3A_352 = memref.load %arg6[%swap3A_351] : memref<2xi32, #tpu.memory_space<smem>>
      memref.store %squeeze3A_349, %arg6[%swap3A_351] : memref<2xi32, #tpu.memory_space<smem>>
    } else {
    }
    %eq3A_43 = arith.constant 9 : i32
    %eq3A_44 = arith.cmpi eq, %add3A, %eq3A_43 : i32
    %convert_element_type3A_45 = arith.extui %eq3A_44 : i1 to i32
    %cond3A_46 = arith.constant 0 : i32
    %cond3A_47 = arith.cmpi ne, %convert_element_type3A_45, %cond3A_46 : i32
    scf.if %cond3A_47 {
      %get3A_340 = arith.constant 0 : index
      %get3A_341 = tpu.vector_load %arg7[%get3A_340] {strides = array<i32>} : memref<48xi32, #tpu.memory_space<vmem>>, vector<16xi32>,
      %get3A_342 = vector.shape_cast %get3A_341 : vector<16xi32> to vector<16xi32>
      %slice3A = vector.extract_strided_slice %get3A_342 {offsets = [9], sizes = [1], strides = [1]} : vector<16xi32> to vector<1xi32>
      %squeeze3A = vector.extract %slice3A[0] : i32 from vector<1xi32>
      %swap3A = arith.constant 0 : i32
      %swap3A_343 = arith.index_cast %swap3A : i32 to index
      %swap3A_344 = memref.load %arg6[%swap3A_343] : memref<2xi32, #tpu.memory_space<smem>>
      memref.store %squeeze3A, %arg6[%swap3A_343] : memref<2xi32, #tpu.memory_space<smem>>
      %get3A_345 = arith.constant 0 : index
      %get3A_346 = tpu.vector_load %arg7[%get3A_345] {strides = array<i32>} : memref<48xi32, #tpu.memory_space<vmem>>, vector<16xi32>,
      %get3A_347 = vector.shape_cast %get3A_346 : vector<16xi32> to vector<16xi32>
      %slice3A_348 = vector.extract_strided_slice %get3A_347 {offsets = [10], sizes = [1], strides = [1]} : vector<16xi32> to vector<1xi32>
      %squeeze3A_349 = vector.extract %slice3A_348[0] : i32 from vector<1xi32>
      %swap3A_350 = arith.constant 1 : i32
      %swap3A_351 = arith.index_cast %swap3A_350 : i32 to index
      %swap3A_352 = memref.load %arg6[%swap3A_351] : memref<2xi32, #tpu.memory_space<smem>>
      memref.store %squeeze3A_349, %arg6[%swap3A_351] : memref<2xi32, #tpu.memory_space<smem>>
    } else {
    }
    %eq3A_48 = arith.constant 10 : i32
    %eq3A_49 = arith.cmpi eq, %add3A, %eq3A_48 : i32
    %convert_element_type3A_50 = arith.extui %eq3A_49 : i1 to i32
    %cond3A_51 = arith.constant 0 : i32
    %cond3A_52 = arith.cmpi ne, %convert_element_type3A_50, %cond3A_51 : i32
    scf.if %cond3A_52 {
      %get3A_340 = arith.constant 0 : index
      %get3A_341 = tpu.vector_load %arg7[%get3A_340] {strides = array<i32>} : memref<48xi32, #tpu.memory_space<vmem>>, vector<16xi32>,
      %get3A_342 = vector.shape_cast %get3A_341 : vector<16xi32> to vector<16xi32>
      %slice3A = vector.extract_strided_slice %get3A_342 {offsets = [10], sizes = [1], strides = [1]} : vector<16xi32> to vector<1xi32>
      %squeeze3A = vector.extract %slice3A[0] : i32 from vector<1xi32>
      %swap3A = arith.constant 0 : i32
      %swap3A_343 = arith.index_cast %swap3A : i32 to index
      %swap3A_344 = memref.load %arg6[%swap3A_343] : memref<2xi32, #tpu.memory_space<smem>>
      memref.store %squeeze3A, %arg6[%swap3A_343] : memref<2xi32, #tpu.memory_space<smem>>
      %get3A_345 = arith.constant 0 : index
      %get3A_346 = tpu.vector_load %arg7[%get3A_345] {strides = array<i32>} : memref<48xi32, #tpu.memory_space<vmem>>, vector<16xi32>,
      %get3A_347 = vector.shape_cast %get3A_346 : vector<16xi32> to vector<16xi32>
      %slice3A_348 = vector.extract_strided_slice %get3A_347 {offsets = [11], sizes = [1], strides = [1]} : vector<16xi32> to vector<1xi32>
      %squeeze3A_349 = vector.extract %slice3A_348[0] : i32 from vector<1xi32>
      %swap3A_350 = arith.constant 1 : i32
      %swap3A_351 = arith.index_cast %swap3A_350 : i32 to index
      %swap3A_352 = memref.load %arg6[%swap3A_351] : memref<2xi32, #tpu.memory_space<smem>>
      memref.store %squeeze3A_349, %arg6[%swap3A_351] : memref<2xi32, #tpu.memory_space<smem>>
    } else {
    }
    %eq3A_53 = arith.constant 11 : i32
    %eq3A_54 = arith.cmpi eq, %add3A, %eq3A_53 : i32
    %convert_element_type3A_55 = arith.extui %eq3A_54 : i1 to i32
    %cond3A_56 = arith.constant 0 : i32
    %cond3A_57 = arith.cmpi ne, %convert_element_type3A_55, %cond3A_56 : i32
    scf.if %cond3A_57 {
      %get3A_340 = arith.constant 0 : index
      %get3A_341 = tpu.vector_load %arg7[%get3A_340] {strides = array<i32>} : memref<48xi32, #tpu.memory_space<vmem>>, vector<16xi32>,
      %get3A_342 = vector.shape_cast %get3A_341 : vector<16xi32> to vector<16xi32>
      %slice3A = vector.extract_strided_slice %get3A_342 {offsets = [11], sizes = [1], strides = [1]} : vector<16xi32> to vector<1xi32>
      %squeeze3A = vector.extract %slice3A[0] : i32 from vector<1xi32>
      %swap3A = arith.constant 0 : i32
      %swap3A_343 = arith.index_cast %swap3A : i32 to index
      %swap3A_344 = memref.load %arg6[%swap3A_343] : memref<2xi32, #tpu.memory_space<smem>>
      memref.store %squeeze3A, %arg6[%swap3A_343] : memref<2xi32, #tpu.memory_space<smem>>
      %get3A_345 = arith.constant 0 : index
      %get3A_346 = tpu.vector_load %arg7[%get3A_345] {strides = array<i32>} : memref<48xi32, #tpu.memory_space<vmem>>, vector<16xi32>,
      %get3A_347 = vector.shape_cast %get3A_346 : vector<16xi32> to vector<16xi32>
      %slice3A_348 = vector.extract_strided_slice %get3A_347 {offsets = [12], sizes = [1], strides = [1]} : vector<16xi32> to vector<1xi32>
      %squeeze3A_349 = vector.extract %slice3A_348[0] : i32 from vector<1xi32>
      %swap3A_350 = arith.constant 1 : i32
      %swap3A_351 = arith.index_cast %swap3A_350 : i32 to index
      %swap3A_352 = memref.load %arg6[%swap3A_351] : memref<2xi32, #tpu.memory_space<smem>>
      memref.store %squeeze3A_349, %arg6[%swap3A_351] : memref<2xi32, #tpu.memory_space<smem>>
    } else {
    }
    %eq3A_58 = arith.constant 12 : i32
    %eq3A_59 = arith.cmpi eq, %add3A, %eq3A_58 : i32
    %convert_element_type3A_60 = arith.extui %eq3A_59 : i1 to i32
    %cond3A_61 = arith.constant 0 : i32
    %cond3A_62 = arith.cmpi ne, %convert_element_type3A_60, %cond3A_61 : i32
    scf.if %cond3A_62 {
      %get3A_340 = arith.constant 0 : index
      %get3A_341 = tpu.vector_load %arg7[%get3A_340] {strides = array<i32>} : memref<48xi32, #tpu.memory_space<vmem>>, vector<16xi32>,
      %get3A_342 = vector.shape_cast %get3A_341 : vector<16xi32> to vector<16xi32>
      %slice3A = vector.extract_strided_slice %get3A_342 {offsets = [12], sizes = [1], strides = [1]} : vector<16xi32> to vector<1xi32>
      %squeeze3A = vector.extract %slice3A[0] : i32 from vector<1xi32>
      %swap3A = arith.constant 0 : i32
      %swap3A_343 = arith.index_cast %swap3A : i32 to index
      %swap3A_344 = memref.load %arg6[%swap3A_343] : memref<2xi32, #tpu.memory_space<smem>>
      memref.store %squeeze3A, %arg6[%swap3A_343] : memref<2xi32, #tpu.memory_space<smem>>
      %get3A_345 = arith.constant 0 : index
      %get3A_346 = tpu.vector_load %arg7[%get3A_345] {strides = array<i32>} : memref<48xi32, #tpu.memory_space<vmem>>, vector<16xi32>,
      %get3A_347 = vector.shape_cast %get3A_346 : vector<16xi32> to vector<16xi32>
      %slice3A_348 = vector.extract_strided_slice %get3A_347 {offsets = [13], sizes = [1], strides = [1]} : vector<16xi32> to vector<1xi32>
      %squeeze3A_349 = vector.extract %slice3A_348[0] : i32 from vector<1xi32>
      %swap3A_350 = arith.constant 1 : i32
      %swap3A_351 = arith.index_cast %swap3A_350 : i32 to index
      %swap3A_352 = memref.load %arg6[%swap3A_351] : memref<2xi32, #tpu.memory_space<smem>>
      memref.store %squeeze3A_349, %arg6[%swap3A_351] : memref<2xi32, #tpu.memory_space<smem>>
    } else {
    }
    %eq3A_63 = arith.constant 13 : i32
    %eq3A_64 = arith.cmpi eq, %add3A, %eq3A_63 : i32
    %convert_element_type3A_65 = arith.extui %eq3A_64 : i1 to i32
    %cond3A_66 = arith.constant 0 : i32
    %cond3A_67 = arith.cmpi ne, %convert_element_type3A_65, %cond3A_66 : i32
    scf.if %cond3A_67 {
      %get3A_340 = arith.constant 0 : index
      %get3A_341 = tpu.vector_load %arg7[%get3A_340] {strides = array<i32>} : memref<48xi32, #tpu.memory_space<vmem>>, vector<16xi32>,
      %get3A_342 = vector.shape_cast %get3A_341 : vector<16xi32> to vector<16xi32>
      %slice3A = vector.extract_strided_slice %get3A_342 {offsets = [13], sizes = [1], strides = [1]} : vector<16xi32> to vector<1xi32>
      %squeeze3A = vector.extract %slice3A[0] : i32 from vector<1xi32>
      %swap3A = arith.constant 0 : i32
      %swap3A_343 = arith.index_cast %swap3A : i32 to index
      %swap3A_344 = memref.load %arg6[%swap3A_343] : memref<2xi32, #tpu.memory_space<smem>>
      memref.store %squeeze3A, %arg6[%swap3A_343] : memref<2xi32, #tpu.memory_space<smem>>
      %get3A_345 = arith.constant 0 : index
      %get3A_346 = tpu.vector_load %arg7[%get3A_345] {strides = array<i32>} : memref<48xi32, #tpu.memory_space<vmem>>, vector<16xi32>,
      %get3A_347 = vector.shape_cast %get3A_346 : vector<16xi32> to vector<16xi32>
      %slice3A_348 = vector.extract_strided_slice %get3A_347 {offsets = [14], sizes = [1], strides = [1]} : vector<16xi32> to vector<1xi32>
      %squeeze3A_349 = vector.extract %slice3A_348[0] : i32 from vector<1xi32>
      %swap3A_350 = arith.constant 1 : i32
      %swap3A_351 = arith.index_cast %swap3A_350 : i32 to index
      %swap3A_352 = memref.load %arg6[%swap3A_351] : memref<2xi32, #tpu.memory_space<smem>>
      memref.store %squeeze3A_349, %arg6[%swap3A_351] : memref<2xi32, #tpu.memory_space<smem>>
    } else {
    }
    %eq3A_68 = arith.constant 14 : i32
    %eq3A_69 = arith.cmpi eq, %add3A, %eq3A_68 : i32
    %convert_element_type3A_70 = arith.extui %eq3A_69 : i1 to i32
    %cond3A_71 = arith.constant 0 : i32
    %cond3A_72 = arith.cmpi ne, %convert_element_type3A_70, %cond3A_71 : i32
    scf.if %cond3A_72 {
      %get3A_340 = arith.constant 0 : index
      %get3A_341 = tpu.vector_load %arg7[%get3A_340] {strides = array<i32>} : memref<48xi32, #tpu.memory_space<vmem>>, vector<16xi32>,
      %get3A_342 = vector.shape_cast %get3A_341 : vector<16xi32> to vector<16xi32>
      %slice3A = vector.extract_strided_slice %get3A_342 {offsets = [14], sizes = [1], strides = [1]} : vector<16xi32> to vector<1xi32>
      %squeeze3A = vector.extract %slice3A[0] : i32 from vector<1xi32>
      %swap3A = arith.constant 0 : i32
      %swap3A_343 = arith.index_cast %swap3A : i32 to index
      %swap3A_344 = memref.load %arg6[%swap3A_343] : memref<2xi32, #tpu.memory_space<smem>>
      memref.store %squeeze3A, %arg6[%swap3A_343] : memref<2xi32, #tpu.memory_space<smem>>
      %get3A_345 = arith.constant 0 : index
      %get3A_346 = tpu.vector_load %arg7[%get3A_345] {strides = array<i32>} : memref<48xi32, #tpu.memory_space<vmem>>, vector<16xi32>,
      %get3A_347 = vector.shape_cast %get3A_346 : vector<16xi32> to vector<16xi32>
      %slice3A_348 = vector.extract_strided_slice %get3A_347 {offsets = [15], sizes = [1], strides = [1]} : vector<16xi32> to vector<1xi32>
      %squeeze3A_349 = vector.extract %slice3A_348[0] : i32 from vector<1xi32>
      %swap3A_350 = arith.constant 1 : i32
      %swap3A_351 = arith.index_cast %swap3A_350 : i32 to index
      %swap3A_352 = memref.load %arg6[%swap3A_351] : memref<2xi32, #tpu.memory_space<smem>>
      memref.store %squeeze3A_349, %arg6[%swap3A_351] : memref<2xi32, #tpu.memory_space<smem>>
    } else {
    }
    %eq3A_73 = arith.constant 15 : i32
    %eq3A_74 = arith.cmpi eq, %add3A, %eq3A_73 : i32
    %convert_element_type3A_75 = arith.extui %eq3A_74 : i1 to i32
    %cond3A_76 = arith.constant 0 : i32
    %cond3A_77 = arith.cmpi ne, %convert_element_type3A_75, %cond3A_76 : i32
    scf.if %cond3A_77 {
      %get3A_340 = arith.constant 0 : index
      %get3A_341 = tpu.vector_load %arg7[%get3A_340] {strides = array<i32>} : memref<48xi32, #tpu.memory_space<vmem>>, vector<16xi32>,
      %get3A_342 = vector.shape_cast %get3A_341 : vector<16xi32> to vector<16xi32>
      %slice3A = vector.extract_strided_slice %get3A_342 {offsets = [15], sizes = [1], strides = [1]} : vector<16xi32> to vector<1xi32>
      %squeeze3A = vector.extract %slice3A[0] : i32 from vector<1xi32>
      %swap3A = arith.constant 0 : i32
      %swap3A_343 = arith.index_cast %swap3A : i32 to index
      %swap3A_344 = memref.load %arg6[%swap3A_343] : memref<2xi32, #tpu.memory_space<smem>>
      memref.store %squeeze3A, %arg6[%swap3A_343] : memref<2xi32, #tpu.memory_space<smem>>
      %get3A_345 = arith.constant 16 : index
      %get3A_346 = tpu.vector_load %arg7[%get3A_345] {strides = array<i32>} : memref<48xi32, #tpu.memory_space<vmem>>, vector<16xi32>,
      %get3A_347 = vector.shape_cast %get3A_346 : vector<16xi32> to vector<16xi32>
      %slice3A_348 = vector.extract_strided_slice %get3A_347 {offsets = [0], sizes = [1], strides = [1]} : vector<16xi32> to vector<1xi32>
      %squeeze3A_349 = vector.extract %slice3A_348[0] : i32 from vector<1xi32>
      %swap3A_350 = arith.constant 1 : i32
      %swap3A_351 = arith.index_cast %swap3A_350 : i32 to index
      %swap3A_352 = memref.load %arg6[%swap3A_351] : memref<2xi32, #tpu.memory_space<smem>>
      memref.store %squeeze3A_349, %arg6[%swap3A_351] : memref<2xi32, #tpu.memory_space<smem>>
    } else {
    }
    %eq3A_78 = arith.constant 16 : i32
    %eq3A_79 = arith.cmpi eq, %add3A, %eq3A_78 : i32
    %convert_element_type3A_80 = arith.extui %eq3A_79 : i1 to i32
    %cond3A_81 = arith.constant 0 : i32
    %cond3A_82 = arith.cmpi ne, %convert_element_type3A_80, %cond3A_81 : i32
    scf.if %cond3A_82 {
      %get3A_340 = arith.constant 16 : index
      %get3A_341 = tpu.vector_load %arg7[%get3A_340] {strides = array<i32>} : memref<48xi32, #tpu.memory_space<vmem>>, vector<16xi32>,
      %get3A_342 = vector.shape_cast %get3A_341 : vector<16xi32> to vector<16xi32>
      %slice3A = vector.extract_strided_slice %get3A_342 {offsets = [0], sizes = [1], strides = [1]} : vector<16xi32> to vector<1xi32>
      %squeeze3A = vector.extract %slice3A[0] : i32 from vector<1xi32>
      %swap3A = arith.constant 0 : i32
      %swap3A_343 = arith.index_cast %swap3A : i32 to index
      %swap3A_344 = memref.load %arg6[%swap3A_343] : memref<2xi32, #tpu.memory_space<smem>>
      memref.store %squeeze3A, %arg6[%swap3A_343] : memref<2xi32, #tpu.memory_space<smem>>
      %get3A_345 = arith.constant 16 : index
      %get3A_346 = tpu.vector_load %arg7[%get3A_345] {strides = array<i32>} : memref<48xi32, #tpu.memory_space<vmem>>, vector<16xi32>,
      %get3A_347 = vector.shape_cast %get3A_346 : vector<16xi32> to vector<16xi32>
      %slice3A_348 = vector.extract_strided_slice %get3A_347 {offsets = [1], sizes = [1], strides = [1]} : vector<16xi32> to vector<1xi32>
      %squeeze3A_349 = vector.extract %slice3A_348[0] : i32 from vector<1xi32>
      %swap3A_350 = arith.constant 1 : i32
      %swap3A_351 = arith.index_cast %swap3A_350 : i32 to index
      %swap3A_352 = memref.load %arg6[%swap3A_351] : memref<2xi32, #tpu.memory_space<smem>>
      memref.store %squeeze3A_349, %arg6[%swap3A_351] : memref<2xi32, #tpu.memory_space<smem>>
    } else {
    }
    %eq3A_83 = arith.constant 17 : i32
    %eq3A_84 = arith.cmpi eq, %add3A, %eq3A_83 : i32
    %convert_element_type3A_85 = arith.extui %eq3A_84 : i1 to i32
    %cond3A_86 = arith.constant 0 : i32
    %cond3A_87 = arith.cmpi ne, %convert_element_type3A_85, %cond3A_86 : i32
    scf.if %cond3A_87 {
      %get3A_340 = arith.constant 16 : index
      %get3A_341 = tpu.vector_load %arg7[%get3A_340] {strides = array<i32>} : memref<48xi32, #tpu.memory_space<vmem>>, vector<16xi32>,
      %get3A_342 = vector.shape_cast %get3A_341 : vector<16xi32> to vector<16xi32>
      %slice3A = vector.extract_strided_slice %get3A_342 {offsets = [1], sizes = [1], strides = [1]} : vector<16xi32> to vector<1xi32>
      %squeeze3A = vector.extract %slice3A[0] : i32 from vector<1xi32>
      %swap3A = arith.constant 0 : i32
      %swap3A_343 = arith.index_cast %swap3A : i32 to index
      %swap3A_344 = memref.load %arg6[%swap3A_343] : memref<2xi32, #tpu.memory_space<smem>>
      memref.store %squeeze3A, %arg6[%swap3A_343] : memref<2xi32, #tpu.memory_space<smem>>
      %get3A_345 = arith.constant 16 : index
      %get3A_346 = tpu.vector_load %arg7[%get3A_345] {strides = array<i32>} : memref<48xi32, #tpu.memory_space<vmem>>, vector<16xi32>,
      %get3A_347 = vector.shape_cast %get3A_346 : vector<16xi32> to vector<16xi32>
      %slice3A_348 = vector.extract_strided_slice %get3A_347 {offsets = [2], sizes = [1], strides = [1]} : vector<16xi32> to vector<1xi32>
      %squeeze3A_349 = vector.extract %slice3A_348[0] : i32 from vector<1xi32>
      %swap3A_350 = arith.constant 1 : i32
      %swap3A_351 = arith.index_cast %swap3A_350 : i32 to index
      %swap3A_352 = memref.load %arg6[%swap3A_351] : memref<2xi32, #tpu.memory_space<smem>>
      memref.store %squeeze3A_349, %arg6[%swap3A_351] : memref<2xi32, #tpu.memory_space<smem>>
    } else {
    }
    %eq3A_88 = arith.constant 18 : i32
    %eq3A_89 = arith.cmpi eq, %add3A, %eq3A_88 : i32
    %convert_element_type3A_90 = arith.extui %eq3A_89 : i1 to i32
    %cond3A_91 = arith.constant 0 : i32
    %cond3A_92 = arith.cmpi ne, %convert_element_type3A_90, %cond3A_91 : i32
    scf.if %cond3A_92 {
      %get3A_340 = arith.constant 16 : index
      %get3A_341 = tpu.vector_load %arg7[%get3A_340] {strides = array<i32>} : memref<48xi32, #tpu.memory_space<vmem>>, vector<16xi32>,
      %get3A_342 = vector.shape_cast %get3A_341 : vector<16xi32> to vector<16xi32>
      %slice3A = vector.extract_strided_slice %get3A_342 {offsets = [2], sizes = [1], strides = [1]} : vector<16xi32> to vector<1xi32>
      %squeeze3A = vector.extract %slice3A[0] : i32 from vector<1xi32>
      %swap3A = arith.constant 0 : i32
      %swap3A_343 = arith.index_cast %swap3A : i32 to index
      %swap3A_344 = memref.load %arg6[%swap3A_343] : memref<2xi32, #tpu.memory_space<smem>>
      memref.store %squeeze3A, %arg6[%swap3A_343] : memref<2xi32, #tpu.memory_space<smem>>
      %get3A_345 = arith.constant 16 : index
      %get3A_346 = tpu.vector_load %arg7[%get3A_345] {strides = array<i32>} : memref<48xi32, #tpu.memory_space<vmem>>, vector<16xi32>,
      %get3A_347 = vector.shape_cast %get3A_346 : vector<16xi32> to vector<16xi32>
      %slice3A_348 = vector.extract_strided_slice %get3A_347 {offsets = [3], sizes = [1], strides = [1]} : vector<16xi32> to vector<1xi32>
      %squeeze3A_349 = vector.extract %slice3A_348[0] : i32 from vector<1xi32>
      %swap3A_350 = arith.constant 1 : i32
      %swap3A_351 = arith.index_cast %swap3A_350 : i32 to index
      %swap3A_352 = memref.load %arg6[%swap3A_351] : memref<2xi32, #tpu.memory_space<smem>>
      memref.store %squeeze3A_349, %arg6[%swap3A_351] : memref<2xi32, #tpu.memory_space<smem>>
    } else {
    }
    %eq3A_93 = arith.constant 19 : i32
    %eq3A_94 = arith.cmpi eq, %add3A, %eq3A_93 : i32
    %convert_element_type3A_95 = arith.extui %eq3A_94 : i1 to i32
    %cond3A_96 = arith.constant 0 : i32
    %cond3A_97 = arith.cmpi ne, %convert_element_type3A_95, %cond3A_96 : i32
    scf.if %cond3A_97 {
      %get3A_340 = arith.constant 16 : index
      %get3A_341 = tpu.vector_load %arg7[%get3A_340] {strides = array<i32>} : memref<48xi32, #tpu.memory_space<vmem>>, vector<16xi32>,
      %get3A_342 = vector.shape_cast %get3A_341 : vector<16xi32> to vector<16xi32>
      %slice3A = vector.extract_strided_slice %get3A_342 {offsets = [3], sizes = [1], strides = [1]} : vector<16xi32> to vector<1xi32>
      %squeeze3A = vector.extract %slice3A[0] : i32 from vector<1xi32>
      %swap3A = arith.constant 0 : i32
      %swap3A_343 = arith.index_cast %swap3A : i32 to index
      %swap3A_344 = memref.load %arg6[%swap3A_343] : memref<2xi32, #tpu.memory_space<smem>>
      memref.store %squeeze3A, %arg6[%swap3A_343] : memref<2xi32, #tpu.memory_space<smem>>
      %get3A_345 = arith.constant 16 : index
      %get3A_346 = tpu.vector_load %arg7[%get3A_345] {strides = array<i32>} : memref<48xi32, #tpu.memory_space<vmem>>, vector<16xi32>,
      %get3A_347 = vector.shape_cast %get3A_346 : vector<16xi32> to vector<16xi32>
      %slice3A_348 = vector.extract_strided_slice %get3A_347 {offsets = [4], sizes = [1], strides = [1]} : vector<16xi32> to vector<1xi32>
      %squeeze3A_349 = vector.extract %slice3A_348[0] : i32 from vector<1xi32>
      %swap3A_350 = arith.constant 1 : i32
      %swap3A_351 = arith.index_cast %swap3A_350 : i32 to index
      %swap3A_352 = memref.load %arg6[%swap3A_351] : memref<2xi32, #tpu.memory_space<smem>>
      memref.store %squeeze3A_349, %arg6[%swap3A_351] : memref<2xi32, #tpu.memory_space<smem>>
    } else {
    }
    %eq3A_98 = arith.constant 20 : i32
    %eq3A_99 = arith.cmpi eq, %add3A, %eq3A_98 : i32
    %convert_element_type3A_100 = arith.extui %eq3A_99 : i1 to i32
    %cond3A_101 = arith.constant 0 : i32
    %cond3A_102 = arith.cmpi ne, %convert_element_type3A_100, %cond3A_101 : i32
    scf.if %cond3A_102 {
      %get3A_340 = arith.constant 16 : index
      %get3A_341 = tpu.vector_load %arg7[%get3A_340] {strides = array<i32>} : memref<48xi32, #tpu.memory_space<vmem>>, vector<16xi32>,
      %get3A_342 = vector.shape_cast %get3A_341 : vector<16xi32> to vector<16xi32>
      %slice3A = vector.extract_strided_slice %get3A_342 {offsets = [4], sizes = [1], strides = [1]} : vector<16xi32> to vector<1xi32>
      %squeeze3A = vector.extract %slice3A[0] : i32 from vector<1xi32>
      %swap3A = arith.constant 0 : i32
      %swap3A_343 = arith.index_cast %swap3A : i32 to index
      %swap3A_344 = memref.load %arg6[%swap3A_343] : memref<2xi32, #tpu.memory_space<smem>>
      memref.store %squeeze3A, %arg6[%swap3A_343] : memref<2xi32, #tpu.memory_space<smem>>
      %get3A_345 = arith.constant 16 : index
      %get3A_346 = tpu.vector_load %arg7[%get3A_345] {strides = array<i32>} : memref<48xi32, #tpu.memory_space<vmem>>, vector<16xi32>,
      %get3A_347 = vector.shape_cast %get3A_346 : vector<16xi32> to vector<16xi32>
      %slice3A_348 = vector.extract_strided_slice %get3A_347 {offsets = [5], sizes = [1], strides = [1]} : vector<16xi32> to vector<1xi32>
      %squeeze3A_349 = vector.extract %slice3A_348[0] : i32 from vector<1xi32>
      %swap3A_350 = arith.constant 1 : i32
      %swap3A_351 = arith.index_cast %swap3A_350 : i32 to index
      %swap3A_352 = memref.load %arg6[%swap3A_351] : memref<2xi32, #tpu.memory_space<smem>>
      memref.store %squeeze3A_349, %arg6[%swap3A_351] : memref<2xi32, #tpu.memory_space<smem>>
    } else {
    }
    %eq3A_103 = arith.constant 21 : i32
    %eq3A_104 = arith.cmpi eq, %add3A, %eq3A_103 : i32
    %convert_element_type3A_105 = arith.extui %eq3A_104 : i1 to i32
    %cond3A_106 = arith.constant 0 : i32
    %cond3A_107 = arith.cmpi ne, %convert_element_type3A_105, %cond3A_106 : i32
    scf.if %cond3A_107 {
      %get3A_340 = arith.constant 16 : index
      %get3A_341 = tpu.vector_load %arg7[%get3A_340] {strides = array<i32>} : memref<48xi32, #tpu.memory_space<vmem>>, vector<16xi32>,
      %get3A_342 = vector.shape_cast %get3A_341 : vector<16xi32> to vector<16xi32>
      %slice3A = vector.extract_strided_slice %get3A_342 {offsets = [5], sizes = [1], strides = [1]} : vector<16xi32> to vector<1xi32>
      %squeeze3A = vector.extract %slice3A[0] : i32 from vector<1xi32>
      %swap3A = arith.constant 0 : i32
      %swap3A_343 = arith.index_cast %swap3A : i32 to index
      %swap3A_344 = memref.load %arg6[%swap3A_343] : memref<2xi32, #tpu.memory_space<smem>>
      memref.store %squeeze3A, %arg6[%swap3A_343] : memref<2xi32, #tpu.memory_space<smem>>
      %get3A_345 = arith.constant 16 : index
      %get3A_346 = tpu.vector_load %arg7[%get3A_345] {strides = array<i32>} : memref<48xi32, #tpu.memory_space<vmem>>, vector<16xi32>,
      %get3A_347 = vector.shape_cast %get3A_346 : vector<16xi32> to vector<16xi32>
      %slice3A_348 = vector.extract_strided_slice %get3A_347 {offsets = [6], sizes = [1], strides = [1]} : vector<16xi32> to vector<1xi32>
      %squeeze3A_349 = vector.extract %slice3A_348[0] : i32 from vector<1xi32>
      %swap3A_350 = arith.constant 1 : i32
      %swap3A_351 = arith.index_cast %swap3A_350 : i32 to index
      %swap3A_352 = memref.load %arg6[%swap3A_351] : memref<2xi32, #tpu.memory_space<smem>>
      memref.store %squeeze3A_349, %arg6[%swap3A_351] : memref<2xi32, #tpu.memory_space<smem>>
    } else {
    }
    %eq3A_108 = arith.constant 22 : i32
    %eq3A_109 = arith.cmpi eq, %add3A, %eq3A_108 : i32
    %convert_element_type3A_110 = arith.extui %eq3A_109 : i1 to i32
    %cond3A_111 = arith.constant 0 : i32
    %cond3A_112 = arith.cmpi ne, %convert_element_type3A_110, %cond3A_111 : i32
    scf.if %cond3A_112 {
      %get3A_340 = arith.constant 16 : index
      %get3A_341 = tpu.vector_load %arg7[%get3A_340] {strides = array<i32>} : memref<48xi32, #tpu.memory_space<vmem>>, vector<16xi32>,
      %get3A_342 = vector.shape_cast %get3A_341 : vector<16xi32> to vector<16xi32>
      %slice3A = vector.extract_strided_slice %get3A_342 {offsets = [6], sizes = [1], strides = [1]} : vector<16xi32> to vector<1xi32>
      %squeeze3A = vector.extract %slice3A[0] : i32 from vector<1xi32>
      %swap3A = arith.constant 0 : i32
      %swap3A_343 = arith.index_cast %swap3A : i32 to index
      %swap3A_344 = memref.load %arg6[%swap3A_343] : memref<2xi32, #tpu.memory_space<smem>>
      memref.store %squeeze3A, %arg6[%swap3A_343] : memref<2xi32, #tpu.memory_space<smem>>
      %get3A_345 = arith.constant 16 : index
      %get3A_346 = tpu.vector_load %arg7[%get3A_345] {strides = array<i32>} : memref<48xi32, #tpu.memory_space<vmem>>, vector<16xi32>,
      %get3A_347 = vector.shape_cast %get3A_346 : vector<16xi32> to vector<16xi32>
      %slice3A_348 = vector.extract_strided_slice %get3A_347 {offsets = [7], sizes = [1], strides = [1]} : vector<16xi32> to vector<1xi32>
      %squeeze3A_349 = vector.extract %slice3A_348[0] : i32 from vector<1xi32>
      %swap3A_350 = arith.constant 1 : i32
      %swap3A_351 = arith.index_cast %swap3A_350 : i32 to index
      %swap3A_352 = memref.load %arg6[%swap3A_351] : memref<2xi32, #tpu.memory_space<smem>>
      memref.store %squeeze3A_349, %arg6[%swap3A_351] : memref<2xi32, #tpu.memory_space<smem>>
    } else {
    }
    %eq3A_113 = arith.constant 23 : i32
    %eq3A_114 = arith.cmpi eq, %add3A, %eq3A_113 : i32
    %convert_element_type3A_115 = arith.extui %eq3A_114 : i1 to i32
    %cond3A_116 = arith.constant 0 : i32
    %cond3A_117 = arith.cmpi ne, %convert_element_type3A_115, %cond3A_116 : i32
    scf.if %cond3A_117 {
      %get3A_340 = arith.constant 16 : index
      %get3A_341 = tpu.vector_load %arg7[%get3A_340] {strides = array<i32>} : memref<48xi32, #tpu.memory_space<vmem>>, vector<16xi32>,
      %get3A_342 = vector.shape_cast %get3A_341 : vector<16xi32> to vector<16xi32>
      %slice3A = vector.extract_strided_slice %get3A_342 {offsets = [7], sizes = [1], strides = [1]} : vector<16xi32> to vector<1xi32>
      %squeeze3A = vector.extract %slice3A[0] : i32 from vector<1xi32>
      %swap3A = arith.constant 0 : i32
      %swap3A_343 = arith.index_cast %swap3A : i32 to index
      %swap3A_344 = memref.load %arg6[%swap3A_343] : memref<2xi32, #tpu.memory_space<smem>>
      memref.store %squeeze3A, %arg6[%swap3A_343] : memref<2xi32, #tpu.memory_space<smem>>
      %get3A_345 = arith.constant 16 : index
      %get3A_346 = tpu.vector_load %arg7[%get3A_345] {strides = array<i32>} : memref<48xi32, #tpu.memory_space<vmem>>, vector<16xi32>,
      %get3A_347 = vector.shape_cast %get3A_346 : vector<16xi32> to vector<16xi32>
      %slice3A_348 = vector.extract_strided_slice %get3A_347 {offsets = [8], sizes = [1], strides = [1]} : vector<16xi32> to vector<1xi32>
      %squeeze3A_349 = vector.extract %slice3A_348[0] : i32 from vector<1xi32>
      %swap3A_350 = arith.constant 1 : i32
      %swap3A_351 = arith.index_cast %swap3A_350 : i32 to index
      %swap3A_352 = memref.load %arg6[%swap3A_351] : memref<2xi32, #tpu.memory_space<smem>>
      memref.store %squeeze3A_349, %arg6[%swap3A_351] : memref<2xi32, #tpu.memory_space<smem>>
    } else {
    }
    %eq3A_118 = arith.constant 24 : i32
    %eq3A_119 = arith.cmpi eq, %add3A, %eq3A_118 : i32
    %convert_element_type3A_120 = arith.extui %eq3A_119 : i1 to i32
    %cond3A_121 = arith.constant 0 : i32
    %cond3A_122 = arith.cmpi ne, %convert_element_type3A_120, %cond3A_121 : i32
    scf.if %cond3A_122 {
      %get3A_340 = arith.constant 16 : index
      %get3A_341 = tpu.vector_load %arg7[%get3A_340] {strides = array<i32>} : memref<48xi32, #tpu.memory_space<vmem>>, vector<16xi32>,
      %get3A_342 = vector.shape_cast %get3A_341 : vector<16xi32> to vector<16xi32>
      %slice3A = vector.extract_strided_slice %get3A_342 {offsets = [8], sizes = [1], strides = [1]} : vector<16xi32> to vector<1xi32>
      %squeeze3A = vector.extract %slice3A[0] : i32 from vector<1xi32>
      %swap3A = arith.constant 0 : i32
      %swap3A_343 = arith.index_cast %swap3A : i32 to index
      %swap3A_344 = memref.load %arg6[%swap3A_343] : memref<2xi32, #tpu.memory_space<smem>>
      memref.store %squeeze3A, %arg6[%swap3A_343] : memref<2xi32, #tpu.memory_space<smem>>
      %get3A_345 = arith.constant 16 : index
      %get3A_346 = tpu.vector_load %arg7[%get3A_345] {strides = array<i32>} : memref<48xi32, #tpu.memory_space<vmem>>, vector<16xi32>,
      %get3A_347 = vector.shape_cast %get3A_346 : vector<16xi32> to vector<16xi32>
      %slice3A_348 = vector.extract_strided_slice %get3A_347 {offsets = [9], sizes = [1], strides = [1]} : vector<16xi32> to vector<1xi32>
      %squeeze3A_349 = vector.extract %slice3A_348[0] : i32 from vector<1xi32>
      %swap3A_350 = arith.constant 1 : i32
      %swap3A_351 = arith.index_cast %swap3A_350 : i32 to index
      %swap3A_352 = memref.load %arg6[%swap3A_351] : memref<2xi32, #tpu.memory_space<smem>>
      memref.store %squeeze3A_349, %arg6[%swap3A_351] : memref<2xi32, #tpu.memory_space<smem>>
    } else {
    }
    %eq3A_123 = arith.constant 25 : i32
    %eq3A_124 = arith.cmpi eq, %add3A, %eq3A_123 : i32
    %convert_element_type3A_125 = arith.extui %eq3A_124 : i1 to i32
    %cond3A_126 = arith.constant 0 : i32
    %cond3A_127 = arith.cmpi ne, %convert_element_type3A_125, %cond3A_126 : i32
    scf.if %cond3A_127 {
      %get3A_340 = arith.constant 16 : index
      %get3A_341 = tpu.vector_load %arg7[%get3A_340] {strides = array<i32>} : memref<48xi32, #tpu.memory_space<vmem>>, vector<16xi32>,
      %get3A_342 = vector.shape_cast %get3A_341 : vector<16xi32> to vector<16xi32>
      %slice3A = vector.extract_strided_slice %get3A_342 {offsets = [9], sizes = [1], strides = [1]} : vector<16xi32> to vector<1xi32>
      %squeeze3A = vector.extract %slice3A[0] : i32 from vector<1xi32>
      %swap3A = arith.constant 0 : i32
      %swap3A_343 = arith.index_cast %swap3A : i32 to index
      %swap3A_344 = memref.load %arg6[%swap3A_343] : memref<2xi32, #tpu.memory_space<smem>>
      memref.store %squeeze3A, %arg6[%swap3A_343] : memref<2xi32, #tpu.memory_space<smem>>
      %get3A_345 = arith.constant 16 : index
      %get3A_346 = tpu.vector_load %arg7[%get3A_345] {strides = array<i32>} : memref<48xi32, #tpu.memory_space<vmem>>, vector<16xi32>,
      %get3A_347 = vector.shape_cast %get3A_346 : vector<16xi32> to vector<16xi32>
      %slice3A_348 = vector.extract_strided_slice %get3A_347 {offsets = [10], sizes = [1], strides = [1]} : vector<16xi32> to vector<1xi32>
      %squeeze3A_349 = vector.extract %slice3A_348[0] : i32 from vector<1xi32>
      %swap3A_350 = arith.constant 1 : i32
      %swap3A_351 = arith.index_cast %swap3A_350 : i32 to index
      %swap3A_352 = memref.load %arg6[%swap3A_351] : memref<2xi32, #tpu.memory_space<smem>>
      memref.store %squeeze3A_349, %arg6[%swap3A_351] : memref<2xi32, #tpu.memory_space<smem>>
    } else {
    }
    %eq3A_128 = arith.constant 26 : i32
    %eq3A_129 = arith.cmpi eq, %add3A, %eq3A_128 : i32
    %convert_element_type3A_130 = arith.extui %eq3A_129 : i1 to i32
    %cond3A_131 = arith.constant 0 : i32
    %cond3A_132 = arith.cmpi ne, %convert_element_type3A_130, %cond3A_131 : i32
    scf.if %cond3A_132 {
      %get3A_340 = arith.constant 16 : index
      %get3A_341 = tpu.vector_load %arg7[%get3A_340] {strides = array<i32>} : memref<48xi32, #tpu.memory_space<vmem>>, vector<16xi32>,
      %get3A_342 = vector.shape_cast %get3A_341 : vector<16xi32> to vector<16xi32>
      %slice3A = vector.extract_strided_slice %get3A_342 {offsets = [10], sizes = [1], strides = [1]} : vector<16xi32> to vector<1xi32>
      %squeeze3A = vector.extract %slice3A[0] : i32 from vector<1xi32>
      %swap3A = arith.constant 0 : i32
      %swap3A_343 = arith.index_cast %swap3A : i32 to index
      %swap3A_344 = memref.load %arg6[%swap3A_343] : memref<2xi32, #tpu.memory_space<smem>>
      memref.store %squeeze3A, %arg6[%swap3A_343] : memref<2xi32, #tpu.memory_space<smem>>
      %get3A_345 = arith.constant 16 : index
      %get3A_346 = tpu.vector_load %arg7[%get3A_345] {strides = array<i32>} : memref<48xi32, #tpu.memory_space<vmem>>, vector<16xi32>,
      %get3A_347 = vector.shape_cast %get3A_346 : vector<16xi32> to vector<16xi32>
      %slice3A_348 = vector.extract_strided_slice %get3A_347 {offsets = [11], sizes = [1], strides = [1]} : vector<16xi32> to vector<1xi32>
      %squeeze3A_349 = vector.extract %slice3A_348[0] : i32 from vector<1xi32>
      %swap3A_350 = arith.constant 1 : i32
      %swap3A_351 = arith.index_cast %swap3A_350 : i32 to index
      %swap3A_352 = memref.load %arg6[%swap3A_351] : memref<2xi32, #tpu.memory_space<smem>>
      memref.store %squeeze3A_349, %arg6[%swap3A_351] : memref<2xi32, #tpu.memory_space<smem>>
    } else {
    }
    %eq3A_133 = arith.constant 27 : i32
    %eq3A_134 = arith.cmpi eq, %add3A, %eq3A_133 : i32
    %convert_element_type3A_135 = arith.extui %eq3A_134 : i1 to i32
    %cond3A_136 = arith.constant 0 : i32
    %cond3A_137 = arith.cmpi ne, %convert_element_type3A_135, %cond3A_136 : i32
    scf.if %cond3A_137 {
      %get3A_340 = arith.constant 16 : index
      %get3A_341 = tpu.vector_load %arg7[%get3A_340] {strides = array<i32>} : memref<48xi32, #tpu.memory_space<vmem>>, vector<16xi32>,
      %get3A_342 = vector.shape_cast %get3A_341 : vector<16xi32> to vector<16xi32>
      %slice3A = vector.extract_strided_slice %get3A_342 {offsets = [11], sizes = [1], strides = [1]} : vector<16xi32> to vector<1xi32>
      %squeeze3A = vector.extract %slice3A[0] : i32 from vector<1xi32>
      %swap3A = arith.constant 0 : i32
      %swap3A_343 = arith.index_cast %swap3A : i32 to index
      %swap3A_344 = memref.load %arg6[%swap3A_343] : memref<2xi32, #tpu.memory_space<smem>>
      memref.store %squeeze3A, %arg6[%swap3A_343] : memref<2xi32, #tpu.memory_space<smem>>
      %get3A_345 = arith.constant 16 : index
      %get3A_346 = tpu.vector_load %arg7[%get3A_345] {strides = array<i32>} : memref<48xi32, #tpu.memory_space<vmem>>, vector<16xi32>,
      %get3A_347 = vector.shape_cast %get3A_346 : vector<16xi32> to vector<16xi32>
      %slice3A_348 = vector.extract_strided_slice %get3A_347 {offsets = [12], sizes = [1], strides = [1]} : vector<16xi32> to vector<1xi32>
      %squeeze3A_349 = vector.extract %slice3A_348[0] : i32 from vector<1xi32>
      %swap3A_350 = arith.constant 1 : i32
      %swap3A_351 = arith.index_cast %swap3A_350 : i32 to index
      %swap3A_352 = memref.load %arg6[%swap3A_351] : memref<2xi32, #tpu.memory_space<smem>>
      memref.store %squeeze3A_349, %arg6[%swap3A_351] : memref<2xi32, #tpu.memory_space<smem>>
    } else {
    }
    %eq3A_138 = arith.constant 28 : i32
    %eq3A_139 = arith.cmpi eq, %add3A, %eq3A_138 : i32
    %convert_element_type3A_140 = arith.extui %eq3A_139 : i1 to i32
    %cond3A_141 = arith.constant 0 : i32
    %cond3A_142 = arith.cmpi ne, %convert_element_type3A_140, %cond3A_141 : i32
    scf.if %cond3A_142 {
      %get3A_340 = arith.constant 16 : index
      %get3A_341 = tpu.vector_load %arg7[%get3A_340] {strides = array<i32>} : memref<48xi32, #tpu.memory_space<vmem>>, vector<16xi32>,
      %get3A_342 = vector.shape_cast %get3A_341 : vector<16xi32> to vector<16xi32>
      %slice3A = vector.extract_strided_slice %get3A_342 {offsets = [12], sizes = [1], strides = [1]} : vector<16xi32> to vector<1xi32>
      %squeeze3A = vector.extract %slice3A[0] : i32 from vector<1xi32>
      %swap3A = arith.constant 0 : i32
      %swap3A_343 = arith.index_cast %swap3A : i32 to index
      %swap3A_344 = memref.load %arg6[%swap3A_343] : memref<2xi32, #tpu.memory_space<smem>>
      memref.store %squeeze3A, %arg6[%swap3A_343] : memref<2xi32, #tpu.memory_space<smem>>
      %get3A_345 = arith.constant 16 : index
      %get3A_346 = tpu.vector_load %arg7[%get3A_345] {strides = array<i32>} : memref<48xi32, #tpu.memory_space<vmem>>, vector<16xi32>,
      %get3A_347 = vector.shape_cast %get3A_346 : vector<16xi32> to vector<16xi32>
      %slice3A_348 = vector.extract_strided_slice %get3A_347 {offsets = [13], sizes = [1], strides = [1]} : vector<16xi32> to vector<1xi32>
      %squeeze3A_349 = vector.extract %slice3A_348[0] : i32 from vector<1xi32>
      %swap3A_350 = arith.constant 1 : i32
      %swap3A_351 = arith.index_cast %swap3A_350 : i32 to index
      %swap3A_352 = memref.load %arg6[%swap3A_351] : memref<2xi32, #tpu.memory_space<smem>>
      memref.store %squeeze3A_349, %arg6[%swap3A_351] : memref<2xi32, #tpu.memory_space<smem>>
    } else {
    }
    %eq3A_143 = arith.constant 29 : i32
    %eq3A_144 = arith.cmpi eq, %add3A, %eq3A_143 : i32
    %convert_element_type3A_145 = arith.extui %eq3A_144 : i1 to i32
    %cond3A_146 = arith.constant 0 : i32
    %cond3A_147 = arith.cmpi ne, %convert_element_type3A_145, %cond3A_146 : i32
    scf.if %cond3A_147 {
      %get3A_340 = arith.constant 16 : index
      %get3A_341 = tpu.vector_load %arg7[%get3A_340] {strides = array<i32>} : memref<48xi32, #tpu.memory_space<vmem>>, vector<16xi32>,
      %get3A_342 = vector.shape_cast %get3A_341 : vector<16xi32> to vector<16xi32>
      %slice3A = vector.extract_strided_slice %get3A_342 {offsets = [13], sizes = [1], strides = [1]} : vector<16xi32> to vector<1xi32>
      %squeeze3A = vector.extract %slice3A[0] : i32 from vector<1xi32>
      %swap3A = arith.constant 0 : i32
      %swap3A_343 = arith.index_cast %swap3A : i32 to index
      %swap3A_344 = memref.load %arg6[%swap3A_343] : memref<2xi32, #tpu.memory_space<smem>>
      memref.store %squeeze3A, %arg6[%swap3A_343] : memref<2xi32, #tpu.memory_space<smem>>
      %get3A_345 = arith.constant 16 : index
      %get3A_346 = tpu.vector_load %arg7[%get3A_345] {strides = array<i32>} : memref<48xi32, #tpu.memory_space<vmem>>, vector<16xi32>,
      %get3A_347 = vector.shape_cast %get3A_346 : vector<16xi32> to vector<16xi32>
      %slice3A_348 = vector.extract_strided_slice %get3A_347 {offsets = [14], sizes = [1], strides = [1]} : vector<16xi32> to vector<1xi32>
      %squeeze3A_349 = vector.extract %slice3A_348[0] : i32 from vector<1xi32>
      %swap3A_350 = arith.constant 1 : i32
      %swap3A_351 = arith.index_cast %swap3A_350 : i32 to index
      %swap3A_352 = memref.load %arg6[%swap3A_351] : memref<2xi32, #tpu.memory_space<smem>>
      memref.store %squeeze3A_349, %arg6[%swap3A_351] : memref<2xi32, #tpu.memory_space<smem>>
    } else {
    }
    %eq3A_148 = arith.constant 30 : i32
    %eq3A_149 = arith.cmpi eq, %add3A, %eq3A_148 : i32
    %convert_element_type3A_150 = arith.extui %eq3A_149 : i1 to i32
    %cond3A_151 = arith.constant 0 : i32
    %cond3A_152 = arith.cmpi ne, %convert_element_type3A_150, %cond3A_151 : i32
    scf.if %cond3A_152 {
      %get3A_340 = arith.constant 16 : index
      %get3A_341 = tpu.vector_load %arg7[%get3A_340] {strides = array<i32>} : memref<48xi32, #tpu.memory_space<vmem>>, vector<16xi32>,
      %get3A_342 = vector.shape_cast %get3A_341 : vector<16xi32> to vector<16xi32>
      %slice3A = vector.extract_strided_slice %get3A_342 {offsets = [14], sizes = [1], strides = [1]} : vector<16xi32> to vector<1xi32>
      %squeeze3A = vector.extract %slice3A[0] : i32 from vector<1xi32>
      %swap3A = arith.constant 0 : i32
      %swap3A_343 = arith.index_cast %swap3A : i32 to index
      %swap3A_344 = memref.load %arg6[%swap3A_343] : memref<2xi32, #tpu.memory_space<smem>>
      memref.store %squeeze3A, %arg6[%swap3A_343] : memref<2xi32, #tpu.memory_space<smem>>
      %get3A_345 = arith.constant 16 : index
      %get3A_346 = tpu.vector_load %arg7[%get3A_345] {strides = array<i32>} : memref<48xi32, #tpu.memory_space<vmem>>, vector<16xi32>,
      %get3A_347 = vector.shape_cast %get3A_346 : vector<16xi32> to vector<16xi32>
      %slice3A_348 = vector.extract_strided_slice %get3A_347 {offsets = [15], sizes = [1], strides = [1]} : vector<16xi32> to vector<1xi32>
      %squeeze3A_349 = vector.extract %slice3A_348[0] : i32 from vector<1xi32>
      %swap3A_350 = arith.constant 1 : i32
      %swap3A_351 = arith.index_cast %swap3A_350 : i32 to index
      %swap3A_352 = memref.load %arg6[%swap3A_351] : memref<2xi32, #tpu.memory_space<smem>>
      memref.store %squeeze3A_349, %arg6[%swap3A_351] : memref<2xi32, #tpu.memory_space<smem>>
    } else {
    }
    %eq3A_153 = arith.constant 31 : i32
    %eq3A_154 = arith.cmpi eq, %add3A, %eq3A_153 : i32
    %convert_element_type3A_155 = arith.extui %eq3A_154 : i1 to i32
    %cond3A_156 = arith.constant 0 : i32
    %cond3A_157 = arith.cmpi ne, %convert_element_type3A_155, %cond3A_156 : i32
    scf.if %cond3A_157 {
      %get3A_340 = arith.constant 16 : index
      %get3A_341 = tpu.vector_load %arg7[%get3A_340] {strides = array<i32>} : memref<48xi32, #tpu.memory_space<vmem>>, vector<16xi32>,
      %get3A_342 = vector.shape_cast %get3A_341 : vector<16xi32> to vector<16xi32>
      %slice3A = vector.extract_strided_slice %get3A_342 {offsets = [15], sizes = [1], strides = [1]} : vector<16xi32> to vector<1xi32>
      %squeeze3A = vector.extract %slice3A[0] : i32 from vector<1xi32>
      %swap3A = arith.constant 0 : i32
      %swap3A_343 = arith.index_cast %swap3A : i32 to index
      %swap3A_344 = memref.load %arg6[%swap3A_343] : memref<2xi32, #tpu.memory_space<smem>>
      memref.store %squeeze3A, %arg6[%swap3A_343] : memref<2xi32, #tpu.memory_space<smem>>
      %get3A_345 = arith.constant 32 : index
      %get3A_346 = tpu.vector_load %arg7[%get3A_345] {strides = array<i32>} : memref<48xi32, #tpu.memory_space<vmem>>, vector<16xi32>,
      %get3A_347 = vector.shape_cast %get3A_346 : vector<16xi32> to vector<16xi32>
      %slice3A_348 = vector.extract_strided_slice %get3A_347 {offsets = [0], sizes = [1], strides = [1]} : vector<16xi32> to vector<1xi32>
      %squeeze3A_349 = vector.extract %slice3A_348[0] : i32 from vector<1xi32>
      %swap3A_350 = arith.constant 1 : i32
      %swap3A_351 = arith.index_cast %swap3A_350 : i32 to index
      %swap3A_352 = memref.load %arg6[%swap3A_351] : memref<2xi32, #tpu.memory_space<smem>>
      memref.store %squeeze3A_349, %arg6[%swap3A_351] : memref<2xi32, #tpu.memory_space<smem>>
    } else {
    }
    %get3A = arith.constant 0 : i32
    %get3A_158 = arith.index_cast %get3A : i32 to index
    %get3A_159 = memref.load %arg6[%get3A_158] : memref<2xi32, #tpu.memory_space<smem>>
    %get3A_160 = arith.constant 1 : i32
    %get3A_161 = arith.index_cast %get3A_160 : i32 to index
    %get3A_162 = memref.load %arg6[%get3A_161] : memref<2xi32, #tpu.memory_space<smem>>
    %jit3A = arith.constant 8 : i32
    %div3A = arith.divsi %get3A_159, %jit3A : i32
    %sign3A = arith.constant 0 : i32
    %sign3A_163 = arith.cmpi sgt, %get3A_159, %sign3A : i32
    %sign3A_164 = arith.extui %sign3A_163 : i1 to i32
    %sign3A_165 = arith.constant 0 : i32
    %sign3A_166 = arith.cmpi slt, %get3A_159, %sign3A_165 : i32
    %sign3A_167 = arith.extui %sign3A_166 : i1 to i32
    %sign3A_168 = arith.subi %sign3A_164, %sign3A_167 : i32
    %sign3A_169 = arith.constant 0 : i32
    %sign3A_170 = arith.cmpi sgt, %jit3A, %sign3A_169 : i32
    %sign3A_171 = arith.extui %sign3A_170 : i1 to i32
    %sign3A_172 = arith.constant 0 : i32
    %sign3A_173 = arith.cmpi slt, %jit3A, %sign3A_172 : i32
    %sign3A_174 = arith.extui %sign3A_173 : i1 to i32
    %sign3A_175 = arith.subi %sign3A_171, %sign3A_174 : i32
    %ne3A = arith.cmpi ne, %sign3A_168, %sign3A_175 : i32
    %rem3A = arith.remsi %get3A_159, %jit3A : i32
    %ne3A_176 = arith.constant 0 : i32
    %ne3A_177 = arith.cmpi ne, %rem3A, %ne3A_176 : i32
    %and3A = arith.andi %ne3A, %ne3A_177 : i1
    %sub3A = arith.constant 1 : i32
    %sub3A_178 = arith.subi %div3A, %sub3A : i32
    %select_n3A = arith.select %and3A, %sub3A_178, %div3A : i32
    %mul3A_179 = arith.constant 8 : i32
    %mul3A_180 = arith.muli %select_n3A, %mul3A_179 : i32
    %add3A_181 = arith.constant 7 : i32
    %add3A_182 = arith.addi %get3A_162, %add3A_181 : i32
    %jit3A_183 = arith.constant 8 : i32
    %div3A_184 = arith.divsi %add3A_182, %jit3A_183 : i32
    %sign3A_185 = arith.constant 0 : i32
    %sign3A_186 = arith.cmpi sgt, %add3A_182, %sign3A_185 : i32
    %sign3A_187 = arith.extui %sign3A_186 : i1 to i32
    %sign3A_188 = arith.constant 0 : i32
    %sign3A_189 = arith.cmpi slt, %add3A_182, %sign3A_188 : i32
    %sign3A_190 = arith.extui %sign3A_189 : i1 to i32
    %sign3A_191 = arith.subi %sign3A_187, %sign3A_190 : i32
    %sign3A_192 = arith.constant 0 : i32
    %sign3A_193 = arith.cmpi sgt, %jit3A_183, %sign3A_192 : i32
    %sign3A_194 = arith.extui %sign3A_193 : i1 to i32
    %sign3A_195 = arith.constant 0 : i32
    %sign3A_196 = arith.cmpi slt, %jit3A_183, %sign3A_195 : i32
    %sign3A_197 = arith.extui %sign3A_196 : i1 to i32
    %sign3A_198 = arith.subi %sign3A_194, %sign3A_197 : i32
    %ne3A_199 = arith.cmpi ne, %sign3A_191, %sign3A_198 : i32
    %rem3A_200 = arith.remsi %add3A_182, %jit3A_183 : i32
    %ne3A_201 = arith.constant 0 : i32
    %ne3A_202 = arith.cmpi ne, %rem3A_200, %ne3A_201 : i32
    %and3A_203 = arith.andi %ne3A_199, %ne3A_202 : i1
    %sub3A_204 = arith.constant 1 : i32
    %sub3A_205 = arith.subi %div3A_184, %sub3A_204 : i32
    %select_n3A_206 = arith.select %and3A_203, %sub3A_205, %div3A_184 : i32
    %mul3A_207 = arith.constant 8 : i32
    %mul3A_208 = arith.muli %select_n3A_206, %mul3A_207 : i32
    %sub3A_209 = arith.subi %mul3A_208, %mul3A_180 : i32
    %add3A_210 = arith.constant 127 : i32
    %add3A_211 = arith.addi %sub3A_209, %add3A_210 : i32
    %jit3A_212 = arith.constant 128 : i32
    %div3A_213 = arith.divsi %add3A_211, %jit3A_212 : i32
    %sign3A_214 = arith.constant 0 : i32
    %sign3A_215 = arith.cmpi sgt, %add3A_211, %sign3A_214 : i32
    %sign3A_216 = arith.extui %sign3A_215 : i1 to i32
    %sign3A_217 = arith.constant 0 : i32
    %sign3A_218 = arith.cmpi slt, %add3A_211, %sign3A_217 : i32
    %sign3A_219 = arith.extui %sign3A_218 : i1 to i32
    %sign3A_220 = arith.subi %sign3A_216, %sign3A_219 : i32
    %sign3A_221 = arith.constant 0 : i32
    %sign3A_222 = arith.cmpi sgt, %jit3A_212, %sign3A_221 : i32
    %sign3A_223 = arith.extui %sign3A_222 : i1 to i32
    %sign3A_224 = arith.constant 0 : i32
    %sign3A_225 = arith.cmpi slt, %jit3A_212, %sign3A_224 : i32
    %sign3A_226 = arith.extui %sign3A_225 : i1 to i32
    %sign3A_227 = arith.subi %sign3A_223, %sign3A_226 : i32
    %ne3A_228 = arith.cmpi ne, %sign3A_220, %sign3A_227 : i32
    %rem3A_229 = arith.remsi %add3A_211, %jit3A_212 : i32
    %ne3A_230 = arith.constant 0 : i32
    %ne3A_231 = arith.cmpi ne, %rem3A_229, %ne3A_230 : i32
    %and3A_232 = arith.andi %ne3A_228, %ne3A_231 : i1
    %sub3A_233 = arith.constant 1 : i32
    %sub3A_234 = arith.subi %div3A_213, %sub3A_233 : i32
    %select_n3A_235 = arith.select %and3A_232, %sub3A_234, %div3A_213 : i32
    %mul3A_236 = arith.constant 320 : i32
    %mul3A_237 = arith.muli %add3A, %mul3A_236 : i32
    %add3A_238 = arith.constant 1 : i32
    %add3A_239 = arith.addi %add3A, %add3A_238 : i32
    %mul3A_240 = arith.constant 320 : i32
    %mul3A_241 = arith.muli %add3A_239, %mul3A_240 : i32
    %min3A = arith.constant 10000 : i32
    %min3A_242 = arith.minsi %mul3A_241, %min3A : i32
    %mul3A_243 = arith.constant 5120 : i32
    %mul3A_244 = arith.muli %arg0, %mul3A_243 : i32
    %gt3A = arith.constant 1 : i32
    %gt3A_245 = arith.cmpi sgt, %select_n3A_235, %gt3A : i32
    %convert_element_type3A_246 = arith.extui %gt3A_245 : i1 to i32
    %cond3A_247 = arith.constant 0 : i32
    %cond3A_248 = arith.cmpi ne, %convert_element_type3A_246, %cond3A_247 : i32
    scf.if %cond3A_248 {
      %add3A_340 = arith.constant 128 : i32
      %add3A_341 = arith.addi %mul3A_180, %add3A_340 : i32
      %min3A_342 = arith.constant 319872 : i32
      %min3A_343 = arith.minsi %add3A_341, %min3A_342 : i32
      %multiple_of3A = tpu.assume_multiple %min3A_343, 8 : i32
      %dma_start3A = arith.constant 1 : i32
      %dma_start3A_344 = arith.constant 1 : i32
      %dma_start3A_345 = arith.constant 0 : i32
      %dma_start3A_346 = arith.constant 0 : i32
      %dma_start3A_347 = tpu.memref_slice %arg8[%dma_start3A, %dma_start3A_345, %dma_start3A_346] : memref<5x128x128xf32, #tpu.memory_space<vmem>> -> memref<1x128x128xf32, #tpu.memory_space<vmem>>
      %dma_start3A_348 = tpu.memref_squeeze %dma_start3A_347 : memref<1x128x128xf32, #tpu.memory_space<vmem>> -> memref<128x128xf32, #tpu.memory_space<vmem>>
      %dma_start3A_349 = arith.constant 0 : i32
      %dma_start3A_350 = tpu.memref_slice %arg2[%multiple_of3A, %dma_start3A_349] : memref<320000x128xf32, #tpu.memory_space<hbm>> -> memref<128x128xf32, #tpu.memory_space<hbm>>
      %dma_start3A_351 = tpu.memref_slice %arg12[%dma_start3A_344] : memref<5x!tpu.dma_semaphore, #tpu.memory_space<semaphore_mem>> -> memref<1x!tpu.dma_semaphore, #tpu.memory_space<semaphore_mem>>
      %dma_start3A_352 = tpu.memref_squeeze %dma_start3A_351 : memref<1x!tpu.dma_semaphore, #tpu.memory_space<semaphore_mem>> -> memref<!tpu.dma_semaphore, #tpu.memory_space<semaphore_mem>>
      %dma_start3A_353 = arith.constant 0 : i32
      %dma_start3A_354 = arith.constant 0 : i32
      %dma_start3A_355 = tpu.memref_slice %arg8[%dma_start3A, %dma_start3A_353, %dma_start3A_354] : memref<5x128x128xf32, #tpu.memory_space<vmem>> -> memref<1x128x128xf32, #tpu.memory_space<vmem>>
      %dma_start3A_356 = tpu.memref_squeeze %dma_start3A_355 : memref<1x128x128xf32, #tpu.memory_space<vmem>> -> memref<128x128xf32, #tpu.memory_space<vmem>>
      %dma_start3A_357 = arith.constant 0 : i32
      %dma_start3A_358 = tpu.memref_slice %arg2[%multiple_of3A, %dma_start3A_357] : memref<320000x128xf32, #tpu.memory_space<hbm>> -> memref<128x128xf32, #tpu.memory_space<hbm>>
      tpu.enqueue_dma source(%dma_start3A_358 : memref<128x128xf32, #tpu.memory_space<hbm>>) target(%dma_start3A_356 : memref<128x128xf32, #tpu.memory_space<vmem>>) target_semaphore(%dma_start3A_352 : memref<!tpu.dma_semaphore, #tpu.memory_space<semaphore_mem>>)
      %dma_start3A_359 = arith.constant 1 : i32
      %dma_start3A_360 = arith.constant 1 : i32
      %dma_start3A_361 = arith.constant 0 : i32
      %dma_start3A_362 = tpu.memref_slice %arg10[%dma_start3A_359, %dma_start3A_361] : memref<5x128xi32, #tpu.memory_space<vmem>> -> memref<1x128xi32, #tpu.memory_space<vmem>>
      %dma_start3A_363 = tpu.memref_squeeze %dma_start3A_362 : memref<1x128xi32, #tpu.memory_space<vmem>> -> memref<128xi32, #tpu.memory_space<vmem>>
      %dma_start3A_364 = tpu.memref_slice %arg3[%multiple_of3A] : memref<320000xi32, #tpu.memory_space<hbm>> -> memref<128xi32, #tpu.memory_space<hbm>>
      %dma_start3A_365 = tpu.memref_slice %arg12[%dma_start3A_360] : memref<5x!tpu.dma_semaphore, #tpu.memory_space<semaphore_mem>> -> memref<1x!tpu.dma_semaphore, #tpu.memory_space<semaphore_mem>>
      %dma_start3A_366 = tpu.memref_squeeze %dma_start3A_365 : memref<1x!tpu.dma_semaphore, #tpu.memory_space<semaphore_mem>> -> memref<!tpu.dma_semaphore, #tpu.memory_space<semaphore_mem>>
      %dma_start3A_367 = arith.constant 0 : i32
      %dma_start3A_368 = tpu.memref_slice %arg10[%dma_start3A_359, %dma_start3A_367] : memref<5x128xi32, #tpu.memory_space<vmem>> -> memref<1x128xi32, #tpu.memory_space<vmem>>
      %dma_start3A_369 = tpu.memref_squeeze %dma_start3A_368 : memref<1x128xi32, #tpu.memory_space<vmem>> -> memref<128xi32, #tpu.memory_space<vmem>>
      %dma_start3A_370 = tpu.memref_slice %arg3[%multiple_of3A] : memref<320000xi32, #tpu.memory_space<hbm>> -> memref<128xi32, #tpu.memory_space<hbm>>
      tpu.enqueue_dma source(%dma_start3A_370 : memref<128xi32, #tpu.memory_space<hbm>>) target(%dma_start3A_369 : memref<128xi32, #tpu.memory_space<vmem>>) target_semaphore(%dma_start3A_366 : memref<!tpu.dma_semaphore, #tpu.memory_space<semaphore_mem>>)
    } else {
    }
    %gt3A_249 = arith.constant 2 : i32
    %gt3A_250 = arith.cmpi sgt, %select_n3A_235, %gt3A_249 : i32
    %convert_element_type3A_251 = arith.extui %gt3A_250 : i1 to i32
    %cond3A_252 = arith.constant 0 : i32
    %cond3A_253 = arith.cmpi ne, %convert_element_type3A_251, %cond3A_252 : i32
    scf.if %cond3A_253 {
      %add3A_340 = arith.constant 256 : i32
      %add3A_341 = arith.addi %mul3A_180, %add3A_340 : i32
      %min3A_342 = arith.constant 319872 : i32
      %min3A_343 = arith.minsi %add3A_341, %min3A_342 : i32
      %multiple_of3A = tpu.assume_multiple %min3A_343, 8 : i32
      %dma_start3A = arith.constant 2 : i32
      %dma_start3A_344 = arith.constant 2 : i32
      %dma_start3A_345 = arith.constant 0 : i32
      %dma_start3A_346 = arith.constant 0 : i32
      %dma_start3A_347 = tpu.memref_slice %arg8[%dma_start3A, %dma_start3A_345, %dma_start3A_346] : memref<5x128x128xf32, #tpu.memory_space<vmem>> -> memref<1x128x128xf32, #tpu.memory_space<vmem>>
      %dma_start3A_348 = tpu.memref_squeeze %dma_start3A_347 : memref<1x128x128xf32, #tpu.memory_space<vmem>> -> memref<128x128xf32, #tpu.memory_space<vmem>>
      %dma_start3A_349 = arith.constant 0 : i32
      %dma_start3A_350 = tpu.memref_slice %arg2[%multiple_of3A, %dma_start3A_349] : memref<320000x128xf32, #tpu.memory_space<hbm>> -> memref<128x128xf32, #tpu.memory_space<hbm>>
      %dma_start3A_351 = tpu.memref_slice %arg12[%dma_start3A_344] : memref<5x!tpu.dma_semaphore, #tpu.memory_space<semaphore_mem>> -> memref<1x!tpu.dma_semaphore, #tpu.memory_space<semaphore_mem>>
      %dma_start3A_352 = tpu.memref_squeeze %dma_start3A_351 : memref<1x!tpu.dma_semaphore, #tpu.memory_space<semaphore_mem>> -> memref<!tpu.dma_semaphore, #tpu.memory_space<semaphore_mem>>
      %dma_start3A_353 = arith.constant 0 : i32
      %dma_start3A_354 = arith.constant 0 : i32
      %dma_start3A_355 = tpu.memref_slice %arg8[%dma_start3A, %dma_start3A_353, %dma_start3A_354] : memref<5x128x128xf32, #tpu.memory_space<vmem>> -> memref<1x128x128xf32, #tpu.memory_space<vmem>>
      %dma_start3A_356 = tpu.memref_squeeze %dma_start3A_355 : memref<1x128x128xf32, #tpu.memory_space<vmem>> -> memref<128x128xf32, #tpu.memory_space<vmem>>
      %dma_start3A_357 = arith.constant 0 : i32
      %dma_start3A_358 = tpu.memref_slice %arg2[%multiple_of3A, %dma_start3A_357] : memref<320000x128xf32, #tpu.memory_space<hbm>> -> memref<128x128xf32, #tpu.memory_space<hbm>>
      tpu.enqueue_dma source(%dma_start3A_358 : memref<128x128xf32, #tpu.memory_space<hbm>>) target(%dma_start3A_356 : memref<128x128xf32, #tpu.memory_space<vmem>>) target_semaphore(%dma_start3A_352 : memref<!tpu.dma_semaphore, #tpu.memory_space<semaphore_mem>>)
      %dma_start3A_359 = arith.constant 2 : i32
      %dma_start3A_360 = arith.constant 2 : i32
      %dma_start3A_361 = arith.constant 0 : i32
      %dma_start3A_362 = tpu.memref_slice %arg10[%dma_start3A_359, %dma_start3A_361] : memref<5x128xi32, #tpu.memory_space<vmem>> -> memref<1x128xi32, #tpu.memory_space<vmem>>
      %dma_start3A_363 = tpu.memref_squeeze %dma_start3A_362 : memref<1x128xi32, #tpu.memory_space<vmem>> -> memref<128xi32, #tpu.memory_space<vmem>>
      %dma_start3A_364 = tpu.memref_slice %arg3[%multiple_of3A] : memref<320000xi32, #tpu.memory_space<hbm>> -> memref<128xi32, #tpu.memory_space<hbm>>
      %dma_start3A_365 = tpu.memref_slice %arg12[%dma_start3A_360] : memref<5x!tpu.dma_semaphore, #tpu.memory_space<semaphore_mem>> -> memref<1x!tpu.dma_semaphore, #tpu.memory_space<semaphore_mem>>
      %dma_start3A_366 = tpu.memref_squeeze %dma_start3A_365 : memref<1x!tpu.dma_semaphore, #tpu.memory_space<semaphore_mem>> -> memref<!tpu.dma_semaphore, #tpu.memory_space<semaphore_mem>>
      %dma_start3A_367 = arith.constant 0 : i32
      %dma_start3A_368 = tpu.memref_slice %arg10[%dma_start3A_359, %dma_start3A_367] : memref<5x128xi32, #tpu.memory_space<vmem>> -> memref<1x128xi32, #tpu.memory_space<vmem>>
      %dma_start3A_369 = tpu.memref_squeeze %dma_start3A_368 : memref<1x128xi32, #tpu.memory_space<vmem>> -> memref<128xi32, #tpu.memory_space<vmem>>
      %dma_start3A_370 = tpu.memref_slice %arg3[%multiple_of3A] : memref<320000xi32, #tpu.memory_space<hbm>> -> memref<128xi32, #tpu.memory_space<hbm>>
      tpu.enqueue_dma source(%dma_start3A_370 : memref<128xi32, #tpu.memory_space<hbm>>) target(%dma_start3A_369 : memref<128xi32, #tpu.memory_space<vmem>>) target_semaphore(%dma_start3A_366 : memref<!tpu.dma_semaphore, #tpu.memory_space<semaphore_mem>>)
    } else {
    }
    %gt3A_254 = arith.constant 3 : i32
    %gt3A_255 = arith.cmpi sgt, %select_n3A_235, %gt3A_254 : i32
    %convert_element_type3A_256 = arith.extui %gt3A_255 : i1 to i32
    %cond3A_257 = arith.constant 0 : i32
    %cond3A_258 = arith.cmpi ne, %convert_element_type3A_256, %cond3A_257 : i32
    scf.if %cond3A_258 {
      %add3A_340 = arith.constant 384 : i32
      %add3A_341 = arith.addi %mul3A_180, %add3A_340 : i32
      %min3A_342 = arith.constant 319872 : i32
      %min3A_343 = arith.minsi %add3A_341, %min3A_342 : i32
      %multiple_of3A = tpu.assume_multiple %min3A_343, 8 : i32
      %dma_start3A = arith.constant 3 : i32
      %dma_start3A_344 = arith.constant 3 : i32
      %dma_start3A_345 = arith.constant 0 : i32
      %dma_start3A_346 = arith.constant 0 : i32
      %dma_start3A_347 = tpu.memref_slice %arg8[%dma_start3A, %dma_start3A_345, %dma_start3A_346] : memref<5x128x128xf32, #tpu.memory_space<vmem>> -> memref<1x128x128xf32, #tpu.memory_space<vmem>>
      %dma_start3A_348 = tpu.memref_squeeze %dma_start3A_347 : memref<1x128x128xf32, #tpu.memory_space<vmem>> -> memref<128x128xf32, #tpu.memory_space<vmem>>
      %dma_start3A_349 = arith.constant 0 : i32
      %dma_start3A_350 = tpu.memref_slice %arg2[%multiple_of3A, %dma_start3A_349] : memref<320000x128xf32, #tpu.memory_space<hbm>> -> memref<128x128xf32, #tpu.memory_space<hbm>>
      %dma_start3A_351 = tpu.memref_slice %arg12[%dma_start3A_344] : memref<5x!tpu.dma_semaphore, #tpu.memory_space<semaphore_mem>> -> memref<1x!tpu.dma_semaphore, #tpu.memory_space<semaphore_mem>>
      %dma_start3A_352 = tpu.memref_squeeze %dma_start3A_351 : memref<1x!tpu.dma_semaphore, #tpu.memory_space<semaphore_mem>> -> memref<!tpu.dma_semaphore, #tpu.memory_space<semaphore_mem>>
      %dma_start3A_353 = arith.constant 0 : i32
      %dma_start3A_354 = arith.constant 0 : i32
      %dma_start3A_355 = tpu.memref_slice %arg8[%dma_start3A, %dma_start3A_353, %dma_start3A_354] : memref<5x128x128xf32, #tpu.memory_space<vmem>> -> memref<1x128x128xf32, #tpu.memory_space<vmem>>
      %dma_start3A_356 = tpu.memref_squeeze %dma_start3A_355 : memref<1x128x128xf32, #tpu.memory_space<vmem>> -> memref<128x128xf32, #tpu.memory_space<vmem>>
      %dma_start3A_357 = arith.constant 0 : i32
      %dma_start3A_358 = tpu.memref_slice %arg2[%multiple_of3A, %dma_start3A_357] : memref<320000x128xf32, #tpu.memory_space<hbm>> -> memref<128x128xf32, #tpu.memory_space<hbm>>
      tpu.enqueue_dma source(%dma_start3A_358 : memref<128x128xf32, #tpu.memory_space<hbm>>) target(%dma_start3A_356 : memref<128x128xf32, #tpu.memory_space<vmem>>) target_semaphore(%dma_start3A_352 : memref<!tpu.dma_semaphore, #tpu.memory_space<semaphore_mem>>)
      %dma_start3A_359 = arith.constant 3 : i32
      %dma_start3A_360 = arith.constant 3 : i32
      %dma_start3A_361 = arith.constant 0 : i32
      %dma_start3A_362 = tpu.memref_slice %arg10[%dma_start3A_359, %dma_start3A_361] : memref<5x128xi32, #tpu.memory_space<vmem>> -> memref<1x128xi32, #tpu.memory_space<vmem>>
      %dma_start3A_363 = tpu.memref_squeeze %dma_start3A_362 : memref<1x128xi32, #tpu.memory_space<vmem>> -> memref<128xi32, #tpu.memory_space<vmem>>
      %dma_start3A_364 = tpu.memref_slice %arg3[%multiple_of3A] : memref<320000xi32, #tpu.memory_space<hbm>> -> memref<128xi32, #tpu.memory_space<hbm>>
      %dma_start3A_365 = tpu.memref_slice %arg12[%dma_start3A_360] : memref<5x!tpu.dma_semaphore, #tpu.memory_space<semaphore_mem>> -> memref<1x!tpu.dma_semaphore, #tpu.memory_space<semaphore_mem>>
      %dma_start3A_366 = tpu.memref_squeeze %dma_start3A_365 : memref<1x!tpu.dma_semaphore, #tpu.memory_space<semaphore_mem>> -> memref<!tpu.dma_semaphore, #tpu.memory_space<semaphore_mem>>
      %dma_start3A_367 = arith.constant 0 : i32
      %dma_start3A_368 = tpu.memref_slice %arg10[%dma_start3A_359, %dma_start3A_367] : memref<5x128xi32, #tpu.memory_space<vmem>> -> memref<1x128xi32, #tpu.memory_space<vmem>>
      %dma_start3A_369 = tpu.memref_squeeze %dma_start3A_368 : memref<1x128xi32, #tpu.memory_space<vmem>> -> memref<128xi32, #tpu.memory_space<vmem>>
      %dma_start3A_370 = tpu.memref_slice %arg3[%multiple_of3A] : memref<320000xi32, #tpu.memory_space<hbm>> -> memref<128xi32, #tpu.memory_space<hbm>>
      tpu.enqueue_dma source(%dma_start3A_370 : memref<128xi32, #tpu.memory_space<hbm>>) target(%dma_start3A_369 : memref<128xi32, #tpu.memory_space<vmem>>) target_semaphore(%dma_start3A_366 : memref<!tpu.dma_semaphore, #tpu.memory_space<semaphore_mem>>)
    } else {
    }
    %gt3A_259 = arith.constant 4 : i32
    %gt3A_260 = arith.cmpi sgt, %select_n3A_235, %gt3A_259 : i32
    %convert_element_type3A_261 = arith.extui %gt3A_260 : i1 to i32
    %cond3A_262 = arith.constant 0 : i32
    %cond3A_263 = arith.cmpi ne, %convert_element_type3A_261, %cond3A_262 : i32
    scf.if %cond3A_263 {
      %add3A_340 = arith.constant 512 : i32
      %add3A_341 = arith.addi %mul3A_180, %add3A_340 : i32
      %min3A_342 = arith.constant 319872 : i32
      %min3A_343 = arith.minsi %add3A_341, %min3A_342 : i32
      %multiple_of3A = tpu.assume_multiple %min3A_343, 8 : i32
      %dma_start3A = arith.constant 4 : i32
      %dma_start3A_344 = arith.constant 4 : i32
      %dma_start3A_345 = arith.constant 0 : i32
      %dma_start3A_346 = arith.constant 0 : i32
      %dma_start3A_347 = tpu.memref_slice %arg8[%dma_start3A, %dma_start3A_345, %dma_start3A_346] : memref<5x128x128xf32, #tpu.memory_space<vmem>> -> memref<1x128x128xf32, #tpu.memory_space<vmem>>
      %dma_start3A_348 = tpu.memref_squeeze %dma_start3A_347 : memref<1x128x128xf32, #tpu.memory_space<vmem>> -> memref<128x128xf32, #tpu.memory_space<vmem>>
      %dma_start3A_349 = arith.constant 0 : i32
      %dma_start3A_350 = tpu.memref_slice %arg2[%multiple_of3A, %dma_start3A_349] : memref<320000x128xf32, #tpu.memory_space<hbm>> -> memref<128x128xf32, #tpu.memory_space<hbm>>
      %dma_start3A_351 = tpu.memref_slice %arg12[%dma_start3A_344] : memref<5x!tpu.dma_semaphore, #tpu.memory_space<semaphore_mem>> -> memref<1x!tpu.dma_semaphore, #tpu.memory_space<semaphore_mem>>
      %dma_start3A_352 = tpu.memref_squeeze %dma_start3A_351 : memref<1x!tpu.dma_semaphore, #tpu.memory_space<semaphore_mem>> -> memref<!tpu.dma_semaphore, #tpu.memory_space<semaphore_mem>>
      %dma_start3A_353 = arith.constant 0 : i32
      %dma_start3A_354 = arith.constant 0 : i32
      %dma_start3A_355 = tpu.memref_slice %arg8[%dma_start3A, %dma_start3A_353, %dma_start3A_354] : memref<5x128x128xf32, #tpu.memory_space<vmem>> -> memref<1x128x128xf32, #tpu.memory_space<vmem>>
      %dma_start3A_356 = tpu.memref_squeeze %dma_start3A_355 : memref<1x128x128xf32, #tpu.memory_space<vmem>> -> memref<128x128xf32, #tpu.memory_space<vmem>>
      %dma_start3A_357 = arith.constant 0 : i32
      %dma_start3A_358 = tpu.memref_slice %arg2[%multiple_of3A, %dma_start3A_357] : memref<320000x128xf32, #tpu.memory_space<hbm>> -> memref<128x128xf32, #tpu.memory_space<hbm>>
      tpu.enqueue_dma source(%dma_start3A_358 : memref<128x128xf32, #tpu.memory_space<hbm>>) target(%dma_start3A_356 : memref<128x128xf32, #tpu.memory_space<vmem>>) target_semaphore(%dma_start3A_352 : memref<!tpu.dma_semaphore, #tpu.memory_space<semaphore_mem>>)
      %dma_start3A_359 = arith.constant 4 : i32
      %dma_start3A_360 = arith.constant 4 : i32
      %dma_start3A_361 = arith.constant 0 : i32
      %dma_start3A_362 = tpu.memref_slice %arg10[%dma_start3A_359, %dma_start3A_361] : memref<5x128xi32, #tpu.memory_space<vmem>> -> memref<1x128xi32, #tpu.memory_space<vmem>>
      %dma_start3A_363 = tpu.memref_squeeze %dma_start3A_362 : memref<1x128xi32, #tpu.memory_space<vmem>> -> memref<128xi32, #tpu.memory_space<vmem>>
      %dma_start3A_364 = tpu.memref_slice %arg3[%multiple_of3A] : memref<320000xi32, #tpu.memory_space<hbm>> -> memref<128xi32, #tpu.memory_space<hbm>>
      %dma_start3A_365 = tpu.memref_slice %arg12[%dma_start3A_360] : memref<5x!tpu.dma_semaphore, #tpu.memory_space<semaphore_mem>> -> memref<1x!tpu.dma_semaphore, #tpu.memory_space<semaphore_mem>>
      %dma_start3A_366 = tpu.memref_squeeze %dma_start3A_365 : memref<1x!tpu.dma_semaphore, #tpu.memory_space<semaphore_mem>> -> memref<!tpu.dma_semaphore, #tpu.memory_space<semaphore_mem>>
      %dma_start3A_367 = arith.constant 0 : i32
      %dma_start3A_368 = tpu.memref_slice %arg10[%dma_start3A_359, %dma_start3A_367] : memref<5x128xi32, #tpu.memory_space<vmem>> -> memref<1x128xi32, #tpu.memory_space<vmem>>
      %dma_start3A_369 = tpu.memref_squeeze %dma_start3A_368 : memref<1x128xi32, #tpu.memory_space<vmem>> -> memref<128xi32, #tpu.memory_space<vmem>>
      %dma_start3A_370 = tpu.memref_slice %arg3[%multiple_of3A] : memref<320000xi32, #tpu.memory_space<hbm>> -> memref<128xi32, #tpu.memory_space<hbm>>
      tpu.enqueue_dma source(%dma_start3A_370 : memref<128xi32, #tpu.memory_space<hbm>>) target(%dma_start3A_369 : memref<128xi32, #tpu.memory_space<vmem>>) target_semaphore(%dma_start3A_366 : memref<!tpu.dma_semaphore, #tpu.memory_space<semaphore_mem>>)
    } else {
    }
    %scan3A = arith.constant 0 : i32
    %scan3A_264 = arith.constant 0 : i32
    %scan3A_265 = arith.constant 128 : i32
    %scan3A_266 = arith.addi %scan3A_264, %scan3A_265 : i32
    %scan3A_267 = arith.constant 1 : i32
    scf.for %scan3A_340 = %scan3A_264 to %scan3A_266 step %scan3A_267  : i32 {
      %broadcast_in_dim3A = arith.constant 0.000000e+00 : f32
      %broadcast_in_dim3A_341 = vector.broadcast %broadcast_in_dim3A : f32 to vector<16xf32>
      %swap3A = arith.constant 0 : i32
      %swap3A_342 = arith.index_cast %swap3A : i32 to index
      %swap3A_343 = arith.index_cast %scan3A_340 : i32 to index
      %swap3A_344 = arith.constant 0 : index
      %swap3A_345 = tpu.vector_load %arg8[%swap3A_342, %swap3A_343, %swap3A_344] {strides = array<i32>} : memref<5x128x128xf32, #tpu.memory_space<vmem>>, vector<1x1x16xf32>,
      %swap3A_346 = vector.shape_cast %swap3A_345 : vector<1x1x16xf32> to vector<16xf32>
      %swap3A_347 = vector.shape_cast %broadcast_in_dim3A_341 : vector<16xf32> to vector<1x1x16xf32>
      tpu.vector_store %arg8[%swap3A_342, %swap3A_343, %swap3A_344], %swap3A_347 {strides = array<i32>} : memref<5x128x128xf32, #tpu.memory_space<vmem>>, vector<1x1x16xf32>,
      %broadcast_in_dim3A_348 = arith.constant 0.000000e+00 : f32
      %broadcast_in_dim3A_349 = vector.broadcast %broadcast_in_dim3A_348 : f32 to vector<16xf32>
      %swap3A_350 = arith.constant 0 : i32
      %swap3A_351 = arith.index_cast %swap3A_350 : i32 to index
      %swap3A_352 = arith.index_cast %scan3A_340 : i32 to index
      %swap3A_353 = arith.constant 16 : index
      %swap3A_354 = tpu.vector_load %arg8[%swap3A_351, %swap3A_352, %swap3A_353] {strides = array<i32>} : memref<5x128x128xf32, #tpu.memory_space<vmem>>, vector<1x1x16xf32>,
      %swap3A_355 = vector.shape_cast %swap3A_354 : vector<1x1x16xf32> to vector<16xf32>
      %swap3A_356 = vector.shape_cast %broadcast_in_dim3A_349 : vector<16xf32> to vector<1x1x16xf32>
      tpu.vector_store %arg8[%swap3A_351, %swap3A_352, %swap3A_353], %swap3A_356 {strides = array<i32>} : memref<5x128x128xf32, #tpu.memory_space<vmem>>, vector<1x1x16xf32>,
      %broadcast_in_dim3A_357 = arith.constant 0.000000e+00 : f32
      %broadcast_in_dim3A_358 = vector.broadcast %broadcast_in_dim3A_357 : f32 to vector<16xf32>
      %swap3A_359 = arith.constant 0 : i32
      %swap3A_360 = arith.index_cast %swap3A_359 : i32 to index
      %swap3A_361 = arith.index_cast %scan3A_340 : i32 to index
      %swap3A_362 = arith.constant 32 : index
      %swap3A_363 = tpu.vector_load %arg8[%swap3A_360, %swap3A_361, %swap3A_362] {strides = array<i32>} : memref<5x128x128xf32, #tpu.memory_space<vmem>>, vector<1x1x16xf32>,
      %swap3A_364 = vector.shape_cast %swap3A_363 : vector<1x1x16xf32> to vector<16xf32>
      %swap3A_365 = vector.shape_cast %broadcast_in_dim3A_358 : vector<16xf32> to vector<1x1x16xf32>
      tpu.vector_store %arg8[%swap3A_360, %swap3A_361, %swap3A_362], %swap3A_365 {strides = array<i32>} : memref<5x128x128xf32, #tpu.memory_space<vmem>>, vector<1x1x16xf32>,
      %broadcast_in_dim3A_366 = arith.constant 0.000000e+00 : f32
      %broadcast_in_dim3A_367 = vector.broadcast %broadcast_in_dim3A_366 : f32 to vector<16xf32>
      %swap3A_368 = arith.constant 0 : i32
      %swap3A_369 = arith.index_cast %swap3A_368 : i32 to index
      %swap3A_370 = arith.index_cast %scan3A_340 : i32 to index
      %swap3A_371 = arith.constant 48 : index
      %swap3A_372 = tpu.vector_load %arg8[%swap3A_369, %swap3A_370, %swap3A_371] {strides = array<i32>} : memref<5x128x128xf32, #tpu.memory_space<vmem>>, vector<1x1x16xf32>,
      %swap3A_373 = vector.shape_cast %swap3A_372 : vector<1x1x16xf32> to vector<16xf32>
      %swap3A_374 = vector.shape_cast %broadcast_in_dim3A_367 : vector<16xf32> to vector<1x1x16xf32>
      tpu.vector_store %arg8[%swap3A_369, %swap3A_370, %swap3A_371], %swap3A_374 {strides = array<i32>} : memref<5x128x128xf32, #tpu.memory_space<vmem>>, vector<1x1x16xf32>,
      %broadcast_in_dim3A_375 = arith.constant 0.000000e+00 : f32
      %broadcast_in_dim3A_376 = vector.broadcast %broadcast_in_dim3A_375 : f32 to vector<16xf32>
      %swap3A_377 = arith.constant 0 : i32
      %swap3A_378 = arith.index_cast %swap3A_377 : i32 to index
      %swap3A_379 = arith.index_cast %scan3A_340 : i32 to index
      %swap3A_380 = arith.constant 64 : index
      %swap3A_381 = tpu.vector_load %arg8[%swap3A_378, %swap3A_379, %swap3A_380] {strides = array<i32>} : memref<5x128x128xf32, #tpu.memory_space<vmem>>, vector<1x1x16xf32>,
      %swap3A_382 = vector.shape_cast %swap3A_381 : vector<1x1x16xf32> to vector<16xf32>
      %swap3A_383 = vector.shape_cast %broadcast_in_dim3A_376 : vector<16xf32> to vector<1x1x16xf32>
      tpu.vector_store %arg8[%swap3A_378, %swap3A_379, %swap3A_380], %swap3A_383 {strides = array<i32>} : memref<5x128x128xf32, #tpu.memory_space<vmem>>, vector<1x1x16xf32>,
      %broadcast_in_dim3A_384 = arith.constant 0.000000e+00 : f32
      %broadcast_in_dim3A_385 = vector.broadcast %broadcast_in_dim3A_384 : f32 to vector<16xf32>
      %swap3A_386 = arith.constant 0 : i32
      %swap3A_387 = arith.index_cast %swap3A_386 : i32 to index
      %swap3A_388 = arith.index_cast %scan3A_340 : i32 to index
      %swap3A_389 = arith.constant 80 : index
      %swap3A_390 = tpu.vector_load %arg8[%swap3A_387, %swap3A_388, %swap3A_389] {strides = array<i32>} : memref<5x128x128xf32, #tpu.memory_space<vmem>>, vector<1x1x16xf32>,
      %swap3A_391 = vector.shape_cast %swap3A_390 : vector<1x1x16xf32> to vector<16xf32>
      %swap3A_392 = vector.shape_cast %broadcast_in_dim3A_385 : vector<16xf32> to vector<1x1x16xf32>
      tpu.vector_store %arg8[%swap3A_387, %swap3A_388, %swap3A_389], %swap3A_392 {strides = array<i32>} : memref<5x128x128xf32, #tpu.memory_space<vmem>>, vector<1x1x16xf32>,
      %broadcast_in_dim3A_393 = arith.constant 0.000000e+00 : f32
      %broadcast_in_dim3A_394 = vector.broadcast %broadcast_in_dim3A_393 : f32 to vector<16xf32>
      %swap3A_395 = arith.constant 0 : i32
      %swap3A_396 = arith.index_cast %swap3A_395 : i32 to index
      %swap3A_397 = arith.index_cast %scan3A_340 : i32 to index
      %swap3A_398 = arith.constant 96 : index
      %swap3A_399 = tpu.vector_load %arg8[%swap3A_396, %swap3A_397, %swap3A_398] {strides = array<i32>} : memref<5x128x128xf32, #tpu.memory_space<vmem>>, vector<1x1x16xf32>,
      %swap3A_400 = vector.shape_cast %swap3A_399 : vector<1x1x16xf32> to vector<16xf32>
      %swap3A_401 = vector.shape_cast %broadcast_in_dim3A_394 : vector<16xf32> to vector<1x1x16xf32>
      tpu.vector_store %arg8[%swap3A_396, %swap3A_397, %swap3A_398], %swap3A_401 {strides = array<i32>} : memref<5x128x128xf32, #tpu.memory_space<vmem>>, vector<1x1x16xf32>,
      %broadcast_in_dim3A_402 = arith.constant 0.000000e+00 : f32
      %broadcast_in_dim3A_403 = vector.broadcast %broadcast_in_dim3A_402 : f32 to vector<16xf32>
      %swap3A_404 = arith.constant 0 : i32
      %swap3A_405 = arith.index_cast %swap3A_404 : i32 to index
      %swap3A_406 = arith.index_cast %scan3A_340 : i32 to index
      %swap3A_407 = arith.constant 112 : index
      %swap3A_408 = tpu.vector_load %arg8[%swap3A_405, %swap3A_406, %swap3A_407] {strides = array<i32>} : memref<5x128x128xf32, #tpu.memory_space<vmem>>, vector<1x1x16xf32>,
      %swap3A_409 = vector.shape_cast %swap3A_408 : vector<1x1x16xf32> to vector<16xf32>
      %swap3A_410 = vector.shape_cast %broadcast_in_dim3A_403 : vector<16xf32> to vector<1x1x16xf32>
      tpu.vector_store %arg8[%swap3A_405, %swap3A_406, %swap3A_407], %swap3A_410 {strides = array<i32>} : memref<5x128x128xf32, #tpu.memory_space<vmem>>, vector<1x1x16xf32>,
    }
    %scan3A_268 = arith.constant 128 : i32
    %mul3A_269 = arith.constant 320 : i32
    %mul3A_270 = arith.muli %arg1, %mul3A_269 : i32
    %add3A_271 = arith.constant 0 : i32
    %add3A_272 = arith.addi %mul3A_270, %add3A_271 : i32
    %run_scoped3A = arith.constant 0 : i32
    "tpu.region"() ({
      %run_scoped3A_340 = tpu.sem_alloc : memref<!tpu.dma_semaphore, #tpu.memory_space<semaphore_mem>>
      %dma_start3A = arith.constant 0 : i32
      %dma_start3A_341 = arith.constant 0 : i32
      %dma_start3A_342 = tpu.memref_slice %arg8[%run_scoped3A, %dma_start3A, %dma_start3A_341] : memref<5x128x128xf32, #tpu.memory_space<vmem>> -> memref<1x128x128xf32, #tpu.memory_space<vmem>>
      %dma_start3A_343 = tpu.memref_squeeze %dma_start3A_342 : memref<1x128x128xf32, #tpu.memory_space<vmem>> -> memref<128x128xf32, #tpu.memory_space<vmem>>
      %dma_start3A_344 = arith.constant 0 : i32
      %dma_start3A_345 = tpu.memref_slice %arg11[%add3A_272, %dma_start3A_344] : memref<5128x128xf32, #tpu.memory_space<vmem_shared>> -> memref<128x128xf32, #tpu.memory_space<vmem_shared>>
      %dma_start3A_346 = arith.constant 0 : i32
      %dma_start3A_347 = tpu.memref_slice %arg11[%add3A_272, %dma_start3A_346] : memref<5128x128xf32, #tpu.memory_space<vmem_shared>> -> memref<128x128xf32, #tpu.memory_space<vmem_shared>>
      %dma_start3A_348 = arith.constant 0 : i32
      %dma_start3A_349 = arith.constant 0 : i32
      %dma_start3A_350 = tpu.memref_slice %arg8[%run_scoped3A, %dma_start3A_348, %dma_start3A_349] : memref<5x128x128xf32, #tpu.memory_space<vmem>> -> memref<1x128x128xf32, #tpu.memory_space<vmem>>
      %dma_start3A_351 = tpu.memref_squeeze %dma_start3A_350 : memref<1x128x128xf32, #tpu.memory_space<vmem>> -> memref<128x128xf32, #tpu.memory_space<vmem>>
      tpu.enqueue_dma source(%dma_start3A_351 : memref<128x128xf32, #tpu.memory_space<vmem>>) target(%dma_start3A_347 : memref<128x128xf32, #tpu.memory_space<vmem_shared>>) target_semaphore(%run_scoped3A_340 : memref<!tpu.dma_semaphore, #tpu.memory_space<semaphore_mem>>)
      %dma_wait3A = arith.constant 0 : i32
      %dma_wait3A_352 = arith.constant 0 : i32
      %dma_wait3A_353 = tpu.memref_slice %arg8[%run_scoped3A, %dma_wait3A, %dma_wait3A_352] : memref<5x128x128xf32, #tpu.memory_space<vmem>> -> memref<1x128x128xf32, #tpu.memory_space<vmem>>
      %dma_wait3A_354 = tpu.memref_squeeze %dma_wait3A_353 : memref<1x128x128xf32, #tpu.memory_space<vmem>> -> memref<128x128xf32, #tpu.memory_space<vmem>>
      %dma_wait3A_355 = arith.constant 0 : i32
      %dma_wait3A_356 = tpu.memref_slice %arg11[%add3A_272, %dma_wait3A_355] : memref<5128x128xf32, #tpu.memory_space<vmem_shared>> -> memref<128x128xf32, #tpu.memory_space<vmem_shared>>
      %dma_wait3A_357 = arith.constant 0 : i32
      %dma_wait3A_358 = tpu.memref_slice %arg11[%add3A_272, %dma_wait3A_357] : memref<5128x128xf32, #tpu.memory_space<vmem_shared>> -> memref<128x128xf32, #tpu.memory_space<vmem_shared>>
      %dma_wait3A_359 = arith.constant 0 : i32
      %dma_wait3A_360 = arith.constant 0 : i32
      %dma_wait3A_361 = tpu.memref_slice %arg8[%run_scoped3A, %dma_wait3A_359, %dma_wait3A_360] : memref<5x128x128xf32, #tpu.memory_space<vmem>> -> memref<1x128x128xf32, #tpu.memory_space<vmem>>
      %dma_wait3A_362 = tpu.memref_squeeze %dma_wait3A_361 : memref<1x128x128xf32, #tpu.memory_space<vmem>> -> memref<128x128xf32, #tpu.memory_space<vmem>>
      tpu.wait_dma2 semaphore(%run_scoped3A_340 : memref<!tpu.dma_semaphore, #tpu.memory_space<semaphore_mem>>) src(%dma_wait3A_362 : memref<128x128xf32, #tpu.memory_space<vmem>>) dst(%dma_wait3A_358 : memref<128x128xf32, #tpu.memory_space<vmem_shared>>)
      tpu.yield
    }) : () -> ()
    %mul3A_273 = arith.constant 320 : i32
    %mul3A_274 = arith.muli %arg1, %mul3A_273 : i32
    %add3A_275 = arith.constant 128 : i32
    %add3A_276 = arith.addi %mul3A_274, %add3A_275 : i32
    %run_scoped3A_277 = arith.constant 0 : i32
    "tpu.region"() ({
      %run_scoped3A_340 = tpu.sem_alloc : memref<!tpu.dma_semaphore, #tpu.memory_space<semaphore_mem>>
      %dma_start3A = arith.constant 0 : i32
      %dma_start3A_341 = arith.constant 0 : i32
      %dma_start3A_342 = tpu.memref_slice %arg8[%run_scoped3A_277, %dma_start3A, %dma_start3A_341] : memref<5x128x128xf32, #tpu.memory_space<vmem>> -> memref<1x128x128xf32, #tpu.memory_space<vmem>>
      %dma_start3A_343 = tpu.memref_squeeze %dma_start3A_342 : memref<1x128x128xf32, #tpu.memory_space<vmem>> -> memref<128x128xf32, #tpu.memory_space<vmem>>
      %dma_start3A_344 = arith.constant 0 : i32
      %dma_start3A_345 = tpu.memref_slice %arg11[%add3A_276, %dma_start3A_344] : memref<5128x128xf32, #tpu.memory_space<vmem_shared>> -> memref<128x128xf32, #tpu.memory_space<vmem_shared>>
      %dma_start3A_346 = arith.constant 0 : i32
      %dma_start3A_347 = tpu.memref_slice %arg11[%add3A_276, %dma_start3A_346] : memref<5128x128xf32, #tpu.memory_space<vmem_shared>> -> memref<128x128xf32, #tpu.memory_space<vmem_shared>>
      %dma_start3A_348 = arith.constant 0 : i32
      %dma_start3A_349 = arith.constant 0 : i32
      %dma_start3A_350 = tpu.memref_slice %arg8[%run_scoped3A_277, %dma_start3A_348, %dma_start3A_349] : memref<5x128x128xf32, #tpu.memory_space<vmem>> -> memref<1x128x128xf32, #tpu.memory_space<vmem>>
      %dma_start3A_351 = tpu.memref_squeeze %dma_start3A_350 : memref<1x128x128xf32, #tpu.memory_space<vmem>> -> memref<128x128xf32, #tpu.memory_space<vmem>>
      tpu.enqueue_dma source(%dma_start3A_351 : memref<128x128xf32, #tpu.memory_space<vmem>>) target(%dma_start3A_347 : memref<128x128xf32, #tpu.memory_space<vmem_shared>>) target_semaphore(%run_scoped3A_340 : memref<!tpu.dma_semaphore, #tpu.memory_space<semaphore_mem>>)
      %dma_wait3A = arith.constant 0 : i32
      %dma_wait3A_352 = arith.constant 0 : i32
      %dma_wait3A_353 = tpu.memref_slice %arg8[%run_scoped3A_277, %dma_wait3A, %dma_wait3A_352] : memref<5x128x128xf32, #tpu.memory_space<vmem>> -> memref<1x128x128xf32, #tpu.memory_space<vmem>>
      %dma_wait3A_354 = tpu.memref_squeeze %dma_wait3A_353 : memref<1x128x128xf32, #tpu.memory_space<vmem>> -> memref<128x128xf32, #tpu.memory_space<vmem>>
      %dma_wait3A_355 = arith.constant 0 : i32
      %dma_wait3A_356 = tpu.memref_slice %arg11[%add3A_276, %dma_wait3A_355] : memref<5128x128xf32, #tpu.memory_space<vmem_shared>> -> memref<128x128xf32, #tpu.memory_space<vmem_shared>>
      %dma_wait3A_357 = arith.constant 0 : i32
      %dma_wait3A_358 = tpu.memref_slice %arg11[%add3A_276, %dma_wait3A_357] : memref<5128x128xf32, #tpu.memory_space<vmem_shared>> -> memref<128x128xf32, #tpu.memory_space<vmem_shared>>
      %dma_wait3A_359 = arith.constant 0 : i32
      %dma_wait3A_360 = arith.constant 0 : i32
      %dma_wait3A_361 = tpu.memref_slice %arg8[%run_scoped3A_277, %dma_wait3A_359, %dma_wait3A_360] : memref<5x128x128xf32, #tpu.memory_space<vmem>> -> memref<1x128x128xf32, #tpu.memory_space<vmem>>
      %dma_wait3A_362 = tpu.memref_squeeze %dma_wait3A_361 : memref<1x128x128xf32, #tpu.memory_space<vmem>> -> memref<128x128xf32, #tpu.memory_space<vmem>>
      tpu.wait_dma2 semaphore(%run_scoped3A_340 : memref<!tpu.dma_semaphore, #tpu.memory_space<semaphore_mem>>) src(%dma_wait3A_362 : memref<128x128xf32, #tpu.memory_space<vmem>>) dst(%dma_wait3A_358 : memref<128x128xf32, #tpu.memory_space<vmem_shared>>)
      tpu.yield
    }) : () -> ()
    %mul3A_278 = arith.constant 320 : i32
    %mul3A_279 = arith.muli %arg1, %mul3A_278 : i32
    %add3A_280 = arith.constant 256 : i32
    %add3A_281 = arith.addi %mul3A_279, %add3A_280 : i32
    %run_scoped3A_282 = arith.constant 0 : i32
    "tpu.region"() ({
      %run_scoped3A_340 = tpu.sem_alloc : memref<!tpu.dma_semaphore, #tpu.memory_space<semaphore_mem>>
      %dma_start3A = arith.constant 0 : i32
      %dma_start3A_341 = arith.constant 0 : i32
      %dma_start3A_342 = tpu.memref_slice %arg8[%run_scoped3A_282, %dma_start3A, %dma_start3A_341] : memref<5x128x128xf32, #tpu.memory_space<vmem>> -> memref<1x64x128xf32, #tpu.memory_space<vmem>>
      %dma_start3A_343 = tpu.memref_squeeze %dma_start3A_342 : memref<1x64x128xf32, #tpu.memory_space<vmem>> -> memref<64x128xf32, #tpu.memory_space<vmem>>
      %dma_start3A_344 = arith.constant 0 : i32
      %dma_start3A_345 = tpu.memref_slice %arg11[%add3A_281, %dma_start3A_344] : memref<5128x128xf32, #tpu.memory_space<vmem_shared>> -> memref<64x128xf32, #tpu.memory_space<vmem_shared>>
      %dma_start3A_346 = arith.constant 0 : i32
      %dma_start3A_347 = tpu.memref_slice %arg11[%add3A_281, %dma_start3A_346] : memref<5128x128xf32, #tpu.memory_space<vmem_shared>> -> memref<64x128xf32, #tpu.memory_space<vmem_shared>>
      %dma_start3A_348 = arith.constant 0 : i32
      %dma_start3A_349 = arith.constant 0 : i32
      %dma_start3A_350 = tpu.memref_slice %arg8[%run_scoped3A_282, %dma_start3A_348, %dma_start3A_349] : memref<5x128x128xf32, #tpu.memory_space<vmem>> -> memref<1x64x128xf32, #tpu.memory_space<vmem>>
      %dma_start3A_351 = tpu.memref_squeeze %dma_start3A_350 : memref<1x64x128xf32, #tpu.memory_space<vmem>> -> memref<64x128xf32, #tpu.memory_space<vmem>>
      tpu.enqueue_dma source(%dma_start3A_351 : memref<64x128xf32, #tpu.memory_space<vmem>>) target(%dma_start3A_347 : memref<64x128xf32, #tpu.memory_space<vmem_shared>>) target_semaphore(%run_scoped3A_340 : memref<!tpu.dma_semaphore, #tpu.memory_space<semaphore_mem>>)
      %dma_wait3A = arith.constant 0 : i32
      %dma_wait3A_352 = arith.constant 0 : i32
      %dma_wait3A_353 = tpu.memref_slice %arg8[%run_scoped3A_282, %dma_wait3A, %dma_wait3A_352] : memref<5x128x128xf32, #tpu.memory_space<vmem>> -> memref<1x64x128xf32, #tpu.memory_space<vmem>>
      %dma_wait3A_354 = tpu.memref_squeeze %dma_wait3A_353 : memref<1x64x128xf32, #tpu.memory_space<vmem>> -> memref<64x128xf32, #tpu.memory_space<vmem>>
      %dma_wait3A_355 = arith.constant 0 : i32
      %dma_wait3A_356 = tpu.memref_slice %arg11[%add3A_281, %dma_wait3A_355] : memref<5128x128xf32, #tpu.memory_space<vmem_shared>> -> memref<64x128xf32, #tpu.memory_space<vmem_shared>>
      %dma_wait3A_357 = arith.constant 0 : i32
      %dma_wait3A_358 = tpu.memref_slice %arg11[%add3A_281, %dma_wait3A_357] : memref<5128x128xf32, #tpu.memory_space<vmem_shared>> -> memref<64x128xf32, #tpu.memory_space<vmem_shared>>
      %dma_wait3A_359 = arith.constant 0 : i32
      %dma_wait3A_360 = arith.constant 0 : i32
      %dma_wait3A_361 = tpu.memref_slice %arg8[%run_scoped3A_282, %dma_wait3A_359, %dma_wait3A_360] : memref<5x128x128xf32, #tpu.memory_space<vmem>> -> memref<1x64x128xf32, #tpu.memory_space<vmem>>
      %dma_wait3A_362 = tpu.memref_squeeze %dma_wait3A_361 : memref<1x64x128xf32, #tpu.memory_space<vmem>> -> memref<64x128xf32, #tpu.memory_space<vmem>>
      tpu.wait_dma2 semaphore(%run_scoped3A_340 : memref<!tpu.dma_semaphore, #tpu.memory_space<semaphore_mem>>) src(%dma_wait3A_362 : memref<64x128xf32, #tpu.memory_space<vmem>>) dst(%dma_wait3A_358 : memref<64x128xf32, #tpu.memory_space<vmem_shared>>)
      tpu.yield
    }) : () -> ()
    %eq3A_283 = arith.constant 15 : i32
    %eq3A_284 = arith.cmpi eq, %arg1, %eq3A_283 : i32
    %convert_element_type3A_285 = arith.extui %eq3A_284 : i1 to i32
    %cond3A_286 = arith.constant 0 : i32
    %cond3A_287 = arith.cmpi ne, %convert_element_type3A_285, %cond3A_286 : i32
    scf.if %cond3A_287 {
      %run_scoped3A_340 = arith.constant 0 : i32
      "tpu.region"() ({
        %run_scoped3A_341 = tpu.sem_alloc : memref<!tpu.dma_semaphore, #tpu.memory_space<semaphore_mem>>
        %dma_start3A = arith.constant 0 : i32
        %dma_start3A_342 = arith.constant 0 : i32
        %dma_start3A_343 = tpu.memref_slice %arg8[%run_scoped3A_340, %dma_start3A, %dma_start3A_342] : memref<5x128x128xf32, #tpu.memory_space<vmem>> -> memref<1x8x128xf32, #tpu.memory_space<vmem>>
        %dma_start3A_344 = tpu.memref_squeeze %dma_start3A_343 : memref<1x8x128xf32, #tpu.memory_space<vmem>> -> memref<8x128xf32, #tpu.memory_space<vmem>>
        %dma_start3A_345 = arith.constant 5120 : i32
        %dma_start3A_346 = arith.constant 0 : i32
        %dma_start3A_347 = tpu.memref_slice %arg11[%dma_start3A_345, %dma_start3A_346] : memref<5128x128xf32, #tpu.memory_space<vmem_shared>> -> memref<8x128xf32, #tpu.memory_space<vmem_shared>>
        %dma_start3A_348 = arith.constant 5120 : i32
        %dma_start3A_349 = arith.constant 0 : i32
        %dma_start3A_350 = tpu.memref_slice %arg11[%dma_start3A_348, %dma_start3A_349] : memref<5128x128xf32, #tpu.memory_space<vmem_shared>> -> memref<8x128xf32, #tpu.memory_space<vmem_shared>>
        %dma_start3A_351 = arith.constant 0 : i32
        %dma_start3A_352 = arith.constant 0 : i32
        %dma_start3A_353 = tpu.memref_slice %arg8[%run_scoped3A_340, %dma_start3A_351, %dma_start3A_352] : memref<5x128x128xf32, #tpu.memory_space<vmem>> -> memref<1x8x128xf32, #tpu.memory_space<vmem>>
        %dma_start3A_354 = tpu.memref_squeeze %dma_start3A_353 : memref<1x8x128xf32, #tpu.memory_space<vmem>> -> memref<8x128xf32, #tpu.memory_space<vmem>>
        tpu.enqueue_dma source(%dma_start3A_354 : memref<8x128xf32, #tpu.memory_space<vmem>>) target(%dma_start3A_350 : memref<8x128xf32, #tpu.memory_space<vmem_shared>>) target_semaphore(%run_scoped3A_341 : memref<!tpu.dma_semaphore, #tpu.memory_space<semaphore_mem>>)
        %dma_wait3A = arith.constant 0 : i32
        %dma_wait3A_355 = arith.constant 0 : i32
        %dma_wait3A_356 = tpu.memref_slice %arg8[%run_scoped3A_340, %dma_wait3A, %dma_wait3A_355] : memref<5x128x128xf32, #tpu.memory_space<vmem>> -> memref<1x8x128xf32, #tpu.memory_space<vmem>>
        %dma_wait3A_357 = tpu.memref_squeeze %dma_wait3A_356 : memref<1x8x128xf32, #tpu.memory_space<vmem>> -> memref<8x128xf32, #tpu.memory_space<vmem>>
        %dma_wait3A_358 = arith.constant 5120 : i32
        %dma_wait3A_359 = arith.constant 0 : i32
        %dma_wait3A_360 = tpu.memref_slice %arg11[%dma_wait3A_358, %dma_wait3A_359] : memref<5128x128xf32, #tpu.memory_space<vmem_shared>> -> memref<8x128xf32, #tpu.memory_space<vmem_shared>>
        %dma_wait3A_361 = arith.constant 5120 : i32
        %dma_wait3A_362 = arith.constant 0 : i32
        %dma_wait3A_363 = tpu.memref_slice %arg11[%dma_wait3A_361, %dma_wait3A_362] : memref<5128x128xf32, #tpu.memory_space<vmem_shared>> -> memref<8x128xf32, #tpu.memory_space<vmem_shared>>
        %dma_wait3A_364 = arith.constant 0 : i32
        %dma_wait3A_365 = arith.constant 0 : i32
        %dma_wait3A_366 = tpu.memref_slice %arg8[%run_scoped3A_340, %dma_wait3A_364, %dma_wait3A_365] : memref<5x128x128xf32, #tpu.memory_space<vmem>> -> memref<1x8x128xf32, #tpu.memory_space<vmem>>
        %dma_wait3A_367 = tpu.memref_squeeze %dma_wait3A_366 : memref<1x8x128xf32, #tpu.memory_space<vmem>> -> memref<8x128xf32, #tpu.memory_space<vmem>>
        tpu.wait_dma2 semaphore(%run_scoped3A_341 : memref<!tpu.dma_semaphore, #tpu.memory_space<semaphore_mem>>) src(%dma_wait3A_367 : memref<8x128xf32, #tpu.memory_space<vmem>>) dst(%dma_wait3A_363 : memref<8x128xf32, #tpu.memory_space<vmem_shared>>)
        tpu.yield
      }) : () -> ()
    } else {
    }
    %barrier3A = arith.constant 0 : index
    tpu.barrier barrier_id(%barrier3A)
    %gt3A_288 = arith.constant 0 : i32
    %gt3A_289 = arith.cmpi sgt, %select_n3A_235, %gt3A_288 : i32
    %convert_element_type3A_290 = arith.extui %gt3A_289 : i1 to i32
    %cond3A_291 = arith.constant 0 : i32
    %cond3A_292 = arith.cmpi ne, %convert_element_type3A_290, %cond3A_291 : i32
    scf.if %cond3A_292 {
      %add3A_340 = arith.constant 0 : i32
      %add3A_341 = arith.addi %mul3A_180, %add3A_340 : i32
      %min3A_342 = arith.constant 319872 : i32
      %min3A_343 = arith.minsi %add3A_341, %min3A_342 : i32
      %multiple_of3A = tpu.assume_multiple %min3A_343, 8 : i32
      %dma_start3A = arith.constant 0 : i32
      %dma_start3A_344 = arith.constant 0 : i32
      %dma_start3A_345 = arith.constant 0 : i32
      %dma_start3A_346 = arith.constant 0 : i32
      %dma_start3A_347 = tpu.memref_slice %arg8[%dma_start3A, %dma_start3A_345, %dma_start3A_346] : memref<5x128x128xf32, #tpu.memory_space<vmem>> -> memref<1x128x128xf32, #tpu.memory_space<vmem>>
      %dma_start3A_348 = tpu.memref_squeeze %dma_start3A_347 : memref<1x128x128xf32, #tpu.memory_space<vmem>> -> memref<128x128xf32, #tpu.memory_space<vmem>>
      %dma_start3A_349 = arith.constant 0 : i32
      %dma_start3A_350 = tpu.memref_slice %arg2[%multiple_of3A, %dma_start3A_349] : memref<320000x128xf32, #tpu.memory_space<hbm>> -> memref<128x128xf32, #tpu.memory_space<hbm>>
      %dma_start3A_351 = tpu.memref_slice %arg12[%dma_start3A_344] : memref<5x!tpu.dma_semaphore, #tpu.memory_space<semaphore_mem>> -> memref<1x!tpu.dma_semaphore, #tpu.memory_space<semaphore_mem>>
      %dma_start3A_352 = tpu.memref_squeeze %dma_start3A_351 : memref<1x!tpu.dma_semaphore, #tpu.memory_space<semaphore_mem>> -> memref<!tpu.dma_semaphore, #tpu.memory_space<semaphore_mem>>
      %dma_start3A_353 = arith.constant 0 : i32
      %dma_start3A_354 = arith.constant 0 : i32
      %dma_start3A_355 = tpu.memref_slice %arg8[%dma_start3A, %dma_start3A_353, %dma_start3A_354] : memref<5x128x128xf32, #tpu.memory_space<vmem>> -> memref<1x128x128xf32, #tpu.memory_space<vmem>>
      %dma_start3A_356 = tpu.memref_squeeze %dma_start3A_355 : memref<1x128x128xf32, #tpu.memory_space<vmem>> -> memref<128x128xf32, #tpu.memory_space<vmem>>
      %dma_start3A_357 = arith.constant 0 : i32
      %dma_start3A_358 = tpu.memref_slice %arg2[%multiple_of3A, %dma_start3A_357] : memref<320000x128xf32, #tpu.memory_space<hbm>> -> memref<128x128xf32, #tpu.memory_space<hbm>>
      tpu.enqueue_dma source(%dma_start3A_358 : memref<128x128xf32, #tpu.memory_space<hbm>>) target(%dma_start3A_356 : memref<128x128xf32, #tpu.memory_space<vmem>>) target_semaphore(%dma_start3A_352 : memref<!tpu.dma_semaphore, #tpu.memory_space<semaphore_mem>>)
      %dma_start3A_359 = arith.constant 0 : i32
      %dma_start3A_360 = arith.constant 0 : i32
      %dma_start3A_361 = arith.constant 0 : i32
      %dma_start3A_362 = tpu.memref_slice %arg10[%dma_start3A_359, %dma_start3A_361] : memref<5x128xi32, #tpu.memory_space<vmem>> -> memref<1x128xi32, #tpu.memory_space<vmem>>
      %dma_start3A_363 = tpu.memref_squeeze %dma_start3A_362 : memref<1x128xi32, #tpu.memory_space<vmem>> -> memref<128xi32, #tpu.memory_space<vmem>>
      %dma_start3A_364 = tpu.memref_slice %arg3[%multiple_of3A] : memref<320000xi32, #tpu.memory_space<hbm>> -> memref<128xi32, #tpu.memory_space<hbm>>
      %dma_start3A_365 = tpu.memref_slice %arg12[%dma_start3A_360] : memref<5x!tpu.dma_semaphore, #tpu.memory_space<semaphore_mem>> -> memref<1x!tpu.dma_semaphore, #tpu.memory_space<semaphore_mem>>
      %dma_start3A_366 = tpu.memref_squeeze %dma_start3A_365 : memref<1x!tpu.dma_semaphore, #tpu.memory_space<semaphore_mem>> -> memref<!tpu.dma_semaphore, #tpu.memory_space<semaphore_mem>>
      %dma_start3A_367 = arith.constant 0 : i32
      %dma_start3A_368 = tpu.memref_slice %arg10[%dma_start3A_359, %dma_start3A_367] : memref<5x128xi32, #tpu.memory_space<vmem>> -> memref<1x128xi32, #tpu.memory_space<vmem>>
      %dma_start3A_369 = tpu.memref_squeeze %dma_start3A_368 : memref<1x128xi32, #tpu.memory_space<vmem>> -> memref<128xi32, #tpu.memory_space<vmem>>
      %dma_start3A_370 = tpu.memref_slice %arg3[%multiple_of3A] : memref<320000xi32, #tpu.memory_space<hbm>> -> memref<128xi32, #tpu.memory_space<hbm>>
      tpu.enqueue_dma source(%dma_start3A_370 : memref<128xi32, #tpu.memory_space<hbm>>) target(%dma_start3A_369 : memref<128xi32, #tpu.memory_space<vmem>>) target_semaphore(%dma_start3A_366 : memref<!tpu.dma_semaphore, #tpu.memory_space<semaphore_mem>>)
    } else {
    }
    %add3A_293 = arith.constant 5 : i32
    %add3A_294 = arith.addi %select_n3A_235, %add3A_293 : i32
    %sub3A_295 = arith.constant 1 : i32
    %sub3A_296 = arith.subi %add3A_294, %sub3A_295 : i32
    %jit3A_297 = arith.constant 5 : i32
    %div3A_298 = arith.divsi %sub3A_296, %jit3A_297 : i32
    %sign3A_299 = arith.constant 0 : i32
    %sign3A_300 = arith.cmpi sgt, %sub3A_296, %sign3A_299 : i32
    %sign3A_301 = arith.extui %sign3A_300 : i1 to i32
    %sign3A_302 = arith.constant 0 : i32
    %sign3A_303 = arith.cmpi slt, %sub3A_296, %sign3A_302 : i32
    %sign3A_304 = arith.extui %sign3A_303 : i1 to i32
    %sign3A_305 = arith.subi %sign3A_301, %sign3A_304 : i32
    %sign3A_306 = arith.constant 0 : i32
    %sign3A_307 = arith.cmpi sgt, %jit3A_297, %sign3A_306 : i32
    %sign3A_308 = arith.extui %sign3A_307 : i1 to i32
    %sign3A_309 = arith.constant 0 : i32
    %sign3A_310 = arith.cmpi slt, %jit3A_297, %sign3A_309 : i32
    %sign3A_311 = arith.extui %sign3A_310 : i1 to i32
    %sign3A_312 = arith.subi %sign3A_308, %sign3A_311 : i32
    %ne3A_313 = arith.cmpi ne, %sign3A_305, %sign3A_312 : i32
    %rem3A_314 = arith.remsi %sub3A_296, %jit3A_297 : i32
    %ne3A_315 = arith.constant 0 : i32
    %ne3A_316 = arith.cmpi ne, %rem3A_314, %ne3A_315 : i32
    %and3A_317 = arith.andi %ne3A_313, %ne3A_316 : i1
    %sub3A_318 = arith.constant 1 : i32
    %sub3A_319 = arith.subi %div3A_298, %sub3A_318 : i32
    %select_n3A_320 = arith.select %and3A_317, %sub3A_319, %div3A_298 : i32
    %while3A = arith.constant 0 : i32
    %while3A_321 = arith.constant 0 : i32
    %while3A_322 = arith.subi %select_n3A_320, %while3A_321 : i32
    %while3A_323 = arith.addi %while3A_321, %while3A_322 : i32
    %while3A_324 = arith.constant 1 : i32
    %while3A_325 = arith.divsi %while3A_322, %while3A_324 : i32
    %while3A_326 = arith.muli %while3A_325, %while3A_324 : i32
    %while3A_327 = arith.addi %while3A_321, %while3A_326 : i32
    %while3A_328 = arith.constant 1 : i32
    scf.for %while3A_340 = %while3A_321 to %while3A_327 step %while3A_328  : i32 {
      %mul3A_341 = arith.constant 5 : i32
      %mul3A_342 = arith.muli %while3A_340, %mul3A_341 : i32
      %add3A_343 = arith.constant 0 : i32
      %add3A_344 = arith.addi %mul3A_342, %add3A_343 : i32
      %lt3A_345 = arith.cmpi slt, %add3A_344, %select_n3A_235 : i32
      %convert_element_type3A_346 = arith.extui %lt3A_345 : i1 to i32
      %cond3A_347 = arith.constant 0 : i32
      %cond3A_348 = arith.cmpi ne, %convert_element_type3A_346, %cond3A_347 : i32
      scf.if %cond3A_348 {
        %dma_wait3A = arith.constant 0 : i32
        %dma_wait3A_381 = arith.constant 0 : i32
        %dma_wait3A_382 = arith.constant 0 : i32
        %dma_wait3A_383 = arith.constant 0 : i32
        %dma_wait3A_384 = tpu.memref_slice %arg8[%dma_wait3A, %dma_wait3A_382, %dma_wait3A_383] : memref<5x128x128xf32, #tpu.memory_space<vmem>> -> memref<1x128x128xf32, #tpu.memory_space<vmem>>
        %dma_wait3A_385 = tpu.memref_squeeze %dma_wait3A_384 : memref<1x128x128xf32, #tpu.memory_space<vmem>> -> memref<128x128xf32, #tpu.memory_space<vmem>>
        %dma_wait3A_386 = arith.constant 0 : i32
        %dma_wait3A_387 = arith.constant 0 : i32
        %dma_wait3A_388 = tpu.memref_slice %arg2[%dma_wait3A_386, %dma_wait3A_387] : memref<320000x128xf32, #tpu.memory_space<hbm>> -> memref<128x128xf32, #tpu.memory_space<hbm>>
        %dma_wait3A_389 = tpu.memref_slice %arg12[%dma_wait3A_381] : memref<5x!tpu.dma_semaphore, #tpu.memory_space<semaphore_mem>> -> memref<1x!tpu.dma_semaphore, #tpu.memory_space<semaphore_mem>>
        %dma_wait3A_390 = tpu.memref_squeeze %dma_wait3A_389 : memref<1x!tpu.dma_semaphore, #tpu.memory_space<semaphore_mem>> -> memref<!tpu.dma_semaphore, #tpu.memory_space<semaphore_mem>>
        %dma_wait3A_391 = arith.constant 0 : i32
        %dma_wait3A_392 = arith.constant 0 : i32
        %dma_wait3A_393 = tpu.memref_slice %arg8[%dma_wait3A, %dma_wait3A_391, %dma_wait3A_392] : memref<5x128x128xf32, #tpu.memory_space<vmem>> -> memref<1x128x128xf32, #tpu.memory_space<vmem>>
        %dma_wait3A_394 = tpu.memref_squeeze %dma_wait3A_393 : memref<1x128x128xf32, #tpu.memory_space<vmem>> -> memref<128x128xf32, #tpu.memory_space<vmem>>
        %dma_wait3A_395 = arith.constant 0 : i32
        %dma_wait3A_396 = arith.constant 0 : i32
        %dma_wait3A_397 = tpu.memref_slice %arg2[%dma_wait3A_395, %dma_wait3A_396] : memref<320000x128xf32, #tpu.memory_space<hbm>> -> memref<128x128xf32, #tpu.memory_space<hbm>>
        tpu.wait_dma2 semaphore(%dma_wait3A_390 : memref<!tpu.dma_semaphore, #tpu.memory_space<semaphore_mem>>) src(%dma_wait3A_397 : memref<128x128xf32, #tpu.memory_space<hbm>>) dst(%dma_wait3A_394 : memref<128x128xf32, #tpu.memory_space<vmem>>)
        %dma_wait3A_398 = arith.constant 0 : i32
        %dma_wait3A_399 = arith.constant 0 : i32
        %dma_wait3A_400 = arith.constant 0 : i32
        %dma_wait3A_401 = tpu.memref_slice %arg10[%dma_wait3A_398, %dma_wait3A_400] : memref<5x128xi32, #tpu.memory_space<vmem>> -> memref<1x128xi32, #tpu.memory_space<vmem>>
        %dma_wait3A_402 = tpu.memref_squeeze %dma_wait3A_401 : memref<1x128xi32, #tpu.memory_space<vmem>> -> memref<128xi32, #tpu.memory_space<vmem>>
        %dma_wait3A_403 = arith.constant 0 : i32
        %dma_wait3A_404 = tpu.memref_slice %arg3[%dma_wait3A_403] : memref<320000xi32, #tpu.memory_space<hbm>> -> memref<128xi32, #tpu.memory_space<hbm>>
        %dma_wait3A_405 = tpu.memref_slice %arg12[%dma_wait3A_399] : memref<5x!tpu.dma_semaphore, #tpu.memory_space<semaphore_mem>> -> memref<1x!tpu.dma_semaphore, #tpu.memory_space<semaphore_mem>>
        %dma_wait3A_406 = tpu.memref_squeeze %dma_wait3A_405 : memref<1x!tpu.dma_semaphore, #tpu.memory_space<semaphore_mem>> -> memref<!tpu.dma_semaphore, #tpu.memory_space<semaphore_mem>>
        %dma_wait3A_407 = arith.constant 0 : i32
        %dma_wait3A_408 = tpu.memref_slice %arg10[%dma_wait3A_398, %dma_wait3A_407] : memref<5x128xi32, #tpu.memory_space<vmem>> -> memref<1x128xi32, #tpu.memory_space<vmem>>
        %dma_wait3A_409 = tpu.memref_squeeze %dma_wait3A_408 : memref<1x128xi32, #tpu.memory_space<vmem>> -> memref<128xi32, #tpu.memory_space<vmem>>
        %dma_wait3A_410 = arith.constant 0 : i32
        %dma_wait3A_411 = tpu.memref_slice %arg3[%dma_wait3A_410] : memref<320000xi32, #tpu.memory_space<hbm>> -> memref<128xi32, #tpu.memory_space<hbm>>
        tpu.wait_dma2 semaphore(%dma_wait3A_406 : memref<!tpu.dma_semaphore, #tpu.memory_space<semaphore_mem>>) src(%dma_wait3A_411 : memref<128xi32, #tpu.memory_space<hbm>>) dst(%dma_wait3A_409 : memref<128xi32, #tpu.memory_space<vmem>>)
        %mul3A_412 = arith.constant 128 : i32
        %mul3A_413 = arith.muli %add3A_344, %mul3A_412 : i32
        %add3A_414 = arith.addi %mul3A_180, %mul3A_413 : i32
        %min3A_415 = arith.constant 319872 : i32
        %min3A_416 = arith.minsi %add3A_414, %min3A_415 : i32
        %get3A_417 = arith.constant 0 : i32
        %get3A_418 = arith.index_cast %get3A_417 : i32 to index
        %get3A_419 = arith.constant 0 : index
        %get3A_420 = tpu.vector_load %arg10[%get3A_418, %get3A_419] {strides = array<i32>} : memref<5x128xi32, #tpu.memory_space<vmem>>, vector<1x16xi32>,
        %get3A_421 = vector.shape_cast %get3A_420 : vector<1x16xi32> to vector<16xi32>
        %add3A_422 = arith.constant 0 : i32
        %add3A_423 = arith.addi %min3A_416, %add3A_422 : i32
        %add3A_424 = vector.broadcast %add3A_423 : i32 to vector<16xi32>
        %add3A_425 = arith.addi %add3A_424, %iota3A : vector<16xi32>
        %ge3A = vector.broadcast %mul3A_237 : i32 to vector<16xi32>
        %ge3A_426 = arith.cmpi sge, %get3A_421, %ge3A : vector<16xi32>
        %lt3A_427 = vector.broadcast %min3A_242 : i32 to vector<16xi32>
        %lt3A_428 = arith.cmpi slt, %get3A_421, %lt3A_427 : vector<16xi32>
        %and3A_429 = arith.andi %ge3A_426, %lt3A_428 : vector<16xi1>
        %ge3A_430 = vector.broadcast %add3A_414 : i32 to vector<16xi32>
        %ge3A_431 = arith.cmpi sge, %add3A_425, %ge3A_430 : vector<16xi32>
        %and3A_432 = arith.andi %and3A_429, %ge3A_431 : vector<16xi1>
        %sub3A_433 = vector.broadcast %mul3A_244 : i32 to vector<16xi32>
        %sub3A_434 = arith.subi %get3A_421, %sub3A_433 : vector<16xi32>
        %jit3A_435 = arith.constant 5120 : i32
        %broadcast_in_dim3A = vector.broadcast %jit3A_435 : i32 to vector<16xi32>
        %select_n3A_436 = arith.select %and3A_432, %sub3A_434, %broadcast_in_dim3A : vector<16xi1>, vector<16xi32>
        %swap3A = arith.constant 0 : i32
        %swap3A_437 = arith.constant 0 : i32
        %swap3A_438 = arith.index_cast %swap3A : i32 to index
        %swap3A_439 = arith.index_cast %swap3A_437 : i32 to index
        %swap3A_440 = arith.constant 0 : index
        %swap3A_441 = tpu.vector_load %arg9[%swap3A_438, %swap3A_439, %swap3A_440] {strides = array<i32>} : memref<5x1x128xi32, #tpu.memory_space<vmem>>, vector<1x1x16xi32>,
        %swap3A_442 = vector.shape_cast %swap3A_441 : vector<1x1x16xi32> to vector<16xi32>
        %swap3A_443 = vector.shape_cast %select_n3A_436 : vector<16xi32> to vector<1x1x16xi32>
        tpu.vector_store %arg9[%swap3A_438, %swap3A_439, %swap3A_440], %swap3A_443 {strides = array<i32>} : memref<5x1x128xi32, #tpu.memory_space<vmem>>, vector<1x1x16xi32>,
        %get3A_444 = arith.constant 0 : i32
        %get3A_445 = arith.index_cast %get3A_444 : i32 to index
        %get3A_446 = arith.constant 16 : index
        %get3A_447 = tpu.vector_load %arg10[%get3A_445, %get3A_446] {strides = array<i32>} : memref<5x128xi32, #tpu.memory_space<vmem>>, vector<1x16xi32>,
        %get3A_448 = vector.shape_cast %get3A_447 : vector<1x16xi32> to vector<16xi32>
        %add3A_449 = arith.constant 16 : i32
        %add3A_450 = arith.addi %min3A_416, %add3A_449 : i32
        %add3A_451 = vector.broadcast %add3A_450 : i32 to vector<16xi32>
        %add3A_452 = arith.addi %add3A_451, %iota3A : vector<16xi32>
        %ge3A_453 = vector.broadcast %mul3A_237 : i32 to vector<16xi32>
        %ge3A_454 = arith.cmpi sge, %get3A_448, %ge3A_453 : vector<16xi32>
        %lt3A_455 = vector.broadcast %min3A_242 : i32 to vector<16xi32>
        %lt3A_456 = arith.cmpi slt, %get3A_448, %lt3A_455 : vector<16xi32>
        %and3A_457 = arith.andi %ge3A_454, %lt3A_456 : vector<16xi1>
        %ge3A_458 = vector.broadcast %add3A_414 : i32 to vector<16xi32>
        %ge3A_459 = arith.cmpi sge, %add3A_452, %ge3A_458 : vector<16xi32>
        %and3A_460 = arith.andi %and3A_457, %ge3A_459 : vector<16xi1>
        %sub3A_461 = vector.broadcast %mul3A_244 : i32 to vector<16xi32>
        %sub3A_462 = arith.subi %get3A_448, %sub3A_461 : vector<16xi32>
        %jit3A_463 = arith.constant 5120 : i32
        %broadcast_in_dim3A_464 = vector.broadcast %jit3A_463 : i32 to vector<16xi32>
        %select_n3A_465 = arith.select %and3A_460, %sub3A_462, %broadcast_in_dim3A_464 : vector<16xi1>, vector<16xi32>
        %swap3A_466 = arith.constant 0 : i32
        %swap3A_467 = arith.constant 0 : i32
        %swap3A_468 = arith.index_cast %swap3A_466 : i32 to index
        %swap3A_469 = arith.index_cast %swap3A_467 : i32 to index
        %swap3A_470 = arith.constant 16 : index
        %swap3A_471 = tpu.vector_load %arg9[%swap3A_468, %swap3A_469, %swap3A_470] {strides = array<i32>} : memref<5x1x128xi32, #tpu.memory_space<vmem>>, vector<1x1x16xi32>,
        %swap3A_472 = vector.shape_cast %swap3A_471 : vector<1x1x16xi32> to vector<16xi32>
        %swap3A_473 = vector.shape_cast %select_n3A_465 : vector<16xi32> to vector<1x1x16xi32>
        tpu.vector_store %arg9[%swap3A_468, %swap3A_469, %swap3A_470], %swap3A_473 {strides = array<i32>} : memref<5x1x128xi32, #tpu.memory_space<vmem>>, vector<1x1x16xi32>,
        %get3A_474 = arith.constant 0 : i32
        %get3A_475 = arith.index_cast %get3A_474 : i32 to index
        %get3A_476 = arith.constant 32 : index
        %get3A_477 = tpu.vector_load %arg10[%get3A_475, %get3A_476] {strides = array<i32>} : memref<5x128xi32, #tpu.memory_space<vmem>>, vector<1x16xi32>,
        %get3A_478 = vector.shape_cast %get3A_477 : vector<1x16xi32> to vector<16xi32>
        %add3A_479 = arith.constant 32 : i32
        %add3A_480 = arith.addi %min3A_416, %add3A_479 : i32
        %add3A_481 = vector.broadcast %add3A_480 : i32 to vector<16xi32>
        %add3A_482 = arith.addi %add3A_481, %iota3A : vector<16xi32>
        %ge3A_483 = vector.broadcast %mul3A_237 : i32 to vector<16xi32>
        %ge3A_484 = arith.cmpi sge, %get3A_478, %ge3A_483 : vector<16xi32>
        %lt3A_485 = vector.broadcast %min3A_242 : i32 to vector<16xi32>
        %lt3A_486 = arith.cmpi slt, %get3A_478, %lt3A_485 : vector<16xi32>
        %and3A_487 = arith.andi %ge3A_484, %lt3A_486 : vector<16xi1>
        %ge3A_488 = vector.broadcast %add3A_414 : i32 to vector<16xi32>
        %ge3A_489 = arith.cmpi sge, %add3A_482, %ge3A_488 : vector<16xi32>
        %and3A_490 = arith.andi %and3A_487, %ge3A_489 : vector<16xi1>
        %sub3A_491 = vector.broadcast %mul3A_244 : i32 to vector<16xi32>
        %sub3A_492 = arith.subi %get3A_478, %sub3A_491 : vector<16xi32>
        %jit3A_493 = arith.constant 5120 : i32
        %broadcast_in_dim3A_494 = vector.broadcast %jit3A_493 : i32 to vector<16xi32>
        %select_n3A_495 = arith.select %and3A_490, %sub3A_492, %broadcast_in_dim3A_494 : vector<16xi1>, vector<16xi32>
        %swap3A_496 = arith.constant 0 : i32
        %swap3A_497 = arith.constant 0 : i32
        %swap3A_498 = arith.index_cast %swap3A_496 : i32 to index
        %swap3A_499 = arith.index_cast %swap3A_497 : i32 to index
        %swap3A_500 = arith.constant 32 : index
        %swap3A_501 = tpu.vector_load %arg9[%swap3A_498, %swap3A_499, %swap3A_500] {strides = array<i32>} : memref<5x1x128xi32, #tpu.memory_space<vmem>>, vector<1x1x16xi32>,
        %swap3A_502 = vector.shape_cast %swap3A_501 : vector<1x1x16xi32> to vector<16xi32>
        %swap3A_503 = vector.shape_cast %select_n3A_495 : vector<16xi32> to vector<1x1x16xi32>
        tpu.vector_store %arg9[%swap3A_498, %swap3A_499, %swap3A_500], %swap3A_503 {strides = array<i32>} : memref<5x1x128xi32, #tpu.memory_space<vmem>>, vector<1x1x16xi32>,
        %get3A_504 = arith.constant 0 : i32
        %get3A_505 = arith.index_cast %get3A_504 : i32 to index
        %get3A_506 = arith.constant 48 : index
        %get3A_507 = tpu.vector_load %arg10[%get3A_505, %get3A_506] {strides = array<i32>} : memref<5x128xi32, #tpu.memory_space<vmem>>, vector<1x16xi32>,
        %get3A_508 = vector.shape_cast %get3A_507 : vector<1x16xi32> to vector<16xi32>
        %add3A_509 = arith.constant 48 : i32
        %add3A_510 = arith.addi %min3A_416, %add3A_509 : i32
        %add3A_511 = vector.broadcast %add3A_510 : i32 to vector<16xi32>
        %add3A_512 = arith.addi %add3A_511, %iota3A : vector<16xi32>
        %ge3A_513 = vector.broadcast %mul3A_237 : i32 to vector<16xi32>
        %ge3A_514 = arith.cmpi sge, %get3A_508, %ge3A_513 : vector<16xi32>
        %lt3A_515 = vector.broadcast %min3A_242 : i32 to vector<16xi32>
        %lt3A_516 = arith.cmpi slt, %get3A_508, %lt3A_515 : vector<16xi32>
        %and3A_517 = arith.andi %ge3A_514, %lt3A_516 : vector<16xi1>
        %ge3A_518 = vector.broadcast %add3A_414 : i32 to vector<16xi32>
        %ge3A_519 = arith.cmpi sge, %add3A_512, %ge3A_518 : vector<16xi32>
        %and3A_520 = arith.andi %and3A_517, %ge3A_519 : vector<16xi1>
        %sub3A_521 = vector.broadcast %mul3A_244 : i32 to vector<16xi32>
        %sub3A_522 = arith.subi %get3A_508, %sub3A_521 : vector<16xi32>
        %jit3A_523 = arith.constant 5120 : i32
        %broadcast_in_dim3A_524 = vector.broadcast %jit3A_523 : i32 to vector<16xi32>
        %select_n3A_525 = arith.select %and3A_520, %sub3A_522, %broadcast_in_dim3A_524 : vector<16xi1>, vector<16xi32>
        %swap3A_526 = arith.constant 0 : i32
        %swap3A_527 = arith.constant 0 : i32
        %swap3A_528 = arith.index_cast %swap3A_526 : i32 to index
        %swap3A_529 = arith.index_cast %swap3A_527 : i32 to index
        %swap3A_530 = arith.constant 48 : index
        %swap3A_531 = tpu.vector_load %arg9[%swap3A_528, %swap3A_529, %swap3A_530] {strides = array<i32>} : memref<5x1x128xi32, #tpu.memory_space<vmem>>, vector<1x1x16xi32>,
        %swap3A_532 = vector.shape_cast %swap3A_531 : vector<1x1x16xi32> to vector<16xi32>
        %swap3A_533 = vector.shape_cast %select_n3A_525 : vector<16xi32> to vector<1x1x16xi32>
        tpu.vector_store %arg9[%swap3A_528, %swap3A_529, %swap3A_530], %swap3A_533 {strides = array<i32>} : memref<5x1x128xi32, #tpu.memory_space<vmem>>, vector<1x1x16xi32>,
        %get3A_534 = arith.constant 0 : i32
        %get3A_535 = arith.index_cast %get3A_534 : i32 to index
        %get3A_536 = arith.constant 64 : index
        %get3A_537 = tpu.vector_load %arg10[%get3A_535, %get3A_536] {strides = array<i32>} : memref<5x128xi32, #tpu.memory_space<vmem>>, vector<1x16xi32>,
        %get3A_538 = vector.shape_cast %get3A_537 : vector<1x16xi32> to vector<16xi32>
        %add3A_539 = arith.constant 64 : i32
        %add3A_540 = arith.addi %min3A_416, %add3A_539 : i32
        %add3A_541 = vector.broadcast %add3A_540 : i32 to vector<16xi32>
        %add3A_542 = arith.addi %add3A_541, %iota3A : vector<16xi32>
        %ge3A_543 = vector.broadcast %mul3A_237 : i32 to vector<16xi32>
        %ge3A_544 = arith.cmpi sge, %get3A_538, %ge3A_543 : vector<16xi32>
        %lt3A_545 = vector.broadcast %min3A_242 : i32 to vector<16xi32>
        %lt3A_546 = arith.cmpi slt, %get3A_538, %lt3A_545 : vector<16xi32>
        %and3A_547 = arith.andi %ge3A_544, %lt3A_546 : vector<16xi1>
        %ge3A_548 = vector.broadcast %add3A_414 : i32 to vector<16xi32>
        %ge3A_549 = arith.cmpi sge, %add3A_542, %ge3A_548 : vector<16xi32>
        %and3A_550 = arith.andi %and3A_547, %ge3A_549 : vector<16xi1>
        %sub3A_551 = vector.broadcast %mul3A_244 : i32 to vector<16xi32>
        %sub3A_552 = arith.subi %get3A_538, %sub3A_551 : vector<16xi32>
        %jit3A_553 = arith.constant 5120 : i32
        %broadcast_in_dim3A_554 = vector.broadcast %jit3A_553 : i32 to vector<16xi32>
        %select_n3A_555 = arith.select %and3A_550, %sub3A_552, %broadcast_in_dim3A_554 : vector<16xi1>, vector<16xi32>
        %swap3A_556 = arith.constant 0 : i32
        %swap3A_557 = arith.constant 0 : i32
        %swap3A_558 = arith.index_cast %swap3A_556 : i32 to index
        %swap3A_559 = arith.index_cast %swap3A_557 : i32 to index
        %swap3A_560 = arith.constant 64 : index
        %swap3A_561 = tpu.vector_load %arg9[%swap3A_558, %swap3A_559, %swap3A_560] {strides = array<i32>} : memref<5x1x128xi32, #tpu.memory_space<vmem>>, vector<1x1x16xi32>,
        %swap3A_562 = vector.shape_cast %swap3A_561 : vector<1x1x16xi32> to vector<16xi32>
        %swap3A_563 = vector.shape_cast %select_n3A_555 : vector<16xi32> to vector<1x1x16xi32>
        tpu.vector_store %arg9[%swap3A_558, %swap3A_559, %swap3A_560], %swap3A_563 {strides = array<i32>} : memref<5x1x128xi32, #tpu.memory_space<vmem>>, vector<1x1x16xi32>,
        %get3A_564 = arith.constant 0 : i32
        %get3A_565 = arith.index_cast %get3A_564 : i32 to index
        %get3A_566 = arith.constant 80 : index
        %get3A_567 = tpu.vector_load %arg10[%get3A_565, %get3A_566] {strides = array<i32>} : memref<5x128xi32, #tpu.memory_space<vmem>>, vector<1x16xi32>,
        %get3A_568 = vector.shape_cast %get3A_567 : vector<1x16xi32> to vector<16xi32>
        %add3A_569 = arith.constant 80 : i32
        %add3A_570 = arith.addi %min3A_416, %add3A_569 : i32
        %add3A_571 = vector.broadcast %add3A_570 : i32 to vector<16xi32>
        %add3A_572 = arith.addi %add3A_571, %iota3A : vector<16xi32>
        %ge3A_573 = vector.broadcast %mul3A_237 : i32 to vector<16xi32>
        %ge3A_574 = arith.cmpi sge, %get3A_568, %ge3A_573 : vector<16xi32>
        %lt3A_575 = vector.broadcast %min3A_242 : i32 to vector<16xi32>
        %lt3A_576 = arith.cmpi slt, %get3A_568, %lt3A_575 : vector<16xi32>
        %and3A_577 = arith.andi %ge3A_574, %lt3A_576 : vector<16xi1>
        %ge3A_578 = vector.broadcast %add3A_414 : i32 to vector<16xi32>
        %ge3A_579 = arith.cmpi sge, %add3A_572, %ge3A_578 : vector<16xi32>
        %and3A_580 = arith.andi %and3A_577, %ge3A_579 : vector<16xi1>
        %sub3A_581 = vector.broadcast %mul3A_244 : i32 to vector<16xi32>
        %sub3A_582 = arith.subi %get3A_568, %sub3A_581 : vector<16xi32>
        %jit3A_583 = arith.constant 5120 : i32
        %broadcast_in_dim3A_584 = vector.broadcast %jit3A_583 : i32 to vector<16xi32>
        %select_n3A_585 = arith.select %and3A_580, %sub3A_582, %broadcast_in_dim3A_584 : vector<16xi1>, vector<16xi32>
        %swap3A_586 = arith.constant 0 : i32
        %swap3A_587 = arith.constant 0 : i32
        %swap3A_588 = arith.index_cast %swap3A_586 : i32 to index
        %swap3A_589 = arith.index_cast %swap3A_587 : i32 to index
        %swap3A_590 = arith.constant 80 : index
        %swap3A_591 = tpu.vector_load %arg9[%swap3A_588, %swap3A_589, %swap3A_590] {strides = array<i32>} : memref<5x1x128xi32, #tpu.memory_space<vmem>>, vector<1x1x16xi32>,
        %swap3A_592 = vector.shape_cast %swap3A_591 : vector<1x1x16xi32> to vector<16xi32>
        %swap3A_593 = vector.shape_cast %select_n3A_585 : vector<16xi32> to vector<1x1x16xi32>
        tpu.vector_store %arg9[%swap3A_588, %swap3A_589, %swap3A_590], %swap3A_593 {strides = array<i32>} : memref<5x1x128xi32, #tpu.memory_space<vmem>>, vector<1x1x16xi32>,
        %get3A_594 = arith.constant 0 : i32
        %get3A_595 = arith.index_cast %get3A_594 : i32 to index
        %get3A_596 = arith.constant 96 : index
        %get3A_597 = tpu.vector_load %arg10[%get3A_595, %get3A_596] {strides = array<i32>} : memref<5x128xi32, #tpu.memory_space<vmem>>, vector<1x16xi32>,
        %get3A_598 = vector.shape_cast %get3A_597 : vector<1x16xi32> to vector<16xi32>
        %add3A_599 = arith.constant 96 : i32
        %add3A_600 = arith.addi %min3A_416, %add3A_599 : i32
        %add3A_601 = vector.broadcast %add3A_600 : i32 to vector<16xi32>
        %add3A_602 = arith.addi %add3A_601, %iota3A : vector<16xi32>
        %ge3A_603 = vector.broadcast %mul3A_237 : i32 to vector<16xi32>
        %ge3A_604 = arith.cmpi sge, %get3A_598, %ge3A_603 : vector<16xi32>
        %lt3A_605 = vector.broadcast %min3A_242 : i32 to vector<16xi32>
        %lt3A_606 = arith.cmpi slt, %get3A_598, %lt3A_605 : vector<16xi32>
        %and3A_607 = arith.andi %ge3A_604, %lt3A_606 : vector<16xi1>
        %ge3A_608 = vector.broadcast %add3A_414 : i32 to vector<16xi32>
        %ge3A_609 = arith.cmpi sge, %add3A_602, %ge3A_608 : vector<16xi32>
        %and3A_610 = arith.andi %and3A_607, %ge3A_609 : vector<16xi1>
        %sub3A_611 = vector.broadcast %mul3A_244 : i32 to vector<16xi32>
        %sub3A_612 = arith.subi %get3A_598, %sub3A_611 : vector<16xi32>
        %jit3A_613 = arith.constant 5120 : i32
        %broadcast_in_dim3A_614 = vector.broadcast %jit3A_613 : i32 to vector<16xi32>
        %select_n3A_615 = arith.select %and3A_610, %sub3A_612, %broadcast_in_dim3A_614 : vector<16xi1>, vector<16xi32>
        %swap3A_616 = arith.constant 0 : i32
        %swap3A_617 = arith.constant 0 : i32
        %swap3A_618 = arith.index_cast %swap3A_616 : i32 to index
        %swap3A_619 = arith.index_cast %swap3A_617 : i32 to index
        %swap3A_620 = arith.constant 96 : index
        %swap3A_621 = tpu.vector_load %arg9[%swap3A_618, %swap3A_619, %swap3A_620] {strides = array<i32>} : memref<5x1x128xi32, #tpu.memory_space<vmem>>, vector<1x1x16xi32>,
        %swap3A_622 = vector.shape_cast %swap3A_621 : vector<1x1x16xi32> to vector<16xi32>
        %swap3A_623 = vector.shape_cast %select_n3A_615 : vector<16xi32> to vector<1x1x16xi32>
        tpu.vector_store %arg9[%swap3A_618, %swap3A_619, %swap3A_620], %swap3A_623 {strides = array<i32>} : memref<5x1x128xi32, #tpu.memory_space<vmem>>, vector<1x1x16xi32>,
        %get3A_624 = arith.constant 0 : i32
        %get3A_625 = arith.index_cast %get3A_624 : i32 to index
        %get3A_626 = arith.constant 112 : index
        %get3A_627 = tpu.vector_load %arg10[%get3A_625, %get3A_626] {strides = array<i32>} : memref<5x128xi32, #tpu.memory_space<vmem>>, vector<1x16xi32>,
        %get3A_628 = vector.shape_cast %get3A_627 : vector<1x16xi32> to vector<16xi32>
        %add3A_629 = arith.constant 112 : i32
        %add3A_630 = arith.addi %min3A_416, %add3A_629 : i32
        %add3A_631 = vector.broadcast %add3A_630 : i32 to vector<16xi32>
        %add3A_632 = arith.addi %add3A_631, %iota3A : vector<16xi32>
        %ge3A_633 = vector.broadcast %mul3A_237 : i32 to vector<16xi32>
        %ge3A_634 = arith.cmpi sge, %get3A_628, %ge3A_633 : vector<16xi32>
        %lt3A_635 = vector.broadcast %min3A_242 : i32 to vector<16xi32>
        %lt3A_636 = arith.cmpi slt, %get3A_628, %lt3A_635 : vector<16xi32>
        %and3A_637 = arith.andi %ge3A_634, %lt3A_636 : vector<16xi1>
        %ge3A_638 = vector.broadcast %add3A_414 : i32 to vector<16xi32>
        %ge3A_639 = arith.cmpi sge, %add3A_632, %ge3A_638 : vector<16xi32>
        %and3A_640 = arith.andi %and3A_637, %ge3A_639 : vector<16xi1>
        %sub3A_641 = vector.broadcast %mul3A_244 : i32 to vector<16xi32>
        %sub3A_642 = arith.subi %get3A_628, %sub3A_641 : vector<16xi32>
        %jit3A_643 = arith.constant 5120 : i32
        %broadcast_in_dim3A_644 = vector.broadcast %jit3A_643 : i32 to vector<16xi32>
        %select_n3A_645 = arith.select %and3A_640, %sub3A_642, %broadcast_in_dim3A_644 : vector<16xi1>, vector<16xi32>
        %swap3A_646 = arith.constant 0 : i32
        %swap3A_647 = arith.constant 0 : i32
        %swap3A_648 = arith.index_cast %swap3A_646 : i32 to index
        %swap3A_649 = arith.index_cast %swap3A_647 : i32 to index
        %swap3A_650 = arith.constant 112 : index
        %swap3A_651 = tpu.vector_load %arg9[%swap3A_648, %swap3A_649, %swap3A_650] {strides = array<i32>} : memref<5x1x128xi32, #tpu.memory_space<vmem>>, vector<1x1x16xi32>,
        %swap3A_652 = vector.shape_cast %swap3A_651 : vector<1x1x16xi32> to vector<16xi32>
        %swap3A_653 = vector.shape_cast %select_n3A_645 : vector<16xi32> to vector<1x1x16xi32>
        tpu.vector_store %arg9[%swap3A_648, %swap3A_649, %swap3A_650], %swap3A_653 {strides = array<i32>} : memref<5x1x128xi32, #tpu.memory_space<vmem>>, vector<1x1x16xi32>,
        %run_scoped3A_654 = arith.constant 0 : i32
        %run_scoped3A_655 = arith.constant 0 : i32
        %run_scoped3A_656 = arith.constant 0 : i32
        "tpu.region"() ({
          %run_scoped3A_663 = tpu.sem_alloc : memref<!tpu.dma_semaphore, #tpu.memory_space<semaphore_mem>>
          %dma_start3A = arith.constant 0 : i32
          %dma_start3A_664 = arith.constant 0 : i32
          %dma_start3A_665 = tpu.memref_slice %arg8[%run_scoped3A_654, %dma_start3A, %dma_start3A_664] : memref<5x128x128xf32, #tpu.memory_space<vmem>> -> memref<1x128x128xf32, #tpu.memory_space<vmem>>
          %dma_start3A_666 = tpu.memref_squeeze %dma_start3A_665 : memref<1x128x128xf32, #tpu.memory_space<vmem>> -> memref<128x128xf32, #tpu.memory_space<vmem>>
          %dma_start3A_667 = arith.constant 0 : i32
          %dma_start3A_668 = tpu.memref_slice %arg9[%run_scoped3A_655, %run_scoped3A_656, %dma_start3A_667] : memref<5x1x128xi32, #tpu.memory_space<vmem>> -> memref<1x1x128xi32, #tpu.memory_space<vmem>>
          %dma_start3A_669 = tpu.memref_squeeze %dma_start3A_668 : memref<1x1x128xi32, #tpu.memory_space<vmem>> -> memref<128xi32, #tpu.memory_space<vmem>>
          %dma_start3A_670 = arith.constant 0 : i32
          %dma_start3A_671 = arith.constant 0 : i32
          %dma_start3A_672 = tpu.memref_slice %arg11[%dma_start3A_670, %dma_start3A_671] : memref<5128x128xf32, #tpu.memory_space<vmem_shared>> -> memref<5128x128xf32, #tpu.memory_space<vmem_shared>>
          tpu.enqueue_indirect_dma source(%dma_start3A_666 : memref<128x128xf32, #tpu.memory_space<vmem>>) target(%dma_start3A_672 : memref<5128x128xf32, #tpu.memory_space<vmem_shared>>) offsets(%dma_start3A_669 : memref<128xi32, #tpu.memory_space<vmem>>) semaphore(%run_scoped3A_663 : memref<!tpu.dma_semaphore, #tpu.memory_space<semaphore_mem>>) {add = true}
          %dma_wait3A_673 = arith.constant 0 : i32
          %dma_wait3A_674 = arith.constant 0 : i32
          %dma_wait3A_675 = tpu.memref_slice %arg8[%run_scoped3A_654, %dma_wait3A_673, %dma_wait3A_674] : memref<5x128x128xf32, #tpu.memory_space<vmem>> -> memref<1x128x128xf32, #tpu.memory_space<vmem>>
          %dma_wait3A_676 = tpu.memref_squeeze %dma_wait3A_675 : memref<1x128x128xf32, #tpu.memory_space<vmem>> -> memref<128x128xf32, #tpu.memory_space<vmem>>
          %dma_wait3A_677 = arith.constant 0 : i32
          %dma_wait3A_678 = tpu.memref_slice %arg9[%run_scoped3A_655, %run_scoped3A_656, %dma_wait3A_677] : memref<5x1x128xi32, #tpu.memory_space<vmem>> -> memref<1x1x128xi32, #tpu.memory_space<vmem>>
          %dma_wait3A_679 = tpu.memref_squeeze %dma_wait3A_678 : memref<1x1x128xi32, #tpu.memory_space<vmem>> -> memref<128xi32, #tpu.memory_space<vmem>>
          %dma_wait3A_680 = arith.constant 0 : i32
          %dma_wait3A_681 = arith.constant 0 : i32
          %dma_wait3A_682 = tpu.memref_slice %arg11[%dma_wait3A_680, %dma_wait3A_681] : memref<5128x128xf32, #tpu.memory_space<vmem_shared>> -> memref<5128x128xf32, #tpu.memory_space<vmem_shared>>
          tpu.wait_indirect_dma semaphore(%run_scoped3A_663 : memref<!tpu.dma_semaphore, #tpu.memory_space<semaphore_mem>>) src(%dma_wait3A_676 : memref<128x128xf32, #tpu.memory_space<vmem>>) dst(%dma_wait3A_682 : memref<5128x128xf32, #tpu.memory_space<vmem_shared>>)
          tpu.yield
        }) : () -> ()
        %add3A_657 = arith.constant 5 : i32
        %add3A_658 = arith.addi %add3A_344, %add3A_657 : i32
        %lt3A_659 = arith.cmpi slt, %add3A_658, %select_n3A_235 : i32
        %convert_element_type3A_660 = arith.extui %lt3A_659 : i1 to i32
        %cond3A_661 = arith.constant 0 : i32
        %cond3A_662 = arith.cmpi ne, %convert_element_type3A_660, %cond3A_661 : i32
        scf.if %cond3A_662 {
          %add3A_663 = arith.constant 5 : i32
          %add3A_664 = arith.addi %add3A_344, %add3A_663 : i32
          %mul3A_665 = arith.constant 128 : i32
          %mul3A_666 = arith.muli %add3A_664, %mul3A_665 : i32
          %add3A_667 = arith.addi %mul3A_180, %mul3A_666 : i32
          %min3A_668 = arith.constant 319872 : i32
          %min3A_669 = arith.minsi %add3A_667, %min3A_668 : i32
          %multiple_of3A = tpu.assume_multiple %min3A_669, 8 : i32
          %dma_start3A = arith.constant 0 : i32
          %dma_start3A_670 = arith.constant 0 : i32
          %dma_start3A_671 = arith.constant 0 : i32
          %dma_start3A_672 = arith.constant 0 : i32
          %dma_start3A_673 = tpu.memref_slice %arg8[%dma_start3A, %dma_start3A_671, %dma_start3A_672] : memref<5x128x128xf32, #tpu.memory_space<vmem>> -> memref<1x128x128xf32, #tpu.memory_space<vmem>>
          %dma_start3A_674 = tpu.memref_squeeze %dma_start3A_673 : memref<1x128x128xf32, #tpu.memory_space<vmem>> -> memref<128x128xf32, #tpu.memory_space<vmem>>
          %dma_start3A_675 = arith.constant 0 : i32
          %dma_start3A_676 = tpu.memref_slice %arg2[%multiple_of3A, %dma_start3A_675] : memref<320000x128xf32, #tpu.memory_space<hbm>> -> memref<128x128xf32, #tpu.memory_space<hbm>>
          %dma_start3A_677 = tpu.memref_slice %arg12[%dma_start3A_670] : memref<5x!tpu.dma_semaphore, #tpu.memory_space<semaphore_mem>> -> memref<1x!tpu.dma_semaphore, #tpu.memory_space<semaphore_mem>>
          %dma_start3A_678 = tpu.memref_squeeze %dma_start3A_677 : memref<1x!tpu.dma_semaphore, #tpu.memory_space<semaphore_mem>> -> memref<!tpu.dma_semaphore, #tpu.memory_space<semaphore_mem>>
          %dma_start3A_679 = arith.constant 0 : i32
          %dma_start3A_680 = arith.constant 0 : i32
          %dma_start3A_681 = tpu.memref_slice %arg8[%dma_start3A, %dma_start3A_679, %dma_start3A_680] : memref<5x128x128xf32, #tpu.memory_space<vmem>> -> memref<1x128x128xf32, #tpu.memory_space<vmem>>
          %dma_start3A_682 = tpu.memref_squeeze %dma_start3A_681 : memref<1x128x128xf32, #tpu.memory_space<vmem>> -> memref<128x128xf32, #tpu.memory_space<vmem>>
          %dma_start3A_683 = arith.constant 0 : i32
          %dma_start3A_684 = tpu.memref_slice %arg2[%multiple_of3A, %dma_start3A_683] : memref<320000x128xf32, #tpu.memory_space<hbm>> -> memref<128x128xf32, #tpu.memory_space<hbm>>
          tpu.enqueue_dma source(%dma_start3A_684 : memref<128x128xf32, #tpu.memory_space<hbm>>) target(%dma_start3A_682 : memref<128x128xf32, #tpu.memory_space<vmem>>) target_semaphore(%dma_start3A_678 : memref<!tpu.dma_semaphore, #tpu.memory_space<semaphore_mem>>)
          %dma_start3A_685 = arith.constant 0 : i32
          %dma_start3A_686 = arith.constant 0 : i32
          %dma_start3A_687 = arith.constant 0 : i32
          %dma_start3A_688 = tpu.memref_slice %arg10[%dma_start3A_685, %dma_start3A_687] : memref<5x128xi32, #tpu.memory_space<vmem>> -> memref<1x128xi32, #tpu.memory_space<vmem>>
          %dma_start3A_689 = tpu.memref_squeeze %dma_start3A_688 : memref<1x128xi32, #tpu.memory_space<vmem>> -> memref<128xi32, #tpu.memory_space<vmem>>
          %dma_start3A_690 = tpu.memref_slice %arg3[%multiple_of3A] : memref<320000xi32, #tpu.memory_space<hbm>> -> memref<128xi32, #tpu.memory_space<hbm>>
          %dma_start3A_691 = tpu.memref_slice %arg12[%dma_start3A_686] : memref<5x!tpu.dma_semaphore, #tpu.memory_space<semaphore_mem>> -> memref<1x!tpu.dma_semaphore, #tpu.memory_space<semaphore_mem>>
          %dma_start3A_692 = tpu.memref_squeeze %dma_start3A_691 : memref<1x!tpu.dma_semaphore, #tpu.memory_space<semaphore_mem>> -> memref<!tpu.dma_semaphore, #tpu.memory_space<semaphore_mem>>
          %dma_start3A_693 = arith.constant 0 : i32
          %dma_start3A_694 = tpu.memref_slice %arg10[%dma_start3A_685, %dma_start3A_693] : memref<5x128xi32, #tpu.memory_space<vmem>> -> memref<1x128xi32, #tpu.memory_space<vmem>>
          %dma_start3A_695 = tpu.memref_squeeze %dma_start3A_694 : memref<1x128xi32, #tpu.memory_space<vmem>> -> memref<128xi32, #tpu.memory_space<vmem>>
          %dma_start3A_696 = tpu.memref_slice %arg3[%multiple_of3A] : memref<320000xi32, #tpu.memory_space<hbm>> -> memref<128xi32, #tpu.memory_space<hbm>>
          tpu.enqueue_dma source(%dma_start3A_696 : memref<128xi32, #tpu.memory_space<hbm>>) target(%dma_start3A_695 : memref<128xi32, #tpu.memory_space<vmem>>) target_semaphore(%dma_start3A_692 : memref<!tpu.dma_semaphore, #tpu.memory_space<semaphore_mem>>)
        } else {
        }
      } else {
      }
      %mul3A_349 = arith.constant 5 : i32
      %mul3A_350 = arith.muli %while3A_340, %mul3A_349 : i32
      %add3A_351 = arith.constant 1 : i32
      %add3A_352 = arith.addi %mul3A_350, %add3A_351 : i32
      %lt3A_353 = arith.cmpi slt, %add3A_352, %select_n3A_235 : i32
      %convert_element_type3A_354 = arith.extui %lt3A_353 : i1 to i32
      %cond3A_355 = arith.constant 0 : i32
      %cond3A_356 = arith.cmpi ne, %convert_element_type3A_354, %cond3A_355 : i32
      scf.if %cond3A_356 {
        %dma_wait3A = arith.constant 1 : i32
        %dma_wait3A_381 = arith.constant 1 : i32
        %dma_wait3A_382 = arith.constant 0 : i32
        %dma_wait3A_383 = arith.constant 0 : i32
        %dma_wait3A_384 = tpu.memref_slice %arg8[%dma_wait3A, %dma_wait3A_382, %dma_wait3A_383] : memref<5x128x128xf32, #tpu.memory_space<vmem>> -> memref<1x128x128xf32, #tpu.memory_space<vmem>>
        %dma_wait3A_385 = tpu.memref_squeeze %dma_wait3A_384 : memref<1x128x128xf32, #tpu.memory_space<vmem>> -> memref<128x128xf32, #tpu.memory_space<vmem>>
        %dma_wait3A_386 = arith.constant 0 : i32
        %dma_wait3A_387 = arith.constant 0 : i32
        %dma_wait3A_388 = tpu.memref_slice %arg2[%dma_wait3A_386, %dma_wait3A_387] : memref<320000x128xf32, #tpu.memory_space<hbm>> -> memref<128x128xf32, #tpu.memory_space<hbm>>
        %dma_wait3A_389 = tpu.memref_slice %arg12[%dma_wait3A_381] : memref<5x!tpu.dma_semaphore, #tpu.memory_space<semaphore_mem>> -> memref<1x!tpu.dma_semaphore, #tpu.memory_space<semaphore_mem>>
        %dma_wait3A_390 = tpu.memref_squeeze %dma_wait3A_389 : memref<1x!tpu.dma_semaphore, #tpu.memory_space<semaphore_mem>> -> memref<!tpu.dma_semaphore, #tpu.memory_space<semaphore_mem>>
        %dma_wait3A_391 = arith.constant 0 : i32
        %dma_wait3A_392 = arith.constant 0 : i32
        %dma_wait3A_393 = tpu.memref_slice %arg8[%dma_wait3A, %dma_wait3A_391, %dma_wait3A_392] : memref<5x128x128xf32, #tpu.memory_space<vmem>> -> memref<1x128x128xf32, #tpu.memory_space<vmem>>
        %dma_wait3A_394 = tpu.memref_squeeze %dma_wait3A_393 : memref<1x128x128xf32, #tpu.memory_space<vmem>> -> memref<128x128xf32, #tpu.memory_space<vmem>>
        %dma_wait3A_395 = arith.constant 0 : i32
        %dma_wait3A_396 = arith.constant 0 : i32
        %dma_wait3A_397 = tpu.memref_slice %arg2[%dma_wait3A_395, %dma_wait3A_396] : memref<320000x128xf32, #tpu.memory_space<hbm>> -> memref<128x128xf32, #tpu.memory_space<hbm>>
        tpu.wait_dma2 semaphore(%dma_wait3A_390 : memref<!tpu.dma_semaphore, #tpu.memory_space<semaphore_mem>>) src(%dma_wait3A_397 : memref<128x128xf32, #tpu.memory_space<hbm>>) dst(%dma_wait3A_394 : memref<128x128xf32, #tpu.memory_space<vmem>>)
        %dma_wait3A_398 = arith.constant 1 : i32
        %dma_wait3A_399 = arith.constant 1 : i32
        %dma_wait3A_400 = arith.constant 0 : i32
        %dma_wait3A_401 = tpu.memref_slice %arg10[%dma_wait3A_398, %dma_wait3A_400] : memref<5x128xi32, #tpu.memory_space<vmem>> -> memref<1x128xi32, #tpu.memory_space<vmem>>
        %dma_wait3A_402 = tpu.memref_squeeze %dma_wait3A_401 : memref<1x128xi32, #tpu.memory_space<vmem>> -> memref<128xi32, #tpu.memory_space<vmem>>
        %dma_wait3A_403 = arith.constant 0 : i32
        %dma_wait3A_404 = tpu.memref_slice %arg3[%dma_wait3A_403] : memref<320000xi32, #tpu.memory_space<hbm>> -> memref<128xi32, #tpu.memory_space<hbm>>
        %dma_wait3A_405 = tpu.memref_slice %arg12[%dma_wait3A_399] : memref<5x!tpu.dma_semaphore, #tpu.memory_space<semaphore_mem>> -> memref<1x!tpu.dma_semaphore, #tpu.memory_space<semaphore_mem>>
        %dma_wait3A_406 = tpu.memref_squeeze %dma_wait3A_405 : memref<1x!tpu.dma_semaphore, #tpu.memory_space<semaphore_mem>> -> memref<!tpu.dma_semaphore, #tpu.memory_space<semaphore_mem>>
        %dma_wait3A_407 = arith.constant 0 : i32
        %dma_wait3A_408 = tpu.memref_slice %arg10[%dma_wait3A_398, %dma_wait3A_407] : memref<5x128xi32, #tpu.memory_space<vmem>> -> memref<1x128xi32, #tpu.memory_space<vmem>>
        %dma_wait3A_409 = tpu.memref_squeeze %dma_wait3A_408 : memref<1x128xi32, #tpu.memory_space<vmem>> -> memref<128xi32, #tpu.memory_space<vmem>>
        %dma_wait3A_410 = arith.constant 0 : i32
        %dma_wait3A_411 = tpu.memref_slice %arg3[%dma_wait3A_410] : memref<320000xi32, #tpu.memory_space<hbm>> -> memref<128xi32, #tpu.memory_space<hbm>>
        tpu.wait_dma2 semaphore(%dma_wait3A_406 : memref<!tpu.dma_semaphore, #tpu.memory_space<semaphore_mem>>) src(%dma_wait3A_411 : memref<128xi32, #tpu.memory_space<hbm>>) dst(%dma_wait3A_409 : memref<128xi32, #tpu.memory_space<vmem>>)
        %mul3A_412 = arith.constant 128 : i32
        %mul3A_413 = arith.muli %add3A_352, %mul3A_412 : i32
        %add3A_414 = arith.addi %mul3A_180, %mul3A_413 : i32
        %min3A_415 = arith.constant 319872 : i32
        %min3A_416 = arith.minsi %add3A_414, %min3A_415 : i32
        %get3A_417 = arith.constant 1 : i32
        %get3A_418 = arith.index_cast %get3A_417 : i32 to index
        %get3A_419 = arith.constant 0 : index
        %get3A_420 = tpu.vector_load %arg10[%get3A_418, %get3A_419] {strides = array<i32>} : memref<5x128xi32, #tpu.memory_space<vmem>>, vector<1x16xi32>,
        %get3A_421 = vector.shape_cast %get3A_420 : vector<1x16xi32> to vector<16xi32>
        %add3A_422 = arith.constant 0 : i32
        %add3A_423 = arith.addi %min3A_416, %add3A_422 : i32
        %add3A_424 = vector.broadcast %add3A_423 : i32 to vector<16xi32>
        %add3A_425 = arith.addi %add3A_424, %iota3A : vector<16xi32>
        %ge3A = vector.broadcast %mul3A_237 : i32 to vector<16xi32>
        %ge3A_426 = arith.cmpi sge, %get3A_421, %ge3A : vector<16xi32>
        %lt3A_427 = vector.broadcast %min3A_242 : i32 to vector<16xi32>
        %lt3A_428 = arith.cmpi slt, %get3A_421, %lt3A_427 : vector<16xi32>
        %and3A_429 = arith.andi %ge3A_426, %lt3A_428 : vector<16xi1>
        %ge3A_430 = vector.broadcast %add3A_414 : i32 to vector<16xi32>
        %ge3A_431 = arith.cmpi sge, %add3A_425, %ge3A_430 : vector<16xi32>
        %and3A_432 = arith.andi %and3A_429, %ge3A_431 : vector<16xi1>
        %sub3A_433 = vector.broadcast %mul3A_244 : i32 to vector<16xi32>
        %sub3A_434 = arith.subi %get3A_421, %sub3A_433 : vector<16xi32>
        %jit3A_435 = arith.constant 5120 : i32
        %broadcast_in_dim3A = vector.broadcast %jit3A_435 : i32 to vector<16xi32>
        %select_n3A_436 = arith.select %and3A_432, %sub3A_434, %broadcast_in_dim3A : vector<16xi1>, vector<16xi32>
        %swap3A = arith.constant 1 : i32
        %swap3A_437 = arith.constant 0 : i32
        %swap3A_438 = arith.index_cast %swap3A : i32 to index
        %swap3A_439 = arith.index_cast %swap3A_437 : i32 to index
        %swap3A_440 = arith.constant 0 : index
        %swap3A_441 = tpu.vector_load %arg9[%swap3A_438, %swap3A_439, %swap3A_440] {strides = array<i32>} : memref<5x1x128xi32, #tpu.memory_space<vmem>>, vector<1x1x16xi32>,
        %swap3A_442 = vector.shape_cast %swap3A_441 : vector<1x1x16xi32> to vector<16xi32>
        %swap3A_443 = vector.shape_cast %select_n3A_436 : vector<16xi32> to vector<1x1x16xi32>
        tpu.vector_store %arg9[%swap3A_438, %swap3A_439, %swap3A_440], %swap3A_443 {strides = array<i32>} : memref<5x1x128xi32, #tpu.memory_space<vmem>>, vector<1x1x16xi32>,
        %get3A_444 = arith.constant 1 : i32
        %get3A_445 = arith.index_cast %get3A_444 : i32 to index
        %get3A_446 = arith.constant 16 : index
        %get3A_447 = tpu.vector_load %arg10[%get3A_445, %get3A_446] {strides = array<i32>} : memref<5x128xi32, #tpu.memory_space<vmem>>, vector<1x16xi32>,
        %get3A_448 = vector.shape_cast %get3A_447 : vector<1x16xi32> to vector<16xi32>
        %add3A_449 = arith.constant 16 : i32
        %add3A_450 = arith.addi %min3A_416, %add3A_449 : i32
        %add3A_451 = vector.broadcast %add3A_450 : i32 to vector<16xi32>
        %add3A_452 = arith.addi %add3A_451, %iota3A : vector<16xi32>
        %ge3A_453 = vector.broadcast %mul3A_237 : i32 to vector<16xi32>
        %ge3A_454 = arith.cmpi sge, %get3A_448, %ge3A_453 : vector<16xi32>
        %lt3A_455 = vector.broadcast %min3A_242 : i32 to vector<16xi32>
        %lt3A_456 = arith.cmpi slt, %get3A_448, %lt3A_455 : vector<16xi32>
        %and3A_457 = arith.andi %ge3A_454, %lt3A_456 : vector<16xi1>
        %ge3A_458 = vector.broadcast %add3A_414 : i32 to vector<16xi32>
        %ge3A_459 = arith.cmpi sge, %add3A_452, %ge3A_458 : vector<16xi32>
        %and3A_460 = arith.andi %and3A_457, %ge3A_459 : vector<16xi1>
        %sub3A_461 = vector.broadcast %mul3A_244 : i32 to vector<16xi32>
        %sub3A_462 = arith.subi %get3A_448, %sub3A_461 : vector<16xi32>
        %jit3A_463 = arith.constant 5120 : i32
        %broadcast_in_dim3A_464 = vector.broadcast %jit3A_463 : i32 to vector<16xi32>
        %select_n3A_465 = arith.select %and3A_460, %sub3A_462, %broadcast_in_dim3A_464 : vector<16xi1>, vector<16xi32>
        %swap3A_466 = arith.constant 1 : i32
        %swap3A_467 = arith.constant 0 : i32
        %swap3A_468 = arith.index_cast %swap3A_466 : i32 to index
        %swap3A_469 = arith.index_cast %swap3A_467 : i32 to index
        %swap3A_470 = arith.constant 16 : index
        %swap3A_471 = tpu.vector_load %arg9[%swap3A_468, %swap3A_469, %swap3A_470] {strides = array<i32>} : memref<5x1x128xi32, #tpu.memory_space<vmem>>, vector<1x1x16xi32>,
        %swap3A_472 = vector.shape_cast %swap3A_471 : vector<1x1x16xi32> to vector<16xi32>
        %swap3A_473 = vector.shape_cast %select_n3A_465 : vector<16xi32> to vector<1x1x16xi32>
        tpu.vector_store %arg9[%swap3A_468, %swap3A_469, %swap3A_470], %swap3A_473 {strides = array<i32>} : memref<5x1x128xi32, #tpu.memory_space<vmem>>, vector<1x1x16xi32>,
        %get3A_474 = arith.constant 1 : i32
        %get3A_475 = arith.index_cast %get3A_474 : i32 to index
        %get3A_476 = arith.constant 32 : index
        %get3A_477 = tpu.vector_load %arg10[%get3A_475, %get3A_476] {strides = array<i32>} : memref<5x128xi32, #tpu.memory_space<vmem>>, vector<1x16xi32>,
        %get3A_478 = vector.shape_cast %get3A_477 : vector<1x16xi32> to vector<16xi32>
        %add3A_479 = arith.constant 32 : i32
        %add3A_480 = arith.addi %min3A_416, %add3A_479 : i32
        %add3A_481 = vector.broadcast %add3A_480 : i32 to vector<16xi32>
        %add3A_482 = arith.addi %add3A_481, %iota3A : vector<16xi32>
        %ge3A_483 = vector.broadcast %mul3A_237 : i32 to vector<16xi32>
        %ge3A_484 = arith.cmpi sge, %get3A_478, %ge3A_483 : vector<16xi32>
        %lt3A_485 = vector.broadcast %min3A_242 : i32 to vector<16xi32>
        %lt3A_486 = arith.cmpi slt, %get3A_478, %lt3A_485 : vector<16xi32>
        %and3A_487 = arith.andi %ge3A_484, %lt3A_486 : vector<16xi1>
        %ge3A_488 = vector.broadcast %add3A_414 : i32 to vector<16xi32>
        %ge3A_489 = arith.cmpi sge, %add3A_482, %ge3A_488 : vector<16xi32>
        %and3A_490 = arith.andi %and3A_487, %ge3A_489 : vector<16xi1>
        %sub3A_491 = vector.broadcast %mul3A_244 : i32 to vector<16xi32>
        %sub3A_492 = arith.subi %get3A_478, %sub3A_491 : vector<16xi32>
        %jit3A_493 = arith.constant 5120 : i32
        %broadcast_in_dim3A_494 = vector.broadcast %jit3A_493 : i32 to vector<16xi32>
        %select_n3A_495 = arith.select %and3A_490, %sub3A_492, %broadcast_in_dim3A_494 : vector<16xi1>, vector<16xi32>
        %swap3A_496 = arith.constant 1 : i32
        %swap3A_497 = arith.constant 0 : i32
        %swap3A_498 = arith.index_cast %swap3A_496 : i32 to index
        %swap3A_499 = arith.index_cast %swap3A_497 : i32 to index
        %swap3A_500 = arith.constant 32 : index
        %swap3A_501 = tpu.vector_load %arg9[%swap3A_498, %swap3A_499, %swap3A_500] {strides = array<i32>} : memref<5x1x128xi32, #tpu.memory_space<vmem>>, vector<1x1x16xi32>,
        %swap3A_502 = vector.shape_cast %swap3A_501 : vector<1x1x16xi32> to vector<16xi32>
        %swap3A_503 = vector.shape_cast %select_n3A_495 : vector<16xi32> to vector<1x1x16xi32>
        tpu.vector_store %arg9[%swap3A_498, %swap3A_499, %swap3A_500], %swap3A_503 {strides = array<i32>} : memref<5x1x128xi32, #tpu.memory_space<vmem>>, vector<1x1x16xi32>,
        %get3A_504 = arith.constant 1 : i32
        %get3A_505 = arith.index_cast %get3A_504 : i32 to index
        %get3A_506 = arith.constant 48 : index
        %get3A_507 = tpu.vector_load %arg10[%get3A_505, %get3A_506] {strides = array<i32>} : memref<5x128xi32, #tpu.memory_space<vmem>>, vector<1x16xi32>,
        %get3A_508 = vector.shape_cast %get3A_507 : vector<1x16xi32> to vector<16xi32>
        %add3A_509 = arith.constant 48 : i32
        %add3A_510 = arith.addi %min3A_416, %add3A_509 : i32
        %add3A_511 = vector.broadcast %add3A_510 : i32 to vector<16xi32>
        %add3A_512 = arith.addi %add3A_511, %iota3A : vector<16xi32>
        %ge3A_513 = vector.broadcast %mul3A_237 : i32 to vector<16xi32>
        %ge3A_514 = arith.cmpi sge, %get3A_508, %ge3A_513 : vector<16xi32>
        %lt3A_515 = vector.broadcast %min3A_242 : i32 to vector<16xi32>
        %lt3A_516 = arith.cmpi slt, %get3A_508, %lt3A_515 : vector<16xi32>
        %and3A_517 = arith.andi %ge3A_514, %lt3A_516 : vector<16xi1>
        %ge3A_518 = vector.broadcast %add3A_414 : i32 to vector<16xi32>
        %ge3A_519 = arith.cmpi sge, %add3A_512, %ge3A_518 : vector<16xi32>
        %and3A_520 = arith.andi %and3A_517, %ge3A_519 : vector<16xi1>
        %sub3A_521 = vector.broadcast %mul3A_244 : i32 to vector<16xi32>
        %sub3A_522 = arith.subi %get3A_508, %sub3A_521 : vector<16xi32>
        %jit3A_523 = arith.constant 5120 : i32
        %broadcast_in_dim3A_524 = vector.broadcast %jit3A_523 : i32 to vector<16xi32>
        %select_n3A_525 = arith.select %and3A_520, %sub3A_522, %broadcast_in_dim3A_524 : vector<16xi1>, vector<16xi32>
        %swap3A_526 = arith.constant 1 : i32
        %swap3A_527 = arith.constant 0 : i32
        %swap3A_528 = arith.index_cast %swap3A_526 : i32 to index
        %swap3A_529 = arith.index_cast %swap3A_527 : i32 to index
        %swap3A_530 = arith.constant 48 : index
        %swap3A_531 = tpu.vector_load %arg9[%swap3A_528, %swap3A_529, %swap3A_530] {strides = array<i32>} : memref<5x1x128xi32, #tpu.memory_space<vmem>>, vector<1x1x16xi32>,
        %swap3A_532 = vector.shape_cast %swap3A_531 : vector<1x1x16xi32> to vector<16xi32>
        %swap3A_533 = vector.shape_cast %select_n3A_525 : vector<16xi32> to vector<1x1x16xi32>
        tpu.vector_store %arg9[%swap3A_528, %swap3A_529, %swap3A_530], %swap3A_533 {strides = array<i32>} : memref<5x1x128xi32, #tpu.memory_space<vmem>>, vector<1x1x16xi32>,
        %get3A_534 = arith.constant 1 : i32
        %get3A_535 = arith.index_cast %get3A_534 : i32 to index
        %get3A_536 = arith.constant 64 : index
        %get3A_537 = tpu.vector_load %arg10[%get3A_535, %get3A_536] {strides = array<i32>} : memref<5x128xi32, #tpu.memory_space<vmem>>, vector<1x16xi32>,
        %get3A_538 = vector.shape_cast %get3A_537 : vector<1x16xi32> to vector<16xi32>
        %add3A_539 = arith.constant 64 : i32
        %add3A_540 = arith.addi %min3A_416, %add3A_539 : i32
        %add3A_541 = vector.broadcast %add3A_540 : i32 to vector<16xi32>
        %add3A_542 = arith.addi %add3A_541, %iota3A : vector<16xi32>
        %ge3A_543 = vector.broadcast %mul3A_237 : i32 to vector<16xi32>
        %ge3A_544 = arith.cmpi sge, %get3A_538, %ge3A_543 : vector<16xi32>
        %lt3A_545 = vector.broadcast %min3A_242 : i32 to vector<16xi32>
        %lt3A_546 = arith.cmpi slt, %get3A_538, %lt3A_545 : vector<16xi32>
        %and3A_547 = arith.andi %ge3A_544, %lt3A_546 : vector<16xi1>
        %ge3A_548 = vector.broadcast %add3A_414 : i32 to vector<16xi32>
        %ge3A_549 = arith.cmpi sge, %add3A_542, %ge3A_548 : vector<16xi32>
        %and3A_550 = arith.andi %and3A_547, %ge3A_549 : vector<16xi1>
        %sub3A_551 = vector.broadcast %mul3A_244 : i32 to vector<16xi32>
        %sub3A_552 = arith.subi %get3A_538, %sub3A_551 : vector<16xi32>
        %jit3A_553 = arith.constant 5120 : i32
        %broadcast_in_dim3A_554 = vector.broadcast %jit3A_553 : i32 to vector<16xi32>
        %select_n3A_555 = arith.select %and3A_550, %sub3A_552, %broadcast_in_dim3A_554 : vector<16xi1>, vector<16xi32>
        %swap3A_556 = arith.constant 1 : i32
        %swap3A_557 = arith.constant 0 : i32
        %swap3A_558 = arith.index_cast %swap3A_556 : i32 to index
        %swap3A_559 = arith.index_cast %swap3A_557 : i32 to index
        %swap3A_560 = arith.constant 64 : index
        %swap3A_561 = tpu.vector_load %arg9[%swap3A_558, %swap3A_559, %swap3A_560] {strides = array<i32>} : memref<5x1x128xi32, #tpu.memory_space<vmem>>, vector<1x1x16xi32>,
        %swap3A_562 = vector.shape_cast %swap3A_561 : vector<1x1x16xi32> to vector<16xi32>
        %swap3A_563 = vector.shape_cast %select_n3A_555 : vector<16xi32> to vector<1x1x16xi32>
        tpu.vector_store %arg9[%swap3A_558, %swap3A_559, %swap3A_560], %swap3A_563 {strides = array<i32>} : memref<5x1x128xi32, #tpu.memory_space<vmem>>, vector<1x1x16xi32>,
        %get3A_564 = arith.constant 1 : i32
        %get3A_565 = arith.index_cast %get3A_564 : i32 to index
        %get3A_566 = arith.constant 80 : index
        %get3A_567 = tpu.vector_load %arg10[%get3A_565, %get3A_566] {strides = array<i32>} : memref<5x128xi32, #tpu.memory_space<vmem>>, vector<1x16xi32>,
        %get3A_568 = vector.shape_cast %get3A_567 : vector<1x16xi32> to vector<16xi32>
        %add3A_569 = arith.constant 80 : i32
        %add3A_570 = arith.addi %min3A_416, %add3A_569 : i32
        %add3A_571 = vector.broadcast %add3A_570 : i32 to vector<16xi32>
        %add3A_572 = arith.addi %add3A_571, %iota3A : vector<16xi32>
        %ge3A_573 = vector.broadcast %mul3A_237 : i32 to vector<16xi32>
        %ge3A_574 = arith.cmpi sge, %get3A_568, %ge3A_573 : vector<16xi32>
        %lt3A_575 = vector.broadcast %min3A_242 : i32 to vector<16xi32>
        %lt3A_576 = arith.cmpi slt, %get3A_568, %lt3A_575 : vector<16xi32>
        %and3A_577 = arith.andi %ge3A_574, %lt3A_576 : vector<16xi1>
        %ge3A_578 = vector.broadcast %add3A_414 : i32 to vector<16xi32>
        %ge3A_579 = arith.cmpi sge, %add3A_572, %ge3A_578 : vector<16xi32>
        %and3A_580 = arith.andi %and3A_577, %ge3A_579 : vector<16xi1>
        %sub3A_581 = vector.broadcast %mul3A_244 : i32 to vector<16xi32>
        %sub3A_582 = arith.subi %get3A_568, %sub3A_581 : vector<16xi32>
        %jit3A_583 = arith.constant 5120 : i32
        %broadcast_in_dim3A_584 = vector.broadcast %jit3A_583 : i32 to vector<16xi32>
        %select_n3A_585 = arith.select %and3A_580, %sub3A_582, %broadcast_in_dim3A_584 : vector<16xi1>, vector<16xi32>
        %swap3A_586 = arith.constant 1 : i32
        %swap3A_587 = arith.constant 0 : i32
        %swap3A_588 = arith.index_cast %swap3A_586 : i32 to index
        %swap3A_589 = arith.index_cast %swap3A_587 : i32 to index
        %swap3A_590 = arith.constant 80 : index
        %swap3A_591 = tpu.vector_load %arg9[%swap3A_588, %swap3A_589, %swap3A_590] {strides = array<i32>} : memref<5x1x128xi32, #tpu.memory_space<vmem>>, vector<1x1x16xi32>,
        %swap3A_592 = vector.shape_cast %swap3A_591 : vector<1x1x16xi32> to vector<16xi32>
        %swap3A_593 = vector.shape_cast %select_n3A_585 : vector<16xi32> to vector<1x1x16xi32>
        tpu.vector_store %arg9[%swap3A_588, %swap3A_589, %swap3A_590], %swap3A_593 {strides = array<i32>} : memref<5x1x128xi32, #tpu.memory_space<vmem>>, vector<1x1x16xi32>,
        %get3A_594 = arith.constant 1 : i32
        %get3A_595 = arith.index_cast %get3A_594 : i32 to index
        %get3A_596 = arith.constant 96 : index
        %get3A_597 = tpu.vector_load %arg10[%get3A_595, %get3A_596] {strides = array<i32>} : memref<5x128xi32, #tpu.memory_space<vmem>>, vector<1x16xi32>,
        %get3A_598 = vector.shape_cast %get3A_597 : vector<1x16xi32> to vector<16xi32>
        %add3A_599 = arith.constant 96 : i32
        %add3A_600 = arith.addi %min3A_416, %add3A_599 : i32
        %add3A_601 = vector.broadcast %add3A_600 : i32 to vector<16xi32>
        %add3A_602 = arith.addi %add3A_601, %iota3A : vector<16xi32>
        %ge3A_603 = vector.broadcast %mul3A_237 : i32 to vector<16xi32>
        %ge3A_604 = arith.cmpi sge, %get3A_598, %ge3A_603 : vector<16xi32>
        %lt3A_605 = vector.broadcast %min3A_242 : i32 to vector<16xi32>
        %lt3A_606 = arith.cmpi slt, %get3A_598, %lt3A_605 : vector<16xi32>
        %and3A_607 = arith.andi %ge3A_604, %lt3A_606 : vector<16xi1>
        %ge3A_608 = vector.broadcast %add3A_414 : i32 to vector<16xi32>
        %ge3A_609 = arith.cmpi sge, %add3A_602, %ge3A_608 : vector<16xi32>
        %and3A_610 = arith.andi %and3A_607, %ge3A_609 : vector<16xi1>
        %sub3A_611 = vector.broadcast %mul3A_244 : i32 to vector<16xi32>
        %sub3A_612 = arith.subi %get3A_598, %sub3A_611 : vector<16xi32>
        %jit3A_613 = arith.constant 5120 : i32
        %broadcast_in_dim3A_614 = vector.broadcast %jit3A_613 : i32 to vector<16xi32>
        %select_n3A_615 = arith.select %and3A_610, %sub3A_612, %broadcast_in_dim3A_614 : vector<16xi1>, vector<16xi32>
        %swap3A_616 = arith.constant 1 : i32
        %swap3A_617 = arith.constant 0 : i32
        %swap3A_618 = arith.index_cast %swap3A_616 : i32 to index
        %swap3A_619 = arith.index_cast %swap3A_617 : i32 to index
        %swap3A_620 = arith.constant 96 : index
        %swap3A_621 = tpu.vector_load %arg9[%swap3A_618, %swap3A_619, %swap3A_620] {strides = array<i32>} : memref<5x1x128xi32, #tpu.memory_space<vmem>>, vector<1x1x16xi32>,
        %swap3A_622 = vector.shape_cast %swap3A_621 : vector<1x1x16xi32> to vector<16xi32>
        %swap3A_623 = vector.shape_cast %select_n3A_615 : vector<16xi32> to vector<1x1x16xi32>
        tpu.vector_store %arg9[%swap3A_618, %swap3A_619, %swap3A_620], %swap3A_623 {strides = array<i32>} : memref<5x1x128xi32, #tpu.memory_space<vmem>>, vector<1x1x16xi32>,
        %get3A_624 = arith.constant 1 : i32
        %get3A_625 = arith.index_cast %get3A_624 : i32 to index
        %get3A_626 = arith.constant 112 : index
        %get3A_627 = tpu.vector_load %arg10[%get3A_625, %get3A_626] {strides = array<i32>} : memref<5x128xi32, #tpu.memory_space<vmem>>, vector<1x16xi32>,
        %get3A_628 = vector.shape_cast %get3A_627 : vector<1x16xi32> to vector<16xi32>
        %add3A_629 = arith.constant 112 : i32
        %add3A_630 = arith.addi %min3A_416, %add3A_629 : i32
        %add3A_631 = vector.broadcast %add3A_630 : i32 to vector<16xi32>
        %add3A_632 = arith.addi %add3A_631, %iota3A : vector<16xi32>
        %ge3A_633 = vector.broadcast %mul3A_237 : i32 to vector<16xi32>
        %ge3A_634 = arith.cmpi sge, %get3A_628, %ge3A_633 : vector<16xi32>
        %lt3A_635 = vector.broadcast %min3A_242 : i32 to vector<16xi32>
        %lt3A_636 = arith.cmpi slt, %get3A_628, %lt3A_635 : vector<16xi32>
        %and3A_637 = arith.andi %ge3A_634, %lt3A_636 : vector<16xi1>
        %ge3A_638 = vector.broadcast %add3A_414 : i32 to vector<16xi32>
        %ge3A_639 = arith.cmpi sge, %add3A_632, %ge3A_638 : vector<16xi32>
        %and3A_640 = arith.andi %and3A_637, %ge3A_639 : vector<16xi1>
        %sub3A_641 = vector.broadcast %mul3A_244 : i32 to vector<16xi32>
        %sub3A_642 = arith.subi %get3A_628, %sub3A_641 : vector<16xi32>
        %jit3A_643 = arith.constant 5120 : i32
        %broadcast_in_dim3A_644 = vector.broadcast %jit3A_643 : i32 to vector<16xi32>
        %select_n3A_645 = arith.select %and3A_640, %sub3A_642, %broadcast_in_dim3A_644 : vector<16xi1>, vector<16xi32>
        %swap3A_646 = arith.constant 1 : i32
        %swap3A_647 = arith.constant 0 : i32
        %swap3A_648 = arith.index_cast %swap3A_646 : i32 to index
        %swap3A_649 = arith.index_cast %swap3A_647 : i32 to index
        %swap3A_650 = arith.constant 112 : index
        %swap3A_651 = tpu.vector_load %arg9[%swap3A_648, %swap3A_649, %swap3A_650] {strides = array<i32>} : memref<5x1x128xi32, #tpu.memory_space<vmem>>, vector<1x1x16xi32>,
        %swap3A_652 = vector.shape_cast %swap3A_651 : vector<1x1x16xi32> to vector<16xi32>
        %swap3A_653 = vector.shape_cast %select_n3A_645 : vector<16xi32> to vector<1x1x16xi32>
        tpu.vector_store %arg9[%swap3A_648, %swap3A_649, %swap3A_650], %swap3A_653 {strides = array<i32>} : memref<5x1x128xi32, #tpu.memory_space<vmem>>, vector<1x1x16xi32>,
        %run_scoped3A_654 = arith.constant 1 : i32
        %run_scoped3A_655 = arith.constant 1 : i32
        %run_scoped3A_656 = arith.constant 0 : i32
        "tpu.region"() ({
          %run_scoped3A_663 = tpu.sem_alloc : memref<!tpu.dma_semaphore, #tpu.memory_space<semaphore_mem>>
          %dma_start3A = arith.constant 0 : i32
          %dma_start3A_664 = arith.constant 0 : i32
          %dma_start3A_665 = tpu.memref_slice %arg8[%run_scoped3A_654, %dma_start3A, %dma_start3A_664] : memref<5x128x128xf32, #tpu.memory_space<vmem>> -> memref<1x128x128xf32, #tpu.memory_space<vmem>>
          %dma_start3A_666 = tpu.memref_squeeze %dma_start3A_665 : memref<1x128x128xf32, #tpu.memory_space<vmem>> -> memref<128x128xf32, #tpu.memory_space<vmem>>
          %dma_start3A_667 = arith.constant 0 : i32
          %dma_start3A_668 = tpu.memref_slice %arg9[%run_scoped3A_655, %run_scoped3A_656, %dma_start3A_667] : memref<5x1x128xi32, #tpu.memory_space<vmem>> -> memref<1x1x128xi32, #tpu.memory_space<vmem>>
          %dma_start3A_669 = tpu.memref_squeeze %dma_start3A_668 : memref<1x1x128xi32, #tpu.memory_space<vmem>> -> memref<128xi32, #tpu.memory_space<vmem>>
          %dma_start3A_670 = arith.constant 0 : i32
          %dma_start3A_671 = arith.constant 0 : i32
          %dma_start3A_672 = tpu.memref_slice %arg11[%dma_start3A_670, %dma_start3A_671] : memref<5128x128xf32, #tpu.memory_space<vmem_shared>> -> memref<5128x128xf32, #tpu.memory_space<vmem_shared>>
          tpu.enqueue_indirect_dma source(%dma_start3A_666 : memref<128x128xf32, #tpu.memory_space<vmem>>) target(%dma_start3A_672 : memref<5128x128xf32, #tpu.memory_space<vmem_shared>>) offsets(%dma_start3A_669 : memref<128xi32, #tpu.memory_space<vmem>>) semaphore(%run_scoped3A_663 : memref<!tpu.dma_semaphore, #tpu.memory_space<semaphore_mem>>) {add = true}
          %dma_wait3A_673 = arith.constant 0 : i32
          %dma_wait3A_674 = arith.constant 0 : i32
          %dma_wait3A_675 = tpu.memref_slice %arg8[%run_scoped3A_654, %dma_wait3A_673, %dma_wait3A_674] : memref<5x128x128xf32, #tpu.memory_space<vmem>> -> memref<1x128x128xf32, #tpu.memory_space<vmem>>
          %dma_wait3A_676 = tpu.memref_squeeze %dma_wait3A_675 : memref<1x128x128xf32, #tpu.memory_space<vmem>> -> memref<128x128xf32, #tpu.memory_space<vmem>>
          %dma_wait3A_677 = arith.constant 0 : i32
          %dma_wait3A_678 = tpu.memref_slice %arg9[%run_scoped3A_655, %run_scoped3A_656, %dma_wait3A_677] : memref<5x1x128xi32, #tpu.memory_space<vmem>> -> memref<1x1x128xi32, #tpu.memory_space<vmem>>
          %dma_wait3A_679 = tpu.memref_squeeze %dma_wait3A_678 : memref<1x1x128xi32, #tpu.memory_space<vmem>> -> memref<128xi32, #tpu.memory_space<vmem>>
          %dma_wait3A_680 = arith.constant 0 : i32
          %dma_wait3A_681 = arith.constant 0 : i32
          %dma_wait3A_682 = tpu.memref_slice %arg11[%dma_wait3A_680, %dma_wait3A_681] : memref<5128x128xf32, #tpu.memory_space<vmem_shared>> -> memref<5128x128xf32, #tpu.memory_space<vmem_shared>>
          tpu.wait_indirect_dma semaphore(%run_scoped3A_663 : memref<!tpu.dma_semaphore, #tpu.memory_space<semaphore_mem>>) src(%dma_wait3A_676 : memref<128x128xf32, #tpu.memory_space<vmem>>) dst(%dma_wait3A_682 : memref<5128x128xf32, #tpu.memory_space<vmem_shared>>)
          tpu.yield
        }) : () -> ()
        %add3A_657 = arith.constant 5 : i32
        %add3A_658 = arith.addi %add3A_352, %add3A_657 : i32
        %lt3A_659 = arith.cmpi slt, %add3A_658, %select_n3A_235 : i32
        %convert_element_type3A_660 = arith.extui %lt3A_659 : i1 to i32
        %cond3A_661 = arith.constant 0 : i32
        %cond3A_662 = arith.cmpi ne, %convert_element_type3A_660, %cond3A_661 : i32
        scf.if %cond3A_662 {
          %add3A_663 = arith.constant 5 : i32
          %add3A_664 = arith.addi %add3A_352, %add3A_663 : i32
          %mul3A_665 = arith.constant 128 : i32
          %mul3A_666 = arith.muli %add3A_664, %mul3A_665 : i32
          %add3A_667 = arith.addi %mul3A_180, %mul3A_666 : i32
          %min3A_668 = arith.constant 319872 : i32
          %min3A_669 = arith.minsi %add3A_667, %min3A_668 : i32
          %multiple_of3A = tpu.assume_multiple %min3A_669, 8 : i32
          %dma_start3A = arith.constant 1 : i32
          %dma_start3A_670 = arith.constant 1 : i32
          %dma_start3A_671 = arith.constant 0 : i32
          %dma_start3A_672 = arith.constant 0 : i32
          %dma_start3A_673 = tpu.memref_slice %arg8[%dma_start3A, %dma_start3A_671, %dma_start3A_672] : memref<5x128x128xf32, #tpu.memory_space<vmem>> -> memref<1x128x128xf32, #tpu.memory_space<vmem>>
          %dma_start3A_674 = tpu.memref_squeeze %dma_start3A_673 : memref<1x128x128xf32, #tpu.memory_space<vmem>> -> memref<128x128xf32, #tpu.memory_space<vmem>>
          %dma_start3A_675 = arith.constant 0 : i32
          %dma_start3A_676 = tpu.memref_slice %arg2[%multiple_of3A, %dma_start3A_675] : memref<320000x128xf32, #tpu.memory_space<hbm>> -> memref<128x128xf32, #tpu.memory_space<hbm>>
          %dma_start3A_677 = tpu.memref_slice %arg12[%dma_start3A_670] : memref<5x!tpu.dma_semaphore, #tpu.memory_space<semaphore_mem>> -> memref<1x!tpu.dma_semaphore, #tpu.memory_space<semaphore_mem>>
          %dma_start3A_678 = tpu.memref_squeeze %dma_start3A_677 : memref<1x!tpu.dma_semaphore, #tpu.memory_space<semaphore_mem>> -> memref<!tpu.dma_semaphore, #tpu.memory_space<semaphore_mem>>
          %dma_start3A_679 = arith.constant 0 : i32
          %dma_start3A_680 = arith.constant 0 : i32
          %dma_start3A_681 = tpu.memref_slice %arg8[%dma_start3A, %dma_start3A_679, %dma_start3A_680] : memref<5x128x128xf32, #tpu.memory_space<vmem>> -> memref<1x128x128xf32, #tpu.memory_space<vmem>>
          %dma_start3A_682 = tpu.memref_squeeze %dma_start3A_681 : memref<1x128x128xf32, #tpu.memory_space<vmem>> -> memref<128x128xf32, #tpu.memory_space<vmem>>
          %dma_start3A_683 = arith.constant 0 : i32
          %dma_start3A_684 = tpu.memref_slice %arg2[%multiple_of3A, %dma_start3A_683] : memref<320000x128xf32, #tpu.memory_space<hbm>> -> memref<128x128xf32, #tpu.memory_space<hbm>>
          tpu.enqueue_dma source(%dma_start3A_684 : memref<128x128xf32, #tpu.memory_space<hbm>>) target(%dma_start3A_682 : memref<128x128xf32, #tpu.memory_space<vmem>>) target_semaphore(%dma_start3A_678 : memref<!tpu.dma_semaphore, #tpu.memory_space<semaphore_mem>>)
          %dma_start3A_685 = arith.constant 1 : i32
          %dma_start3A_686 = arith.constant 1 : i32
          %dma_start3A_687 = arith.constant 0 : i32
          %dma_start3A_688 = tpu.memref_slice %arg10[%dma_start3A_685, %dma_start3A_687] : memref<5x128xi32, #tpu.memory_space<vmem>> -> memref<1x128xi32, #tpu.memory_space<vmem>>
          %dma_start3A_689 = tpu.memref_squeeze %dma_start3A_688 : memref<1x128xi32, #tpu.memory_space<vmem>> -> memref<128xi32, #tpu.memory_space<vmem>>
          %dma_start3A_690 = tpu.memref_slice %arg3[%multiple_of3A] : memref<320000xi32, #tpu.memory_space<hbm>> -> memref<128xi32, #tpu.memory_space<hbm>>
          %dma_start3A_691 = tpu.memref_slice %arg12[%dma_start3A_686] : memref<5x!tpu.dma_semaphore, #tpu.memory_space<semaphore_mem>> -> memref<1x!tpu.dma_semaphore, #tpu.memory_space<semaphore_mem>>
          %dma_start3A_692 = tpu.memref_squeeze %dma_start3A_691 : memref<1x!tpu.dma_semaphore, #tpu.memory_space<semaphore_mem>> -> memref<!tpu.dma_semaphore, #tpu.memory_space<semaphore_mem>>
          %dma_start3A_693 = arith.constant 0 : i32
          %dma_start3A_694 = tpu.memref_slice %arg10[%dma_start3A_685, %dma_start3A_693] : memref<5x128xi32, #tpu.memory_space<vmem>> -> memref<1x128xi32, #tpu.memory_space<vmem>>
          %dma_start3A_695 = tpu.memref_squeeze %dma_start3A_694 : memref<1x128xi32, #tpu.memory_space<vmem>> -> memref<128xi32, #tpu.memory_space<vmem>>
          %dma_start3A_696 = tpu.memref_slice %arg3[%multiple_of3A] : memref<320000xi32, #tpu.memory_space<hbm>> -> memref<128xi32, #tpu.memory_space<hbm>>
          tpu.enqueue_dma source(%dma_start3A_696 : memref<128xi32, #tpu.memory_space<hbm>>) target(%dma_start3A_695 : memref<128xi32, #tpu.memory_space<vmem>>) target_semaphore(%dma_start3A_692 : memref<!tpu.dma_semaphore, #tpu.memory_space<semaphore_mem>>)
        } else {
        }
      } else {
      }
      %mul3A_357 = arith.constant 5 : i32
      %mul3A_358 = arith.muli %while3A_340, %mul3A_357 : i32
      %add3A_359 = arith.constant 2 : i32
      %add3A_360 = arith.addi %mul3A_358, %add3A_359 : i32
      %lt3A_361 = arith.cmpi slt, %add3A_360, %select_n3A_235 : i32
      %convert_element_type3A_362 = arith.extui %lt3A_361 : i1 to i32
      %cond3A_363 = arith.constant 0 : i32
      %cond3A_364 = arith.cmpi ne, %convert_element_type3A_362, %cond3A_363 : i32
      scf.if %cond3A_364 {
        %dma_wait3A = arith.constant 2 : i32
        %dma_wait3A_381 = arith.constant 2 : i32
        %dma_wait3A_382 = arith.constant 0 : i32
        %dma_wait3A_383 = arith.constant 0 : i32
        %dma_wait3A_384 = tpu.memref_slice %arg8[%dma_wait3A, %dma_wait3A_382, %dma_wait3A_383] : memref<5x128x128xf32, #tpu.memory_space<vmem>> -> memref<1x128x128xf32, #tpu.memory_space<vmem>>
        %dma_wait3A_385 = tpu.memref_squeeze %dma_wait3A_384 : memref<1x128x128xf32, #tpu.memory_space<vmem>> -> memref<128x128xf32, #tpu.memory_space<vmem>>
        %dma_wait3A_386 = arith.constant 0 : i32
        %dma_wait3A_387 = arith.constant 0 : i32
        %dma_wait3A_388 = tpu.memref_slice %arg2[%dma_wait3A_386, %dma_wait3A_387] : memref<320000x128xf32, #tpu.memory_space<hbm>> -> memref<128x128xf32, #tpu.memory_space<hbm>>
        %dma_wait3A_389 = tpu.memref_slice %arg12[%dma_wait3A_381] : memref<5x!tpu.dma_semaphore, #tpu.memory_space<semaphore_mem>> -> memref<1x!tpu.dma_semaphore, #tpu.memory_space<semaphore_mem>>
        %dma_wait3A_390 = tpu.memref_squeeze %dma_wait3A_389 : memref<1x!tpu.dma_semaphore, #tpu.memory_space<semaphore_mem>> -> memref<!tpu.dma_semaphore, #tpu.memory_space<semaphore_mem>>
        %dma_wait3A_391 = arith.constant 0 : i32
        %dma_wait3A_392 = arith.constant 0 : i32
        %dma_wait3A_393 = tpu.memref_slice %arg8[%dma_wait3A, %dma_wait3A_391, %dma_wait3A_392] : memref<5x128x128xf32, #tpu.memory_space<vmem>> -> memref<1x128x128xf32, #tpu.memory_space<vmem>>
        %dma_wait3A_394 = tpu.memref_squeeze %dma_wait3A_393 : memref<1x128x128xf32, #tpu.memory_space<vmem>> -> memref<128x128xf32, #tpu.memory_space<vmem>>
        %dma_wait3A_395 = arith.constant 0 : i32
        %dma_wait3A_396 = arith.constant 0 : i32
        %dma_wait3A_397 = tpu.memref_slice %arg2[%dma_wait3A_395, %dma_wait3A_396] : memref<320000x128xf32, #tpu.memory_space<hbm>> -> memref<128x128xf32, #tpu.memory_space<hbm>>
        tpu.wait_dma2 semaphore(%dma_wait3A_390 : memref<!tpu.dma_semaphore, #tpu.memory_space<semaphore_mem>>) src(%dma_wait3A_397 : memref<128x128xf32, #tpu.memory_space<hbm>>) dst(%dma_wait3A_394 : memref<128x128xf32, #tpu.memory_space<vmem>>)
        %dma_wait3A_398 = arith.constant 2 : i32
        %dma_wait3A_399 = arith.constant 2 : i32
        %dma_wait3A_400 = arith.constant 0 : i32
        %dma_wait3A_401 = tpu.memref_slice %arg10[%dma_wait3A_398, %dma_wait3A_400] : memref<5x128xi32, #tpu.memory_space<vmem>> -> memref<1x128xi32, #tpu.memory_space<vmem>>
        %dma_wait3A_402 = tpu.memref_squeeze %dma_wait3A_401 : memref<1x128xi32, #tpu.memory_space<vmem>> -> memref<128xi32, #tpu.memory_space<vmem>>
        %dma_wait3A_403 = arith.constant 0 : i32
        %dma_wait3A_404 = tpu.memref_slice %arg3[%dma_wait3A_403] : memref<320000xi32, #tpu.memory_space<hbm>> -> memref<128xi32, #tpu.memory_space<hbm>>
        %dma_wait3A_405 = tpu.memref_slice %arg12[%dma_wait3A_399] : memref<5x!tpu.dma_semaphore, #tpu.memory_space<semaphore_mem>> -> memref<1x!tpu.dma_semaphore, #tpu.memory_space<semaphore_mem>>
        %dma_wait3A_406 = tpu.memref_squeeze %dma_wait3A_405 : memref<1x!tpu.dma_semaphore, #tpu.memory_space<semaphore_mem>> -> memref<!tpu.dma_semaphore, #tpu.memory_space<semaphore_mem>>
        %dma_wait3A_407 = arith.constant 0 : i32
        %dma_wait3A_408 = tpu.memref_slice %arg10[%dma_wait3A_398, %dma_wait3A_407] : memref<5x128xi32, #tpu.memory_space<vmem>> -> memref<1x128xi32, #tpu.memory_space<vmem>>
        %dma_wait3A_409 = tpu.memref_squeeze %dma_wait3A_408 : memref<1x128xi32, #tpu.memory_space<vmem>> -> memref<128xi32, #tpu.memory_space<vmem>>
        %dma_wait3A_410 = arith.constant 0 : i32
        %dma_wait3A_411 = tpu.memref_slice %arg3[%dma_wait3A_410] : memref<320000xi32, #tpu.memory_space<hbm>> -> memref<128xi32, #tpu.memory_space<hbm>>
        tpu.wait_dma2 semaphore(%dma_wait3A_406 : memref<!tpu.dma_semaphore, #tpu.memory_space<semaphore_mem>>) src(%dma_wait3A_411 : memref<128xi32, #tpu.memory_space<hbm>>) dst(%dma_wait3A_409 : memref<128xi32, #tpu.memory_space<vmem>>)
        %mul3A_412 = arith.constant 128 : i32
        %mul3A_413 = arith.muli %add3A_360, %mul3A_412 : i32
        %add3A_414 = arith.addi %mul3A_180, %mul3A_413 : i32
        %min3A_415 = arith.constant 319872 : i32
        %min3A_416 = arith.minsi %add3A_414, %min3A_415 : i32
        %get3A_417 = arith.constant 2 : i32
        %get3A_418 = arith.index_cast %get3A_417 : i32 to index
        %get3A_419 = arith.constant 0 : index
        %get3A_420 = tpu.vector_load %arg10[%get3A_418, %get3A_419] {strides = array<i32>} : memref<5x128xi32, #tpu.memory_space<vmem>>, vector<1x16xi32>,
        %get3A_421 = vector.shape_cast %get3A_420 : vector<1x16xi32> to vector<16xi32>
        %add3A_422 = arith.constant 0 : i32
        %add3A_423 = arith.addi %min3A_416, %add3A_422 : i32
        %add3A_424 = vector.broadcast %add3A_423 : i32 to vector<16xi32>
        %add3A_425 = arith.addi %add3A_424, %iota3A : vector<16xi32>
        %ge3A = vector.broadcast %mul3A_237 : i32 to vector<16xi32>
        %ge3A_426 = arith.cmpi sge, %get3A_421, %ge3A : vector<16xi32>
        %lt3A_427 = vector.broadcast %min3A_242 : i32 to vector<16xi32>
        %lt3A_428 = arith.cmpi slt, %get3A_421, %lt3A_427 : vector<16xi32>
        %and3A_429 = arith.andi %ge3A_426, %lt3A_428 : vector<16xi1>
        %ge3A_430 = vector.broadcast %add3A_414 : i32 to vector<16xi32>
        %ge3A_431 = arith.cmpi sge, %add3A_425, %ge3A_430 : vector<16xi32>
        %and3A_432 = arith.andi %and3A_429, %ge3A_431 : vector<16xi1>
        %sub3A_433 = vector.broadcast %mul3A_244 : i32 to vector<16xi32>
        %sub3A_434 = arith.subi %get3A_421, %sub3A_433 : vector<16xi32>
        %jit3A_435 = arith.constant 5120 : i32
        %broadcast_in_dim3A = vector.broadcast %jit3A_435 : i32 to vector<16xi32>
        %select_n3A_436 = arith.select %and3A_432, %sub3A_434, %broadcast_in_dim3A : vector<16xi1>, vector<16xi32>
        %swap3A = arith.constant 2 : i32
        %swap3A_437 = arith.constant 0 : i32
        %swap3A_438 = arith.index_cast %swap3A : i32 to index
        %swap3A_439 = arith.index_cast %swap3A_437 : i32 to index
        %swap3A_440 = arith.constant 0 : index
        %swap3A_441 = tpu.vector_load %arg9[%swap3A_438, %swap3A_439, %swap3A_440] {strides = array<i32>} : memref<5x1x128xi32, #tpu.memory_space<vmem>>, vector<1x1x16xi32>,
        %swap3A_442 = vector.shape_cast %swap3A_441 : vector<1x1x16xi32> to vector<16xi32>
        %swap3A_443 = vector.shape_cast %select_n3A_436 : vector<16xi32> to vector<1x1x16xi32>
        tpu.vector_store %arg9[%swap3A_438, %swap3A_439, %swap3A_440], %swap3A_443 {strides = array<i32>} : memref<5x1x128xi32, #tpu.memory_space<vmem>>, vector<1x1x16xi32>,
        %get3A_444 = arith.constant 2 : i32
        %get3A_445 = arith.index_cast %get3A_444 : i32 to index
        %get3A_446 = arith.constant 16 : index
        %get3A_447 = tpu.vector_load %arg10[%get3A_445, %get3A_446] {strides = array<i32>} : memref<5x128xi32, #tpu.memory_space<vmem>>, vector<1x16xi32>,
        %get3A_448 = vector.shape_cast %get3A_447 : vector<1x16xi32> to vector<16xi32>
        %add3A_449 = arith.constant 16 : i32
        %add3A_450 = arith.addi %min3A_416, %add3A_449 : i32
        %add3A_451 = vector.broadcast %add3A_450 : i32 to vector<16xi32>
        %add3A_452 = arith.addi %add3A_451, %iota3A : vector<16xi32>
        %ge3A_453 = vector.broadcast %mul3A_237 : i32 to vector<16xi32>
        %ge3A_454 = arith.cmpi sge, %get3A_448, %ge3A_453 : vector<16xi32>
        %lt3A_455 = vector.broadcast %min3A_242 : i32 to vector<16xi32>
        %lt3A_456 = arith.cmpi slt, %get3A_448, %lt3A_455 : vector<16xi32>
        %and3A_457 = arith.andi %ge3A_454, %lt3A_456 : vector<16xi1>
        %ge3A_458 = vector.broadcast %add3A_414 : i32 to vector<16xi32>
        %ge3A_459 = arith.cmpi sge, %add3A_452, %ge3A_458 : vector<16xi32>
        %and3A_460 = arith.andi %and3A_457, %ge3A_459 : vector<16xi1>
        %sub3A_461 = vector.broadcast %mul3A_244 : i32 to vector<16xi32>
        %sub3A_462 = arith.subi %get3A_448, %sub3A_461 : vector<16xi32>
        %jit3A_463 = arith.constant 5120 : i32
        %broadcast_in_dim3A_464 = vector.broadcast %jit3A_463 : i32 to vector<16xi32>
        %select_n3A_465 = arith.select %and3A_460, %sub3A_462, %broadcast_in_dim3A_464 : vector<16xi1>, vector<16xi32>
        %swap3A_466 = arith.constant 2 : i32
        %swap3A_467 = arith.constant 0 : i32
        %swap3A_468 = arith.index_cast %swap3A_466 : i32 to index
        %swap3A_469 = arith.index_cast %swap3A_467 : i32 to index
        %swap3A_470 = arith.constant 16 : index
        %swap3A_471 = tpu.vector_load %arg9[%swap3A_468, %swap3A_469, %swap3A_470] {strides = array<i32>} : memref<5x1x128xi32, #tpu.memory_space<vmem>>, vector<1x1x16xi32>,
        %swap3A_472 = vector.shape_cast %swap3A_471 : vector<1x1x16xi32> to vector<16xi32>
        %swap3A_473 = vector.shape_cast %select_n3A_465 : vector<16xi32> to vector<1x1x16xi32>
        tpu.vector_store %arg9[%swap3A_468, %swap3A_469, %swap3A_470], %swap3A_473 {strides = array<i32>} : memref<5x1x128xi32, #tpu.memory_space<vmem>>, vector<1x1x16xi32>,
        %get3A_474 = arith.constant 2 : i32
        %get3A_475 = arith.index_cast %get3A_474 : i32 to index
        %get3A_476 = arith.constant 32 : index
        %get3A_477 = tpu.vector_load %arg10[%get3A_475, %get3A_476] {strides = array<i32>} : memref<5x128xi32, #tpu.memory_space<vmem>>, vector<1x16xi32>,
        %get3A_478 = vector.shape_cast %get3A_477 : vector<1x16xi32> to vector<16xi32>
        %add3A_479 = arith.constant 32 : i32
        %add3A_480 = arith.addi %min3A_416, %add3A_479 : i32
        %add3A_481 = vector.broadcast %add3A_480 : i32 to vector<16xi32>
        %add3A_482 = arith.addi %add3A_481, %iota3A : vector<16xi32>
        %ge3A_483 = vector.broadcast %mul3A_237 : i32 to vector<16xi32>
        %ge3A_484 = arith.cmpi sge, %get3A_478, %ge3A_483 : vector<16xi32>
        %lt3A_485 = vector.broadcast %min3A_242 : i32 to vector<16xi32>
        %lt3A_486 = arith.cmpi slt, %get3A_478, %lt3A_485 : vector<16xi32>
        %and3A_487 = arith.andi %ge3A_484, %lt3A_486 : vector<16xi1>
        %ge3A_488 = vector.broadcast %add3A_414 : i32 to vector<16xi32>
        %ge3A_489 = arith.cmpi sge, %add3A_482, %ge3A_488 : vector<16xi32>
        %and3A_490 = arith.andi %and3A_487, %ge3A_489 : vector<16xi1>
        %sub3A_491 = vector.broadcast %mul3A_244 : i32 to vector<16xi32>
        %sub3A_492 = arith.subi %get3A_478, %sub3A_491 : vector<16xi32>
        %jit3A_493 = arith.constant 5120 : i32
        %broadcast_in_dim3A_494 = vector.broadcast %jit3A_493 : i32 to vector<16xi32>
        %select_n3A_495 = arith.select %and3A_490, %sub3A_492, %broadcast_in_dim3A_494 : vector<16xi1>, vector<16xi32>
        %swap3A_496 = arith.constant 2 : i32
        %swap3A_497 = arith.constant 0 : i32
        %swap3A_498 = arith.index_cast %swap3A_496 : i32 to index
        %swap3A_499 = arith.index_cast %swap3A_497 : i32 to index
        %swap3A_500 = arith.constant 32 : index
        %swap3A_501 = tpu.vector_load %arg9[%swap3A_498, %swap3A_499, %swap3A_500] {strides = array<i32>} : memref<5x1x128xi32, #tpu.memory_space<vmem>>, vector<1x1x16xi32>,
        %swap3A_502 = vector.shape_cast %swap3A_501 : vector<1x1x16xi32> to vector<16xi32>
        %swap3A_503 = vector.shape_cast %select_n3A_495 : vector<16xi32> to vector<1x1x16xi32>
        tpu.vector_store %arg9[%swap3A_498, %swap3A_499, %swap3A_500], %swap3A_503 {strides = array<i32>} : memref<5x1x128xi32, #tpu.memory_space<vmem>>, vector<1x1x16xi32>,
        %get3A_504 = arith.constant 2 : i32
        %get3A_505 = arith.index_cast %get3A_504 : i32 to index
        %get3A_506 = arith.constant 48 : index
        %get3A_507 = tpu.vector_load %arg10[%get3A_505, %get3A_506] {strides = array<i32>} : memref<5x128xi32, #tpu.memory_space<vmem>>, vector<1x16xi32>,
        %get3A_508 = vector.shape_cast %get3A_507 : vector<1x16xi32> to vector<16xi32>
        %add3A_509 = arith.constant 48 : i32
        %add3A_510 = arith.addi %min3A_416, %add3A_509 : i32
        %add3A_511 = vector.broadcast %add3A_510 : i32 to vector<16xi32>
        %add3A_512 = arith.addi %add3A_511, %iota3A : vector<16xi32>
        %ge3A_513 = vector.broadcast %mul3A_237 : i32 to vector<16xi32>
        %ge3A_514 = arith.cmpi sge, %get3A_508, %ge3A_513 : vector<16xi32>
        %lt3A_515 = vector.broadcast %min3A_242 : i32 to vector<16xi32>
        %lt3A_516 = arith.cmpi slt, %get3A_508, %lt3A_515 : vector<16xi32>
        %and3A_517 = arith.andi %ge3A_514, %lt3A_516 : vector<16xi1>
        %ge3A_518 = vector.broadcast %add3A_414 : i32 to vector<16xi32>
        %ge3A_519 = arith.cmpi sge, %add3A_512, %ge3A_518 : vector<16xi32>
        %and3A_520 = arith.andi %and3A_517, %ge3A_519 : vector<16xi1>
        %sub3A_521 = vector.broadcast %mul3A_244 : i32 to vector<16xi32>
        %sub3A_522 = arith.subi %get3A_508, %sub3A_521 : vector<16xi32>
        %jit3A_523 = arith.constant 5120 : i32
        %broadcast_in_dim3A_524 = vector.broadcast %jit3A_523 : i32 to vector<16xi32>
        %select_n3A_525 = arith.select %and3A_520, %sub3A_522, %broadcast_in_dim3A_524 : vector<16xi1>, vector<16xi32>
        %swap3A_526 = arith.constant 2 : i32
        %swap3A_527 = arith.constant 0 : i32
        %swap3A_528 = arith.index_cast %swap3A_526 : i32 to index
        %swap3A_529 = arith.index_cast %swap3A_527 : i32 to index
        %swap3A_530 = arith.constant 48 : index
        %swap3A_531 = tpu.vector_load %arg9[%swap3A_528, %swap3A_529, %swap3A_530] {strides = array<i32>} : memref<5x1x128xi32, #tpu.memory_space<vmem>>, vector<1x1x16xi32>,
        %swap3A_532 = vector.shape_cast %swap3A_531 : vector<1x1x16xi32> to vector<16xi32>
        %swap3A_533 = vector.shape_cast %select_n3A_525 : vector<16xi32> to vector<1x1x16xi32>
        tpu.vector_store %arg9[%swap3A_528, %swap3A_529, %swap3A_530], %swap3A_533 {strides = array<i32>} : memref<5x1x128xi32, #tpu.memory_space<vmem>>, vector<1x1x16xi32>,
        %get3A_534 = arith.constant 2 : i32
        %get3A_535 = arith.index_cast %get3A_534 : i32 to index
        %get3A_536 = arith.constant 64 : index
        %get3A_537 = tpu.vector_load %arg10[%get3A_535, %get3A_536] {strides = array<i32>} : memref<5x128xi32, #tpu.memory_space<vmem>>, vector<1x16xi32>,
        %get3A_538 = vector.shape_cast %get3A_537 : vector<1x16xi32> to vector<16xi32>
        %add3A_539 = arith.constant 64 : i32
        %add3A_540 = arith.addi %min3A_416, %add3A_539 : i32
        %add3A_541 = vector.broadcast %add3A_540 : i32 to vector<16xi32>
        %add3A_542 = arith.addi %add3A_541, %iota3A : vector<16xi32>
        %ge3A_543 = vector.broadcast %mul3A_237 : i32 to vector<16xi32>
        %ge3A_544 = arith.cmpi sge, %get3A_538, %ge3A_543 : vector<16xi32>
        %lt3A_545 = vector.broadcast %min3A_242 : i32 to vector<16xi32>
        %lt3A_546 = arith.cmpi slt, %get3A_538, %lt3A_545 : vector<16xi32>
        %and3A_547 = arith.andi %ge3A_544, %lt3A_546 : vector<16xi1>
        %ge3A_548 = vector.broadcast %add3A_414 : i32 to vector<16xi32>
        %ge3A_549 = arith.cmpi sge, %add3A_542, %ge3A_548 : vector<16xi32>
        %and3A_550 = arith.andi %and3A_547, %ge3A_549 : vector<16xi1>
        %sub3A_551 = vector.broadcast %mul3A_244 : i32 to vector<16xi32>
        %sub3A_552 = arith.subi %get3A_538, %sub3A_551 : vector<16xi32>
        %jit3A_553 = arith.constant 5120 : i32
        %broadcast_in_dim3A_554 = vector.broadcast %jit3A_553 : i32 to vector<16xi32>
        %select_n3A_555 = arith.select %and3A_550, %sub3A_552, %broadcast_in_dim3A_554 : vector<16xi1>, vector<16xi32>
        %swap3A_556 = arith.constant 2 : i32
        %swap3A_557 = arith.constant 0 : i32
        %swap3A_558 = arith.index_cast %swap3A_556 : i32 to index
        %swap3A_559 = arith.index_cast %swap3A_557 : i32 to index
        %swap3A_560 = arith.constant 64 : index
        %swap3A_561 = tpu.vector_load %arg9[%swap3A_558, %swap3A_559, %swap3A_560] {strides = array<i32>} : memref<5x1x128xi32, #tpu.memory_space<vmem>>, vector<1x1x16xi32>,
        %swap3A_562 = vector.shape_cast %swap3A_561 : vector<1x1x16xi32> to vector<16xi32>
        %swap3A_563 = vector.shape_cast %select_n3A_555 : vector<16xi32> to vector<1x1x16xi32>
        tpu.vector_store %arg9[%swap3A_558, %swap3A_559, %swap3A_560], %swap3A_563 {strides = array<i32>} : memref<5x1x128xi32, #tpu.memory_space<vmem>>, vector<1x1x16xi32>,
        %get3A_564 = arith.constant 2 : i32
        %get3A_565 = arith.index_cast %get3A_564 : i32 to index
        %get3A_566 = arith.constant 80 : index
        %get3A_567 = tpu.vector_load %arg10[%get3A_565, %get3A_566] {strides = array<i32>} : memref<5x128xi32, #tpu.memory_space<vmem>>, vector<1x16xi32>,
        %get3A_568 = vector.shape_cast %get3A_567 : vector<1x16xi32> to vector<16xi32>
        %add3A_569 = arith.constant 80 : i32
        %add3A_570 = arith.addi %min3A_416, %add3A_569 : i32
        %add3A_571 = vector.broadcast %add3A_570 : i32 to vector<16xi32>
        %add3A_572 = arith.addi %add3A_571, %iota3A : vector<16xi32>
        %ge3A_573 = vector.broadcast %mul3A_237 : i32 to vector<16xi32>
        %ge3A_574 = arith.cmpi sge, %get3A_568, %ge3A_573 : vector<16xi32>
        %lt3A_575 = vector.broadcast %min3A_242 : i32 to vector<16xi32>
        %lt3A_576 = arith.cmpi slt, %get3A_568, %lt3A_575 : vector<16xi32>
        %and3A_577 = arith.andi %ge3A_574, %lt3A_576 : vector<16xi1>
        %ge3A_578 = vector.broadcast %add3A_414 : i32 to vector<16xi32>
        %ge3A_579 = arith.cmpi sge, %add3A_572, %ge3A_578 : vector<16xi32>
        %and3A_580 = arith.andi %and3A_577, %ge3A_579 : vector<16xi1>
        %sub3A_581 = vector.broadcast %mul3A_244 : i32 to vector<16xi32>
        %sub3A_582 = arith.subi %get3A_568, %sub3A_581 : vector<16xi32>
        %jit3A_583 = arith.constant 5120 : i32
        %broadcast_in_dim3A_584 = vector.broadcast %jit3A_583 : i32 to vector<16xi32>
        %select_n3A_585 = arith.select %and3A_580, %sub3A_582, %broadcast_in_dim3A_584 : vector<16xi1>, vector<16xi32>
        %swap3A_586 = arith.constant 2 : i32
        %swap3A_587 = arith.constant 0 : i32
        %swap3A_588 = arith.index_cast %swap3A_586 : i32 to index
        %swap3A_589 = arith.index_cast %swap3A_587 : i32 to index
        %swap3A_590 = arith.constant 80 : index
        %swap3A_591 = tpu.vector_load %arg9[%swap3A_588, %swap3A_589, %swap3A_590] {strides = array<i32>} : memref<5x1x128xi32, #tpu.memory_space<vmem>>, vector<1x1x16xi32>,
        %swap3A_592 = vector.shape_cast %swap3A_591 : vector<1x1x16xi32> to vector<16xi32>
        %swap3A_593 = vector.shape_cast %select_n3A_585 : vector<16xi32> to vector<1x1x16xi32>
        tpu.vector_store %arg9[%swap3A_588, %swap3A_589, %swap3A_590], %swap3A_593 {strides = array<i32>} : memref<5x1x128xi32, #tpu.memory_space<vmem>>, vector<1x1x16xi32>,
        %get3A_594 = arith.constant 2 : i32
        %get3A_595 = arith.index_cast %get3A_594 : i32 to index
        %get3A_596 = arith.constant 96 : index
        %get3A_597 = tpu.vector_load %arg10[%get3A_595, %get3A_596] {strides = array<i32>} : memref<5x128xi32, #tpu.memory_space<vmem>>, vector<1x16xi32>,
        %get3A_598 = vector.shape_cast %get3A_597 : vector<1x16xi32> to vector<16xi32>
        %add3A_599 = arith.constant 96 : i32
        %add3A_600 = arith.addi %min3A_416, %add3A_599 : i32
        %add3A_601 = vector.broadcast %add3A_600 : i32 to vector<16xi32>
        %add3A_602 = arith.addi %add3A_601, %iota3A : vector<16xi32>
        %ge3A_603 = vector.broadcast %mul3A_237 : i32 to vector<16xi32>
        %ge3A_604 = arith.cmpi sge, %get3A_598, %ge3A_603 : vector<16xi32>
        %lt3A_605 = vector.broadcast %min3A_242 : i32 to vector<16xi32>
        %lt3A_606 = arith.cmpi slt, %get3A_598, %lt3A_605 : vector<16xi32>
        %and3A_607 = arith.andi %ge3A_604, %lt3A_606 : vector<16xi1>
        %ge3A_608 = vector.broadcast %add3A_414 : i32 to vector<16xi32>
        %ge3A_609 = arith.cmpi sge, %add3A_602, %ge3A_608 : vector<16xi32>
        %and3A_610 = arith.andi %and3A_607, %ge3A_609 : vector<16xi1>
        %sub3A_611 = vector.broadcast %mul3A_244 : i32 to vector<16xi32>
        %sub3A_612 = arith.subi %get3A_598, %sub3A_611 : vector<16xi32>
        %jit3A_613 = arith.constant 5120 : i32
        %broadcast_in_dim3A_614 = vector.broadcast %jit3A_613 : i32 to vector<16xi32>
        %select_n3A_615 = arith.select %and3A_610, %sub3A_612, %broadcast_in_dim3A_614 : vector<16xi1>, vector<16xi32>
        %swap3A_616 = arith.constant 2 : i32
        %swap3A_617 = arith.constant 0 : i32
        %swap3A_618 = arith.index_cast %swap3A_616 : i32 to index
        %swap3A_619 = arith.index_cast %swap3A_617 : i32 to index
        %swap3A_620 = arith.constant 96 : index
        %swap3A_621 = tpu.vector_load %arg9[%swap3A_618, %swap3A_619, %swap3A_620] {strides = array<i32>} : memref<5x1x128xi32, #tpu.memory_space<vmem>>, vector<1x1x16xi32>,
        %swap3A_622 = vector.shape_cast %swap3A_621 : vector<1x1x16xi32> to vector<16xi32>
        %swap3A_623 = vector.shape_cast %select_n3A_615 : vector<16xi32> to vector<1x1x16xi32>
        tpu.vector_store %arg9[%swap3A_618, %swap3A_619, %swap3A_620], %swap3A_623 {strides = array<i32>} : memref<5x1x128xi32, #tpu.memory_space<vmem>>, vector<1x1x16xi32>,
        %get3A_624 = arith.constant 2 : i32
        %get3A_625 = arith.index_cast %get3A_624 : i32 to index
        %get3A_626 = arith.constant 112 : index
        %get3A_627 = tpu.vector_load %arg10[%get3A_625, %get3A_626] {strides = array<i32>} : memref<5x128xi32, #tpu.memory_space<vmem>>, vector<1x16xi32>,
        %get3A_628 = vector.shape_cast %get3A_627 : vector<1x16xi32> to vector<16xi32>
        %add3A_629 = arith.constant 112 : i32
        %add3A_630 = arith.addi %min3A_416, %add3A_629 : i32
        %add3A_631 = vector.broadcast %add3A_630 : i32 to vector<16xi32>
        %add3A_632 = arith.addi %add3A_631, %iota3A : vector<16xi32>
        %ge3A_633 = vector.broadcast %mul3A_237 : i32 to vector<16xi32>
        %ge3A_634 = arith.cmpi sge, %get3A_628, %ge3A_633 : vector<16xi32>
        %lt3A_635 = vector.broadcast %min3A_242 : i32 to vector<16xi32>
        %lt3A_636 = arith.cmpi slt, %get3A_628, %lt3A_635 : vector<16xi32>
        %and3A_637 = arith.andi %ge3A_634, %lt3A_636 : vector<16xi1>
        %ge3A_638 = vector.broadcast %add3A_414 : i32 to vector<16xi32>
        %ge3A_639 = arith.cmpi sge, %add3A_632, %ge3A_638 : vector<16xi32>
        %and3A_640 = arith.andi %and3A_637, %ge3A_639 : vector<16xi1>
        %sub3A_641 = vector.broadcast %mul3A_244 : i32 to vector<16xi32>
        %sub3A_642 = arith.subi %get3A_628, %sub3A_641 : vector<16xi32>
        %jit3A_643 = arith.constant 5120 : i32
        %broadcast_in_dim3A_644 = vector.broadcast %jit3A_643 : i32 to vector<16xi32>
        %select_n3A_645 = arith.select %and3A_640, %sub3A_642, %broadcast_in_dim3A_644 : vector<16xi1>, vector<16xi32>
        %swap3A_646 = arith.constant 2 : i32
        %swap3A_647 = arith.constant 0 : i32
        %swap3A_648 = arith.index_cast %swap3A_646 : i32 to index
        %swap3A_649 = arith.index_cast %swap3A_647 : i32 to index
        %swap3A_650 = arith.constant 112 : index
        %swap3A_651 = tpu.vector_load %arg9[%swap3A_648, %swap3A_649, %swap3A_650] {strides = array<i32>} : memref<5x1x128xi32, #tpu.memory_space<vmem>>, vector<1x1x16xi32>,
        %swap3A_652 = vector.shape_cast %swap3A_651 : vector<1x1x16xi32> to vector<16xi32>
        %swap3A_653 = vector.shape_cast %select_n3A_645 : vector<16xi32> to vector<1x1x16xi32>
        tpu.vector_store %arg9[%swap3A_648, %swap3A_649, %swap3A_650], %swap3A_653 {strides = array<i32>} : memref<5x1x128xi32, #tpu.memory_space<vmem>>, vector<1x1x16xi32>,
        %run_scoped3A_654 = arith.constant 2 : i32
        %run_scoped3A_655 = arith.constant 2 : i32
        %run_scoped3A_656 = arith.constant 0 : i32
        "tpu.region"() ({
          %run_scoped3A_663 = tpu.sem_alloc : memref<!tpu.dma_semaphore, #tpu.memory_space<semaphore_mem>>
          %dma_start3A = arith.constant 0 : i32
          %dma_start3A_664 = arith.constant 0 : i32
          %dma_start3A_665 = tpu.memref_slice %arg8[%run_scoped3A_654, %dma_start3A, %dma_start3A_664] : memref<5x128x128xf32, #tpu.memory_space<vmem>> -> memref<1x128x128xf32, #tpu.memory_space<vmem>>
          %dma_start3A_666 = tpu.memref_squeeze %dma_start3A_665 : memref<1x128x128xf32, #tpu.memory_space<vmem>> -> memref<128x128xf32, #tpu.memory_space<vmem>>
          %dma_start3A_667 = arith.constant 0 : i32
          %dma_start3A_668 = tpu.memref_slice %arg9[%run_scoped3A_655, %run_scoped3A_656, %dma_start3A_667] : memref<5x1x128xi32, #tpu.memory_space<vmem>> -> memref<1x1x128xi32, #tpu.memory_space<vmem>>
          %dma_start3A_669 = tpu.memref_squeeze %dma_start3A_668 : memref<1x1x128xi32, #tpu.memory_space<vmem>> -> memref<128xi32, #tpu.memory_space<vmem>>
          %dma_start3A_670 = arith.constant 0 : i32
          %dma_start3A_671 = arith.constant 0 : i32
          %dma_start3A_672 = tpu.memref_slice %arg11[%dma_start3A_670, %dma_start3A_671] : memref<5128x128xf32, #tpu.memory_space<vmem_shared>> -> memref<5128x128xf32, #tpu.memory_space<vmem_shared>>
          tpu.enqueue_indirect_dma source(%dma_start3A_666 : memref<128x128xf32, #tpu.memory_space<vmem>>) target(%dma_start3A_672 : memref<5128x128xf32, #tpu.memory_space<vmem_shared>>) offsets(%dma_start3A_669 : memref<128xi32, #tpu.memory_space<vmem>>) semaphore(%run_scoped3A_663 : memref<!tpu.dma_semaphore, #tpu.memory_space<semaphore_mem>>) {add = true}
          %dma_wait3A_673 = arith.constant 0 : i32
          %dma_wait3A_674 = arith.constant 0 : i32
          %dma_wait3A_675 = tpu.memref_slice %arg8[%run_scoped3A_654, %dma_wait3A_673, %dma_wait3A_674] : memref<5x128x128xf32, #tpu.memory_space<vmem>> -> memref<1x128x128xf32, #tpu.memory_space<vmem>>
          %dma_wait3A_676 = tpu.memref_squeeze %dma_wait3A_675 : memref<1x128x128xf32, #tpu.memory_space<vmem>> -> memref<128x128xf32, #tpu.memory_space<vmem>>
          %dma_wait3A_677 = arith.constant 0 : i32
          %dma_wait3A_678 = tpu.memref_slice %arg9[%run_scoped3A_655, %run_scoped3A_656, %dma_wait3A_677] : memref<5x1x128xi32, #tpu.memory_space<vmem>> -> memref<1x1x128xi32, #tpu.memory_space<vmem>>
          %dma_wait3A_679 = tpu.memref_squeeze %dma_wait3A_678 : memref<1x1x128xi32, #tpu.memory_space<vmem>> -> memref<128xi32, #tpu.memory_space<vmem>>
          %dma_wait3A_680 = arith.constant 0 : i32
          %dma_wait3A_681 = arith.constant 0 : i32
          %dma_wait3A_682 = tpu.memref_slice %arg11[%dma_wait3A_680, %dma_wait3A_681] : memref<5128x128xf32, #tpu.memory_space<vmem_shared>> -> memref<5128x128xf32, #tpu.memory_space<vmem_shared>>
          tpu.wait_indirect_dma semaphore(%run_scoped3A_663 : memref<!tpu.dma_semaphore, #tpu.memory_space<semaphore_mem>>) src(%dma_wait3A_676 : memref<128x128xf32, #tpu.memory_space<vmem>>) dst(%dma_wait3A_682 : memref<5128x128xf32, #tpu.memory_space<vmem_shared>>)
          tpu.yield
        }) : () -> ()
        %add3A_657 = arith.constant 5 : i32
        %add3A_658 = arith.addi %add3A_360, %add3A_657 : i32
        %lt3A_659 = arith.cmpi slt, %add3A_658, %select_n3A_235 : i32
        %convert_element_type3A_660 = arith.extui %lt3A_659 : i1 to i32
        %cond3A_661 = arith.constant 0 : i32
        %cond3A_662 = arith.cmpi ne, %convert_element_type3A_660, %cond3A_661 : i32
        scf.if %cond3A_662 {
          %add3A_663 = arith.constant 5 : i32
          %add3A_664 = arith.addi %add3A_360, %add3A_663 : i32
          %mul3A_665 = arith.constant 128 : i32
          %mul3A_666 = arith.muli %add3A_664, %mul3A_665 : i32
          %add3A_667 = arith.addi %mul3A_180, %mul3A_666 : i32
          %min3A_668 = arith.constant 319872 : i32
          %min3A_669 = arith.minsi %add3A_667, %min3A_668 : i32
          %multiple_of3A = tpu.assume_multiple %min3A_669, 8 : i32
          %dma_start3A = arith.constant 2 : i32
          %dma_start3A_670 = arith.constant 2 : i32
          %dma_start3A_671 = arith.constant 0 : i32
          %dma_start3A_672 = arith.constant 0 : i32
          %dma_start3A_673 = tpu.memref_slice %arg8[%dma_start3A, %dma_start3A_671, %dma_start3A_672] : memref<5x128x128xf32, #tpu.memory_space<vmem>> -> memref<1x128x128xf32, #tpu.memory_space<vmem>>
          %dma_start3A_674 = tpu.memref_squeeze %dma_start3A_673 : memref<1x128x128xf32, #tpu.memory_space<vmem>> -> memref<128x128xf32, #tpu.memory_space<vmem>>
          %dma_start3A_675 = arith.constant 0 : i32
          %dma_start3A_676 = tpu.memref_slice %arg2[%multiple_of3A, %dma_start3A_675] : memref<320000x128xf32, #tpu.memory_space<hbm>> -> memref<128x128xf32, #tpu.memory_space<hbm>>
          %dma_start3A_677 = tpu.memref_slice %arg12[%dma_start3A_670] : memref<5x!tpu.dma_semaphore, #tpu.memory_space<semaphore_mem>> -> memref<1x!tpu.dma_semaphore, #tpu.memory_space<semaphore_mem>>
          %dma_start3A_678 = tpu.memref_squeeze %dma_start3A_677 : memref<1x!tpu.dma_semaphore, #tpu.memory_space<semaphore_mem>> -> memref<!tpu.dma_semaphore, #tpu.memory_space<semaphore_mem>>
          %dma_start3A_679 = arith.constant 0 : i32
          %dma_start3A_680 = arith.constant 0 : i32
          %dma_start3A_681 = tpu.memref_slice %arg8[%dma_start3A, %dma_start3A_679, %dma_start3A_680] : memref<5x128x128xf32, #tpu.memory_space<vmem>> -> memref<1x128x128xf32, #tpu.memory_space<vmem>>
          %dma_start3A_682 = tpu.memref_squeeze %dma_start3A_681 : memref<1x128x128xf32, #tpu.memory_space<vmem>> -> memref<128x128xf32, #tpu.memory_space<vmem>>
          %dma_start3A_683 = arith.constant 0 : i32
          %dma_start3A_684 = tpu.memref_slice %arg2[%multiple_of3A, %dma_start3A_683] : memref<320000x128xf32, #tpu.memory_space<hbm>> -> memref<128x128xf32, #tpu.memory_space<hbm>>
          tpu.enqueue_dma source(%dma_start3A_684 : memref<128x128xf32, #tpu.memory_space<hbm>>) target(%dma_start3A_682 : memref<128x128xf32, #tpu.memory_space<vmem>>) target_semaphore(%dma_start3A_678 : memref<!tpu.dma_semaphore, #tpu.memory_space<semaphore_mem>>)
          %dma_start3A_685 = arith.constant 2 : i32
          %dma_start3A_686 = arith.constant 2 : i32
          %dma_start3A_687 = arith.constant 0 : i32
          %dma_start3A_688 = tpu.memref_slice %arg10[%dma_start3A_685, %dma_start3A_687] : memref<5x128xi32, #tpu.memory_space<vmem>> -> memref<1x128xi32, #tpu.memory_space<vmem>>
          %dma_start3A_689 = tpu.memref_squeeze %dma_start3A_688 : memref<1x128xi32, #tpu.memory_space<vmem>> -> memref<128xi32, #tpu.memory_space<vmem>>
          %dma_start3A_690 = tpu.memref_slice %arg3[%multiple_of3A] : memref<320000xi32, #tpu.memory_space<hbm>> -> memref<128xi32, #tpu.memory_space<hbm>>
          %dma_start3A_691 = tpu.memref_slice %arg12[%dma_start3A_686] : memref<5x!tpu.dma_semaphore, #tpu.memory_space<semaphore_mem>> -> memref<1x!tpu.dma_semaphore, #tpu.memory_space<semaphore_mem>>
          %dma_start3A_692 = tpu.memref_squeeze %dma_start3A_691 : memref<1x!tpu.dma_semaphore, #tpu.memory_space<semaphore_mem>> -> memref<!tpu.dma_semaphore, #tpu.memory_space<semaphore_mem>>
          %dma_start3A_693 = arith.constant 0 : i32
          %dma_start3A_694 = tpu.memref_slice %arg10[%dma_start3A_685, %dma_start3A_693] : memref<5x128xi32, #tpu.memory_space<vmem>> -> memref<1x128xi32, #tpu.memory_space<vmem>>
          %dma_start3A_695 = tpu.memref_squeeze %dma_start3A_694 : memref<1x128xi32, #tpu.memory_space<vmem>> -> memref<128xi32, #tpu.memory_space<vmem>>
          %dma_start3A_696 = tpu.memref_slice %arg3[%multiple_of3A] : memref<320000xi32, #tpu.memory_space<hbm>> -> memref<128xi32, #tpu.memory_space<hbm>>
          tpu.enqueue_dma source(%dma_start3A_696 : memref<128xi32, #tpu.memory_space<hbm>>) target(%dma_start3A_695 : memref<128xi32, #tpu.memory_space<vmem>>) target_semaphore(%dma_start3A_692 : memref<!tpu.dma_semaphore, #tpu.memory_space<semaphore_mem>>)
        } else {
        }
      } else {
      }
      %mul3A_365 = arith.constant 5 : i32
      %mul3A_366 = arith.muli %while3A_340, %mul3A_365 : i32
      %add3A_367 = arith.constant 3 : i32
      %add3A_368 = arith.addi %mul3A_366, %add3A_367 : i32
      %lt3A_369 = arith.cmpi slt, %add3A_368, %select_n3A_235 : i32
      %convert_element_type3A_370 = arith.extui %lt3A_369 : i1 to i32
      %cond3A_371 = arith.constant 0 : i32
      %cond3A_372 = arith.cmpi ne, %convert_element_type3A_370, %cond3A_371 : i32
      scf.if %cond3A_372 {
        %dma_wait3A = arith.constant 3 : i32
        %dma_wait3A_381 = arith.constant 3 : i32
        %dma_wait3A_382 = arith.constant 0 : i32
        %dma_wait3A_383 = arith.constant 0 : i32
        %dma_wait3A_384 = tpu.memref_slice %arg8[%dma_wait3A, %dma_wait3A_382, %dma_wait3A_383] : memref<5x128x128xf32, #tpu.memory_space<vmem>> -> memref<1x128x128xf32, #tpu.memory_space<vmem>>
        %dma_wait3A_385 = tpu.memref_squeeze %dma_wait3A_384 : memref<1x128x128xf32, #tpu.memory_space<vmem>> -> memref<128x128xf32, #tpu.memory_space<vmem>>
        %dma_wait3A_386 = arith.constant 0 : i32
        %dma_wait3A_387 = arith.constant 0 : i32
        %dma_wait3A_388 = tpu.memref_slice %arg2[%dma_wait3A_386, %dma_wait3A_387] : memref<320000x128xf32, #tpu.memory_space<hbm>> -> memref<128x128xf32, #tpu.memory_space<hbm>>
        %dma_wait3A_389 = tpu.memref_slice %arg12[%dma_wait3A_381] : memref<5x!tpu.dma_semaphore, #tpu.memory_space<semaphore_mem>> -> memref<1x!tpu.dma_semaphore, #tpu.memory_space<semaphore_mem>>
        %dma_wait3A_390 = tpu.memref_squeeze %dma_wait3A_389 : memref<1x!tpu.dma_semaphore, #tpu.memory_space<semaphore_mem>> -> memref<!tpu.dma_semaphore, #tpu.memory_space<semaphore_mem>>
        %dma_wait3A_391 = arith.constant 0 : i32
        %dma_wait3A_392 = arith.constant 0 : i32
        %dma_wait3A_393 = tpu.memref_slice %arg8[%dma_wait3A, %dma_wait3A_391, %dma_wait3A_392] : memref<5x128x128xf32, #tpu.memory_space<vmem>> -> memref<1x128x128xf32, #tpu.memory_space<vmem>>
        %dma_wait3A_394 = tpu.memref_squeeze %dma_wait3A_393 : memref<1x128x128xf32, #tpu.memory_space<vmem>> -> memref<128x128xf32, #tpu.memory_space<vmem>>
        %dma_wait3A_395 = arith.constant 0 : i32
        %dma_wait3A_396 = arith.constant 0 : i32
        %dma_wait3A_397 = tpu.memref_slice %arg2[%dma_wait3A_395, %dma_wait3A_396] : memref<320000x128xf32, #tpu.memory_space<hbm>> -> memref<128x128xf32, #tpu.memory_space<hbm>>
        tpu.wait_dma2 semaphore(%dma_wait3A_390 : memref<!tpu.dma_semaphore, #tpu.memory_space<semaphore_mem>>) src(%dma_wait3A_397 : memref<128x128xf32, #tpu.memory_space<hbm>>) dst(%dma_wait3A_394 : memref<128x128xf32, #tpu.memory_space<vmem>>)
        %dma_wait3A_398 = arith.constant 3 : i32
        %dma_wait3A_399 = arith.constant 3 : i32
        %dma_wait3A_400 = arith.constant 0 : i32
        %dma_wait3A_401 = tpu.memref_slice %arg10[%dma_wait3A_398, %dma_wait3A_400] : memref<5x128xi32, #tpu.memory_space<vmem>> -> memref<1x128xi32, #tpu.memory_space<vmem>>
        %dma_wait3A_402 = tpu.memref_squeeze %dma_wait3A_401 : memref<1x128xi32, #tpu.memory_space<vmem>> -> memref<128xi32, #tpu.memory_space<vmem>>
        %dma_wait3A_403 = arith.constant 0 : i32
        %dma_wait3A_404 = tpu.memref_slice %arg3[%dma_wait3A_403] : memref<320000xi32, #tpu.memory_space<hbm>> -> memref<128xi32, #tpu.memory_space<hbm>>
        %dma_wait3A_405 = tpu.memref_slice %arg12[%dma_wait3A_399] : memref<5x!tpu.dma_semaphore, #tpu.memory_space<semaphore_mem>> -> memref<1x!tpu.dma_semaphore, #tpu.memory_space<semaphore_mem>>
        %dma_wait3A_406 = tpu.memref_squeeze %dma_wait3A_405 : memref<1x!tpu.dma_semaphore, #tpu.memory_space<semaphore_mem>> -> memref<!tpu.dma_semaphore, #tpu.memory_space<semaphore_mem>>
        %dma_wait3A_407 = arith.constant 0 : i32
        %dma_wait3A_408 = tpu.memref_slice %arg10[%dma_wait3A_398, %dma_wait3A_407] : memref<5x128xi32, #tpu.memory_space<vmem>> -> memref<1x128xi32, #tpu.memory_space<vmem>>
        %dma_wait3A_409 = tpu.memref_squeeze %dma_wait3A_408 : memref<1x128xi32, #tpu.memory_space<vmem>> -> memref<128xi32, #tpu.memory_space<vmem>>
        %dma_wait3A_410 = arith.constant 0 : i32
        %dma_wait3A_411 = tpu.memref_slice %arg3[%dma_wait3A_410] : memref<320000xi32, #tpu.memory_space<hbm>> -> memref<128xi32, #tpu.memory_space<hbm>>
        tpu.wait_dma2 semaphore(%dma_wait3A_406 : memref<!tpu.dma_semaphore, #tpu.memory_space<semaphore_mem>>) src(%dma_wait3A_411 : memref<128xi32, #tpu.memory_space<hbm>>) dst(%dma_wait3A_409 : memref<128xi32, #tpu.memory_space<vmem>>)
        %mul3A_412 = arith.constant 128 : i32
        %mul3A_413 = arith.muli %add3A_368, %mul3A_412 : i32
        %add3A_414 = arith.addi %mul3A_180, %mul3A_413 : i32
        %min3A_415 = arith.constant 319872 : i32
        %min3A_416 = arith.minsi %add3A_414, %min3A_415 : i32
        %get3A_417 = arith.constant 3 : i32
        %get3A_418 = arith.index_cast %get3A_417 : i32 to index
        %get3A_419 = arith.constant 0 : index
        %get3A_420 = tpu.vector_load %arg10[%get3A_418, %get3A_419] {strides = array<i32>} : memref<5x128xi32, #tpu.memory_space<vmem>>, vector<1x16xi32>,
        %get3A_421 = vector.shape_cast %get3A_420 : vector<1x16xi32> to vector<16xi32>
        %add3A_422 = arith.constant 0 : i32
        %add3A_423 = arith.addi %min3A_416, %add3A_422 : i32
        %add3A_424 = vector.broadcast %add3A_423 : i32 to vector<16xi32>
        %add3A_425 = arith.addi %add3A_424, %iota3A : vector<16xi32>
        %ge3A = vector.broadcast %mul3A_237 : i32 to vector<16xi32>
        %ge3A_426 = arith.cmpi sge, %get3A_421, %ge3A : vector<16xi32>
        %lt3A_427 = vector.broadcast %min3A_242 : i32 to vector<16xi32>
        %lt3A_428 = arith.cmpi slt, %get3A_421, %lt3A_427 : vector<16xi32>
        %and3A_429 = arith.andi %ge3A_426, %lt3A_428 : vector<16xi1>
        %ge3A_430 = vector.broadcast %add3A_414 : i32 to vector<16xi32>
        %ge3A_431 = arith.cmpi sge, %add3A_425, %ge3A_430 : vector<16xi32>
        %and3A_432 = arith.andi %and3A_429, %ge3A_431 : vector<16xi1>
        %sub3A_433 = vector.broadcast %mul3A_244 : i32 to vector<16xi32>
        %sub3A_434 = arith.subi %get3A_421, %sub3A_433 : vector<16xi32>
        %jit3A_435 = arith.constant 5120 : i32
        %broadcast_in_dim3A = vector.broadcast %jit3A_435 : i32 to vector<16xi32>
        %select_n3A_436 = arith.select %and3A_432, %sub3A_434, %broadcast_in_dim3A : vector<16xi1>, vector<16xi32>
        %swap3A = arith.constant 3 : i32
        %swap3A_437 = arith.constant 0 : i32
        %swap3A_438 = arith.index_cast %swap3A : i32 to index
        %swap3A_439 = arith.index_cast %swap3A_437 : i32 to index
        %swap3A_440 = arith.constant 0 : index
        %swap3A_441 = tpu.vector_load %arg9[%swap3A_438, %swap3A_439, %swap3A_440] {strides = array<i32>} : memref<5x1x128xi32, #tpu.memory_space<vmem>>, vector<1x1x16xi32>,
        %swap3A_442 = vector.shape_cast %swap3A_441 : vector<1x1x16xi32> to vector<16xi32>
        %swap3A_443 = vector.shape_cast %select_n3A_436 : vector<16xi32> to vector<1x1x16xi32>
        tpu.vector_store %arg9[%swap3A_438, %swap3A_439, %swap3A_440], %swap3A_443 {strides = array<i32>} : memref<5x1x128xi32, #tpu.memory_space<vmem>>, vector<1x1x16xi32>,
        %get3A_444 = arith.constant 3 : i32
        %get3A_445 = arith.index_cast %get3A_444 : i32 to index
        %get3A_446 = arith.constant 16 : index
        %get3A_447 = tpu.vector_load %arg10[%get3A_445, %get3A_446] {strides = array<i32>} : memref<5x128xi32, #tpu.memory_space<vmem>>, vector<1x16xi32>,
        %get3A_448 = vector.shape_cast %get3A_447 : vector<1x16xi32> to vector<16xi32>
        %add3A_449 = arith.constant 16 : i32
        %add3A_450 = arith.addi %min3A_416, %add3A_449 : i32
        %add3A_451 = vector.broadcast %add3A_450 : i32 to vector<16xi32>
        %add3A_452 = arith.addi %add3A_451, %iota3A : vector<16xi32>
        %ge3A_453 = vector.broadcast %mul3A_237 : i32 to vector<16xi32>
        %ge3A_454 = arith.cmpi sge, %get3A_448, %ge3A_453 : vector<16xi32>
        %lt3A_455 = vector.broadcast %min3A_242 : i32 to vector<16xi32>
        %lt3A_456 = arith.cmpi slt, %get3A_448, %lt3A_455 : vector<16xi32>
        %and3A_457 = arith.andi %ge3A_454, %lt3A_456 : vector<16xi1>
        %ge3A_458 = vector.broadcast %add3A_414 : i32 to vector<16xi32>
        %ge3A_459 = arith.cmpi sge, %add3A_452, %ge3A_458 : vector<16xi32>
        %and3A_460 = arith.andi %and3A_457, %ge3A_459 : vector<16xi1>
        %sub3A_461 = vector.broadcast %mul3A_244 : i32 to vector<16xi32>
        %sub3A_462 = arith.subi %get3A_448, %sub3A_461 : vector<16xi32>
        %jit3A_463 = arith.constant 5120 : i32
        %broadcast_in_dim3A_464 = vector.broadcast %jit3A_463 : i32 to vector<16xi32>
        %select_n3A_465 = arith.select %and3A_460, %sub3A_462, %broadcast_in_dim3A_464 : vector<16xi1>, vector<16xi32>
        %swap3A_466 = arith.constant 3 : i32
        %swap3A_467 = arith.constant 0 : i32
        %swap3A_468 = arith.index_cast %swap3A_466 : i32 to index
        %swap3A_469 = arith.index_cast %swap3A_467 : i32 to index
        %swap3A_470 = arith.constant 16 : index
        %swap3A_471 = tpu.vector_load %arg9[%swap3A_468, %swap3A_469, %swap3A_470] {strides = array<i32>} : memref<5x1x128xi32, #tpu.memory_space<vmem>>, vector<1x1x16xi32>,
        %swap3A_472 = vector.shape_cast %swap3A_471 : vector<1x1x16xi32> to vector<16xi32>
        %swap3A_473 = vector.shape_cast %select_n3A_465 : vector<16xi32> to vector<1x1x16xi32>
        tpu.vector_store %arg9[%swap3A_468, %swap3A_469, %swap3A_470], %swap3A_473 {strides = array<i32>} : memref<5x1x128xi32, #tpu.memory_space<vmem>>, vector<1x1x16xi32>,
        %get3A_474 = arith.constant 3 : i32
        %get3A_475 = arith.index_cast %get3A_474 : i32 to index
        %get3A_476 = arith.constant 32 : index
        %get3A_477 = tpu.vector_load %arg10[%get3A_475, %get3A_476] {strides = array<i32>} : memref<5x128xi32, #tpu.memory_space<vmem>>, vector<1x16xi32>,
        %get3A_478 = vector.shape_cast %get3A_477 : vector<1x16xi32> to vector<16xi32>
        %add3A_479 = arith.constant 32 : i32
        %add3A_480 = arith.addi %min3A_416, %add3A_479 : i32
        %add3A_481 = vector.broadcast %add3A_480 : i32 to vector<16xi32>
        %add3A_482 = arith.addi %add3A_481, %iota3A : vector<16xi32>
        %ge3A_483 = vector.broadcast %mul3A_237 : i32 to vector<16xi32>
        %ge3A_484 = arith.cmpi sge, %get3A_478, %ge3A_483 : vector<16xi32>
        %lt3A_485 = vector.broadcast %min3A_242 : i32 to vector<16xi32>
        %lt3A_486 = arith.cmpi slt, %get3A_478, %lt3A_485 : vector<16xi32>
        %and3A_487 = arith.andi %ge3A_484, %lt3A_486 : vector<16xi1>
        %ge3A_488 = vector.broadcast %add3A_414 : i32 to vector<16xi32>
        %ge3A_489 = arith.cmpi sge, %add3A_482, %ge3A_488 : vector<16xi32>
        %and3A_490 = arith.andi %and3A_487, %ge3A_489 : vector<16xi1>
        %sub3A_491 = vector.broadcast %mul3A_244 : i32 to vector<16xi32>
        %sub3A_492 = arith.subi %get3A_478, %sub3A_491 : vector<16xi32>
        %jit3A_493 = arith.constant 5120 : i32
        %broadcast_in_dim3A_494 = vector.broadcast %jit3A_493 : i32 to vector<16xi32>
        %select_n3A_495 = arith.select %and3A_490, %sub3A_492, %broadcast_in_dim3A_494 : vector<16xi1>, vector<16xi32>
        %swap3A_496 = arith.constant 3 : i32
        %swap3A_497 = arith.constant 0 : i32
        %swap3A_498 = arith.index_cast %swap3A_496 : i32 to index
        %swap3A_499 = arith.index_cast %swap3A_497 : i32 to index
        %swap3A_500 = arith.constant 32 : index
        %swap3A_501 = tpu.vector_load %arg9[%swap3A_498, %swap3A_499, %swap3A_500] {strides = array<i32>} : memref<5x1x128xi32, #tpu.memory_space<vmem>>, vector<1x1x16xi32>,
        %swap3A_502 = vector.shape_cast %swap3A_501 : vector<1x1x16xi32> to vector<16xi32>
        %swap3A_503 = vector.shape_cast %select_n3A_495 : vector<16xi32> to vector<1x1x16xi32>
        tpu.vector_store %arg9[%swap3A_498, %swap3A_499, %swap3A_500], %swap3A_503 {strides = array<i32>} : memref<5x1x128xi32, #tpu.memory_space<vmem>>, vector<1x1x16xi32>,
        %get3A_504 = arith.constant 3 : i32
        %get3A_505 = arith.index_cast %get3A_504 : i32 to index
        %get3A_506 = arith.constant 48 : index
        %get3A_507 = tpu.vector_load %arg10[%get3A_505, %get3A_506] {strides = array<i32>} : memref<5x128xi32, #tpu.memory_space<vmem>>, vector<1x16xi32>,
        %get3A_508 = vector.shape_cast %get3A_507 : vector<1x16xi32> to vector<16xi32>
        %add3A_509 = arith.constant 48 : i32
        %add3A_510 = arith.addi %min3A_416, %add3A_509 : i32
        %add3A_511 = vector.broadcast %add3A_510 : i32 to vector<16xi32>
        %add3A_512 = arith.addi %add3A_511, %iota3A : vector<16xi32>
        %ge3A_513 = vector.broadcast %mul3A_237 : i32 to vector<16xi32>
        %ge3A_514 = arith.cmpi sge, %get3A_508, %ge3A_513 : vector<16xi32>
        %lt3A_515 = vector.broadcast %min3A_242 : i32 to vector<16xi32>
        %lt3A_516 = arith.cmpi slt, %get3A_508, %lt3A_515 : vector<16xi32>
        %and3A_517 = arith.andi %ge3A_514, %lt3A_516 : vector<16xi1>
        %ge3A_518 = vector.broadcast %add3A_414 : i32 to vector<16xi32>
        %ge3A_519 = arith.cmpi sge, %add3A_512, %ge3A_518 : vector<16xi32>
        %and3A_520 = arith.andi %and3A_517, %ge3A_519 : vector<16xi1>
        %sub3A_521 = vector.broadcast %mul3A_244 : i32 to vector<16xi32>
        %sub3A_522 = arith.subi %get3A_508, %sub3A_521 : vector<16xi32>
        %jit3A_523 = arith.constant 5120 : i32
        %broadcast_in_dim3A_524 = vector.broadcast %jit3A_523 : i32 to vector<16xi32>
        %select_n3A_525 = arith.select %and3A_520, %sub3A_522, %broadcast_in_dim3A_524 : vector<16xi1>, vector<16xi32>
        %swap3A_526 = arith.constant 3 : i32
        %swap3A_527 = arith.constant 0 : i32
        %swap3A_528 = arith.index_cast %swap3A_526 : i32 to index
        %swap3A_529 = arith.index_cast %swap3A_527 : i32 to index
        %swap3A_530 = arith.constant 48 : index
        %swap3A_531 = tpu.vector_load %arg9[%swap3A_528, %swap3A_529, %swap3A_530] {strides = array<i32>} : memref<5x1x128xi32, #tpu.memory_space<vmem>>, vector<1x1x16xi32>,
        %swap3A_532 = vector.shape_cast %swap3A_531 : vector<1x1x16xi32> to vector<16xi32>
        %swap3A_533 = vector.shape_cast %select_n3A_525 : vector<16xi32> to vector<1x1x16xi32>
        tpu.vector_store %arg9[%swap3A_528, %swap3A_529, %swap3A_530], %swap3A_533 {strides = array<i32>} : memref<5x1x128xi32, #tpu.memory_space<vmem>>, vector<1x1x16xi32>,
        %get3A_534 = arith.constant 3 : i32
        %get3A_535 = arith.index_cast %get3A_534 : i32 to index
        %get3A_536 = arith.constant 64 : index
        %get3A_537 = tpu.vector_load %arg10[%get3A_535, %get3A_536] {strides = array<i32>} : memref<5x128xi32, #tpu.memory_space<vmem>>, vector<1x16xi32>,
        %get3A_538 = vector.shape_cast %get3A_537 : vector<1x16xi32> to vector<16xi32>
        %add3A_539 = arith.constant 64 : i32
        %add3A_540 = arith.addi %min3A_416, %add3A_539 : i32
        %add3A_541 = vector.broadcast %add3A_540 : i32 to vector<16xi32>
        %add3A_542 = arith.addi %add3A_541, %iota3A : vector<16xi32>
        %ge3A_543 = vector.broadcast %mul3A_237 : i32 to vector<16xi32>
        %ge3A_544 = arith.cmpi sge, %get3A_538, %ge3A_543 : vector<16xi32>
        %lt3A_545 = vector.broadcast %min3A_242 : i32 to vector<16xi32>
        %lt3A_546 = arith.cmpi slt, %get3A_538, %lt3A_545 : vector<16xi32>
        %and3A_547 = arith.andi %ge3A_544, %lt3A_546 : vector<16xi1>
        %ge3A_548 = vector.broadcast %add3A_414 : i32 to vector<16xi32>
        %ge3A_549 = arith.cmpi sge, %add3A_542, %ge3A_548 : vector<16xi32>
        %and3A_550 = arith.andi %and3A_547, %ge3A_549 : vector<16xi1>
        %sub3A_551 = vector.broadcast %mul3A_244 : i32 to vector<16xi32>
        %sub3A_552 = arith.subi %get3A_538, %sub3A_551 : vector<16xi32>
        %jit3A_553 = arith.constant 5120 : i32
        %broadcast_in_dim3A_554 = vector.broadcast %jit3A_553 : i32 to vector<16xi32>
        %select_n3A_555 = arith.select %and3A_550, %sub3A_552, %broadcast_in_dim3A_554 : vector<16xi1>, vector<16xi32>
        %swap3A_556 = arith.constant 3 : i32
        %swap3A_557 = arith.constant 0 : i32
        %swap3A_558 = arith.index_cast %swap3A_556 : i32 to index
        %swap3A_559 = arith.index_cast %swap3A_557 : i32 to index
        %swap3A_560 = arith.constant 64 : index
        %swap3A_561 = tpu.vector_load %arg9[%swap3A_558, %swap3A_559, %swap3A_560] {strides = array<i32>} : memref<5x1x128xi32, #tpu.memory_space<vmem>>, vector<1x1x16xi32>,
        %swap3A_562 = vector.shape_cast %swap3A_561 : vector<1x1x16xi32> to vector<16xi32>
        %swap3A_563 = vector.shape_cast %select_n3A_555 : vector<16xi32> to vector<1x1x16xi32>
        tpu.vector_store %arg9[%swap3A_558, %swap3A_559, %swap3A_560], %swap3A_563 {strides = array<i32>} : memref<5x1x128xi32, #tpu.memory_space<vmem>>, vector<1x1x16xi32>,
        %get3A_564 = arith.constant 3 : i32
        %get3A_565 = arith.index_cast %get3A_564 : i32 to index
        %get3A_566 = arith.constant 80 : index
        %get3A_567 = tpu.vector_load %arg10[%get3A_565, %get3A_566] {strides = array<i32>} : memref<5x128xi32, #tpu.memory_space<vmem>>, vector<1x16xi32>,
        %get3A_568 = vector.shape_cast %get3A_567 : vector<1x16xi32> to vector<16xi32>
        %add3A_569 = arith.constant 80 : i32
        %add3A_570 = arith.addi %min3A_416, %add3A_569 : i32
        %add3A_571 = vector.broadcast %add3A_570 : i32 to vector<16xi32>
        %add3A_572 = arith.addi %add3A_571, %iota3A : vector<16xi32>
        %ge3A_573 = vector.broadcast %mul3A_237 : i32 to vector<16xi32>
        %ge3A_574 = arith.cmpi sge, %get3A_568, %ge3A_573 : vector<16xi32>
        %lt3A_575 = vector.broadcast %min3A_242 : i32 to vector<16xi32>
        %lt3A_576 = arith.cmpi slt, %get3A_568, %lt3A_575 : vector<16xi32>
        %and3A_577 = arith.andi %ge3A_574, %lt3A_576 : vector<16xi1>
        %ge3A_578 = vector.broadcast %add3A_414 : i32 to vector<16xi32>
        %ge3A_579 = arith.cmpi sge, %add3A_572, %ge3A_578 : vector<16xi32>
        %and3A_580 = arith.andi %and3A_577, %ge3A_579 : vector<16xi1>
        %sub3A_581 = vector.broadcast %mul3A_244 : i32 to vector<16xi32>
        %sub3A_582 = arith.subi %get3A_568, %sub3A_581 : vector<16xi32>
        %jit3A_583 = arith.constant 5120 : i32
        %broadcast_in_dim3A_584 = vector.broadcast %jit3A_583 : i32 to vector<16xi32>
        %select_n3A_585 = arith.select %and3A_580, %sub3A_582, %broadcast_in_dim3A_584 : vector<16xi1>, vector<16xi32>
        %swap3A_586 = arith.constant 3 : i32
        %swap3A_587 = arith.constant 0 : i32
        %swap3A_588 = arith.index_cast %swap3A_586 : i32 to index
        %swap3A_589 = arith.index_cast %swap3A_587 : i32 to index
        %swap3A_590 = arith.constant 80 : index
        %swap3A_591 = tpu.vector_load %arg9[%swap3A_588, %swap3A_589, %swap3A_590] {strides = array<i32>} : memref<5x1x128xi32, #tpu.memory_space<vmem>>, vector<1x1x16xi32>,
        %swap3A_592 = vector.shape_cast %swap3A_591 : vector<1x1x16xi32> to vector<16xi32>
        %swap3A_593 = vector.shape_cast %select_n3A_585 : vector<16xi32> to vector<1x1x16xi32>
        tpu.vector_store %arg9[%swap3A_588, %swap3A_589, %swap3A_590], %swap3A_593 {strides = array<i32>} : memref<5x1x128xi32, #tpu.memory_space<vmem>>, vector<1x1x16xi32>,
        %get3A_594 = arith.constant 3 : i32
        %get3A_595 = arith.index_cast %get3A_594 : i32 to index
        %get3A_596 = arith.constant 96 : index
        %get3A_597 = tpu.vector_load %arg10[%get3A_595, %get3A_596] {strides = array<i32>} : memref<5x128xi32, #tpu.memory_space<vmem>>, vector<1x16xi32>,
        %get3A_598 = vector.shape_cast %get3A_597 : vector<1x16xi32> to vector<16xi32>
        %add3A_599 = arith.constant 96 : i32
        %add3A_600 = arith.addi %min3A_416, %add3A_599 : i32
        %add3A_601 = vector.broadcast %add3A_600 : i32 to vector<16xi32>
        %add3A_602 = arith.addi %add3A_601, %iota3A : vector<16xi32>
        %ge3A_603 = vector.broadcast %mul3A_237 : i32 to vector<16xi32>
        %ge3A_604 = arith.cmpi sge, %get3A_598, %ge3A_603 : vector<16xi32>
        %lt3A_605 = vector.broadcast %min3A_242 : i32 to vector<16xi32>
        %lt3A_606 = arith.cmpi slt, %get3A_598, %lt3A_605 : vector<16xi32>
        %and3A_607 = arith.andi %ge3A_604, %lt3A_606 : vector<16xi1>
        %ge3A_608 = vector.broadcast %add3A_414 : i32 to vector<16xi32>
        %ge3A_609 = arith.cmpi sge, %add3A_602, %ge3A_608 : vector<16xi32>
        %and3A_610 = arith.andi %and3A_607, %ge3A_609 : vector<16xi1>
        %sub3A_611 = vector.broadcast %mul3A_244 : i32 to vector<16xi32>
        %sub3A_612 = arith.subi %get3A_598, %sub3A_611 : vector<16xi32>
        %jit3A_613 = arith.constant 5120 : i32
        %broadcast_in_dim3A_614 = vector.broadcast %jit3A_613 : i32 to vector<16xi32>
        %select_n3A_615 = arith.select %and3A_610, %sub3A_612, %broadcast_in_dim3A_614 : vector<16xi1>, vector<16xi32>
        %swap3A_616 = arith.constant 3 : i32
        %swap3A_617 = arith.constant 0 : i32
        %swap3A_618 = arith.index_cast %swap3A_616 : i32 to index
        %swap3A_619 = arith.index_cast %swap3A_617 : i32 to index
        %swap3A_620 = arith.constant 96 : index
        %swap3A_621 = tpu.vector_load %arg9[%swap3A_618, %swap3A_619, %swap3A_620] {strides = array<i32>} : memref<5x1x128xi32, #tpu.memory_space<vmem>>, vector<1x1x16xi32>,
        %swap3A_622 = vector.shape_cast %swap3A_621 : vector<1x1x16xi32> to vector<16xi32>
        %swap3A_623 = vector.shape_cast %select_n3A_615 : vector<16xi32> to vector<1x1x16xi32>
        tpu.vector_store %arg9[%swap3A_618, %swap3A_619, %swap3A_620], %swap3A_623 {strides = array<i32>} : memref<5x1x128xi32, #tpu.memory_space<vmem>>, vector<1x1x16xi32>,
        %get3A_624 = arith.constant 3 : i32
        %get3A_625 = arith.index_cast %get3A_624 : i32 to index
        %get3A_626 = arith.constant 112 : index
        %get3A_627 = tpu.vector_load %arg10[%get3A_625, %get3A_626] {strides = array<i32>} : memref<5x128xi32, #tpu.memory_space<vmem>>, vector<1x16xi32>,
        %get3A_628 = vector.shape_cast %get3A_627 : vector<1x16xi32> to vector<16xi32>
        %add3A_629 = arith.constant 112 : i32
        %add3A_630 = arith.addi %min3A_416, %add3A_629 : i32
        %add3A_631 = vector.broadcast %add3A_630 : i32 to vector<16xi32>
        %add3A_632 = arith.addi %add3A_631, %iota3A : vector<16xi32>
        %ge3A_633 = vector.broadcast %mul3A_237 : i32 to vector<16xi32>
        %ge3A_634 = arith.cmpi sge, %get3A_628, %ge3A_633 : vector<16xi32>
        %lt3A_635 = vector.broadcast %min3A_242 : i32 to vector<16xi32>
        %lt3A_636 = arith.cmpi slt, %get3A_628, %lt3A_635 : vector<16xi32>
        %and3A_637 = arith.andi %ge3A_634, %lt3A_636 : vector<16xi1>
        %ge3A_638 = vector.broadcast %add3A_414 : i32 to vector<16xi32>
        %ge3A_639 = arith.cmpi sge, %add3A_632, %ge3A_638 : vector<16xi32>
        %and3A_640 = arith.andi %and3A_637, %ge3A_639 : vector<16xi1>
        %sub3A_641 = vector.broadcast %mul3A_244 : i32 to vector<16xi32>
        %sub3A_642 = arith.subi %get3A_628, %sub3A_641 : vector<16xi32>
        %jit3A_643 = arith.constant 5120 : i32
        %broadcast_in_dim3A_644 = vector.broadcast %jit3A_643 : i32 to vector<16xi32>
        %select_n3A_645 = arith.select %and3A_640, %sub3A_642, %broadcast_in_dim3A_644 : vector<16xi1>, vector<16xi32>
        %swap3A_646 = arith.constant 3 : i32
        %swap3A_647 = arith.constant 0 : i32
        %swap3A_648 = arith.index_cast %swap3A_646 : i32 to index
        %swap3A_649 = arith.index_cast %swap3A_647 : i32 to index
        %swap3A_650 = arith.constant 112 : index
        %swap3A_651 = tpu.vector_load %arg9[%swap3A_648, %swap3A_649, %swap3A_650] {strides = array<i32>} : memref<5x1x128xi32, #tpu.memory_space<vmem>>, vector<1x1x16xi32>,
        %swap3A_652 = vector.shape_cast %swap3A_651 : vector<1x1x16xi32> to vector<16xi32>
        %swap3A_653 = vector.shape_cast %select_n3A_645 : vector<16xi32> to vector<1x1x16xi32>
        tpu.vector_store %arg9[%swap3A_648, %swap3A_649, %swap3A_650], %swap3A_653 {strides = array<i32>} : memref<5x1x128xi32, #tpu.memory_space<vmem>>, vector<1x1x16xi32>,
        %run_scoped3A_654 = arith.constant 3 : i32
        %run_scoped3A_655 = arith.constant 3 : i32
        %run_scoped3A_656 = arith.constant 0 : i32
        "tpu.region"() ({
          %run_scoped3A_663 = tpu.sem_alloc : memref<!tpu.dma_semaphore, #tpu.memory_space<semaphore_mem>>
          %dma_start3A = arith.constant 0 : i32
          %dma_start3A_664 = arith.constant 0 : i32
          %dma_start3A_665 = tpu.memref_slice %arg8[%run_scoped3A_654, %dma_start3A, %dma_start3A_664] : memref<5x128x128xf32, #tpu.memory_space<vmem>> -> memref<1x128x128xf32, #tpu.memory_space<vmem>>
          %dma_start3A_666 = tpu.memref_squeeze %dma_start3A_665 : memref<1x128x128xf32, #tpu.memory_space<vmem>> -> memref<128x128xf32, #tpu.memory_space<vmem>>
          %dma_start3A_667 = arith.constant 0 : i32
          %dma_start3A_668 = tpu.memref_slice %arg9[%run_scoped3A_655, %run_scoped3A_656, %dma_start3A_667] : memref<5x1x128xi32, #tpu.memory_space<vmem>> -> memref<1x1x128xi32, #tpu.memory_space<vmem>>
          %dma_start3A_669 = tpu.memref_squeeze %dma_start3A_668 : memref<1x1x128xi32, #tpu.memory_space<vmem>> -> memref<128xi32, #tpu.memory_space<vmem>>
          %dma_start3A_670 = arith.constant 0 : i32
          %dma_start3A_671 = arith.constant 0 : i32
          %dma_start3A_672 = tpu.memref_slice %arg11[%dma_start3A_670, %dma_start3A_671] : memref<5128x128xf32, #tpu.memory_space<vmem_shared>> -> memref<5128x128xf32, #tpu.memory_space<vmem_shared>>
          tpu.enqueue_indirect_dma source(%dma_start3A_666 : memref<128x128xf32, #tpu.memory_space<vmem>>) target(%dma_start3A_672 : memref<5128x128xf32, #tpu.memory_space<vmem_shared>>) offsets(%dma_start3A_669 : memref<128xi32, #tpu.memory_space<vmem>>) semaphore(%run_scoped3A_663 : memref<!tpu.dma_semaphore, #tpu.memory_space<semaphore_mem>>) {add = true}
          %dma_wait3A_673 = arith.constant 0 : i32
          %dma_wait3A_674 = arith.constant 0 : i32
          %dma_wait3A_675 = tpu.memref_slice %arg8[%run_scoped3A_654, %dma_wait3A_673, %dma_wait3A_674] : memref<5x128x128xf32, #tpu.memory_space<vmem>> -> memref<1x128x128xf32, #tpu.memory_space<vmem>>
          %dma_wait3A_676 = tpu.memref_squeeze %dma_wait3A_675 : memref<1x128x128xf32, #tpu.memory_space<vmem>> -> memref<128x128xf32, #tpu.memory_space<vmem>>
          %dma_wait3A_677 = arith.constant 0 : i32
          %dma_wait3A_678 = tpu.memref_slice %arg9[%run_scoped3A_655, %run_scoped3A_656, %dma_wait3A_677] : memref<5x1x128xi32, #tpu.memory_space<vmem>> -> memref<1x1x128xi32, #tpu.memory_space<vmem>>
          %dma_wait3A_679 = tpu.memref_squeeze %dma_wait3A_678 : memref<1x1x128xi32, #tpu.memory_space<vmem>> -> memref<128xi32, #tpu.memory_space<vmem>>
          %dma_wait3A_680 = arith.constant 0 : i32
          %dma_wait3A_681 = arith.constant 0 : i32
          %dma_wait3A_682 = tpu.memref_slice %arg11[%dma_wait3A_680, %dma_wait3A_681] : memref<5128x128xf32, #tpu.memory_space<vmem_shared>> -> memref<5128x128xf32, #tpu.memory_space<vmem_shared>>
          tpu.wait_indirect_dma semaphore(%run_scoped3A_663 : memref<!tpu.dma_semaphore, #tpu.memory_space<semaphore_mem>>) src(%dma_wait3A_676 : memref<128x128xf32, #tpu.memory_space<vmem>>) dst(%dma_wait3A_682 : memref<5128x128xf32, #tpu.memory_space<vmem_shared>>)
          tpu.yield
        }) : () -> ()
        %add3A_657 = arith.constant 5 : i32
        %add3A_658 = arith.addi %add3A_368, %add3A_657 : i32
        %lt3A_659 = arith.cmpi slt, %add3A_658, %select_n3A_235 : i32
        %convert_element_type3A_660 = arith.extui %lt3A_659 : i1 to i32
        %cond3A_661 = arith.constant 0 : i32
        %cond3A_662 = arith.cmpi ne, %convert_element_type3A_660, %cond3A_661 : i32
        scf.if %cond3A_662 {
          %add3A_663 = arith.constant 5 : i32
          %add3A_664 = arith.addi %add3A_368, %add3A_663 : i32
          %mul3A_665 = arith.constant 128 : i32
          %mul3A_666 = arith.muli %add3A_664, %mul3A_665 : i32
          %add3A_667 = arith.addi %mul3A_180, %mul3A_666 : i32
          %min3A_668 = arith.constant 319872 : i32
          %min3A_669 = arith.minsi %add3A_667, %min3A_668 : i32
          %multiple_of3A = tpu.assume_multiple %min3A_669, 8 : i32
          %dma_start3A = arith.constant 3 : i32
          %dma_start3A_670 = arith.constant 3 : i32
          %dma_start3A_671 = arith.constant 0 : i32
          %dma_start3A_672 = arith.constant 0 : i32
          %dma_start3A_673 = tpu.memref_slice %arg8[%dma_start3A, %dma_start3A_671, %dma_start3A_672] : memref<5x128x128xf32, #tpu.memory_space<vmem>> -> memref<1x128x128xf32, #tpu.memory_space<vmem>>
          %dma_start3A_674 = tpu.memref_squeeze %dma_start3A_673 : memref<1x128x128xf32, #tpu.memory_space<vmem>> -> memref<128x128xf32, #tpu.memory_space<vmem>>
          %dma_start3A_675 = arith.constant 0 : i32
          %dma_start3A_676 = tpu.memref_slice %arg2[%multiple_of3A, %dma_start3A_675] : memref<320000x128xf32, #tpu.memory_space<hbm>> -> memref<128x128xf32, #tpu.memory_space<hbm>>
          %dma_start3A_677 = tpu.memref_slice %arg12[%dma_start3A_670] : memref<5x!tpu.dma_semaphore, #tpu.memory_space<semaphore_mem>> -> memref<1x!tpu.dma_semaphore, #tpu.memory_space<semaphore_mem>>
          %dma_start3A_678 = tpu.memref_squeeze %dma_start3A_677 : memref<1x!tpu.dma_semaphore, #tpu.memory_space<semaphore_mem>> -> memref<!tpu.dma_semaphore, #tpu.memory_space<semaphore_mem>>
          %dma_start3A_679 = arith.constant 0 : i32
          %dma_start3A_680 = arith.constant 0 : i32
          %dma_start3A_681 = tpu.memref_slice %arg8[%dma_start3A, %dma_start3A_679, %dma_start3A_680] : memref<5x128x128xf32, #tpu.memory_space<vmem>> -> memref<1x128x128xf32, #tpu.memory_space<vmem>>
          %dma_start3A_682 = tpu.memref_squeeze %dma_start3A_681 : memref<1x128x128xf32, #tpu.memory_space<vmem>> -> memref<128x128xf32, #tpu.memory_space<vmem>>
          %dma_start3A_683 = arith.constant 0 : i32
          %dma_start3A_684 = tpu.memref_slice %arg2[%multiple_of3A, %dma_start3A_683] : memref<320000x128xf32, #tpu.memory_space<hbm>> -> memref<128x128xf32, #tpu.memory_space<hbm>>
          tpu.enqueue_dma source(%dma_start3A_684 : memref<128x128xf32, #tpu.memory_space<hbm>>) target(%dma_start3A_682 : memref<128x128xf32, #tpu.memory_space<vmem>>) target_semaphore(%dma_start3A_678 : memref<!tpu.dma_semaphore, #tpu.memory_space<semaphore_mem>>)
          %dma_start3A_685 = arith.constant 3 : i32
          %dma_start3A_686 = arith.constant 3 : i32
          %dma_start3A_687 = arith.constant 0 : i32
          %dma_start3A_688 = tpu.memref_slice %arg10[%dma_start3A_685, %dma_start3A_687] : memref<5x128xi32, #tpu.memory_space<vmem>> -> memref<1x128xi32, #tpu.memory_space<vmem>>
          %dma_start3A_689 = tpu.memref_squeeze %dma_start3A_688 : memref<1x128xi32, #tpu.memory_space<vmem>> -> memref<128xi32, #tpu.memory_space<vmem>>
          %dma_start3A_690 = tpu.memref_slice %arg3[%multiple_of3A] : memref<320000xi32, #tpu.memory_space<hbm>> -> memref<128xi32, #tpu.memory_space<hbm>>
          %dma_start3A_691 = tpu.memref_slice %arg12[%dma_start3A_686] : memref<5x!tpu.dma_semaphore, #tpu.memory_space<semaphore_mem>> -> memref<1x!tpu.dma_semaphore, #tpu.memory_space<semaphore_mem>>
          %dma_start3A_692 = tpu.memref_squeeze %dma_start3A_691 : memref<1x!tpu.dma_semaphore, #tpu.memory_space<semaphore_mem>> -> memref<!tpu.dma_semaphore, #tpu.memory_space<semaphore_mem>>
          %dma_start3A_693 = arith.constant 0 : i32
          %dma_start3A_694 = tpu.memref_slice %arg10[%dma_start3A_685, %dma_start3A_693] : memref<5x128xi32, #tpu.memory_space<vmem>> -> memref<1x128xi32, #tpu.memory_space<vmem>>
          %dma_start3A_695 = tpu.memref_squeeze %dma_start3A_694 : memref<1x128xi32, #tpu.memory_space<vmem>> -> memref<128xi32, #tpu.memory_space<vmem>>
          %dma_start3A_696 = tpu.memref_slice %arg3[%multiple_of3A] : memref<320000xi32, #tpu.memory_space<hbm>> -> memref<128xi32, #tpu.memory_space<hbm>>
          tpu.enqueue_dma source(%dma_start3A_696 : memref<128xi32, #tpu.memory_space<hbm>>) target(%dma_start3A_695 : memref<128xi32, #tpu.memory_space<vmem>>) target_semaphore(%dma_start3A_692 : memref<!tpu.dma_semaphore, #tpu.memory_space<semaphore_mem>>)
        } else {
        }
      } else {
      }
      %mul3A_373 = arith.constant 5 : i32
      %mul3A_374 = arith.muli %while3A_340, %mul3A_373 : i32
      %add3A_375 = arith.constant 4 : i32
      %add3A_376 = arith.addi %mul3A_374, %add3A_375 : i32
      %lt3A_377 = arith.cmpi slt, %add3A_376, %select_n3A_235 : i32
      %convert_element_type3A_378 = arith.extui %lt3A_377 : i1 to i32
      %cond3A_379 = arith.constant 0 : i32
      %cond3A_380 = arith.cmpi ne, %convert_element_type3A_378, %cond3A_379 : i32
      scf.if %cond3A_380 {
        %dma_wait3A = arith.constant 4 : i32
        %dma_wait3A_381 = arith.constant 4 : i32
        %dma_wait3A_382 = arith.constant 0 : i32
        %dma_wait3A_383 = arith.constant 0 : i32
        %dma_wait3A_384 = tpu.memref_slice %arg8[%dma_wait3A, %dma_wait3A_382, %dma_wait3A_383] : memref<5x128x128xf32, #tpu.memory_space<vmem>> -> memref<1x128x128xf32, #tpu.memory_space<vmem>>
        %dma_wait3A_385 = tpu.memref_squeeze %dma_wait3A_384 : memref<1x128x128xf32, #tpu.memory_space<vmem>> -> memref<128x128xf32, #tpu.memory_space<vmem>>
        %dma_wait3A_386 = arith.constant 0 : i32
        %dma_wait3A_387 = arith.constant 0 : i32
        %dma_wait3A_388 = tpu.memref_slice %arg2[%dma_wait3A_386, %dma_wait3A_387] : memref<320000x128xf32, #tpu.memory_space<hbm>> -> memref<128x128xf32, #tpu.memory_space<hbm>>
        %dma_wait3A_389 = tpu.memref_slice %arg12[%dma_wait3A_381] : memref<5x!tpu.dma_semaphore, #tpu.memory_space<semaphore_mem>> -> memref<1x!tpu.dma_semaphore, #tpu.memory_space<semaphore_mem>>
        %dma_wait3A_390 = tpu.memref_squeeze %dma_wait3A_389 : memref<1x!tpu.dma_semaphore, #tpu.memory_space<semaphore_mem>> -> memref<!tpu.dma_semaphore, #tpu.memory_space<semaphore_mem>>
        %dma_wait3A_391 = arith.constant 0 : i32
        %dma_wait3A_392 = arith.constant 0 : i32
        %dma_wait3A_393 = tpu.memref_slice %arg8[%dma_wait3A, %dma_wait3A_391, %dma_wait3A_392] : memref<5x128x128xf32, #tpu.memory_space<vmem>> -> memref<1x128x128xf32, #tpu.memory_space<vmem>>
        %dma_wait3A_394 = tpu.memref_squeeze %dma_wait3A_393 : memref<1x128x128xf32, #tpu.memory_space<vmem>> -> memref<128x128xf32, #tpu.memory_space<vmem>>
        %dma_wait3A_395 = arith.constant 0 : i32
        %dma_wait3A_396 = arith.constant 0 : i32
        %dma_wait3A_397 = tpu.memref_slice %arg2[%dma_wait3A_395, %dma_wait3A_396] : memref<320000x128xf32, #tpu.memory_space<hbm>> -> memref<128x128xf32, #tpu.memory_space<hbm>>
        tpu.wait_dma2 semaphore(%dma_wait3A_390 : memref<!tpu.dma_semaphore, #tpu.memory_space<semaphore_mem>>) src(%dma_wait3A_397 : memref<128x128xf32, #tpu.memory_space<hbm>>) dst(%dma_wait3A_394 : memref<128x128xf32, #tpu.memory_space<vmem>>)
        %dma_wait3A_398 = arith.constant 4 : i32
        %dma_wait3A_399 = arith.constant 4 : i32
        %dma_wait3A_400 = arith.constant 0 : i32
        %dma_wait3A_401 = tpu.memref_slice %arg10[%dma_wait3A_398, %dma_wait3A_400] : memref<5x128xi32, #tpu.memory_space<vmem>> -> memref<1x128xi32, #tpu.memory_space<vmem>>
        %dma_wait3A_402 = tpu.memref_squeeze %dma_wait3A_401 : memref<1x128xi32, #tpu.memory_space<vmem>> -> memref<128xi32, #tpu.memory_space<vmem>>
        %dma_wait3A_403 = arith.constant 0 : i32
        %dma_wait3A_404 = tpu.memref_slice %arg3[%dma_wait3A_403] : memref<320000xi32, #tpu.memory_space<hbm>> -> memref<128xi32, #tpu.memory_space<hbm>>
        %dma_wait3A_405 = tpu.memref_slice %arg12[%dma_wait3A_399] : memref<5x!tpu.dma_semaphore, #tpu.memory_space<semaphore_mem>> -> memref<1x!tpu.dma_semaphore, #tpu.memory_space<semaphore_mem>>
        %dma_wait3A_406 = tpu.memref_squeeze %dma_wait3A_405 : memref<1x!tpu.dma_semaphore, #tpu.memory_space<semaphore_mem>> -> memref<!tpu.dma_semaphore, #tpu.memory_space<semaphore_mem>>
        %dma_wait3A_407 = arith.constant 0 : i32
        %dma_wait3A_408 = tpu.memref_slice %arg10[%dma_wait3A_398, %dma_wait3A_407] : memref<5x128xi32, #tpu.memory_space<vmem>> -> memref<1x128xi32, #tpu.memory_space<vmem>>
        %dma_wait3A_409 = tpu.memref_squeeze %dma_wait3A_408 : memref<1x128xi32, #tpu.memory_space<vmem>> -> memref<128xi32, #tpu.memory_space<vmem>>
        %dma_wait3A_410 = arith.constant 0 : i32
        %dma_wait3A_411 = tpu.memref_slice %arg3[%dma_wait3A_410] : memref<320000xi32, #tpu.memory_space<hbm>> -> memref<128xi32, #tpu.memory_space<hbm>>
        tpu.wait_dma2 semaphore(%dma_wait3A_406 : memref<!tpu.dma_semaphore, #tpu.memory_space<semaphore_mem>>) src(%dma_wait3A_411 : memref<128xi32, #tpu.memory_space<hbm>>) dst(%dma_wait3A_409 : memref<128xi32, #tpu.memory_space<vmem>>)
        %mul3A_412 = arith.constant 128 : i32
        %mul3A_413 = arith.muli %add3A_376, %mul3A_412 : i32
        %add3A_414 = arith.addi %mul3A_180, %mul3A_413 : i32
        %min3A_415 = arith.constant 319872 : i32
        %min3A_416 = arith.minsi %add3A_414, %min3A_415 : i32
        %get3A_417 = arith.constant 4 : i32
        %get3A_418 = arith.index_cast %get3A_417 : i32 to index
        %get3A_419 = arith.constant 0 : index
        %get3A_420 = tpu.vector_load %arg10[%get3A_418, %get3A_419] {strides = array<i32>} : memref<5x128xi32, #tpu.memory_space<vmem>>, vector<1x16xi32>,
        %get3A_421 = vector.shape_cast %get3A_420 : vector<1x16xi32> to vector<16xi32>
        %add3A_422 = arith.constant 0 : i32
        %add3A_423 = arith.addi %min3A_416, %add3A_422 : i32
        %add3A_424 = vector.broadcast %add3A_423 : i32 to vector<16xi32>
        %add3A_425 = arith.addi %add3A_424, %iota3A : vector<16xi32>
        %ge3A = vector.broadcast %mul3A_237 : i32 to vector<16xi32>
        %ge3A_426 = arith.cmpi sge, %get3A_421, %ge3A : vector<16xi32>
        %lt3A_427 = vector.broadcast %min3A_242 : i32 to vector<16xi32>
        %lt3A_428 = arith.cmpi slt, %get3A_421, %lt3A_427 : vector<16xi32>
        %and3A_429 = arith.andi %ge3A_426, %lt3A_428 : vector<16xi1>
        %ge3A_430 = vector.broadcast %add3A_414 : i32 to vector<16xi32>
        %ge3A_431 = arith.cmpi sge, %add3A_425, %ge3A_430 : vector<16xi32>
        %and3A_432 = arith.andi %and3A_429, %ge3A_431 : vector<16xi1>
        %sub3A_433 = vector.broadcast %mul3A_244 : i32 to vector<16xi32>
        %sub3A_434 = arith.subi %get3A_421, %sub3A_433 : vector<16xi32>
        %jit3A_435 = arith.constant 5120 : i32
        %broadcast_in_dim3A = vector.broadcast %jit3A_435 : i32 to vector<16xi32>
        %select_n3A_436 = arith.select %and3A_432, %sub3A_434, %broadcast_in_dim3A : vector<16xi1>, vector<16xi32>
        %swap3A = arith.constant 4 : i32
        %swap3A_437 = arith.constant 0 : i32
        %swap3A_438 = arith.index_cast %swap3A : i32 to index
        %swap3A_439 = arith.index_cast %swap3A_437 : i32 to index
        %swap3A_440 = arith.constant 0 : index
        %swap3A_441 = tpu.vector_load %arg9[%swap3A_438, %swap3A_439, %swap3A_440] {strides = array<i32>} : memref<5x1x128xi32, #tpu.memory_space<vmem>>, vector<1x1x16xi32>,
        %swap3A_442 = vector.shape_cast %swap3A_441 : vector<1x1x16xi32> to vector<16xi32>
        %swap3A_443 = vector.shape_cast %select_n3A_436 : vector<16xi32> to vector<1x1x16xi32>
        tpu.vector_store %arg9[%swap3A_438, %swap3A_439, %swap3A_440], %swap3A_443 {strides = array<i32>} : memref<5x1x128xi32, #tpu.memory_space<vmem>>, vector<1x1x16xi32>,
        %get3A_444 = arith.constant 4 : i32
        %get3A_445 = arith.index_cast %get3A_444 : i32 to index
        %get3A_446 = arith.constant 16 : index
        %get3A_447 = tpu.vector_load %arg10[%get3A_445, %get3A_446] {strides = array<i32>} : memref<5x128xi32, #tpu.memory_space<vmem>>, vector<1x16xi32>,
        %get3A_448 = vector.shape_cast %get3A_447 : vector<1x16xi32> to vector<16xi32>
        %add3A_449 = arith.constant 16 : i32
        %add3A_450 = arith.addi %min3A_416, %add3A_449 : i32
        %add3A_451 = vector.broadcast %add3A_450 : i32 to vector<16xi32>
        %add3A_452 = arith.addi %add3A_451, %iota3A : vector<16xi32>
        %ge3A_453 = vector.broadcast %mul3A_237 : i32 to vector<16xi32>
        %ge3A_454 = arith.cmpi sge, %get3A_448, %ge3A_453 : vector<16xi32>
        %lt3A_455 = vector.broadcast %min3A_242 : i32 to vector<16xi32>
        %lt3A_456 = arith.cmpi slt, %get3A_448, %lt3A_455 : vector<16xi32>
        %and3A_457 = arith.andi %ge3A_454, %lt3A_456 : vector<16xi1>
        %ge3A_458 = vector.broadcast %add3A_414 : i32 to vector<16xi32>
        %ge3A_459 = arith.cmpi sge, %add3A_452, %ge3A_458 : vector<16xi32>
        %and3A_460 = arith.andi %and3A_457, %ge3A_459 : vector<16xi1>
        %sub3A_461 = vector.broadcast %mul3A_244 : i32 to vector<16xi32>
        %sub3A_462 = arith.subi %get3A_448, %sub3A_461 : vector<16xi32>
        %jit3A_463 = arith.constant 5120 : i32
        %broadcast_in_dim3A_464 = vector.broadcast %jit3A_463 : i32 to vector<16xi32>
        %select_n3A_465 = arith.select %and3A_460, %sub3A_462, %broadcast_in_dim3A_464 : vector<16xi1>, vector<16xi32>
        %swap3A_466 = arith.constant 4 : i32
        %swap3A_467 = arith.constant 0 : i32
        %swap3A_468 = arith.index_cast %swap3A_466 : i32 to index
        %swap3A_469 = arith.index_cast %swap3A_467 : i32 to index
        %swap3A_470 = arith.constant 16 : index
        %swap3A_471 = tpu.vector_load %arg9[%swap3A_468, %swap3A_469, %swap3A_470] {strides = array<i32>} : memref<5x1x128xi32, #tpu.memory_space<vmem>>, vector<1x1x16xi32>,
        %swap3A_472 = vector.shape_cast %swap3A_471 : vector<1x1x16xi32> to vector<16xi32>
        %swap3A_473 = vector.shape_cast %select_n3A_465 : vector<16xi32> to vector<1x1x16xi32>
        tpu.vector_store %arg9[%swap3A_468, %swap3A_469, %swap3A_470], %swap3A_473 {strides = array<i32>} : memref<5x1x128xi32, #tpu.memory_space<vmem>>, vector<1x1x16xi32>,
        %get3A_474 = arith.constant 4 : i32
        %get3A_475 = arith.index_cast %get3A_474 : i32 to index
        %get3A_476 = arith.constant 32 : index
        %get3A_477 = tpu.vector_load %arg10[%get3A_475, %get3A_476] {strides = array<i32>} : memref<5x128xi32, #tpu.memory_space<vmem>>, vector<1x16xi32>,
        %get3A_478 = vector.shape_cast %get3A_477 : vector<1x16xi32> to vector<16xi32>
        %add3A_479 = arith.constant 32 : i32
        %add3A_480 = arith.addi %min3A_416, %add3A_479 : i32
        %add3A_481 = vector.broadcast %add3A_480 : i32 to vector<16xi32>
        %add3A_482 = arith.addi %add3A_481, %iota3A : vector<16xi32>
        %ge3A_483 = vector.broadcast %mul3A_237 : i32 to vector<16xi32>
        %ge3A_484 = arith.cmpi sge, %get3A_478, %ge3A_483 : vector<16xi32>
        %lt3A_485 = vector.broadcast %min3A_242 : i32 to vector<16xi32>
        %lt3A_486 = arith.cmpi slt, %get3A_478, %lt3A_485 : vector<16xi32>
        %and3A_487 = arith.andi %ge3A_484, %lt3A_486 : vector<16xi1>
        %ge3A_488 = vector.broadcast %add3A_414 : i32 to vector<16xi32>
        %ge3A_489 = arith.cmpi sge, %add3A_482, %ge3A_488 : vector<16xi32>
        %and3A_490 = arith.andi %and3A_487, %ge3A_489 : vector<16xi1>
        %sub3A_491 = vector.broadcast %mul3A_244 : i32 to vector<16xi32>
        %sub3A_492 = arith.subi %get3A_478, %sub3A_491 : vector<16xi32>
        %jit3A_493 = arith.constant 5120 : i32
        %broadcast_in_dim3A_494 = vector.broadcast %jit3A_493 : i32 to vector<16xi32>
        %select_n3A_495 = arith.select %and3A_490, %sub3A_492, %broadcast_in_dim3A_494 : vector<16xi1>, vector<16xi32>
        %swap3A_496 = arith.constant 4 : i32
        %swap3A_497 = arith.constant 0 : i32
        %swap3A_498 = arith.index_cast %swap3A_496 : i32 to index
        %swap3A_499 = arith.index_cast %swap3A_497 : i32 to index
        %swap3A_500 = arith.constant 32 : index
        %swap3A_501 = tpu.vector_load %arg9[%swap3A_498, %swap3A_499, %swap3A_500] {strides = array<i32>} : memref<5x1x128xi32, #tpu.memory_space<vmem>>, vector<1x1x16xi32>,
        %swap3A_502 = vector.shape_cast %swap3A_501 : vector<1x1x16xi32> to vector<16xi32>
        %swap3A_503 = vector.shape_cast %select_n3A_495 : vector<16xi32> to vector<1x1x16xi32>
        tpu.vector_store %arg9[%swap3A_498, %swap3A_499, %swap3A_500], %swap3A_503 {strides = array<i32>} : memref<5x1x128xi32, #tpu.memory_space<vmem>>, vector<1x1x16xi32>,
        %get3A_504 = arith.constant 4 : i32
        %get3A_505 = arith.index_cast %get3A_504 : i32 to index
        %get3A_506 = arith.constant 48 : index
        %get3A_507 = tpu.vector_load %arg10[%get3A_505, %get3A_506] {strides = array<i32>} : memref<5x128xi32, #tpu.memory_space<vmem>>, vector<1x16xi32>,
        %get3A_508 = vector.shape_cast %get3A_507 : vector<1x16xi32> to vector<16xi32>
        %add3A_509 = arith.constant 48 : i32
        %add3A_510 = arith.addi %min3A_416, %add3A_509 : i32
        %add3A_511 = vector.broadcast %add3A_510 : i32 to vector<16xi32>
        %add3A_512 = arith.addi %add3A_511, %iota3A : vector<16xi32>
        %ge3A_513 = vector.broadcast %mul3A_237 : i32 to vector<16xi32>
        %ge3A_514 = arith.cmpi sge, %get3A_508, %ge3A_513 : vector<16xi32>
        %lt3A_515 = vector.broadcast %min3A_242 : i32 to vector<16xi32>
        %lt3A_516 = arith.cmpi slt, %get3A_508, %lt3A_515 : vector<16xi32>
        %and3A_517 = arith.andi %ge3A_514, %lt3A_516 : vector<16xi1>
        %ge3A_518 = vector.broadcast %add3A_414 : i32 to vector<16xi32>
        %ge3A_519 = arith.cmpi sge, %add3A_512, %ge3A_518 : vector<16xi32>
        %and3A_520 = arith.andi %and3A_517, %ge3A_519 : vector<16xi1>
        %sub3A_521 = vector.broadcast %mul3A_244 : i32 to vector<16xi32>
        %sub3A_522 = arith.subi %get3A_508, %sub3A_521 : vector<16xi32>
        %jit3A_523 = arith.constant 5120 : i32
        %broadcast_in_dim3A_524 = vector.broadcast %jit3A_523 : i32 to vector<16xi32>
        %select_n3A_525 = arith.select %and3A_520, %sub3A_522, %broadcast_in_dim3A_524 : vector<16xi1>, vector<16xi32>
        %swap3A_526 = arith.constant 4 : i32
        %swap3A_527 = arith.constant 0 : i32
        %swap3A_528 = arith.index_cast %swap3A_526 : i32 to index
        %swap3A_529 = arith.index_cast %swap3A_527 : i32 to index
        %swap3A_530 = arith.constant 48 : index
        %swap3A_531 = tpu.vector_load %arg9[%swap3A_528, %swap3A_529, %swap3A_530] {strides = array<i32>} : memref<5x1x128xi32, #tpu.memory_space<vmem>>, vector<1x1x16xi32>,
        %swap3A_532 = vector.shape_cast %swap3A_531 : vector<1x1x16xi32> to vector<16xi32>
        %swap3A_533 = vector.shape_cast %select_n3A_525 : vector<16xi32> to vector<1x1x16xi32>
        tpu.vector_store %arg9[%swap3A_528, %swap3A_529, %swap3A_530], %swap3A_533 {strides = array<i32>} : memref<5x1x128xi32, #tpu.memory_space<vmem>>, vector<1x1x16xi32>,
        %get3A_534 = arith.constant 4 : i32
        %get3A_535 = arith.index_cast %get3A_534 : i32 to index
        %get3A_536 = arith.constant 64 : index
        %get3A_537 = tpu.vector_load %arg10[%get3A_535, %get3A_536] {strides = array<i32>} : memref<5x128xi32, #tpu.memory_space<vmem>>, vector<1x16xi32>,
        %get3A_538 = vector.shape_cast %get3A_537 : vector<1x16xi32> to vector<16xi32>
        %add3A_539 = arith.constant 64 : i32
        %add3A_540 = arith.addi %min3A_416, %add3A_539 : i32
        %add3A_541 = vector.broadcast %add3A_540 : i32 to vector<16xi32>
        %add3A_542 = arith.addi %add3A_541, %iota3A : vector<16xi32>
        %ge3A_543 = vector.broadcast %mul3A_237 : i32 to vector<16xi32>
        %ge3A_544 = arith.cmpi sge, %get3A_538, %ge3A_543 : vector<16xi32>
        %lt3A_545 = vector.broadcast %min3A_242 : i32 to vector<16xi32>
        %lt3A_546 = arith.cmpi slt, %get3A_538, %lt3A_545 : vector<16xi32>
        %and3A_547 = arith.andi %ge3A_544, %lt3A_546 : vector<16xi1>
        %ge3A_548 = vector.broadcast %add3A_414 : i32 to vector<16xi32>
        %ge3A_549 = arith.cmpi sge, %add3A_542, %ge3A_548 : vector<16xi32>
        %and3A_550 = arith.andi %and3A_547, %ge3A_549 : vector<16xi1>
        %sub3A_551 = vector.broadcast %mul3A_244 : i32 to vector<16xi32>
        %sub3A_552 = arith.subi %get3A_538, %sub3A_551 : vector<16xi32>
        %jit3A_553 = arith.constant 5120 : i32
        %broadcast_in_dim3A_554 = vector.broadcast %jit3A_553 : i32 to vector<16xi32>
        %select_n3A_555 = arith.select %and3A_550, %sub3A_552, %broadcast_in_dim3A_554 : vector<16xi1>, vector<16xi32>
        %swap3A_556 = arith.constant 4 : i32
        %swap3A_557 = arith.constant 0 : i32
        %swap3A_558 = arith.index_cast %swap3A_556 : i32 to index
        %swap3A_559 = arith.index_cast %swap3A_557 : i32 to index
        %swap3A_560 = arith.constant 64 : index
        %swap3A_561 = tpu.vector_load %arg9[%swap3A_558, %swap3A_559, %swap3A_560] {strides = array<i32>} : memref<5x1x128xi32, #tpu.memory_space<vmem>>, vector<1x1x16xi32>,
        %swap3A_562 = vector.shape_cast %swap3A_561 : vector<1x1x16xi32> to vector<16xi32>
        %swap3A_563 = vector.shape_cast %select_n3A_555 : vector<16xi32> to vector<1x1x16xi32>
        tpu.vector_store %arg9[%swap3A_558, %swap3A_559, %swap3A_560], %swap3A_563 {strides = array<i32>} : memref<5x1x128xi32, #tpu.memory_space<vmem>>, vector<1x1x16xi32>,
        %get3A_564 = arith.constant 4 : i32
        %get3A_565 = arith.index_cast %get3A_564 : i32 to index
        %get3A_566 = arith.constant 80 : index
        %get3A_567 = tpu.vector_load %arg10[%get3A_565, %get3A_566] {strides = array<i32>} : memref<5x128xi32, #tpu.memory_space<vmem>>, vector<1x16xi32>,
        %get3A_568 = vector.shape_cast %get3A_567 : vector<1x16xi32> to vector<16xi32>
        %add3A_569 = arith.constant 80 : i32
        %add3A_570 = arith.addi %min3A_416, %add3A_569 : i32
        %add3A_571 = vector.broadcast %add3A_570 : i32 to vector<16xi32>
        %add3A_572 = arith.addi %add3A_571, %iota3A : vector<16xi32>
        %ge3A_573 = vector.broadcast %mul3A_237 : i32 to vector<16xi32>
        %ge3A_574 = arith.cmpi sge, %get3A_568, %ge3A_573 : vector<16xi32>
        %lt3A_575 = vector.broadcast %min3A_242 : i32 to vector<16xi32>
        %lt3A_576 = arith.cmpi slt, %get3A_568, %lt3A_575 : vector<16xi32>
        %and3A_577 = arith.andi %ge3A_574, %lt3A_576 : vector<16xi1>
        %ge3A_578 = vector.broadcast %add3A_414 : i32 to vector<16xi32>
        %ge3A_579 = arith.cmpi sge, %add3A_572, %ge3A_578 : vector<16xi32>
        %and3A_580 = arith.andi %and3A_577, %ge3A_579 : vector<16xi1>
        %sub3A_581 = vector.broadcast %mul3A_244 : i32 to vector<16xi32>
        %sub3A_582 = arith.subi %get3A_568, %sub3A_581 : vector<16xi32>
        %jit3A_583 = arith.constant 5120 : i32
        %broadcast_in_dim3A_584 = vector.broadcast %jit3A_583 : i32 to vector<16xi32>
        %select_n3A_585 = arith.select %and3A_580, %sub3A_582, %broadcast_in_dim3A_584 : vector<16xi1>, vector<16xi32>
        %swap3A_586 = arith.constant 4 : i32
        %swap3A_587 = arith.constant 0 : i32
        %swap3A_588 = arith.index_cast %swap3A_586 : i32 to index
        %swap3A_589 = arith.index_cast %swap3A_587 : i32 to index
        %swap3A_590 = arith.constant 80 : index
        %swap3A_591 = tpu.vector_load %arg9[%swap3A_588, %swap3A_589, %swap3A_590] {strides = array<i32>} : memref<5x1x128xi32, #tpu.memory_space<vmem>>, vector<1x1x16xi32>,
        %swap3A_592 = vector.shape_cast %swap3A_591 : vector<1x1x16xi32> to vector<16xi32>
        %swap3A_593 = vector.shape_cast %select_n3A_585 : vector<16xi32> to vector<1x1x16xi32>
        tpu.vector_store %arg9[%swap3A_588, %swap3A_589, %swap3A_590], %swap3A_593 {strides = array<i32>} : memref<5x1x128xi32, #tpu.memory_space<vmem>>, vector<1x1x16xi32>,
        %get3A_594 = arith.constant 4 : i32
        %get3A_595 = arith.index_cast %get3A_594 : i32 to index
        %get3A_596 = arith.constant 96 : index
        %get3A_597 = tpu.vector_load %arg10[%get3A_595, %get3A_596] {strides = array<i32>} : memref<5x128xi32, #tpu.memory_space<vmem>>, vector<1x16xi32>,
        %get3A_598 = vector.shape_cast %get3A_597 : vector<1x16xi32> to vector<16xi32>
        %add3A_599 = arith.constant 96 : i32
        %add3A_600 = arith.addi %min3A_416, %add3A_599 : i32
        %add3A_601 = vector.broadcast %add3A_600 : i32 to vector<16xi32>
        %add3A_602 = arith.addi %add3A_601, %iota3A : vector<16xi32>
        %ge3A_603 = vector.broadcast %mul3A_237 : i32 to vector<16xi32>
        %ge3A_604 = arith.cmpi sge, %get3A_598, %ge3A_603 : vector<16xi32>
        %lt3A_605 = vector.broadcast %min3A_242 : i32 to vector<16xi32>
        %lt3A_606 = arith.cmpi slt, %get3A_598, %lt3A_605 : vector<16xi32>
        %and3A_607 = arith.andi %ge3A_604, %lt3A_606 : vector<16xi1>
        %ge3A_608 = vector.broadcast %add3A_414 : i32 to vector<16xi32>
        %ge3A_609 = arith.cmpi sge, %add3A_602, %ge3A_608 : vector<16xi32>
        %and3A_610 = arith.andi %and3A_607, %ge3A_609 : vector<16xi1>
        %sub3A_611 = vector.broadcast %mul3A_244 : i32 to vector<16xi32>
        %sub3A_612 = arith.subi %get3A_598, %sub3A_611 : vector<16xi32>
        %jit3A_613 = arith.constant 5120 : i32
        %broadcast_in_dim3A_614 = vector.broadcast %jit3A_613 : i32 to vector<16xi32>
        %select_n3A_615 = arith.select %and3A_610, %sub3A_612, %broadcast_in_dim3A_614 : vector<16xi1>, vector<16xi32>
        %swap3A_616 = arith.constant 4 : i32
        %swap3A_617 = arith.constant 0 : i32
        %swap3A_618 = arith.index_cast %swap3A_616 : i32 to index
        %swap3A_619 = arith.index_cast %swap3A_617 : i32 to index
        %swap3A_620 = arith.constant 96 : index
        %swap3A_621 = tpu.vector_load %arg9[%swap3A_618, %swap3A_619, %swap3A_620] {strides = array<i32>} : memref<5x1x128xi32, #tpu.memory_space<vmem>>, vector<1x1x16xi32>,
        %swap3A_622 = vector.shape_cast %swap3A_621 : vector<1x1x16xi32> to vector<16xi32>
        %swap3A_623 = vector.shape_cast %select_n3A_615 : vector<16xi32> to vector<1x1x16xi32>
        tpu.vector_store %arg9[%swap3A_618, %swap3A_619, %swap3A_620], %swap3A_623 {strides = array<i32>} : memref<5x1x128xi32, #tpu.memory_space<vmem>>, vector<1x1x16xi32>,
        %get3A_624 = arith.constant 4 : i32
        %get3A_625 = arith.index_cast %get3A_624 : i32 to index
        %get3A_626 = arith.constant 112 : index
        %get3A_627 = tpu.vector_load %arg10[%get3A_625, %get3A_626] {strides = array<i32>} : memref<5x128xi32, #tpu.memory_space<vmem>>, vector<1x16xi32>,
        %get3A_628 = vector.shape_cast %get3A_627 : vector<1x16xi32> to vector<16xi32>
        %add3A_629 = arith.constant 112 : i32
        %add3A_630 = arith.addi %min3A_416, %add3A_629 : i32
        %add3A_631 = vector.broadcast %add3A_630 : i32 to vector<16xi32>
        %add3A_632 = arith.addi %add3A_631, %iota3A : vector<16xi32>
        %ge3A_633 = vector.broadcast %mul3A_237 : i32 to vector<16xi32>
        %ge3A_634 = arith.cmpi sge, %get3A_628, %ge3A_633 : vector<16xi32>
        %lt3A_635 = vector.broadcast %min3A_242 : i32 to vector<16xi32>
        %lt3A_636 = arith.cmpi slt, %get3A_628, %lt3A_635 : vector<16xi32>
        %and3A_637 = arith.andi %ge3A_634, %lt3A_636 : vector<16xi1>
        %ge3A_638 = vector.broadcast %add3A_414 : i32 to vector<16xi32>
        %ge3A_639 = arith.cmpi sge, %add3A_632, %ge3A_638 : vector<16xi32>
        %and3A_640 = arith.andi %and3A_637, %ge3A_639 : vector<16xi1>
        %sub3A_641 = vector.broadcast %mul3A_244 : i32 to vector<16xi32>
        %sub3A_642 = arith.subi %get3A_628, %sub3A_641 : vector<16xi32>
        %jit3A_643 = arith.constant 5120 : i32
        %broadcast_in_dim3A_644 = vector.broadcast %jit3A_643 : i32 to vector<16xi32>
        %select_n3A_645 = arith.select %and3A_640, %sub3A_642, %broadcast_in_dim3A_644 : vector<16xi1>, vector<16xi32>
        %swap3A_646 = arith.constant 4 : i32
        %swap3A_647 = arith.constant 0 : i32
        %swap3A_648 = arith.index_cast %swap3A_646 : i32 to index
        %swap3A_649 = arith.index_cast %swap3A_647 : i32 to index
        %swap3A_650 = arith.constant 112 : index
        %swap3A_651 = tpu.vector_load %arg9[%swap3A_648, %swap3A_649, %swap3A_650] {strides = array<i32>} : memref<5x1x128xi32, #tpu.memory_space<vmem>>, vector<1x1x16xi32>,
        %swap3A_652 = vector.shape_cast %swap3A_651 : vector<1x1x16xi32> to vector<16xi32>
        %swap3A_653 = vector.shape_cast %select_n3A_645 : vector<16xi32> to vector<1x1x16xi32>
        tpu.vector_store %arg9[%swap3A_648, %swap3A_649, %swap3A_650], %swap3A_653 {strides = array<i32>} : memref<5x1x128xi32, #tpu.memory_space<vmem>>, vector<1x1x16xi32>,
        %run_scoped3A_654 = arith.constant 4 : i32
        %run_scoped3A_655 = arith.constant 4 : i32
        %run_scoped3A_656 = arith.constant 0 : i32
        "tpu.region"() ({
          %run_scoped3A_663 = tpu.sem_alloc : memref<!tpu.dma_semaphore, #tpu.memory_space<semaphore_mem>>
          %dma_start3A = arith.constant 0 : i32
          %dma_start3A_664 = arith.constant 0 : i32
          %dma_start3A_665 = tpu.memref_slice %arg8[%run_scoped3A_654, %dma_start3A, %dma_start3A_664] : memref<5x128x128xf32, #tpu.memory_space<vmem>> -> memref<1x128x128xf32, #tpu.memory_space<vmem>>
          %dma_start3A_666 = tpu.memref_squeeze %dma_start3A_665 : memref<1x128x128xf32, #tpu.memory_space<vmem>> -> memref<128x128xf32, #tpu.memory_space<vmem>>
          %dma_start3A_667 = arith.constant 0 : i32
          %dma_start3A_668 = tpu.memref_slice %arg9[%run_scoped3A_655, %run_scoped3A_656, %dma_start3A_667] : memref<5x1x128xi32, #tpu.memory_space<vmem>> -> memref<1x1x128xi32, #tpu.memory_space<vmem>>
          %dma_start3A_669 = tpu.memref_squeeze %dma_start3A_668 : memref<1x1x128xi32, #tpu.memory_space<vmem>> -> memref<128xi32, #tpu.memory_space<vmem>>
          %dma_start3A_670 = arith.constant 0 : i32
          %dma_start3A_671 = arith.constant 0 : i32
          %dma_start3A_672 = tpu.memref_slice %arg11[%dma_start3A_670, %dma_start3A_671] : memref<5128x128xf32, #tpu.memory_space<vmem_shared>> -> memref<5128x128xf32, #tpu.memory_space<vmem_shared>>
          tpu.enqueue_indirect_dma source(%dma_start3A_666 : memref<128x128xf32, #tpu.memory_space<vmem>>) target(%dma_start3A_672 : memref<5128x128xf32, #tpu.memory_space<vmem_shared>>) offsets(%dma_start3A_669 : memref<128xi32, #tpu.memory_space<vmem>>) semaphore(%run_scoped3A_663 : memref<!tpu.dma_semaphore, #tpu.memory_space<semaphore_mem>>) {add = true}
          %dma_wait3A_673 = arith.constant 0 : i32
          %dma_wait3A_674 = arith.constant 0 : i32
          %dma_wait3A_675 = tpu.memref_slice %arg8[%run_scoped3A_654, %dma_wait3A_673, %dma_wait3A_674] : memref<5x128x128xf32, #tpu.memory_space<vmem>> -> memref<1x128x128xf32, #tpu.memory_space<vmem>>
          %dma_wait3A_676 = tpu.memref_squeeze %dma_wait3A_675 : memref<1x128x128xf32, #tpu.memory_space<vmem>> -> memref<128x128xf32, #tpu.memory_space<vmem>>
          %dma_wait3A_677 = arith.constant 0 : i32
          %dma_wait3A_678 = tpu.memref_slice %arg9[%run_scoped3A_655, %run_scoped3A_656, %dma_wait3A_677] : memref<5x1x128xi32, #tpu.memory_space<vmem>> -> memref<1x1x128xi32, #tpu.memory_space<vmem>>
          %dma_wait3A_679 = tpu.memref_squeeze %dma_wait3A_678 : memref<1x1x128xi32, #tpu.memory_space<vmem>> -> memref<128xi32, #tpu.memory_space<vmem>>
          %dma_wait3A_680 = arith.constant 0 : i32
          %dma_wait3A_681 = arith.constant 0 : i32
          %dma_wait3A_682 = tpu.memref_slice %arg11[%dma_wait3A_680, %dma_wait3A_681] : memref<5128x128xf32, #tpu.memory_space<vmem_shared>> -> memref<5128x128xf32, #tpu.memory_space<vmem_shared>>
          tpu.wait_indirect_dma semaphore(%run_scoped3A_663 : memref<!tpu.dma_semaphore, #tpu.memory_space<semaphore_mem>>) src(%dma_wait3A_676 : memref<128x128xf32, #tpu.memory_space<vmem>>) dst(%dma_wait3A_682 : memref<5128x128xf32, #tpu.memory_space<vmem_shared>>)
          tpu.yield
        }) : () -> ()
        %add3A_657 = arith.constant 5 : i32
        %add3A_658 = arith.addi %add3A_376, %add3A_657 : i32
        %lt3A_659 = arith.cmpi slt, %add3A_658, %select_n3A_235 : i32
        %convert_element_type3A_660 = arith.extui %lt3A_659 : i1 to i32
        %cond3A_661 = arith.constant 0 : i32
        %cond3A_662 = arith.cmpi ne, %convert_element_type3A_660, %cond3A_661 : i32
        scf.if %cond3A_662 {
          %add3A_663 = arith.constant 5 : i32
          %add3A_664 = arith.addi %add3A_376, %add3A_663 : i32
          %mul3A_665 = arith.constant 128 : i32
          %mul3A_666 = arith.muli %add3A_664, %mul3A_665 : i32
          %add3A_667 = arith.addi %mul3A_180, %mul3A_666 : i32
          %min3A_668 = arith.constant 319872 : i32
          %min3A_669 = arith.minsi %add3A_667, %min3A_668 : i32
          %multiple_of3A = tpu.assume_multiple %min3A_669, 8 : i32
          %dma_start3A = arith.constant 4 : i32
          %dma_start3A_670 = arith.constant 4 : i32
          %dma_start3A_671 = arith.constant 0 : i32
          %dma_start3A_672 = arith.constant 0 : i32
          %dma_start3A_673 = tpu.memref_slice %arg8[%dma_start3A, %dma_start3A_671, %dma_start3A_672] : memref<5x128x128xf32, #tpu.memory_space<vmem>> -> memref<1x128x128xf32, #tpu.memory_space<vmem>>
          %dma_start3A_674 = tpu.memref_squeeze %dma_start3A_673 : memref<1x128x128xf32, #tpu.memory_space<vmem>> -> memref<128x128xf32, #tpu.memory_space<vmem>>
          %dma_start3A_675 = arith.constant 0 : i32
          %dma_start3A_676 = tpu.memref_slice %arg2[%multiple_of3A, %dma_start3A_675] : memref<320000x128xf32, #tpu.memory_space<hbm>> -> memref<128x128xf32, #tpu.memory_space<hbm>>
          %dma_start3A_677 = tpu.memref_slice %arg12[%dma_start3A_670] : memref<5x!tpu.dma_semaphore, #tpu.memory_space<semaphore_mem>> -> memref<1x!tpu.dma_semaphore, #tpu.memory_space<semaphore_mem>>
          %dma_start3A_678 = tpu.memref_squeeze %dma_start3A_677 : memref<1x!tpu.dma_semaphore, #tpu.memory_space<semaphore_mem>> -> memref<!tpu.dma_semaphore, #tpu.memory_space<semaphore_mem>>
          %dma_start3A_679 = arith.constant 0 : i32
          %dma_start3A_680 = arith.constant 0 : i32
          %dma_start3A_681 = tpu.memref_slice %arg8[%dma_start3A, %dma_start3A_679, %dma_start3A_680] : memref<5x128x128xf32, #tpu.memory_space<vmem>> -> memref<1x128x128xf32, #tpu.memory_space<vmem>>
          %dma_start3A_682 = tpu.memref_squeeze %dma_start3A_681 : memref<1x128x128xf32, #tpu.memory_space<vmem>> -> memref<128x128xf32, #tpu.memory_space<vmem>>
          %dma_start3A_683 = arith.constant 0 : i32
          %dma_start3A_684 = tpu.memref_slice %arg2[%multiple_of3A, %dma_start3A_683] : memref<320000x128xf32, #tpu.memory_space<hbm>> -> memref<128x128xf32, #tpu.memory_space<hbm>>
          tpu.enqueue_dma source(%dma_start3A_684 : memref<128x128xf32, #tpu.memory_space<hbm>>) target(%dma_start3A_682 : memref<128x128xf32, #tpu.memory_space<vmem>>) target_semaphore(%dma_start3A_678 : memref<!tpu.dma_semaphore, #tpu.memory_space<semaphore_mem>>)
          %dma_start3A_685 = arith.constant 4 : i32
          %dma_start3A_686 = arith.constant 4 : i32
          %dma_start3A_687 = arith.constant 0 : i32
          %dma_start3A_688 = tpu.memref_slice %arg10[%dma_start3A_685, %dma_start3A_687] : memref<5x128xi32, #tpu.memory_space<vmem>> -> memref<1x128xi32, #tpu.memory_space<vmem>>
          %dma_start3A_689 = tpu.memref_squeeze %dma_start3A_688 : memref<1x128xi32, #tpu.memory_space<vmem>> -> memref<128xi32, #tpu.memory_space<vmem>>
          %dma_start3A_690 = tpu.memref_slice %arg3[%multiple_of3A] : memref<320000xi32, #tpu.memory_space<hbm>> -> memref<128xi32, #tpu.memory_space<hbm>>
          %dma_start3A_691 = tpu.memref_slice %arg12[%dma_start3A_686] : memref<5x!tpu.dma_semaphore, #tpu.memory_space<semaphore_mem>> -> memref<1x!tpu.dma_semaphore, #tpu.memory_space<semaphore_mem>>
          %dma_start3A_692 = tpu.memref_squeeze %dma_start3A_691 : memref<1x!tpu.dma_semaphore, #tpu.memory_space<semaphore_mem>> -> memref<!tpu.dma_semaphore, #tpu.memory_space<semaphore_mem>>
          %dma_start3A_693 = arith.constant 0 : i32
          %dma_start3A_694 = tpu.memref_slice %arg10[%dma_start3A_685, %dma_start3A_693] : memref<5x128xi32, #tpu.memory_space<vmem>> -> memref<1x128xi32, #tpu.memory_space<vmem>>
          %dma_start3A_695 = tpu.memref_squeeze %dma_start3A_694 : memref<1x128xi32, #tpu.memory_space<vmem>> -> memref<128xi32, #tpu.memory_space<vmem>>
          %dma_start3A_696 = tpu.memref_slice %arg3[%multiple_of3A] : memref<320000xi32, #tpu.memory_space<hbm>> -> memref<128xi32, #tpu.memory_space<hbm>>
          tpu.enqueue_dma source(%dma_start3A_696 : memref<128xi32, #tpu.memory_space<hbm>>) target(%dma_start3A_695 : memref<128xi32, #tpu.memory_space<vmem>>) target_semaphore(%dma_start3A_692 : memref<!tpu.dma_semaphore, #tpu.memory_space<semaphore_mem>>)
        } else {
        }
      } else {
      }
    }
    %while3A_329 = arith.constant 1 : i32
    scf.for %while3A_340 = %while3A_327 to %while3A_323 step %while3A_329  : i32 {
      %mul3A_341 = arith.constant 5 : i32
      %mul3A_342 = arith.muli %while3A_340, %mul3A_341 : i32
      %add3A_343 = arith.constant 0 : i32
      %add3A_344 = arith.addi %mul3A_342, %add3A_343 : i32
      %lt3A_345 = arith.cmpi slt, %add3A_344, %select_n3A_235 : i32
      %convert_element_type3A_346 = arith.extui %lt3A_345 : i1 to i32
      %cond3A_347 = arith.constant 0 : i32
      %cond3A_348 = arith.cmpi ne, %convert_element_type3A_346, %cond3A_347 : i32
      scf.if %cond3A_348 {
        %dma_wait3A = arith.constant 0 : i32
        %dma_wait3A_381 = arith.constant 0 : i32
        %dma_wait3A_382 = arith.constant 0 : i32
        %dma_wait3A_383 = arith.constant 0 : i32
        %dma_wait3A_384 = tpu.memref_slice %arg8[%dma_wait3A, %dma_wait3A_382, %dma_wait3A_383] : memref<5x128x128xf32, #tpu.memory_space<vmem>> -> memref<1x128x128xf32, #tpu.memory_space<vmem>>
        %dma_wait3A_385 = tpu.memref_squeeze %dma_wait3A_384 : memref<1x128x128xf32, #tpu.memory_space<vmem>> -> memref<128x128xf32, #tpu.memory_space<vmem>>
        %dma_wait3A_386 = arith.constant 0 : i32
        %dma_wait3A_387 = arith.constant 0 : i32
        %dma_wait3A_388 = tpu.memref_slice %arg2[%dma_wait3A_386, %dma_wait3A_387] : memref<320000x128xf32, #tpu.memory_space<hbm>> -> memref<128x128xf32, #tpu.memory_space<hbm>>
        %dma_wait3A_389 = tpu.memref_slice %arg12[%dma_wait3A_381] : memref<5x!tpu.dma_semaphore, #tpu.memory_space<semaphore_mem>> -> memref<1x!tpu.dma_semaphore, #tpu.memory_space<semaphore_mem>>
        %dma_wait3A_390 = tpu.memref_squeeze %dma_wait3A_389 : memref<1x!tpu.dma_semaphore, #tpu.memory_space<semaphore_mem>> -> memref<!tpu.dma_semaphore, #tpu.memory_space<semaphore_mem>>
        %dma_wait3A_391 = arith.constant 0 : i32
        %dma_wait3A_392 = arith.constant 0 : i32
        %dma_wait3A_393 = tpu.memref_slice %arg8[%dma_wait3A, %dma_wait3A_391, %dma_wait3A_392] : memref<5x128x128xf32, #tpu.memory_space<vmem>> -> memref<1x128x128xf32, #tpu.memory_space<vmem>>
        %dma_wait3A_394 = tpu.memref_squeeze %dma_wait3A_393 : memref<1x128x128xf32, #tpu.memory_space<vmem>> -> memref<128x128xf32, #tpu.memory_space<vmem>>
        %dma_wait3A_395 = arith.constant 0 : i32
        %dma_wait3A_396 = arith.constant 0 : i32
        %dma_wait3A_397 = tpu.memref_slice %arg2[%dma_wait3A_395, %dma_wait3A_396] : memref<320000x128xf32, #tpu.memory_space<hbm>> -> memref<128x128xf32, #tpu.memory_space<hbm>>
        tpu.wait_dma2 semaphore(%dma_wait3A_390 : memref<!tpu.dma_semaphore, #tpu.memory_space<semaphore_mem>>) src(%dma_wait3A_397 : memref<128x128xf32, #tpu.memory_space<hbm>>) dst(%dma_wait3A_394 : memref<128x128xf32, #tpu.memory_space<vmem>>)
        %dma_wait3A_398 = arith.constant 0 : i32
        %dma_wait3A_399 = arith.constant 0 : i32
        %dma_wait3A_400 = arith.constant 0 : i32
        %dma_wait3A_401 = tpu.memref_slice %arg10[%dma_wait3A_398, %dma_wait3A_400] : memref<5x128xi32, #tpu.memory_space<vmem>> -> memref<1x128xi32, #tpu.memory_space<vmem>>
        %dma_wait3A_402 = tpu.memref_squeeze %dma_wait3A_401 : memref<1x128xi32, #tpu.memory_space<vmem>> -> memref<128xi32, #tpu.memory_space<vmem>>
        %dma_wait3A_403 = arith.constant 0 : i32
        %dma_wait3A_404 = tpu.memref_slice %arg3[%dma_wait3A_403] : memref<320000xi32, #tpu.memory_space<hbm>> -> memref<128xi32, #tpu.memory_space<hbm>>
        %dma_wait3A_405 = tpu.memref_slice %arg12[%dma_wait3A_399] : memref<5x!tpu.dma_semaphore, #tpu.memory_space<semaphore_mem>> -> memref<1x!tpu.dma_semaphore, #tpu.memory_space<semaphore_mem>>
        %dma_wait3A_406 = tpu.memref_squeeze %dma_wait3A_405 : memref<1x!tpu.dma_semaphore, #tpu.memory_space<semaphore_mem>> -> memref<!tpu.dma_semaphore, #tpu.memory_space<semaphore_mem>>
        %dma_wait3A_407 = arith.constant 0 : i32
        %dma_wait3A_408 = tpu.memref_slice %arg10[%dma_wait3A_398, %dma_wait3A_407] : memref<5x128xi32, #tpu.memory_space<vmem>> -> memref<1x128xi32, #tpu.memory_space<vmem>>
        %dma_wait3A_409 = tpu.memref_squeeze %dma_wait3A_408 : memref<1x128xi32, #tpu.memory_space<vmem>> -> memref<128xi32, #tpu.memory_space<vmem>>
        %dma_wait3A_410 = arith.constant 0 : i32
        %dma_wait3A_411 = tpu.memref_slice %arg3[%dma_wait3A_410] : memref<320000xi32, #tpu.memory_space<hbm>> -> memref<128xi32, #tpu.memory_space<hbm>>
        tpu.wait_dma2 semaphore(%dma_wait3A_406 : memref<!tpu.dma_semaphore, #tpu.memory_space<semaphore_mem>>) src(%dma_wait3A_411 : memref<128xi32, #tpu.memory_space<hbm>>) dst(%dma_wait3A_409 : memref<128xi32, #tpu.memory_space<vmem>>)
        %mul3A_412 = arith.constant 128 : i32
        %mul3A_413 = arith.muli %add3A_344, %mul3A_412 : i32
        %add3A_414 = arith.addi %mul3A_180, %mul3A_413 : i32
        %min3A_415 = arith.constant 319872 : i32
        %min3A_416 = arith.minsi %add3A_414, %min3A_415 : i32
        %get3A_417 = arith.constant 0 : i32
        %get3A_418 = arith.index_cast %get3A_417 : i32 to index
        %get3A_419 = arith.constant 0 : index
        %get3A_420 = tpu.vector_load %arg10[%get3A_418, %get3A_419] {strides = array<i32>} : memref<5x128xi32, #tpu.memory_space<vmem>>, vector<1x16xi32>,
        %get3A_421 = vector.shape_cast %get3A_420 : vector<1x16xi32> to vector<16xi32>
        %add3A_422 = arith.constant 0 : i32
        %add3A_423 = arith.addi %min3A_416, %add3A_422 : i32
        %add3A_424 = vector.broadcast %add3A_423 : i32 to vector<16xi32>
        %add3A_425 = arith.addi %add3A_424, %iota3A : vector<16xi32>
        %ge3A = vector.broadcast %mul3A_237 : i32 to vector<16xi32>
        %ge3A_426 = arith.cmpi sge, %get3A_421, %ge3A : vector<16xi32>
        %lt3A_427 = vector.broadcast %min3A_242 : i32 to vector<16xi32>
        %lt3A_428 = arith.cmpi slt, %get3A_421, %lt3A_427 : vector<16xi32>
        %and3A_429 = arith.andi %ge3A_426, %lt3A_428 : vector<16xi1>
        %ge3A_430 = vector.broadcast %add3A_414 : i32 to vector<16xi32>
        %ge3A_431 = arith.cmpi sge, %add3A_425, %ge3A_430 : vector<16xi32>
        %and3A_432 = arith.andi %and3A_429, %ge3A_431 : vector<16xi1>
        %sub3A_433 = vector.broadcast %mul3A_244 : i32 to vector<16xi32>
        %sub3A_434 = arith.subi %get3A_421, %sub3A_433 : vector<16xi32>
        %jit3A_435 = arith.constant 5120 : i32
        %broadcast_in_dim3A = vector.broadcast %jit3A_435 : i32 to vector<16xi32>
        %select_n3A_436 = arith.select %and3A_432, %sub3A_434, %broadcast_in_dim3A : vector<16xi1>, vector<16xi32>
        %swap3A = arith.constant 0 : i32
        %swap3A_437 = arith.constant 0 : i32
        %swap3A_438 = arith.index_cast %swap3A : i32 to index
        %swap3A_439 = arith.index_cast %swap3A_437 : i32 to index
        %swap3A_440 = arith.constant 0 : index
        %swap3A_441 = tpu.vector_load %arg9[%swap3A_438, %swap3A_439, %swap3A_440] {strides = array<i32>} : memref<5x1x128xi32, #tpu.memory_space<vmem>>, vector<1x1x16xi32>,
        %swap3A_442 = vector.shape_cast %swap3A_441 : vector<1x1x16xi32> to vector<16xi32>
        %swap3A_443 = vector.shape_cast %select_n3A_436 : vector<16xi32> to vector<1x1x16xi32>
        tpu.vector_store %arg9[%swap3A_438, %swap3A_439, %swap3A_440], %swap3A_443 {strides = array<i32>} : memref<5x1x128xi32, #tpu.memory_space<vmem>>, vector<1x1x16xi32>,
        %get3A_444 = arith.constant 0 : i32
        %get3A_445 = arith.index_cast %get3A_444 : i32 to index
        %get3A_446 = arith.constant 16 : index
        %get3A_447 = tpu.vector_load %arg10[%get3A_445, %get3A_446] {strides = array<i32>} : memref<5x128xi32, #tpu.memory_space<vmem>>, vector<1x16xi32>,
        %get3A_448 = vector.shape_cast %get3A_447 : vector<1x16xi32> to vector<16xi32>
        %add3A_449 = arith.constant 16 : i32
        %add3A_450 = arith.addi %min3A_416, %add3A_449 : i32
        %add3A_451 = vector.broadcast %add3A_450 : i32 to vector<16xi32>
        %add3A_452 = arith.addi %add3A_451, %iota3A : vector<16xi32>
        %ge3A_453 = vector.broadcast %mul3A_237 : i32 to vector<16xi32>
        %ge3A_454 = arith.cmpi sge, %get3A_448, %ge3A_453 : vector<16xi32>
        %lt3A_455 = vector.broadcast %min3A_242 : i32 to vector<16xi32>
        %lt3A_456 = arith.cmpi slt, %get3A_448, %lt3A_455 : vector<16xi32>
        %and3A_457 = arith.andi %ge3A_454, %lt3A_456 : vector<16xi1>
        %ge3A_458 = vector.broadcast %add3A_414 : i32 to vector<16xi32>
        %ge3A_459 = arith.cmpi sge, %add3A_452, %ge3A_458 : vector<16xi32>
        %and3A_460 = arith.andi %and3A_457, %ge3A_459 : vector<16xi1>
        %sub3A_461 = vector.broadcast %mul3A_244 : i32 to vector<16xi32>
        %sub3A_462 = arith.subi %get3A_448, %sub3A_461 : vector<16xi32>
        %jit3A_463 = arith.constant 5120 : i32
        %broadcast_in_dim3A_464 = vector.broadcast %jit3A_463 : i32 to vector<16xi32>
        %select_n3A_465 = arith.select %and3A_460, %sub3A_462, %broadcast_in_dim3A_464 : vector<16xi1>, vector<16xi32>
        %swap3A_466 = arith.constant 0 : i32
        %swap3A_467 = arith.constant 0 : i32
        %swap3A_468 = arith.index_cast %swap3A_466 : i32 to index
        %swap3A_469 = arith.index_cast %swap3A_467 : i32 to index
        %swap3A_470 = arith.constant 16 : index
        %swap3A_471 = tpu.vector_load %arg9[%swap3A_468, %swap3A_469, %swap3A_470] {strides = array<i32>} : memref<5x1x128xi32, #tpu.memory_space<vmem>>, vector<1x1x16xi32>,
        %swap3A_472 = vector.shape_cast %swap3A_471 : vector<1x1x16xi32> to vector<16xi32>
        %swap3A_473 = vector.shape_cast %select_n3A_465 : vector<16xi32> to vector<1x1x16xi32>
        tpu.vector_store %arg9[%swap3A_468, %swap3A_469, %swap3A_470], %swap3A_473 {strides = array<i32>} : memref<5x1x128xi32, #tpu.memory_space<vmem>>, vector<1x1x16xi32>,
        %get3A_474 = arith.constant 0 : i32
        %get3A_475 = arith.index_cast %get3A_474 : i32 to index
        %get3A_476 = arith.constant 32 : index
        %get3A_477 = tpu.vector_load %arg10[%get3A_475, %get3A_476] {strides = array<i32>} : memref<5x128xi32, #tpu.memory_space<vmem>>, vector<1x16xi32>,
        %get3A_478 = vector.shape_cast %get3A_477 : vector<1x16xi32> to vector<16xi32>
        %add3A_479 = arith.constant 32 : i32
        %add3A_480 = arith.addi %min3A_416, %add3A_479 : i32
        %add3A_481 = vector.broadcast %add3A_480 : i32 to vector<16xi32>
        %add3A_482 = arith.addi %add3A_481, %iota3A : vector<16xi32>
        %ge3A_483 = vector.broadcast %mul3A_237 : i32 to vector<16xi32>
        %ge3A_484 = arith.cmpi sge, %get3A_478, %ge3A_483 : vector<16xi32>
        %lt3A_485 = vector.broadcast %min3A_242 : i32 to vector<16xi32>
        %lt3A_486 = arith.cmpi slt, %get3A_478, %lt3A_485 : vector<16xi32>
        %and3A_487 = arith.andi %ge3A_484, %lt3A_486 : vector<16xi1>
        %ge3A_488 = vector.broadcast %add3A_414 : i32 to vector<16xi32>
        %ge3A_489 = arith.cmpi sge, %add3A_482, %ge3A_488 : vector<16xi32>
        %and3A_490 = arith.andi %and3A_487, %ge3A_489 : vector<16xi1>
        %sub3A_491 = vector.broadcast %mul3A_244 : i32 to vector<16xi32>
        %sub3A_492 = arith.subi %get3A_478, %sub3A_491 : vector<16xi32>
        %jit3A_493 = arith.constant 5120 : i32
        %broadcast_in_dim3A_494 = vector.broadcast %jit3A_493 : i32 to vector<16xi32>
        %select_n3A_495 = arith.select %and3A_490, %sub3A_492, %broadcast_in_dim3A_494 : vector<16xi1>, vector<16xi32>
        %swap3A_496 = arith.constant 0 : i32
        %swap3A_497 = arith.constant 0 : i32
        %swap3A_498 = arith.index_cast %swap3A_496 : i32 to index
        %swap3A_499 = arith.index_cast %swap3A_497 : i32 to index
        %swap3A_500 = arith.constant 32 : index
        %swap3A_501 = tpu.vector_load %arg9[%swap3A_498, %swap3A_499, %swap3A_500] {strides = array<i32>} : memref<5x1x128xi32, #tpu.memory_space<vmem>>, vector<1x1x16xi32>,
        %swap3A_502 = vector.shape_cast %swap3A_501 : vector<1x1x16xi32> to vector<16xi32>
        %swap3A_503 = vector.shape_cast %select_n3A_495 : vector<16xi32> to vector<1x1x16xi32>
        tpu.vector_store %arg9[%swap3A_498, %swap3A_499, %swap3A_500], %swap3A_503 {strides = array<i32>} : memref<5x1x128xi32, #tpu.memory_space<vmem>>, vector<1x1x16xi32>,
        %get3A_504 = arith.constant 0 : i32
        %get3A_505 = arith.index_cast %get3A_504 : i32 to index
        %get3A_506 = arith.constant 48 : index
        %get3A_507 = tpu.vector_load %arg10[%get3A_505, %get3A_506] {strides = array<i32>} : memref<5x128xi32, #tpu.memory_space<vmem>>, vector<1x16xi32>,
        %get3A_508 = vector.shape_cast %get3A_507 : vector<1x16xi32> to vector<16xi32>
        %add3A_509 = arith.constant 48 : i32
        %add3A_510 = arith.addi %min3A_416, %add3A_509 : i32
        %add3A_511 = vector.broadcast %add3A_510 : i32 to vector<16xi32>
        %add3A_512 = arith.addi %add3A_511, %iota3A : vector<16xi32>
        %ge3A_513 = vector.broadcast %mul3A_237 : i32 to vector<16xi32>
        %ge3A_514 = arith.cmpi sge, %get3A_508, %ge3A_513 : vector<16xi32>
        %lt3A_515 = vector.broadcast %min3A_242 : i32 to vector<16xi32>
        %lt3A_516 = arith.cmpi slt, %get3A_508, %lt3A_515 : vector<16xi32>
        %and3A_517 = arith.andi %ge3A_514, %lt3A_516 : vector<16xi1>
        %ge3A_518 = vector.broadcast %add3A_414 : i32 to vector<16xi32>
        %ge3A_519 = arith.cmpi sge, %add3A_512, %ge3A_518 : vector<16xi32>
        %and3A_520 = arith.andi %and3A_517, %ge3A_519 : vector<16xi1>
        %sub3A_521 = vector.broadcast %mul3A_244 : i32 to vector<16xi32>
        %sub3A_522 = arith.subi %get3A_508, %sub3A_521 : vector<16xi32>
        %jit3A_523 = arith.constant 5120 : i32
        %broadcast_in_dim3A_524 = vector.broadcast %jit3A_523 : i32 to vector<16xi32>
        %select_n3A_525 = arith.select %and3A_520, %sub3A_522, %broadcast_in_dim3A_524 : vector<16xi1>, vector<16xi32>
        %swap3A_526 = arith.constant 0 : i32
        %swap3A_527 = arith.constant 0 : i32
        %swap3A_528 = arith.index_cast %swap3A_526 : i32 to index
        %swap3A_529 = arith.index_cast %swap3A_527 : i32 to index
        %swap3A_530 = arith.constant 48 : index
        %swap3A_531 = tpu.vector_load %arg9[%swap3A_528, %swap3A_529, %swap3A_530] {strides = array<i32>} : memref<5x1x128xi32, #tpu.memory_space<vmem>>, vector<1x1x16xi32>,
        %swap3A_532 = vector.shape_cast %swap3A_531 : vector<1x1x16xi32> to vector<16xi32>
        %swap3A_533 = vector.shape_cast %select_n3A_525 : vector<16xi32> to vector<1x1x16xi32>
        tpu.vector_store %arg9[%swap3A_528, %swap3A_529, %swap3A_530], %swap3A_533 {strides = array<i32>} : memref<5x1x128xi32, #tpu.memory_space<vmem>>, vector<1x1x16xi32>,
        %get3A_534 = arith.constant 0 : i32
        %get3A_535 = arith.index_cast %get3A_534 : i32 to index
        %get3A_536 = arith.constant 64 : index
        %get3A_537 = tpu.vector_load %arg10[%get3A_535, %get3A_536] {strides = array<i32>} : memref<5x128xi32, #tpu.memory_space<vmem>>, vector<1x16xi32>,
        %get3A_538 = vector.shape_cast %get3A_537 : vector<1x16xi32> to vector<16xi32>
        %add3A_539 = arith.constant 64 : i32
        %add3A_540 = arith.addi %min3A_416, %add3A_539 : i32
        %add3A_541 = vector.broadcast %add3A_540 : i32 to vector<16xi32>
        %add3A_542 = arith.addi %add3A_541, %iota3A : vector<16xi32>
        %ge3A_543 = vector.broadcast %mul3A_237 : i32 to vector<16xi32>
        %ge3A_544 = arith.cmpi sge, %get3A_538, %ge3A_543 : vector<16xi32>
        %lt3A_545 = vector.broadcast %min3A_242 : i32 to vector<16xi32>
        %lt3A_546 = arith.cmpi slt, %get3A_538, %lt3A_545 : vector<16xi32>
        %and3A_547 = arith.andi %ge3A_544, %lt3A_546 : vector<16xi1>
        %ge3A_548 = vector.broadcast %add3A_414 : i32 to vector<16xi32>
        %ge3A_549 = arith.cmpi sge, %add3A_542, %ge3A_548 : vector<16xi32>
        %and3A_550 = arith.andi %and3A_547, %ge3A_549 : vector<16xi1>
        %sub3A_551 = vector.broadcast %mul3A_244 : i32 to vector<16xi32>
        %sub3A_552 = arith.subi %get3A_538, %sub3A_551 : vector<16xi32>
        %jit3A_553 = arith.constant 5120 : i32
        %broadcast_in_dim3A_554 = vector.broadcast %jit3A_553 : i32 to vector<16xi32>
        %select_n3A_555 = arith.select %and3A_550, %sub3A_552, %broadcast_in_dim3A_554 : vector<16xi1>, vector<16xi32>
        %swap3A_556 = arith.constant 0 : i32
        %swap3A_557 = arith.constant 0 : i32
        %swap3A_558 = arith.index_cast %swap3A_556 : i32 to index
        %swap3A_559 = arith.index_cast %swap3A_557 : i32 to index
        %swap3A_560 = arith.constant 64 : index
        %swap3A_561 = tpu.vector_load %arg9[%swap3A_558, %swap3A_559, %swap3A_560] {strides = array<i32>} : memref<5x1x128xi32, #tpu.memory_space<vmem>>, vector<1x1x16xi32>,
        %swap3A_562 = vector.shape_cast %swap3A_561 : vector<1x1x16xi32> to vector<16xi32>
        %swap3A_563 = vector.shape_cast %select_n3A_555 : vector<16xi32> to vector<1x1x16xi32>
        tpu.vector_store %arg9[%swap3A_558, %swap3A_559, %swap3A_560], %swap3A_563 {strides = array<i32>} : memref<5x1x128xi32, #tpu.memory_space<vmem>>, vector<1x1x16xi32>,
        %get3A_564 = arith.constant 0 : i32
        %get3A_565 = arith.index_cast %get3A_564 : i32 to index
        %get3A_566 = arith.constant 80 : index
        %get3A_567 = tpu.vector_load %arg10[%get3A_565, %get3A_566] {strides = array<i32>} : memref<5x128xi32, #tpu.memory_space<vmem>>, vector<1x16xi32>,
        %get3A_568 = vector.shape_cast %get3A_567 : vector<1x16xi32> to vector<16xi32>
        %add3A_569 = arith.constant 80 : i32
        %add3A_570 = arith.addi %min3A_416, %add3A_569 : i32
        %add3A_571 = vector.broadcast %add3A_570 : i32 to vector<16xi32>
        %add3A_572 = arith.addi %add3A_571, %iota3A : vector<16xi32>
        %ge3A_573 = vector.broadcast %mul3A_237 : i32 to vector<16xi32>
        %ge3A_574 = arith.cmpi sge, %get3A_568, %ge3A_573 : vector<16xi32>
        %lt3A_575 = vector.broadcast %min3A_242 : i32 to vector<16xi32>
        %lt3A_576 = arith.cmpi slt, %get3A_568, %lt3A_575 : vector<16xi32>
        %and3A_577 = arith.andi %ge3A_574, %lt3A_576 : vector<16xi1>
        %ge3A_578 = vector.broadcast %add3A_414 : i32 to vector<16xi32>
        %ge3A_579 = arith.cmpi sge, %add3A_572, %ge3A_578 : vector<16xi32>
        %and3A_580 = arith.andi %and3A_577, %ge3A_579 : vector<16xi1>
        %sub3A_581 = vector.broadcast %mul3A_244 : i32 to vector<16xi32>
        %sub3A_582 = arith.subi %get3A_568, %sub3A_581 : vector<16xi32>
        %jit3A_583 = arith.constant 5120 : i32
        %broadcast_in_dim3A_584 = vector.broadcast %jit3A_583 : i32 to vector<16xi32>
        %select_n3A_585 = arith.select %and3A_580, %sub3A_582, %broadcast_in_dim3A_584 : vector<16xi1>, vector<16xi32>
        %swap3A_586 = arith.constant 0 : i32
        %swap3A_587 = arith.constant 0 : i32
        %swap3A_588 = arith.index_cast %swap3A_586 : i32 to index
        %swap3A_589 = arith.index_cast %swap3A_587 : i32 to index
        %swap3A_590 = arith.constant 80 : index
        %swap3A_591 = tpu.vector_load %arg9[%swap3A_588, %swap3A_589, %swap3A_590] {strides = array<i32>} : memref<5x1x128xi32, #tpu.memory_space<vmem>>, vector<1x1x16xi32>,
        %swap3A_592 = vector.shape_cast %swap3A_591 : vector<1x1x16xi32> to vector<16xi32>
        %swap3A_593 = vector.shape_cast %select_n3A_585 : vector<16xi32> to vector<1x1x16xi32>
        tpu.vector_store %arg9[%swap3A_588, %swap3A_589, %swap3A_590], %swap3A_593 {strides = array<i32>} : memref<5x1x128xi32, #tpu.memory_space<vmem>>, vector<1x1x16xi32>,
        %get3A_594 = arith.constant 0 : i32
        %get3A_595 = arith.index_cast %get3A_594 : i32 to index
        %get3A_596 = arith.constant 96 : index
        %get3A_597 = tpu.vector_load %arg10[%get3A_595, %get3A_596] {strides = array<i32>} : memref<5x128xi32, #tpu.memory_space<vmem>>, vector<1x16xi32>,
        %get3A_598 = vector.shape_cast %get3A_597 : vector<1x16xi32> to vector<16xi32>
        %add3A_599 = arith.constant 96 : i32
        %add3A_600 = arith.addi %min3A_416, %add3A_599 : i32
        %add3A_601 = vector.broadcast %add3A_600 : i32 to vector<16xi32>
        %add3A_602 = arith.addi %add3A_601, %iota3A : vector<16xi32>
        %ge3A_603 = vector.broadcast %mul3A_237 : i32 to vector<16xi32>
        %ge3A_604 = arith.cmpi sge, %get3A_598, %ge3A_603 : vector<16xi32>
        %lt3A_605 = vector.broadcast %min3A_242 : i32 to vector<16xi32>
        %lt3A_606 = arith.cmpi slt, %get3A_598, %lt3A_605 : vector<16xi32>
        %and3A_607 = arith.andi %ge3A_604, %lt3A_606 : vector<16xi1>
        %ge3A_608 = vector.broadcast %add3A_414 : i32 to vector<16xi32>
        %ge3A_609 = arith.cmpi sge, %add3A_602, %ge3A_608 : vector<16xi32>
        %and3A_610 = arith.andi %and3A_607, %ge3A_609 : vector<16xi1>
        %sub3A_611 = vector.broadcast %mul3A_244 : i32 to vector<16xi32>
        %sub3A_612 = arith.subi %get3A_598, %sub3A_611 : vector<16xi32>
        %jit3A_613 = arith.constant 5120 : i32
        %broadcast_in_dim3A_614 = vector.broadcast %jit3A_613 : i32 to vector<16xi32>
        %select_n3A_615 = arith.select %and3A_610, %sub3A_612, %broadcast_in_dim3A_614 : vector<16xi1>, vector<16xi32>
        %swap3A_616 = arith.constant 0 : i32
        %swap3A_617 = arith.constant 0 : i32
        %swap3A_618 = arith.index_cast %swap3A_616 : i32 to index
        %swap3A_619 = arith.index_cast %swap3A_617 : i32 to index
        %swap3A_620 = arith.constant 96 : index
        %swap3A_621 = tpu.vector_load %arg9[%swap3A_618, %swap3A_619, %swap3A_620] {strides = array<i32>} : memref<5x1x128xi32, #tpu.memory_space<vmem>>, vector<1x1x16xi32>,
        %swap3A_622 = vector.shape_cast %swap3A_621 : vector<1x1x16xi32> to vector<16xi32>
        %swap3A_623 = vector.shape_cast %select_n3A_615 : vector<16xi32> to vector<1x1x16xi32>
        tpu.vector_store %arg9[%swap3A_618, %swap3A_619, %swap3A_620], %swap3A_623 {strides = array<i32>} : memref<5x1x128xi32, #tpu.memory_space<vmem>>, vector<1x1x16xi32>,
        %get3A_624 = arith.constant 0 : i32
        %get3A_625 = arith.index_cast %get3A_624 : i32 to index
        %get3A_626 = arith.constant 112 : index
        %get3A_627 = tpu.vector_load %arg10[%get3A_625, %get3A_626] {strides = array<i32>} : memref<5x128xi32, #tpu.memory_space<vmem>>, vector<1x16xi32>,
        %get3A_628 = vector.shape_cast %get3A_627 : vector<1x16xi32> to vector<16xi32>
        %add3A_629 = arith.constant 112 : i32
        %add3A_630 = arith.addi %min3A_416, %add3A_629 : i32
        %add3A_631 = vector.broadcast %add3A_630 : i32 to vector<16xi32>
        %add3A_632 = arith.addi %add3A_631, %iota3A : vector<16xi32>
        %ge3A_633 = vector.broadcast %mul3A_237 : i32 to vector<16xi32>
        %ge3A_634 = arith.cmpi sge, %get3A_628, %ge3A_633 : vector<16xi32>
        %lt3A_635 = vector.broadcast %min3A_242 : i32 to vector<16xi32>
        %lt3A_636 = arith.cmpi slt, %get3A_628, %lt3A_635 : vector<16xi32>
        %and3A_637 = arith.andi %ge3A_634, %lt3A_636 : vector<16xi1>
        %ge3A_638 = vector.broadcast %add3A_414 : i32 to vector<16xi32>
        %ge3A_639 = arith.cmpi sge, %add3A_632, %ge3A_638 : vector<16xi32>
        %and3A_640 = arith.andi %and3A_637, %ge3A_639 : vector<16xi1>
        %sub3A_641 = vector.broadcast %mul3A_244 : i32 to vector<16xi32>
        %sub3A_642 = arith.subi %get3A_628, %sub3A_641 : vector<16xi32>
        %jit3A_643 = arith.constant 5120 : i32
        %broadcast_in_dim3A_644 = vector.broadcast %jit3A_643 : i32 to vector<16xi32>
        %select_n3A_645 = arith.select %and3A_640, %sub3A_642, %broadcast_in_dim3A_644 : vector<16xi1>, vector<16xi32>
        %swap3A_646 = arith.constant 0 : i32
        %swap3A_647 = arith.constant 0 : i32
        %swap3A_648 = arith.index_cast %swap3A_646 : i32 to index
        %swap3A_649 = arith.index_cast %swap3A_647 : i32 to index
        %swap3A_650 = arith.constant 112 : index
        %swap3A_651 = tpu.vector_load %arg9[%swap3A_648, %swap3A_649, %swap3A_650] {strides = array<i32>} : memref<5x1x128xi32, #tpu.memory_space<vmem>>, vector<1x1x16xi32>,
        %swap3A_652 = vector.shape_cast %swap3A_651 : vector<1x1x16xi32> to vector<16xi32>
        %swap3A_653 = vector.shape_cast %select_n3A_645 : vector<16xi32> to vector<1x1x16xi32>
        tpu.vector_store %arg9[%swap3A_648, %swap3A_649, %swap3A_650], %swap3A_653 {strides = array<i32>} : memref<5x1x128xi32, #tpu.memory_space<vmem>>, vector<1x1x16xi32>,
        %run_scoped3A_654 = arith.constant 0 : i32
        %run_scoped3A_655 = arith.constant 0 : i32
        %run_scoped3A_656 = arith.constant 0 : i32
        "tpu.region"() ({
          %run_scoped3A_663 = tpu.sem_alloc : memref<!tpu.dma_semaphore, #tpu.memory_space<semaphore_mem>>
          %dma_start3A = arith.constant 0 : i32
          %dma_start3A_664 = arith.constant 0 : i32
          %dma_start3A_665 = tpu.memref_slice %arg8[%run_scoped3A_654, %dma_start3A, %dma_start3A_664] : memref<5x128x128xf32, #tpu.memory_space<vmem>> -> memref<1x128x128xf32, #tpu.memory_space<vmem>>
          %dma_start3A_666 = tpu.memref_squeeze %dma_start3A_665 : memref<1x128x128xf32, #tpu.memory_space<vmem>> -> memref<128x128xf32, #tpu.memory_space<vmem>>
          %dma_start3A_667 = arith.constant 0 : i32
          %dma_start3A_668 = tpu.memref_slice %arg9[%run_scoped3A_655, %run_scoped3A_656, %dma_start3A_667] : memref<5x1x128xi32, #tpu.memory_space<vmem>> -> memref<1x1x128xi32, #tpu.memory_space<vmem>>
          %dma_start3A_669 = tpu.memref_squeeze %dma_start3A_668 : memref<1x1x128xi32, #tpu.memory_space<vmem>> -> memref<128xi32, #tpu.memory_space<vmem>>
          %dma_start3A_670 = arith.constant 0 : i32
          %dma_start3A_671 = arith.constant 0 : i32
          %dma_start3A_672 = tpu.memref_slice %arg11[%dma_start3A_670, %dma_start3A_671] : memref<5128x128xf32, #tpu.memory_space<vmem_shared>> -> memref<5128x128xf32, #tpu.memory_space<vmem_shared>>
          tpu.enqueue_indirect_dma source(%dma_start3A_666 : memref<128x128xf32, #tpu.memory_space<vmem>>) target(%dma_start3A_672 : memref<5128x128xf32, #tpu.memory_space<vmem_shared>>) offsets(%dma_start3A_669 : memref<128xi32, #tpu.memory_space<vmem>>) semaphore(%run_scoped3A_663 : memref<!tpu.dma_semaphore, #tpu.memory_space<semaphore_mem>>) {add = true}
          %dma_wait3A_673 = arith.constant 0 : i32
          %dma_wait3A_674 = arith.constant 0 : i32
          %dma_wait3A_675 = tpu.memref_slice %arg8[%run_scoped3A_654, %dma_wait3A_673, %dma_wait3A_674] : memref<5x128x128xf32, #tpu.memory_space<vmem>> -> memref<1x128x128xf32, #tpu.memory_space<vmem>>
          %dma_wait3A_676 = tpu.memref_squeeze %dma_wait3A_675 : memref<1x128x128xf32, #tpu.memory_space<vmem>> -> memref<128x128xf32, #tpu.memory_space<vmem>>
          %dma_wait3A_677 = arith.constant 0 : i32
          %dma_wait3A_678 = tpu.memref_slice %arg9[%run_scoped3A_655, %run_scoped3A_656, %dma_wait3A_677] : memref<5x1x128xi32, #tpu.memory_space<vmem>> -> memref<1x1x128xi32, #tpu.memory_space<vmem>>
          %dma_wait3A_679 = tpu.memref_squeeze %dma_wait3A_678 : memref<1x1x128xi32, #tpu.memory_space<vmem>> -> memref<128xi32, #tpu.memory_space<vmem>>
          %dma_wait3A_680 = arith.constant 0 : i32
          %dma_wait3A_681 = arith.constant 0 : i32
          %dma_wait3A_682 = tpu.memref_slice %arg11[%dma_wait3A_680, %dma_wait3A_681] : memref<5128x128xf32, #tpu.memory_space<vmem_shared>> -> memref<5128x128xf32, #tpu.memory_space<vmem_shared>>
          tpu.wait_indirect_dma semaphore(%run_scoped3A_663 : memref<!tpu.dma_semaphore, #tpu.memory_space<semaphore_mem>>) src(%dma_wait3A_676 : memref<128x128xf32, #tpu.memory_space<vmem>>) dst(%dma_wait3A_682 : memref<5128x128xf32, #tpu.memory_space<vmem_shared>>)
          tpu.yield
        }) : () -> ()
        %add3A_657 = arith.constant 5 : i32
        %add3A_658 = arith.addi %add3A_344, %add3A_657 : i32
        %lt3A_659 = arith.cmpi slt, %add3A_658, %select_n3A_235 : i32
        %convert_element_type3A_660 = arith.extui %lt3A_659 : i1 to i32
        %cond3A_661 = arith.constant 0 : i32
        %cond3A_662 = arith.cmpi ne, %convert_element_type3A_660, %cond3A_661 : i32
        scf.if %cond3A_662 {
          %add3A_663 = arith.constant 5 : i32
          %add3A_664 = arith.addi %add3A_344, %add3A_663 : i32
          %mul3A_665 = arith.constant 128 : i32
          %mul3A_666 = arith.muli %add3A_664, %mul3A_665 : i32
          %add3A_667 = arith.addi %mul3A_180, %mul3A_666 : i32
          %min3A_668 = arith.constant 319872 : i32
          %min3A_669 = arith.minsi %add3A_667, %min3A_668 : i32
          %multiple_of3A = tpu.assume_multiple %min3A_669, 8 : i32
          %dma_start3A = arith.constant 0 : i32
          %dma_start3A_670 = arith.constant 0 : i32
          %dma_start3A_671 = arith.constant 0 : i32
          %dma_start3A_672 = arith.constant 0 : i32
          %dma_start3A_673 = tpu.memref_slice %arg8[%dma_start3A, %dma_start3A_671, %dma_start3A_672] : memref<5x128x128xf32, #tpu.memory_space<vmem>> -> memref<1x128x128xf32, #tpu.memory_space<vmem>>
          %dma_start3A_674 = tpu.memref_squeeze %dma_start3A_673 : memref<1x128x128xf32, #tpu.memory_space<vmem>> -> memref<128x128xf32, #tpu.memory_space<vmem>>
          %dma_start3A_675 = arith.constant 0 : i32
          %dma_start3A_676 = tpu.memref_slice %arg2[%multiple_of3A, %dma_start3A_675] : memref<320000x128xf32, #tpu.memory_space<hbm>> -> memref<128x128xf32, #tpu.memory_space<hbm>>
          %dma_start3A_677 = tpu.memref_slice %arg12[%dma_start3A_670] : memref<5x!tpu.dma_semaphore, #tpu.memory_space<semaphore_mem>> -> memref<1x!tpu.dma_semaphore, #tpu.memory_space<semaphore_mem>>
          %dma_start3A_678 = tpu.memref_squeeze %dma_start3A_677 : memref<1x!tpu.dma_semaphore, #tpu.memory_space<semaphore_mem>> -> memref<!tpu.dma_semaphore, #tpu.memory_space<semaphore_mem>>
          %dma_start3A_679 = arith.constant 0 : i32
          %dma_start3A_680 = arith.constant 0 : i32
          %dma_start3A_681 = tpu.memref_slice %arg8[%dma_start3A, %dma_start3A_679, %dma_start3A_680] : memref<5x128x128xf32, #tpu.memory_space<vmem>> -> memref<1x128x128xf32, #tpu.memory_space<vmem>>
          %dma_start3A_682 = tpu.memref_squeeze %dma_start3A_681 : memref<1x128x128xf32, #tpu.memory_space<vmem>> -> memref<128x128xf32, #tpu.memory_space<vmem>>
          %dma_start3A_683 = arith.constant 0 : i32
          %dma_start3A_684 = tpu.memref_slice %arg2[%multiple_of3A, %dma_start3A_683] : memref<320000x128xf32, #tpu.memory_space<hbm>> -> memref<128x128xf32, #tpu.memory_space<hbm>>
          tpu.enqueue_dma source(%dma_start3A_684 : memref<128x128xf32, #tpu.memory_space<hbm>>) target(%dma_start3A_682 : memref<128x128xf32, #tpu.memory_space<vmem>>) target_semaphore(%dma_start3A_678 : memref<!tpu.dma_semaphore, #tpu.memory_space<semaphore_mem>>)
          %dma_start3A_685 = arith.constant 0 : i32
          %dma_start3A_686 = arith.constant 0 : i32
          %dma_start3A_687 = arith.constant 0 : i32
          %dma_start3A_688 = tpu.memref_slice %arg10[%dma_start3A_685, %dma_start3A_687] : memref<5x128xi32, #tpu.memory_space<vmem>> -> memref<1x128xi32, #tpu.memory_space<vmem>>
          %dma_start3A_689 = tpu.memref_squeeze %dma_start3A_688 : memref<1x128xi32, #tpu.memory_space<vmem>> -> memref<128xi32, #tpu.memory_space<vmem>>
          %dma_start3A_690 = tpu.memref_slice %arg3[%multiple_of3A] : memref<320000xi32, #tpu.memory_space<hbm>> -> memref<128xi32, #tpu.memory_space<hbm>>
          %dma_start3A_691 = tpu.memref_slice %arg12[%dma_start3A_686] : memref<5x!tpu.dma_semaphore, #tpu.memory_space<semaphore_mem>> -> memref<1x!tpu.dma_semaphore, #tpu.memory_space<semaphore_mem>>
          %dma_start3A_692 = tpu.memref_squeeze %dma_start3A_691 : memref<1x!tpu.dma_semaphore, #tpu.memory_space<semaphore_mem>> -> memref<!tpu.dma_semaphore, #tpu.memory_space<semaphore_mem>>
          %dma_start3A_693 = arith.constant 0 : i32
          %dma_start3A_694 = tpu.memref_slice %arg10[%dma_start3A_685, %dma_start3A_693] : memref<5x128xi32, #tpu.memory_space<vmem>> -> memref<1x128xi32, #tpu.memory_space<vmem>>
          %dma_start3A_695 = tpu.memref_squeeze %dma_start3A_694 : memref<1x128xi32, #tpu.memory_space<vmem>> -> memref<128xi32, #tpu.memory_space<vmem>>
          %dma_start3A_696 = tpu.memref_slice %arg3[%multiple_of3A] : memref<320000xi32, #tpu.memory_space<hbm>> -> memref<128xi32, #tpu.memory_space<hbm>>
          tpu.enqueue_dma source(%dma_start3A_696 : memref<128xi32, #tpu.memory_space<hbm>>) target(%dma_start3A_695 : memref<128xi32, #tpu.memory_space<vmem>>) target_semaphore(%dma_start3A_692 : memref<!tpu.dma_semaphore, #tpu.memory_space<semaphore_mem>>)
        } else {
        }
      } else {
      }
      %mul3A_349 = arith.constant 5 : i32
      %mul3A_350 = arith.muli %while3A_340, %mul3A_349 : i32
      %add3A_351 = arith.constant 1 : i32
      %add3A_352 = arith.addi %mul3A_350, %add3A_351 : i32
      %lt3A_353 = arith.cmpi slt, %add3A_352, %select_n3A_235 : i32
      %convert_element_type3A_354 = arith.extui %lt3A_353 : i1 to i32
      %cond3A_355 = arith.constant 0 : i32
      %cond3A_356 = arith.cmpi ne, %convert_element_type3A_354, %cond3A_355 : i32
      scf.if %cond3A_356 {
        %dma_wait3A = arith.constant 1 : i32
        %dma_wait3A_381 = arith.constant 1 : i32
        %dma_wait3A_382 = arith.constant 0 : i32
        %dma_wait3A_383 = arith.constant 0 : i32
        %dma_wait3A_384 = tpu.memref_slice %arg8[%dma_wait3A, %dma_wait3A_382, %dma_wait3A_383] : memref<5x128x128xf32, #tpu.memory_space<vmem>> -> memref<1x128x128xf32, #tpu.memory_space<vmem>>
        %dma_wait3A_385 = tpu.memref_squeeze %dma_wait3A_384 : memref<1x128x128xf32, #tpu.memory_space<vmem>> -> memref<128x128xf32, #tpu.memory_space<vmem>>
        %dma_wait3A_386 = arith.constant 0 : i32
        %dma_wait3A_387 = arith.constant 0 : i32
        %dma_wait3A_388 = tpu.memref_slice %arg2[%dma_wait3A_386, %dma_wait3A_387] : memref<320000x128xf32, #tpu.memory_space<hbm>> -> memref<128x128xf32, #tpu.memory_space<hbm>>
        %dma_wait3A_389 = tpu.memref_slice %arg12[%dma_wait3A_381] : memref<5x!tpu.dma_semaphore, #tpu.memory_space<semaphore_mem>> -> memref<1x!tpu.dma_semaphore, #tpu.memory_space<semaphore_mem>>
        %dma_wait3A_390 = tpu.memref_squeeze %dma_wait3A_389 : memref<1x!tpu.dma_semaphore, #tpu.memory_space<semaphore_mem>> -> memref<!tpu.dma_semaphore, #tpu.memory_space<semaphore_mem>>
        %dma_wait3A_391 = arith.constant 0 : i32
        %dma_wait3A_392 = arith.constant 0 : i32
        %dma_wait3A_393 = tpu.memref_slice %arg8[%dma_wait3A, %dma_wait3A_391, %dma_wait3A_392] : memref<5x128x128xf32, #tpu.memory_space<vmem>> -> memref<1x128x128xf32, #tpu.memory_space<vmem>>
        %dma_wait3A_394 = tpu.memref_squeeze %dma_wait3A_393 : memref<1x128x128xf32, #tpu.memory_space<vmem>> -> memref<128x128xf32, #tpu.memory_space<vmem>>
        %dma_wait3A_395 = arith.constant 0 : i32
        %dma_wait3A_396 = arith.constant 0 : i32
        %dma_wait3A_397 = tpu.memref_slice %arg2[%dma_wait3A_395, %dma_wait3A_396] : memref<320000x128xf32, #tpu.memory_space<hbm>> -> memref<128x128xf32, #tpu.memory_space<hbm>>
        tpu.wait_dma2 semaphore(%dma_wait3A_390 : memref<!tpu.dma_semaphore, #tpu.memory_space<semaphore_mem>>) src(%dma_wait3A_397 : memref<128x128xf32, #tpu.memory_space<hbm>>) dst(%dma_wait3A_394 : memref<128x128xf32, #tpu.memory_space<vmem>>)
        %dma_wait3A_398 = arith.constant 1 : i32
        %dma_wait3A_399 = arith.constant 1 : i32
        %dma_wait3A_400 = arith.constant 0 : i32
        %dma_wait3A_401 = tpu.memref_slice %arg10[%dma_wait3A_398, %dma_wait3A_400] : memref<5x128xi32, #tpu.memory_space<vmem>> -> memref<1x128xi32, #tpu.memory_space<vmem>>
        %dma_wait3A_402 = tpu.memref_squeeze %dma_wait3A_401 : memref<1x128xi32, #tpu.memory_space<vmem>> -> memref<128xi32, #tpu.memory_space<vmem>>
        %dma_wait3A_403 = arith.constant 0 : i32
        %dma_wait3A_404 = tpu.memref_slice %arg3[%dma_wait3A_403] : memref<320000xi32, #tpu.memory_space<hbm>> -> memref<128xi32, #tpu.memory_space<hbm>>
        %dma_wait3A_405 = tpu.memref_slice %arg12[%dma_wait3A_399] : memref<5x!tpu.dma_semaphore, #tpu.memory_space<semaphore_mem>> -> memref<1x!tpu.dma_semaphore, #tpu.memory_space<semaphore_mem>>
        %dma_wait3A_406 = tpu.memref_squeeze %dma_wait3A_405 : memref<1x!tpu.dma_semaphore, #tpu.memory_space<semaphore_mem>> -> memref<!tpu.dma_semaphore, #tpu.memory_space<semaphore_mem>>
        %dma_wait3A_407 = arith.constant 0 : i32
        %dma_wait3A_408 = tpu.memref_slice %arg10[%dma_wait3A_398, %dma_wait3A_407] : memref<5x128xi32, #tpu.memory_space<vmem>> -> memref<1x128xi32, #tpu.memory_space<vmem>>
        %dma_wait3A_409 = tpu.memref_squeeze %dma_wait3A_408 : memref<1x128xi32, #tpu.memory_space<vmem>> -> memref<128xi32, #tpu.memory_space<vmem>>
        %dma_wait3A_410 = arith.constant 0 : i32
        %dma_wait3A_411 = tpu.memref_slice %arg3[%dma_wait3A_410] : memref<320000xi32, #tpu.memory_space<hbm>> -> memref<128xi32, #tpu.memory_space<hbm>>
        tpu.wait_dma2 semaphore(%dma_wait3A_406 : memref<!tpu.dma_semaphore, #tpu.memory_space<semaphore_mem>>) src(%dma_wait3A_411 : memref<128xi32, #tpu.memory_space<hbm>>) dst(%dma_wait3A_409 : memref<128xi32, #tpu.memory_space<vmem>>)
        %mul3A_412 = arith.constant 128 : i32
        %mul3A_413 = arith.muli %add3A_352, %mul3A_412 : i32
        %add3A_414 = arith.addi %mul3A_180, %mul3A_413 : i32
        %min3A_415 = arith.constant 319872 : i32
        %min3A_416 = arith.minsi %add3A_414, %min3A_415 : i32
        %get3A_417 = arith.constant 1 : i32
        %get3A_418 = arith.index_cast %get3A_417 : i32 to index
        %get3A_419 = arith.constant 0 : index
        %get3A_420 = tpu.vector_load %arg10[%get3A_418, %get3A_419] {strides = array<i32>} : memref<5x128xi32, #tpu.memory_space<vmem>>, vector<1x16xi32>,
        %get3A_421 = vector.shape_cast %get3A_420 : vector<1x16xi32> to vector<16xi32>
        %add3A_422 = arith.constant 0 : i32
        %add3A_423 = arith.addi %min3A_416, %add3A_422 : i32
        %add3A_424 = vector.broadcast %add3A_423 : i32 to vector<16xi32>
        %add3A_425 = arith.addi %add3A_424, %iota3A : vector<16xi32>
        %ge3A = vector.broadcast %mul3A_237 : i32 to vector<16xi32>
        %ge3A_426 = arith.cmpi sge, %get3A_421, %ge3A : vector<16xi32>
        %lt3A_427 = vector.broadcast %min3A_242 : i32 to vector<16xi32>
        %lt3A_428 = arith.cmpi slt, %get3A_421, %lt3A_427 : vector<16xi32>
        %and3A_429 = arith.andi %ge3A_426, %lt3A_428 : vector<16xi1>
        %ge3A_430 = vector.broadcast %add3A_414 : i32 to vector<16xi32>
        %ge3A_431 = arith.cmpi sge, %add3A_425, %ge3A_430 : vector<16xi32>
        %and3A_432 = arith.andi %and3A_429, %ge3A_431 : vector<16xi1>
        %sub3A_433 = vector.broadcast %mul3A_244 : i32 to vector<16xi32>
        %sub3A_434 = arith.subi %get3A_421, %sub3A_433 : vector<16xi32>
        %jit3A_435 = arith.constant 5120 : i32
        %broadcast_in_dim3A = vector.broadcast %jit3A_435 : i32 to vector<16xi32>
        %select_n3A_436 = arith.select %and3A_432, %sub3A_434, %broadcast_in_dim3A : vector<16xi1>, vector<16xi32>
        %swap3A = arith.constant 1 : i32
        %swap3A_437 = arith.constant 0 : i32
        %swap3A_438 = arith.index_cast %swap3A : i32 to index
        %swap3A_439 = arith.index_cast %swap3A_437 : i32 to index
        %swap3A_440 = arith.constant 0 : index
        %swap3A_441 = tpu.vector_load %arg9[%swap3A_438, %swap3A_439, %swap3A_440] {strides = array<i32>} : memref<5x1x128xi32, #tpu.memory_space<vmem>>, vector<1x1x16xi32>,
        %swap3A_442 = vector.shape_cast %swap3A_441 : vector<1x1x16xi32> to vector<16xi32>
        %swap3A_443 = vector.shape_cast %select_n3A_436 : vector<16xi32> to vector<1x1x16xi32>
        tpu.vector_store %arg9[%swap3A_438, %swap3A_439, %swap3A_440], %swap3A_443 {strides = array<i32>} : memref<5x1x128xi32, #tpu.memory_space<vmem>>, vector<1x1x16xi32>,
        %get3A_444 = arith.constant 1 : i32
        %get3A_445 = arith.index_cast %get3A_444 : i32 to index
        %get3A_446 = arith.constant 16 : index
        %get3A_447 = tpu.vector_load %arg10[%get3A_445, %get3A_446] {strides = array<i32>} : memref<5x128xi32, #tpu.memory_space<vmem>>, vector<1x16xi32>,
        %get3A_448 = vector.shape_cast %get3A_447 : vector<1x16xi32> to vector<16xi32>
        %add3A_449 = arith.constant 16 : i32
        %add3A_450 = arith.addi %min3A_416, %add3A_449 : i32
        %add3A_451 = vector.broadcast %add3A_450 : i32 to vector<16xi32>
        %add3A_452 = arith.addi %add3A_451, %iota3A : vector<16xi32>
        %ge3A_453 = vector.broadcast %mul3A_237 : i32 to vector<16xi32>
        %ge3A_454 = arith.cmpi sge, %get3A_448, %ge3A_453 : vector<16xi32>
        %lt3A_455 = vector.broadcast %min3A_242 : i32 to vector<16xi32>
        %lt3A_456 = arith.cmpi slt, %get3A_448, %lt3A_455 : vector<16xi32>
        %and3A_457 = arith.andi %ge3A_454, %lt3A_456 : vector<16xi1>
        %ge3A_458 = vector.broadcast %add3A_414 : i32 to vector<16xi32>
        %ge3A_459 = arith.cmpi sge, %add3A_452, %ge3A_458 : vector<16xi32>
        %and3A_460 = arith.andi %and3A_457, %ge3A_459 : vector<16xi1>
        %sub3A_461 = vector.broadcast %mul3A_244 : i32 to vector<16xi32>
        %sub3A_462 = arith.subi %get3A_448, %sub3A_461 : vector<16xi32>
        %jit3A_463 = arith.constant 5120 : i32
        %broadcast_in_dim3A_464 = vector.broadcast %jit3A_463 : i32 to vector<16xi32>
        %select_n3A_465 = arith.select %and3A_460, %sub3A_462, %broadcast_in_dim3A_464 : vector<16xi1>, vector<16xi32>
        %swap3A_466 = arith.constant 1 : i32
        %swap3A_467 = arith.constant 0 : i32
        %swap3A_468 = arith.index_cast %swap3A_466 : i32 to index
        %swap3A_469 = arith.index_cast %swap3A_467 : i32 to index
        %swap3A_470 = arith.constant 16 : index
        %swap3A_471 = tpu.vector_load %arg9[%swap3A_468, %swap3A_469, %swap3A_470] {strides = array<i32>} : memref<5x1x128xi32, #tpu.memory_space<vmem>>, vector<1x1x16xi32>,
        %swap3A_472 = vector.shape_cast %swap3A_471 : vector<1x1x16xi32> to vector<16xi32>
        %swap3A_473 = vector.shape_cast %select_n3A_465 : vector<16xi32> to vector<1x1x16xi32>
        tpu.vector_store %arg9[%swap3A_468, %swap3A_469, %swap3A_470], %swap3A_473 {strides = array<i32>} : memref<5x1x128xi32, #tpu.memory_space<vmem>>, vector<1x1x16xi32>,
        %get3A_474 = arith.constant 1 : i32
        %get3A_475 = arith.index_cast %get3A_474 : i32 to index
        %get3A_476 = arith.constant 32 : index
        %get3A_477 = tpu.vector_load %arg10[%get3A_475, %get3A_476] {strides = array<i32>} : memref<5x128xi32, #tpu.memory_space<vmem>>, vector<1x16xi32>,
        %get3A_478 = vector.shape_cast %get3A_477 : vector<1x16xi32> to vector<16xi32>
        %add3A_479 = arith.constant 32 : i32
        %add3A_480 = arith.addi %min3A_416, %add3A_479 : i32
        %add3A_481 = vector.broadcast %add3A_480 : i32 to vector<16xi32>
        %add3A_482 = arith.addi %add3A_481, %iota3A : vector<16xi32>
        %ge3A_483 = vector.broadcast %mul3A_237 : i32 to vector<16xi32>
        %ge3A_484 = arith.cmpi sge, %get3A_478, %ge3A_483 : vector<16xi32>
        %lt3A_485 = vector.broadcast %min3A_242 : i32 to vector<16xi32>
        %lt3A_486 = arith.cmpi slt, %get3A_478, %lt3A_485 : vector<16xi32>
        %and3A_487 = arith.andi %ge3A_484, %lt3A_486 : vector<16xi1>
        %ge3A_488 = vector.broadcast %add3A_414 : i32 to vector<16xi32>
        %ge3A_489 = arith.cmpi sge, %add3A_482, %ge3A_488 : vector<16xi32>
        %and3A_490 = arith.andi %and3A_487, %ge3A_489 : vector<16xi1>
        %sub3A_491 = vector.broadcast %mul3A_244 : i32 to vector<16xi32>
        %sub3A_492 = arith.subi %get3A_478, %sub3A_491 : vector<16xi32>
        %jit3A_493 = arith.constant 5120 : i32
        %broadcast_in_dim3A_494 = vector.broadcast %jit3A_493 : i32 to vector<16xi32>
        %select_n3A_495 = arith.select %and3A_490, %sub3A_492, %broadcast_in_dim3A_494 : vector<16xi1>, vector<16xi32>
        %swap3A_496 = arith.constant 1 : i32
        %swap3A_497 = arith.constant 0 : i32
        %swap3A_498 = arith.index_cast %swap3A_496 : i32 to index
        %swap3A_499 = arith.index_cast %swap3A_497 : i32 to index
        %swap3A_500 = arith.constant 32 : index
        %swap3A_501 = tpu.vector_load %arg9[%swap3A_498, %swap3A_499, %swap3A_500] {strides = array<i32>} : memref<5x1x128xi32, #tpu.memory_space<vmem>>, vector<1x1x16xi32>,
        %swap3A_502 = vector.shape_cast %swap3A_501 : vector<1x1x16xi32> to vector<16xi32>
        %swap3A_503 = vector.shape_cast %select_n3A_495 : vector<16xi32> to vector<1x1x16xi32>
        tpu.vector_store %arg9[%swap3A_498, %swap3A_499, %swap3A_500], %swap3A_503 {strides = array<i32>} : memref<5x1x128xi32, #tpu.memory_space<vmem>>, vector<1x1x16xi32>,
        %get3A_504 = arith.constant 1 : i32
        %get3A_505 = arith.index_cast %get3A_504 : i32 to index
        %get3A_506 = arith.constant 48 : index
        %get3A_507 = tpu.vector_load %arg10[%get3A_505, %get3A_506] {strides = array<i32>} : memref<5x128xi32, #tpu.memory_space<vmem>>, vector<1x16xi32>,
        %get3A_508 = vector.shape_cast %get3A_507 : vector<1x16xi32> to vector<16xi32>
        %add3A_509 = arith.constant 48 : i32
        %add3A_510 = arith.addi %min3A_416, %add3A_509 : i32
        %add3A_511 = vector.broadcast %add3A_510 : i32 to vector<16xi32>
        %add3A_512 = arith.addi %add3A_511, %iota3A : vector<16xi32>
        %ge3A_513 = vector.broadcast %mul3A_237 : i32 to vector<16xi32>
        %ge3A_514 = arith.cmpi sge, %get3A_508, %ge3A_513 : vector<16xi32>
        %lt3A_515 = vector.broadcast %min3A_242 : i32 to vector<16xi32>
        %lt3A_516 = arith.cmpi slt, %get3A_508, %lt3A_515 : vector<16xi32>
        %and3A_517 = arith.andi %ge3A_514, %lt3A_516 : vector<16xi1>
        %ge3A_518 = vector.broadcast %add3A_414 : i32 to vector<16xi32>
        %ge3A_519 = arith.cmpi sge, %add3A_512, %ge3A_518 : vector<16xi32>
        %and3A_520 = arith.andi %and3A_517, %ge3A_519 : vector<16xi1>
        %sub3A_521 = vector.broadcast %mul3A_244 : i32 to vector<16xi32>
        %sub3A_522 = arith.subi %get3A_508, %sub3A_521 : vector<16xi32>
        %jit3A_523 = arith.constant 5120 : i32
        %broadcast_in_dim3A_524 = vector.broadcast %jit3A_523 : i32 to vector<16xi32>
        %select_n3A_525 = arith.select %and3A_520, %sub3A_522, %broadcast_in_dim3A_524 : vector<16xi1>, vector<16xi32>
        %swap3A_526 = arith.constant 1 : i32
        %swap3A_527 = arith.constant 0 : i32
        %swap3A_528 = arith.index_cast %swap3A_526 : i32 to index
        %swap3A_529 = arith.index_cast %swap3A_527 : i32 to index
        %swap3A_530 = arith.constant 48 : index
        %swap3A_531 = tpu.vector_load %arg9[%swap3A_528, %swap3A_529, %swap3A_530] {strides = array<i32>} : memref<5x1x128xi32, #tpu.memory_space<vmem>>, vector<1x1x16xi32>,
        %swap3A_532 = vector.shape_cast %swap3A_531 : vector<1x1x16xi32> to vector<16xi32>
        %swap3A_533 = vector.shape_cast %select_n3A_525 : vector<16xi32> to vector<1x1x16xi32>
        tpu.vector_store %arg9[%swap3A_528, %swap3A_529, %swap3A_530], %swap3A_533 {strides = array<i32>} : memref<5x1x128xi32, #tpu.memory_space<vmem>>, vector<1x1x16xi32>,
        %get3A_534 = arith.constant 1 : i32
        %get3A_535 = arith.index_cast %get3A_534 : i32 to index
        %get3A_536 = arith.constant 64 : index
        %get3A_537 = tpu.vector_load %arg10[%get3A_535, %get3A_536] {strides = array<i32>} : memref<5x128xi32, #tpu.memory_space<vmem>>, vector<1x16xi32>,
        %get3A_538 = vector.shape_cast %get3A_537 : vector<1x16xi32> to vector<16xi32>
        %add3A_539 = arith.constant 64 : i32
        %add3A_540 = arith.addi %min3A_416, %add3A_539 : i32
        %add3A_541 = vector.broadcast %add3A_540 : i32 to vector<16xi32>
        %add3A_542 = arith.addi %add3A_541, %iota3A : vector<16xi32>
        %ge3A_543 = vector.broadcast %mul3A_237 : i32 to vector<16xi32>
        %ge3A_544 = arith.cmpi sge, %get3A_538, %ge3A_543 : vector<16xi32>
        %lt3A_545 = vector.broadcast %min3A_242 : i32 to vector<16xi32>
        %lt3A_546 = arith.cmpi slt, %get3A_538, %lt3A_545 : vector<16xi32>
        %and3A_547 = arith.andi %ge3A_544, %lt3A_546 : vector<16xi1>
        %ge3A_548 = vector.broadcast %add3A_414 : i32 to vector<16xi32>
        %ge3A_549 = arith.cmpi sge, %add3A_542, %ge3A_548 : vector<16xi32>
        %and3A_550 = arith.andi %and3A_547, %ge3A_549 : vector<16xi1>
        %sub3A_551 = vector.broadcast %mul3A_244 : i32 to vector<16xi32>
        %sub3A_552 = arith.subi %get3A_538, %sub3A_551 : vector<16xi32>
        %jit3A_553 = arith.constant 5120 : i32
        %broadcast_in_dim3A_554 = vector.broadcast %jit3A_553 : i32 to vector<16xi32>
        %select_n3A_555 = arith.select %and3A_550, %sub3A_552, %broadcast_in_dim3A_554 : vector<16xi1>, vector<16xi32>
        %swap3A_556 = arith.constant 1 : i32
        %swap3A_557 = arith.constant 0 : i32
        %swap3A_558 = arith.index_cast %swap3A_556 : i32 to index
        %swap3A_559 = arith.index_cast %swap3A_557 : i32 to index
        %swap3A_560 = arith.constant 64 : index
        %swap3A_561 = tpu.vector_load %arg9[%swap3A_558, %swap3A_559, %swap3A_560] {strides = array<i32>} : memref<5x1x128xi32, #tpu.memory_space<vmem>>, vector<1x1x16xi32>,
        %swap3A_562 = vector.shape_cast %swap3A_561 : vector<1x1x16xi32> to vector<16xi32>
        %swap3A_563 = vector.shape_cast %select_n3A_555 : vector<16xi32> to vector<1x1x16xi32>
        tpu.vector_store %arg9[%swap3A_558, %swap3A_559, %swap3A_560], %swap3A_563 {strides = array<i32>} : memref<5x1x128xi32, #tpu.memory_space<vmem>>, vector<1x1x16xi32>,
        %get3A_564 = arith.constant 1 : i32
        %get3A_565 = arith.index_cast %get3A_564 : i32 to index
        %get3A_566 = arith.constant 80 : index
        %get3A_567 = tpu.vector_load %arg10[%get3A_565, %get3A_566] {strides = array<i32>} : memref<5x128xi32, #tpu.memory_space<vmem>>, vector<1x16xi32>,
        %get3A_568 = vector.shape_cast %get3A_567 : vector<1x16xi32> to vector<16xi32>
        %add3A_569 = arith.constant 80 : i32
        %add3A_570 = arith.addi %min3A_416, %add3A_569 : i32
        %add3A_571 = vector.broadcast %add3A_570 : i32 to vector<16xi32>
        %add3A_572 = arith.addi %add3A_571, %iota3A : vector<16xi32>
        %ge3A_573 = vector.broadcast %mul3A_237 : i32 to vector<16xi32>
        %ge3A_574 = arith.cmpi sge, %get3A_568, %ge3A_573 : vector<16xi32>
        %lt3A_575 = vector.broadcast %min3A_242 : i32 to vector<16xi32>
        %lt3A_576 = arith.cmpi slt, %get3A_568, %lt3A_575 : vector<16xi32>
        %and3A_577 = arith.andi %ge3A_574, %lt3A_576 : vector<16xi1>
        %ge3A_578 = vector.broadcast %add3A_414 : i32 to vector<16xi32>
        %ge3A_579 = arith.cmpi sge, %add3A_572, %ge3A_578 : vector<16xi32>
        %and3A_580 = arith.andi %and3A_577, %ge3A_579 : vector<16xi1>
        %sub3A_581 = vector.broadcast %mul3A_244 : i32 to vector<16xi32>
        %sub3A_582 = arith.subi %get3A_568, %sub3A_581 : vector<16xi32>
        %jit3A_583 = arith.constant 5120 : i32
        %broadcast_in_dim3A_584 = vector.broadcast %jit3A_583 : i32 to vector<16xi32>
        %select_n3A_585 = arith.select %and3A_580, %sub3A_582, %broadcast_in_dim3A_584 : vector<16xi1>, vector<16xi32>
        %swap3A_586 = arith.constant 1 : i32
        %swap3A_587 = arith.constant 0 : i32
        %swap3A_588 = arith.index_cast %swap3A_586 : i32 to index
        %swap3A_589 = arith.index_cast %swap3A_587 : i32 to index
        %swap3A_590 = arith.constant 80 : index
        %swap3A_591 = tpu.vector_load %arg9[%swap3A_588, %swap3A_589, %swap3A_590] {strides = array<i32>} : memref<5x1x128xi32, #tpu.memory_space<vmem>>, vector<1x1x16xi32>,
        %swap3A_592 = vector.shape_cast %swap3A_591 : vector<1x1x16xi32> to vector<16xi32>
        %swap3A_593 = vector.shape_cast %select_n3A_585 : vector<16xi32> to vector<1x1x16xi32>
        tpu.vector_store %arg9[%swap3A_588, %swap3A_589, %swap3A_590], %swap3A_593 {strides = array<i32>} : memref<5x1x128xi32, #tpu.memory_space<vmem>>, vector<1x1x16xi32>,
        %get3A_594 = arith.constant 1 : i32
        %get3A_595 = arith.index_cast %get3A_594 : i32 to index
        %get3A_596 = arith.constant 96 : index
        %get3A_597 = tpu.vector_load %arg10[%get3A_595, %get3A_596] {strides = array<i32>} : memref<5x128xi32, #tpu.memory_space<vmem>>, vector<1x16xi32>,
        %get3A_598 = vector.shape_cast %get3A_597 : vector<1x16xi32> to vector<16xi32>
        %add3A_599 = arith.constant 96 : i32
        %add3A_600 = arith.addi %min3A_416, %add3A_599 : i32
        %add3A_601 = vector.broadcast %add3A_600 : i32 to vector<16xi32>
        %add3A_602 = arith.addi %add3A_601, %iota3A : vector<16xi32>
        %ge3A_603 = vector.broadcast %mul3A_237 : i32 to vector<16xi32>
        %ge3A_604 = arith.cmpi sge, %get3A_598, %ge3A_603 : vector<16xi32>
        %lt3A_605 = vector.broadcast %min3A_242 : i32 to vector<16xi32>
        %lt3A_606 = arith.cmpi slt, %get3A_598, %lt3A_605 : vector<16xi32>
        %and3A_607 = arith.andi %ge3A_604, %lt3A_606 : vector<16xi1>
        %ge3A_608 = vector.broadcast %add3A_414 : i32 to vector<16xi32>
        %ge3A_609 = arith.cmpi sge, %add3A_602, %ge3A_608 : vector<16xi32>
        %and3A_610 = arith.andi %and3A_607, %ge3A_609 : vector<16xi1>
        %sub3A_611 = vector.broadcast %mul3A_244 : i32 to vector<16xi32>
        %sub3A_612 = arith.subi %get3A_598, %sub3A_611 : vector<16xi32>
        %jit3A_613 = arith.constant 5120 : i32
        %broadcast_in_dim3A_614 = vector.broadcast %jit3A_613 : i32 to vector<16xi32>
        %select_n3A_615 = arith.select %and3A_610, %sub3A_612, %broadcast_in_dim3A_614 : vector<16xi1>, vector<16xi32>
        %swap3A_616 = arith.constant 1 : i32
        %swap3A_617 = arith.constant 0 : i32
        %swap3A_618 = arith.index_cast %swap3A_616 : i32 to index
        %swap3A_619 = arith.index_cast %swap3A_617 : i32 to index
        %swap3A_620 = arith.constant 96 : index
        %swap3A_621 = tpu.vector_load %arg9[%swap3A_618, %swap3A_619, %swap3A_620] {strides = array<i32>} : memref<5x1x128xi32, #tpu.memory_space<vmem>>, vector<1x1x16xi32>,
        %swap3A_622 = vector.shape_cast %swap3A_621 : vector<1x1x16xi32> to vector<16xi32>
        %swap3A_623 = vector.shape_cast %select_n3A_615 : vector<16xi32> to vector<1x1x16xi32>
        tpu.vector_store %arg9[%swap3A_618, %swap3A_619, %swap3A_620], %swap3A_623 {strides = array<i32>} : memref<5x1x128xi32, #tpu.memory_space<vmem>>, vector<1x1x16xi32>,
        %get3A_624 = arith.constant 1 : i32
        %get3A_625 = arith.index_cast %get3A_624 : i32 to index
        %get3A_626 = arith.constant 112 : index
        %get3A_627 = tpu.vector_load %arg10[%get3A_625, %get3A_626] {strides = array<i32>} : memref<5x128xi32, #tpu.memory_space<vmem>>, vector<1x16xi32>,
        %get3A_628 = vector.shape_cast %get3A_627 : vector<1x16xi32> to vector<16xi32>
        %add3A_629 = arith.constant 112 : i32
        %add3A_630 = arith.addi %min3A_416, %add3A_629 : i32
        %add3A_631 = vector.broadcast %add3A_630 : i32 to vector<16xi32>
        %add3A_632 = arith.addi %add3A_631, %iota3A : vector<16xi32>
        %ge3A_633 = vector.broadcast %mul3A_237 : i32 to vector<16xi32>
        %ge3A_634 = arith.cmpi sge, %get3A_628, %ge3A_633 : vector<16xi32>
        %lt3A_635 = vector.broadcast %min3A_242 : i32 to vector<16xi32>
        %lt3A_636 = arith.cmpi slt, %get3A_628, %lt3A_635 : vector<16xi32>
        %and3A_637 = arith.andi %ge3A_634, %lt3A_636 : vector<16xi1>
        %ge3A_638 = vector.broadcast %add3A_414 : i32 to vector<16xi32>
        %ge3A_639 = arith.cmpi sge, %add3A_632, %ge3A_638 : vector<16xi32>
        %and3A_640 = arith.andi %and3A_637, %ge3A_639 : vector<16xi1>
        %sub3A_641 = vector.broadcast %mul3A_244 : i32 to vector<16xi32>
        %sub3A_642 = arith.subi %get3A_628, %sub3A_641 : vector<16xi32>
        %jit3A_643 = arith.constant 5120 : i32
        %broadcast_in_dim3A_644 = vector.broadcast %jit3A_643 : i32 to vector<16xi32>
        %select_n3A_645 = arith.select %and3A_640, %sub3A_642, %broadcast_in_dim3A_644 : vector<16xi1>, vector<16xi32>
        %swap3A_646 = arith.constant 1 : i32
        %swap3A_647 = arith.constant 0 : i32
        %swap3A_648 = arith.index_cast %swap3A_646 : i32 to index
        %swap3A_649 = arith.index_cast %swap3A_647 : i32 to index
        %swap3A_650 = arith.constant 112 : index
        %swap3A_651 = tpu.vector_load %arg9[%swap3A_648, %swap3A_649, %swap3A_650] {strides = array<i32>} : memref<5x1x128xi32, #tpu.memory_space<vmem>>, vector<1x1x16xi32>,
        %swap3A_652 = vector.shape_cast %swap3A_651 : vector<1x1x16xi32> to vector<16xi32>
        %swap3A_653 = vector.shape_cast %select_n3A_645 : vector<16xi32> to vector<1x1x16xi32>
        tpu.vector_store %arg9[%swap3A_648, %swap3A_649, %swap3A_650], %swap3A_653 {strides = array<i32>} : memref<5x1x128xi32, #tpu.memory_space<vmem>>, vector<1x1x16xi32>,
        %run_scoped3A_654 = arith.constant 1 : i32
        %run_scoped3A_655 = arith.constant 1 : i32
        %run_scoped3A_656 = arith.constant 0 : i32
        "tpu.region"() ({
          %run_scoped3A_663 = tpu.sem_alloc : memref<!tpu.dma_semaphore, #tpu.memory_space<semaphore_mem>>
          %dma_start3A = arith.constant 0 : i32
          %dma_start3A_664 = arith.constant 0 : i32
          %dma_start3A_665 = tpu.memref_slice %arg8[%run_scoped3A_654, %dma_start3A, %dma_start3A_664] : memref<5x128x128xf32, #tpu.memory_space<vmem>> -> memref<1x128x128xf32, #tpu.memory_space<vmem>>
          %dma_start3A_666 = tpu.memref_squeeze %dma_start3A_665 : memref<1x128x128xf32, #tpu.memory_space<vmem>> -> memref<128x128xf32, #tpu.memory_space<vmem>>
          %dma_start3A_667 = arith.constant 0 : i32
          %dma_start3A_668 = tpu.memref_slice %arg9[%run_scoped3A_655, %run_scoped3A_656, %dma_start3A_667] : memref<5x1x128xi32, #tpu.memory_space<vmem>> -> memref<1x1x128xi32, #tpu.memory_space<vmem>>
          %dma_start3A_669 = tpu.memref_squeeze %dma_start3A_668 : memref<1x1x128xi32, #tpu.memory_space<vmem>> -> memref<128xi32, #tpu.memory_space<vmem>>
          %dma_start3A_670 = arith.constant 0 : i32
          %dma_start3A_671 = arith.constant 0 : i32
          %dma_start3A_672 = tpu.memref_slice %arg11[%dma_start3A_670, %dma_start3A_671] : memref<5128x128xf32, #tpu.memory_space<vmem_shared>> -> memref<5128x128xf32, #tpu.memory_space<vmem_shared>>
          tpu.enqueue_indirect_dma source(%dma_start3A_666 : memref<128x128xf32, #tpu.memory_space<vmem>>) target(%dma_start3A_672 : memref<5128x128xf32, #tpu.memory_space<vmem_shared>>) offsets(%dma_start3A_669 : memref<128xi32, #tpu.memory_space<vmem>>) semaphore(%run_scoped3A_663 : memref<!tpu.dma_semaphore, #tpu.memory_space<semaphore_mem>>) {add = true}
          %dma_wait3A_673 = arith.constant 0 : i32
          %dma_wait3A_674 = arith.constant 0 : i32
          %dma_wait3A_675 = tpu.memref_slice %arg8[%run_scoped3A_654, %dma_wait3A_673, %dma_wait3A_674] : memref<5x128x128xf32, #tpu.memory_space<vmem>> -> memref<1x128x128xf32, #tpu.memory_space<vmem>>
          %dma_wait3A_676 = tpu.memref_squeeze %dma_wait3A_675 : memref<1x128x128xf32, #tpu.memory_space<vmem>> -> memref<128x128xf32, #tpu.memory_space<vmem>>
          %dma_wait3A_677 = arith.constant 0 : i32
          %dma_wait3A_678 = tpu.memref_slice %arg9[%run_scoped3A_655, %run_scoped3A_656, %dma_wait3A_677] : memref<5x1x128xi32, #tpu.memory_space<vmem>> -> memref<1x1x128xi32, #tpu.memory_space<vmem>>
          %dma_wait3A_679 = tpu.memref_squeeze %dma_wait3A_678 : memref<1x1x128xi32, #tpu.memory_space<vmem>> -> memref<128xi32, #tpu.memory_space<vmem>>
          %dma_wait3A_680 = arith.constant 0 : i32
          %dma_wait3A_681 = arith.constant 0 : i32
          %dma_wait3A_682 = tpu.memref_slice %arg11[%dma_wait3A_680, %dma_wait3A_681] : memref<5128x128xf32, #tpu.memory_space<vmem_shared>> -> memref<5128x128xf32, #tpu.memory_space<vmem_shared>>
          tpu.wait_indirect_dma semaphore(%run_scoped3A_663 : memref<!tpu.dma_semaphore, #tpu.memory_space<semaphore_mem>>) src(%dma_wait3A_676 : memref<128x128xf32, #tpu.memory_space<vmem>>) dst(%dma_wait3A_682 : memref<5128x128xf32, #tpu.memory_space<vmem_shared>>)
          tpu.yield
        }) : () -> ()
        %add3A_657 = arith.constant 5 : i32
        %add3A_658 = arith.addi %add3A_352, %add3A_657 : i32
        %lt3A_659 = arith.cmpi slt, %add3A_658, %select_n3A_235 : i32
        %convert_element_type3A_660 = arith.extui %lt3A_659 : i1 to i32
        %cond3A_661 = arith.constant 0 : i32
        %cond3A_662 = arith.cmpi ne, %convert_element_type3A_660, %cond3A_661 : i32
        scf.if %cond3A_662 {
          %add3A_663 = arith.constant 5 : i32
          %add3A_664 = arith.addi %add3A_352, %add3A_663 : i32
          %mul3A_665 = arith.constant 128 : i32
          %mul3A_666 = arith.muli %add3A_664, %mul3A_665 : i32
          %add3A_667 = arith.addi %mul3A_180, %mul3A_666 : i32
          %min3A_668 = arith.constant 319872 : i32
          %min3A_669 = arith.minsi %add3A_667, %min3A_668 : i32
          %multiple_of3A = tpu.assume_multiple %min3A_669, 8 : i32
          %dma_start3A = arith.constant 1 : i32
          %dma_start3A_670 = arith.constant 1 : i32
          %dma_start3A_671 = arith.constant 0 : i32
          %dma_start3A_672 = arith.constant 0 : i32
          %dma_start3A_673 = tpu.memref_slice %arg8[%dma_start3A, %dma_start3A_671, %dma_start3A_672] : memref<5x128x128xf32, #tpu.memory_space<vmem>> -> memref<1x128x128xf32, #tpu.memory_space<vmem>>
          %dma_start3A_674 = tpu.memref_squeeze %dma_start3A_673 : memref<1x128x128xf32, #tpu.memory_space<vmem>> -> memref<128x128xf32, #tpu.memory_space<vmem>>
          %dma_start3A_675 = arith.constant 0 : i32
          %dma_start3A_676 = tpu.memref_slice %arg2[%multiple_of3A, %dma_start3A_675] : memref<320000x128xf32, #tpu.memory_space<hbm>> -> memref<128x128xf32, #tpu.memory_space<hbm>>
          %dma_start3A_677 = tpu.memref_slice %arg12[%dma_start3A_670] : memref<5x!tpu.dma_semaphore, #tpu.memory_space<semaphore_mem>> -> memref<1x!tpu.dma_semaphore, #tpu.memory_space<semaphore_mem>>
          %dma_start3A_678 = tpu.memref_squeeze %dma_start3A_677 : memref<1x!tpu.dma_semaphore, #tpu.memory_space<semaphore_mem>> -> memref<!tpu.dma_semaphore, #tpu.memory_space<semaphore_mem>>
          %dma_start3A_679 = arith.constant 0 : i32
          %dma_start3A_680 = arith.constant 0 : i32
          %dma_start3A_681 = tpu.memref_slice %arg8[%dma_start3A, %dma_start3A_679, %dma_start3A_680] : memref<5x128x128xf32, #tpu.memory_space<vmem>> -> memref<1x128x128xf32, #tpu.memory_space<vmem>>
          %dma_start3A_682 = tpu.memref_squeeze %dma_start3A_681 : memref<1x128x128xf32, #tpu.memory_space<vmem>> -> memref<128x128xf32, #tpu.memory_space<vmem>>
          %dma_start3A_683 = arith.constant 0 : i32
          %dma_start3A_684 = tpu.memref_slice %arg2[%multiple_of3A, %dma_start3A_683] : memref<320000x128xf32, #tpu.memory_space<hbm>> -> memref<128x128xf32, #tpu.memory_space<hbm>>
          tpu.enqueue_dma source(%dma_start3A_684 : memref<128x128xf32, #tpu.memory_space<hbm>>) target(%dma_start3A_682 : memref<128x128xf32, #tpu.memory_space<vmem>>) target_semaphore(%dma_start3A_678 : memref<!tpu.dma_semaphore, #tpu.memory_space<semaphore_mem>>)
          %dma_start3A_685 = arith.constant 1 : i32
          %dma_start3A_686 = arith.constant 1 : i32
          %dma_start3A_687 = arith.constant 0 : i32
          %dma_start3A_688 = tpu.memref_slice %arg10[%dma_start3A_685, %dma_start3A_687] : memref<5x128xi32, #tpu.memory_space<vmem>> -> memref<1x128xi32, #tpu.memory_space<vmem>>
          %dma_start3A_689 = tpu.memref_squeeze %dma_start3A_688 : memref<1x128xi32, #tpu.memory_space<vmem>> -> memref<128xi32, #tpu.memory_space<vmem>>
          %dma_start3A_690 = tpu.memref_slice %arg3[%multiple_of3A] : memref<320000xi32, #tpu.memory_space<hbm>> -> memref<128xi32, #tpu.memory_space<hbm>>
          %dma_start3A_691 = tpu.memref_slice %arg12[%dma_start3A_686] : memref<5x!tpu.dma_semaphore, #tpu.memory_space<semaphore_mem>> -> memref<1x!tpu.dma_semaphore, #tpu.memory_space<semaphore_mem>>
          %dma_start3A_692 = tpu.memref_squeeze %dma_start3A_691 : memref<1x!tpu.dma_semaphore, #tpu.memory_space<semaphore_mem>> -> memref<!tpu.dma_semaphore, #tpu.memory_space<semaphore_mem>>
          %dma_start3A_693 = arith.constant 0 : i32
          %dma_start3A_694 = tpu.memref_slice %arg10[%dma_start3A_685, %dma_start3A_693] : memref<5x128xi32, #tpu.memory_space<vmem>> -> memref<1x128xi32, #tpu.memory_space<vmem>>
          %dma_start3A_695 = tpu.memref_squeeze %dma_start3A_694 : memref<1x128xi32, #tpu.memory_space<vmem>> -> memref<128xi32, #tpu.memory_space<vmem>>
          %dma_start3A_696 = tpu.memref_slice %arg3[%multiple_of3A] : memref<320000xi32, #tpu.memory_space<hbm>> -> memref<128xi32, #tpu.memory_space<hbm>>
          tpu.enqueue_dma source(%dma_start3A_696 : memref<128xi32, #tpu.memory_space<hbm>>) target(%dma_start3A_695 : memref<128xi32, #tpu.memory_space<vmem>>) target_semaphore(%dma_start3A_692 : memref<!tpu.dma_semaphore, #tpu.memory_space<semaphore_mem>>)
        } else {
        }
      } else {
      }
      %mul3A_357 = arith.constant 5 : i32
      %mul3A_358 = arith.muli %while3A_340, %mul3A_357 : i32
      %add3A_359 = arith.constant 2 : i32
      %add3A_360 = arith.addi %mul3A_358, %add3A_359 : i32
      %lt3A_361 = arith.cmpi slt, %add3A_360, %select_n3A_235 : i32
      %convert_element_type3A_362 = arith.extui %lt3A_361 : i1 to i32
      %cond3A_363 = arith.constant 0 : i32
      %cond3A_364 = arith.cmpi ne, %convert_element_type3A_362, %cond3A_363 : i32
      scf.if %cond3A_364 {
        %dma_wait3A = arith.constant 2 : i32
        %dma_wait3A_381 = arith.constant 2 : i32
        %dma_wait3A_382 = arith.constant 0 : i32
        %dma_wait3A_383 = arith.constant 0 : i32
        %dma_wait3A_384 = tpu.memref_slice %arg8[%dma_wait3A, %dma_wait3A_382, %dma_wait3A_383] : memref<5x128x128xf32, #tpu.memory_space<vmem>> -> memref<1x128x128xf32, #tpu.memory_space<vmem>>
        %dma_wait3A_385 = tpu.memref_squeeze %dma_wait3A_384 : memref<1x128x128xf32, #tpu.memory_space<vmem>> -> memref<128x128xf32, #tpu.memory_space<vmem>>
        %dma_wait3A_386 = arith.constant 0 : i32
        %dma_wait3A_387 = arith.constant 0 : i32
        %dma_wait3A_388 = tpu.memref_slice %arg2[%dma_wait3A_386, %dma_wait3A_387] : memref<320000x128xf32, #tpu.memory_space<hbm>> -> memref<128x128xf32, #tpu.memory_space<hbm>>
        %dma_wait3A_389 = tpu.memref_slice %arg12[%dma_wait3A_381] : memref<5x!tpu.dma_semaphore, #tpu.memory_space<semaphore_mem>> -> memref<1x!tpu.dma_semaphore, #tpu.memory_space<semaphore_mem>>
        %dma_wait3A_390 = tpu.memref_squeeze %dma_wait3A_389 : memref<1x!tpu.dma_semaphore, #tpu.memory_space<semaphore_mem>> -> memref<!tpu.dma_semaphore, #tpu.memory_space<semaphore_mem>>
        %dma_wait3A_391 = arith.constant 0 : i32
        %dma_wait3A_392 = arith.constant 0 : i32
        %dma_wait3A_393 = tpu.memref_slice %arg8[%dma_wait3A, %dma_wait3A_391, %dma_wait3A_392] : memref<5x128x128xf32, #tpu.memory_space<vmem>> -> memref<1x128x128xf32, #tpu.memory_space<vmem>>
        %dma_wait3A_394 = tpu.memref_squeeze %dma_wait3A_393 : memref<1x128x128xf32, #tpu.memory_space<vmem>> -> memref<128x128xf32, #tpu.memory_space<vmem>>
        %dma_wait3A_395 = arith.constant 0 : i32
        %dma_wait3A_396 = arith.constant 0 : i32
        %dma_wait3A_397 = tpu.memref_slice %arg2[%dma_wait3A_395, %dma_wait3A_396] : memref<320000x128xf32, #tpu.memory_space<hbm>> -> memref<128x128xf32, #tpu.memory_space<hbm>>
        tpu.wait_dma2 semaphore(%dma_wait3A_390 : memref<!tpu.dma_semaphore, #tpu.memory_space<semaphore_mem>>) src(%dma_wait3A_397 : memref<128x128xf32, #tpu.memory_space<hbm>>) dst(%dma_wait3A_394 : memref<128x128xf32, #tpu.memory_space<vmem>>)
        %dma_wait3A_398 = arith.constant 2 : i32
        %dma_wait3A_399 = arith.constant 2 : i32
        %dma_wait3A_400 = arith.constant 0 : i32
        %dma_wait3A_401 = tpu.memref_slice %arg10[%dma_wait3A_398, %dma_wait3A_400] : memref<5x128xi32, #tpu.memory_space<vmem>> -> memref<1x128xi32, #tpu.memory_space<vmem>>
        %dma_wait3A_402 = tpu.memref_squeeze %dma_wait3A_401 : memref<1x128xi32, #tpu.memory_space<vmem>> -> memref<128xi32, #tpu.memory_space<vmem>>
        %dma_wait3A_403 = arith.constant 0 : i32
        %dma_wait3A_404 = tpu.memref_slice %arg3[%dma_wait3A_403] : memref<320000xi32, #tpu.memory_space<hbm>> -> memref<128xi32, #tpu.memory_space<hbm>>
        %dma_wait3A_405 = tpu.memref_slice %arg12[%dma_wait3A_399] : memref<5x!tpu.dma_semaphore, #tpu.memory_space<semaphore_mem>> -> memref<1x!tpu.dma_semaphore, #tpu.memory_space<semaphore_mem>>
        %dma_wait3A_406 = tpu.memref_squeeze %dma_wait3A_405 : memref<1x!tpu.dma_semaphore, #tpu.memory_space<semaphore_mem>> -> memref<!tpu.dma_semaphore, #tpu.memory_space<semaphore_mem>>
        %dma_wait3A_407 = arith.constant 0 : i32
        %dma_wait3A_408 = tpu.memref_slice %arg10[%dma_wait3A_398, %dma_wait3A_407] : memref<5x128xi32, #tpu.memory_space<vmem>> -> memref<1x128xi32, #tpu.memory_space<vmem>>
        %dma_wait3A_409 = tpu.memref_squeeze %dma_wait3A_408 : memref<1x128xi32, #tpu.memory_space<vmem>> -> memref<128xi32, #tpu.memory_space<vmem>>
        %dma_wait3A_410 = arith.constant 0 : i32
        %dma_wait3A_411 = tpu.memref_slice %arg3[%dma_wait3A_410] : memref<320000xi32, #tpu.memory_space<hbm>> -> memref<128xi32, #tpu.memory_space<hbm>>
        tpu.wait_dma2 semaphore(%dma_wait3A_406 : memref<!tpu.dma_semaphore, #tpu.memory_space<semaphore_mem>>) src(%dma_wait3A_411 : memref<128xi32, #tpu.memory_space<hbm>>) dst(%dma_wait3A_409 : memref<128xi32, #tpu.memory_space<vmem>>)
        %mul3A_412 = arith.constant 128 : i32
        %mul3A_413 = arith.muli %add3A_360, %mul3A_412 : i32
        %add3A_414 = arith.addi %mul3A_180, %mul3A_413 : i32
        %min3A_415 = arith.constant 319872 : i32
        %min3A_416 = arith.minsi %add3A_414, %min3A_415 : i32
        %get3A_417 = arith.constant 2 : i32
        %get3A_418 = arith.index_cast %get3A_417 : i32 to index
        %get3A_419 = arith.constant 0 : index
        %get3A_420 = tpu.vector_load %arg10[%get3A_418, %get3A_419] {strides = array<i32>} : memref<5x128xi32, #tpu.memory_space<vmem>>, vector<1x16xi32>,
        %get3A_421 = vector.shape_cast %get3A_420 : vector<1x16xi32> to vector<16xi32>
        %add3A_422 = arith.constant 0 : i32
        %add3A_423 = arith.addi %min3A_416, %add3A_422 : i32
        %add3A_424 = vector.broadcast %add3A_423 : i32 to vector<16xi32>
        %add3A_425 = arith.addi %add3A_424, %iota3A : vector<16xi32>
        %ge3A = vector.broadcast %mul3A_237 : i32 to vector<16xi32>
        %ge3A_426 = arith.cmpi sge, %get3A_421, %ge3A : vector<16xi32>
        %lt3A_427 = vector.broadcast %min3A_242 : i32 to vector<16xi32>
        %lt3A_428 = arith.cmpi slt, %get3A_421, %lt3A_427 : vector<16xi32>
        %and3A_429 = arith.andi %ge3A_426, %lt3A_428 : vector<16xi1>
        %ge3A_430 = vector.broadcast %add3A_414 : i32 to vector<16xi32>
        %ge3A_431 = arith.cmpi sge, %add3A_425, %ge3A_430 : vector<16xi32>
        %and3A_432 = arith.andi %and3A_429, %ge3A_431 : vector<16xi1>
        %sub3A_433 = vector.broadcast %mul3A_244 : i32 to vector<16xi32>
        %sub3A_434 = arith.subi %get3A_421, %sub3A_433 : vector<16xi32>
        %jit3A_435 = arith.constant 5120 : i32
        %broadcast_in_dim3A = vector.broadcast %jit3A_435 : i32 to vector<16xi32>
        %select_n3A_436 = arith.select %and3A_432, %sub3A_434, %broadcast_in_dim3A : vector<16xi1>, vector<16xi32>
        %swap3A = arith.constant 2 : i32
        %swap3A_437 = arith.constant 0 : i32
        %swap3A_438 = arith.index_cast %swap3A : i32 to index
        %swap3A_439 = arith.index_cast %swap3A_437 : i32 to index
        %swap3A_440 = arith.constant 0 : index
        %swap3A_441 = tpu.vector_load %arg9[%swap3A_438, %swap3A_439, %swap3A_440] {strides = array<i32>} : memref<5x1x128xi32, #tpu.memory_space<vmem>>, vector<1x1x16xi32>,
        %swap3A_442 = vector.shape_cast %swap3A_441 : vector<1x1x16xi32> to vector<16xi32>
        %swap3A_443 = vector.shape_cast %select_n3A_436 : vector<16xi32> to vector<1x1x16xi32>
        tpu.vector_store %arg9[%swap3A_438, %swap3A_439, %swap3A_440], %swap3A_443 {strides = array<i32>} : memref<5x1x128xi32, #tpu.memory_space<vmem>>, vector<1x1x16xi32>,
        %get3A_444 = arith.constant 2 : i32
        %get3A_445 = arith.index_cast %get3A_444 : i32 to index
        %get3A_446 = arith.constant 16 : index
        %get3A_447 = tpu.vector_load %arg10[%get3A_445, %get3A_446] {strides = array<i32>} : memref<5x128xi32, #tpu.memory_space<vmem>>, vector<1x16xi32>,
        %get3A_448 = vector.shape_cast %get3A_447 : vector<1x16xi32> to vector<16xi32>
        %add3A_449 = arith.constant 16 : i32
        %add3A_450 = arith.addi %min3A_416, %add3A_449 : i32
        %add3A_451 = vector.broadcast %add3A_450 : i32 to vector<16xi32>
        %add3A_452 = arith.addi %add3A_451, %iota3A : vector<16xi32>
        %ge3A_453 = vector.broadcast %mul3A_237 : i32 to vector<16xi32>
        %ge3A_454 = arith.cmpi sge, %get3A_448, %ge3A_453 : vector<16xi32>
        %lt3A_455 = vector.broadcast %min3A_242 : i32 to vector<16xi32>
        %lt3A_456 = arith.cmpi slt, %get3A_448, %lt3A_455 : vector<16xi32>
        %and3A_457 = arith.andi %ge3A_454, %lt3A_456 : vector<16xi1>
        %ge3A_458 = vector.broadcast %add3A_414 : i32 to vector<16xi32>
        %ge3A_459 = arith.cmpi sge, %add3A_452, %ge3A_458 : vector<16xi32>
        %and3A_460 = arith.andi %and3A_457, %ge3A_459 : vector<16xi1>
        %sub3A_461 = vector.broadcast %mul3A_244 : i32 to vector<16xi32>
        %sub3A_462 = arith.subi %get3A_448, %sub3A_461 : vector<16xi32>
        %jit3A_463 = arith.constant 5120 : i32
        %broadcast_in_dim3A_464 = vector.broadcast %jit3A_463 : i32 to vector<16xi32>
        %select_n3A_465 = arith.select %and3A_460, %sub3A_462, %broadcast_in_dim3A_464 : vector<16xi1>, vector<16xi32>
        %swap3A_466 = arith.constant 2 : i32
        %swap3A_467 = arith.constant 0 : i32
        %swap3A_468 = arith.index_cast %swap3A_466 : i32 to index
        %swap3A_469 = arith.index_cast %swap3A_467 : i32 to index
        %swap3A_470 = arith.constant 16 : index
        %swap3A_471 = tpu.vector_load %arg9[%swap3A_468, %swap3A_469, %swap3A_470] {strides = array<i32>} : memref<5x1x128xi32, #tpu.memory_space<vmem>>, vector<1x1x16xi32>,
        %swap3A_472 = vector.shape_cast %swap3A_471 : vector<1x1x16xi32> to vector<16xi32>
        %swap3A_473 = vector.shape_cast %select_n3A_465 : vector<16xi32> to vector<1x1x16xi32>
        tpu.vector_store %arg9[%swap3A_468, %swap3A_469, %swap3A_470], %swap3A_473 {strides = array<i32>} : memref<5x1x128xi32, #tpu.memory_space<vmem>>, vector<1x1x16xi32>,
        %get3A_474 = arith.constant 2 : i32
        %get3A_475 = arith.index_cast %get3A_474 : i32 to index
        %get3A_476 = arith.constant 32 : index
        %get3A_477 = tpu.vector_load %arg10[%get3A_475, %get3A_476] {strides = array<i32>} : memref<5x128xi32, #tpu.memory_space<vmem>>, vector<1x16xi32>,
        %get3A_478 = vector.shape_cast %get3A_477 : vector<1x16xi32> to vector<16xi32>
        %add3A_479 = arith.constant 32 : i32
        %add3A_480 = arith.addi %min3A_416, %add3A_479 : i32
        %add3A_481 = vector.broadcast %add3A_480 : i32 to vector<16xi32>
        %add3A_482 = arith.addi %add3A_481, %iota3A : vector<16xi32>
        %ge3A_483 = vector.broadcast %mul3A_237 : i32 to vector<16xi32>
        %ge3A_484 = arith.cmpi sge, %get3A_478, %ge3A_483 : vector<16xi32>
        %lt3A_485 = vector.broadcast %min3A_242 : i32 to vector<16xi32>
        %lt3A_486 = arith.cmpi slt, %get3A_478, %lt3A_485 : vector<16xi32>
        %and3A_487 = arith.andi %ge3A_484, %lt3A_486 : vector<16xi1>
        %ge3A_488 = vector.broadcast %add3A_414 : i32 to vector<16xi32>
        %ge3A_489 = arith.cmpi sge, %add3A_482, %ge3A_488 : vector<16xi32>
        %and3A_490 = arith.andi %and3A_487, %ge3A_489 : vector<16xi1>
        %sub3A_491 = vector.broadcast %mul3A_244 : i32 to vector<16xi32>
        %sub3A_492 = arith.subi %get3A_478, %sub3A_491 : vector<16xi32>
        %jit3A_493 = arith.constant 5120 : i32
        %broadcast_in_dim3A_494 = vector.broadcast %jit3A_493 : i32 to vector<16xi32>
        %select_n3A_495 = arith.select %and3A_490, %sub3A_492, %broadcast_in_dim3A_494 : vector<16xi1>, vector<16xi32>
        %swap3A_496 = arith.constant 2 : i32
        %swap3A_497 = arith.constant 0 : i32
        %swap3A_498 = arith.index_cast %swap3A_496 : i32 to index
        %swap3A_499 = arith.index_cast %swap3A_497 : i32 to index
        %swap3A_500 = arith.constant 32 : index
        %swap3A_501 = tpu.vector_load %arg9[%swap3A_498, %swap3A_499, %swap3A_500] {strides = array<i32>} : memref<5x1x128xi32, #tpu.memory_space<vmem>>, vector<1x1x16xi32>,
        %swap3A_502 = vector.shape_cast %swap3A_501 : vector<1x1x16xi32> to vector<16xi32>
        %swap3A_503 = vector.shape_cast %select_n3A_495 : vector<16xi32> to vector<1x1x16xi32>
        tpu.vector_store %arg9[%swap3A_498, %swap3A_499, %swap3A_500], %swap3A_503 {strides = array<i32>} : memref<5x1x128xi32, #tpu.memory_space<vmem>>, vector<1x1x16xi32>,
        %get3A_504 = arith.constant 2 : i32
        %get3A_505 = arith.index_cast %get3A_504 : i32 to index
        %get3A_506 = arith.constant 48 : index
        %get3A_507 = tpu.vector_load %arg10[%get3A_505, %get3A_506] {strides = array<i32>} : memref<5x128xi32, #tpu.memory_space<vmem>>, vector<1x16xi32>,
        %get3A_508 = vector.shape_cast %get3A_507 : vector<1x16xi32> to vector<16xi32>
        %add3A_509 = arith.constant 48 : i32
        %add3A_510 = arith.addi %min3A_416, %add3A_509 : i32
        %add3A_511 = vector.broadcast %add3A_510 : i32 to vector<16xi32>
        %add3A_512 = arith.addi %add3A_511, %iota3A : vector<16xi32>
        %ge3A_513 = vector.broadcast %mul3A_237 : i32 to vector<16xi32>
        %ge3A_514 = arith.cmpi sge, %get3A_508, %ge3A_513 : vector<16xi32>
        %lt3A_515 = vector.broadcast %min3A_242 : i32 to vector<16xi32>
        %lt3A_516 = arith.cmpi slt, %get3A_508, %lt3A_515 : vector<16xi32>
        %and3A_517 = arith.andi %ge3A_514, %lt3A_516 : vector<16xi1>
        %ge3A_518 = vector.broadcast %add3A_414 : i32 to vector<16xi32>
        %ge3A_519 = arith.cmpi sge, %add3A_512, %ge3A_518 : vector<16xi32>
        %and3A_520 = arith.andi %and3A_517, %ge3A_519 : vector<16xi1>
        %sub3A_521 = vector.broadcast %mul3A_244 : i32 to vector<16xi32>
        %sub3A_522 = arith.subi %get3A_508, %sub3A_521 : vector<16xi32>
        %jit3A_523 = arith.constant 5120 : i32
        %broadcast_in_dim3A_524 = vector.broadcast %jit3A_523 : i32 to vector<16xi32>
        %select_n3A_525 = arith.select %and3A_520, %sub3A_522, %broadcast_in_dim3A_524 : vector<16xi1>, vector<16xi32>
        %swap3A_526 = arith.constant 2 : i32
        %swap3A_527 = arith.constant 0 : i32
        %swap3A_528 = arith.index_cast %swap3A_526 : i32 to index
        %swap3A_529 = arith.index_cast %swap3A_527 : i32 to index
        %swap3A_530 = arith.constant 48 : index
        %swap3A_531 = tpu.vector_load %arg9[%swap3A_528, %swap3A_529, %swap3A_530] {strides = array<i32>} : memref<5x1x128xi32, #tpu.memory_space<vmem>>, vector<1x1x16xi32>,
        %swap3A_532 = vector.shape_cast %swap3A_531 : vector<1x1x16xi32> to vector<16xi32>
        %swap3A_533 = vector.shape_cast %select_n3A_525 : vector<16xi32> to vector<1x1x16xi32>
        tpu.vector_store %arg9[%swap3A_528, %swap3A_529, %swap3A_530], %swap3A_533 {strides = array<i32>} : memref<5x1x128xi32, #tpu.memory_space<vmem>>, vector<1x1x16xi32>,
        %get3A_534 = arith.constant 2 : i32
        %get3A_535 = arith.index_cast %get3A_534 : i32 to index
        %get3A_536 = arith.constant 64 : index
        %get3A_537 = tpu.vector_load %arg10[%get3A_535, %get3A_536] {strides = array<i32>} : memref<5x128xi32, #tpu.memory_space<vmem>>, vector<1x16xi32>,
        %get3A_538 = vector.shape_cast %get3A_537 : vector<1x16xi32> to vector<16xi32>
        %add3A_539 = arith.constant 64 : i32
        %add3A_540 = arith.addi %min3A_416, %add3A_539 : i32
        %add3A_541 = vector.broadcast %add3A_540 : i32 to vector<16xi32>
        %add3A_542 = arith.addi %add3A_541, %iota3A : vector<16xi32>
        %ge3A_543 = vector.broadcast %mul3A_237 : i32 to vector<16xi32>
        %ge3A_544 = arith.cmpi sge, %get3A_538, %ge3A_543 : vector<16xi32>
        %lt3A_545 = vector.broadcast %min3A_242 : i32 to vector<16xi32>
        %lt3A_546 = arith.cmpi slt, %get3A_538, %lt3A_545 : vector<16xi32>
        %and3A_547 = arith.andi %ge3A_544, %lt3A_546 : vector<16xi1>
        %ge3A_548 = vector.broadcast %add3A_414 : i32 to vector<16xi32>
        %ge3A_549 = arith.cmpi sge, %add3A_542, %ge3A_548 : vector<16xi32>
        %and3A_550 = arith.andi %and3A_547, %ge3A_549 : vector<16xi1>
        %sub3A_551 = vector.broadcast %mul3A_244 : i32 to vector<16xi32>
        %sub3A_552 = arith.subi %get3A_538, %sub3A_551 : vector<16xi32>
        %jit3A_553 = arith.constant 5120 : i32
        %broadcast_in_dim3A_554 = vector.broadcast %jit3A_553 : i32 to vector<16xi32>
        %select_n3A_555 = arith.select %and3A_550, %sub3A_552, %broadcast_in_dim3A_554 : vector<16xi1>, vector<16xi32>
        %swap3A_556 = arith.constant 2 : i32
        %swap3A_557 = arith.constant 0 : i32
        %swap3A_558 = arith.index_cast %swap3A_556 : i32 to index
        %swap3A_559 = arith.index_cast %swap3A_557 : i32 to index
        %swap3A_560 = arith.constant 64 : index
        %swap3A_561 = tpu.vector_load %arg9[%swap3A_558, %swap3A_559, %swap3A_560] {strides = array<i32>} : memref<5x1x128xi32, #tpu.memory_space<vmem>>, vector<1x1x16xi32>,
        %swap3A_562 = vector.shape_cast %swap3A_561 : vector<1x1x16xi32> to vector<16xi32>
        %swap3A_563 = vector.shape_cast %select_n3A_555 : vector<16xi32> to vector<1x1x16xi32>
        tpu.vector_store %arg9[%swap3A_558, %swap3A_559, %swap3A_560], %swap3A_563 {strides = array<i32>} : memref<5x1x128xi32, #tpu.memory_space<vmem>>, vector<1x1x16xi32>,
        %get3A_564 = arith.constant 2 : i32
        %get3A_565 = arith.index_cast %get3A_564 : i32 to index
        %get3A_566 = arith.constant 80 : index
        %get3A_567 = tpu.vector_load %arg10[%get3A_565, %get3A_566] {strides = array<i32>} : memref<5x128xi32, #tpu.memory_space<vmem>>, vector<1x16xi32>,
        %get3A_568 = vector.shape_cast %get3A_567 : vector<1x16xi32> to vector<16xi32>
        %add3A_569 = arith.constant 80 : i32
        %add3A_570 = arith.addi %min3A_416, %add3A_569 : i32
        %add3A_571 = vector.broadcast %add3A_570 : i32 to vector<16xi32>
        %add3A_572 = arith.addi %add3A_571, %iota3A : vector<16xi32>
        %ge3A_573 = vector.broadcast %mul3A_237 : i32 to vector<16xi32>
        %ge3A_574 = arith.cmpi sge, %get3A_568, %ge3A_573 : vector<16xi32>
        %lt3A_575 = vector.broadcast %min3A_242 : i32 to vector<16xi32>
        %lt3A_576 = arith.cmpi slt, %get3A_568, %lt3A_575 : vector<16xi32>
        %and3A_577 = arith.andi %ge3A_574, %lt3A_576 : vector<16xi1>
        %ge3A_578 = vector.broadcast %add3A_414 : i32 to vector<16xi32>
        %ge3A_579 = arith.cmpi sge, %add3A_572, %ge3A_578 : vector<16xi32>
        %and3A_580 = arith.andi %and3A_577, %ge3A_579 : vector<16xi1>
        %sub3A_581 = vector.broadcast %mul3A_244 : i32 to vector<16xi32>
        %sub3A_582 = arith.subi %get3A_568, %sub3A_581 : vector<16xi32>
        %jit3A_583 = arith.constant 5120 : i32
        %broadcast_in_dim3A_584 = vector.broadcast %jit3A_583 : i32 to vector<16xi32>
        %select_n3A_585 = arith.select %and3A_580, %sub3A_582, %broadcast_in_dim3A_584 : vector<16xi1>, vector<16xi32>
        %swap3A_586 = arith.constant 2 : i32
        %swap3A_587 = arith.constant 0 : i32
        %swap3A_588 = arith.index_cast %swap3A_586 : i32 to index
        %swap3A_589 = arith.index_cast %swap3A_587 : i32 to index
        %swap3A_590 = arith.constant 80 : index
        %swap3A_591 = tpu.vector_load %arg9[%swap3A_588, %swap3A_589, %swap3A_590] {strides = array<i32>} : memref<5x1x128xi32, #tpu.memory_space<vmem>>, vector<1x1x16xi32>,
        %swap3A_592 = vector.shape_cast %swap3A_591 : vector<1x1x16xi32> to vector<16xi32>
        %swap3A_593 = vector.shape_cast %select_n3A_585 : vector<16xi32> to vector<1x1x16xi32>
        tpu.vector_store %arg9[%swap3A_588, %swap3A_589, %swap3A_590], %swap3A_593 {strides = array<i32>} : memref<5x1x128xi32, #tpu.memory_space<vmem>>, vector<1x1x16xi32>,
        %get3A_594 = arith.constant 2 : i32
        %get3A_595 = arith.index_cast %get3A_594 : i32 to index
        %get3A_596 = arith.constant 96 : index
        %get3A_597 = tpu.vector_load %arg10[%get3A_595, %get3A_596] {strides = array<i32>} : memref<5x128xi32, #tpu.memory_space<vmem>>, vector<1x16xi32>,
        %get3A_598 = vector.shape_cast %get3A_597 : vector<1x16xi32> to vector<16xi32>
        %add3A_599 = arith.constant 96 : i32
        %add3A_600 = arith.addi %min3A_416, %add3A_599 : i32
        %add3A_601 = vector.broadcast %add3A_600 : i32 to vector<16xi32>
        %add3A_602 = arith.addi %add3A_601, %iota3A : vector<16xi32>
        %ge3A_603 = vector.broadcast %mul3A_237 : i32 to vector<16xi32>
        %ge3A_604 = arith.cmpi sge, %get3A_598, %ge3A_603 : vector<16xi32>
        %lt3A_605 = vector.broadcast %min3A_242 : i32 to vector<16xi32>
        %lt3A_606 = arith.cmpi slt, %get3A_598, %lt3A_605 : vector<16xi32>
        %and3A_607 = arith.andi %ge3A_604, %lt3A_606 : vector<16xi1>
        %ge3A_608 = vector.broadcast %add3A_414 : i32 to vector<16xi32>
        %ge3A_609 = arith.cmpi sge, %add3A_602, %ge3A_608 : vector<16xi32>
        %and3A_610 = arith.andi %and3A_607, %ge3A_609 : vector<16xi1>
        %sub3A_611 = vector.broadcast %mul3A_244 : i32 to vector<16xi32>
        %sub3A_612 = arith.subi %get3A_598, %sub3A_611 : vector<16xi32>
        %jit3A_613 = arith.constant 5120 : i32
        %broadcast_in_dim3A_614 = vector.broadcast %jit3A_613 : i32 to vector<16xi32>
        %select_n3A_615 = arith.select %and3A_610, %sub3A_612, %broadcast_in_dim3A_614 : vector<16xi1>, vector<16xi32>
        %swap3A_616 = arith.constant 2 : i32
        %swap3A_617 = arith.constant 0 : i32
        %swap3A_618 = arith.index_cast %swap3A_616 : i32 to index
        %swap3A_619 = arith.index_cast %swap3A_617 : i32 to index
        %swap3A_620 = arith.constant 96 : index
        %swap3A_621 = tpu.vector_load %arg9[%swap3A_618, %swap3A_619, %swap3A_620] {strides = array<i32>} : memref<5x1x128xi32, #tpu.memory_space<vmem>>, vector<1x1x16xi32>,
        %swap3A_622 = vector.shape_cast %swap3A_621 : vector<1x1x16xi32> to vector<16xi32>
        %swap3A_623 = vector.shape_cast %select_n3A_615 : vector<16xi32> to vector<1x1x16xi32>
        tpu.vector_store %arg9[%swap3A_618, %swap3A_619, %swap3A_620], %swap3A_623 {strides = array<i32>} : memref<5x1x128xi32, #tpu.memory_space<vmem>>, vector<1x1x16xi32>,
        %get3A_624 = arith.constant 2 : i32
        %get3A_625 = arith.index_cast %get3A_624 : i32 to index
        %get3A_626 = arith.constant 112 : index
        %get3A_627 = tpu.vector_load %arg10[%get3A_625, %get3A_626] {strides = array<i32>} : memref<5x128xi32, #tpu.memory_space<vmem>>, vector<1x16xi32>,
        %get3A_628 = vector.shape_cast %get3A_627 : vector<1x16xi32> to vector<16xi32>
        %add3A_629 = arith.constant 112 : i32
        %add3A_630 = arith.addi %min3A_416, %add3A_629 : i32
        %add3A_631 = vector.broadcast %add3A_630 : i32 to vector<16xi32>
        %add3A_632 = arith.addi %add3A_631, %iota3A : vector<16xi32>
        %ge3A_633 = vector.broadcast %mul3A_237 : i32 to vector<16xi32>
        %ge3A_634 = arith.cmpi sge, %get3A_628, %ge3A_633 : vector<16xi32>
        %lt3A_635 = vector.broadcast %min3A_242 : i32 to vector<16xi32>
        %lt3A_636 = arith.cmpi slt, %get3A_628, %lt3A_635 : vector<16xi32>
        %and3A_637 = arith.andi %ge3A_634, %lt3A_636 : vector<16xi1>
        %ge3A_638 = vector.broadcast %add3A_414 : i32 to vector<16xi32>
        %ge3A_639 = arith.cmpi sge, %add3A_632, %ge3A_638 : vector<16xi32>
        %and3A_640 = arith.andi %and3A_637, %ge3A_639 : vector<16xi1>
        %sub3A_641 = vector.broadcast %mul3A_244 : i32 to vector<16xi32>
        %sub3A_642 = arith.subi %get3A_628, %sub3A_641 : vector<16xi32>
        %jit3A_643 = arith.constant 5120 : i32
        %broadcast_in_dim3A_644 = vector.broadcast %jit3A_643 : i32 to vector<16xi32>
        %select_n3A_645 = arith.select %and3A_640, %sub3A_642, %broadcast_in_dim3A_644 : vector<16xi1>, vector<16xi32>
        %swap3A_646 = arith.constant 2 : i32
        %swap3A_647 = arith.constant 0 : i32
        %swap3A_648 = arith.index_cast %swap3A_646 : i32 to index
        %swap3A_649 = arith.index_cast %swap3A_647 : i32 to index
        %swap3A_650 = arith.constant 112 : index
        %swap3A_651 = tpu.vector_load %arg9[%swap3A_648, %swap3A_649, %swap3A_650] {strides = array<i32>} : memref<5x1x128xi32, #tpu.memory_space<vmem>>, vector<1x1x16xi32>,
        %swap3A_652 = vector.shape_cast %swap3A_651 : vector<1x1x16xi32> to vector<16xi32>
        %swap3A_653 = vector.shape_cast %select_n3A_645 : vector<16xi32> to vector<1x1x16xi32>
        tpu.vector_store %arg9[%swap3A_648, %swap3A_649, %swap3A_650], %swap3A_653 {strides = array<i32>} : memref<5x1x128xi32, #tpu.memory_space<vmem>>, vector<1x1x16xi32>,
        %run_scoped3A_654 = arith.constant 2 : i32
        %run_scoped3A_655 = arith.constant 2 : i32
        %run_scoped3A_656 = arith.constant 0 : i32
        "tpu.region"() ({
          %run_scoped3A_663 = tpu.sem_alloc : memref<!tpu.dma_semaphore, #tpu.memory_space<semaphore_mem>>
          %dma_start3A = arith.constant 0 : i32
          %dma_start3A_664 = arith.constant 0 : i32
          %dma_start3A_665 = tpu.memref_slice %arg8[%run_scoped3A_654, %dma_start3A, %dma_start3A_664] : memref<5x128x128xf32, #tpu.memory_space<vmem>> -> memref<1x128x128xf32, #tpu.memory_space<vmem>>
          %dma_start3A_666 = tpu.memref_squeeze %dma_start3A_665 : memref<1x128x128xf32, #tpu.memory_space<vmem>> -> memref<128x128xf32, #tpu.memory_space<vmem>>
          %dma_start3A_667 = arith.constant 0 : i32
          %dma_start3A_668 = tpu.memref_slice %arg9[%run_scoped3A_655, %run_scoped3A_656, %dma_start3A_667] : memref<5x1x128xi32, #tpu.memory_space<vmem>> -> memref<1x1x128xi32, #tpu.memory_space<vmem>>
          %dma_start3A_669 = tpu.memref_squeeze %dma_start3A_668 : memref<1x1x128xi32, #tpu.memory_space<vmem>> -> memref<128xi32, #tpu.memory_space<vmem>>
          %dma_start3A_670 = arith.constant 0 : i32
          %dma_start3A_671 = arith.constant 0 : i32
          %dma_start3A_672 = tpu.memref_slice %arg11[%dma_start3A_670, %dma_start3A_671] : memref<5128x128xf32, #tpu.memory_space<vmem_shared>> -> memref<5128x128xf32, #tpu.memory_space<vmem_shared>>
          tpu.enqueue_indirect_dma source(%dma_start3A_666 : memref<128x128xf32, #tpu.memory_space<vmem>>) target(%dma_start3A_672 : memref<5128x128xf32, #tpu.memory_space<vmem_shared>>) offsets(%dma_start3A_669 : memref<128xi32, #tpu.memory_space<vmem>>) semaphore(%run_scoped3A_663 : memref<!tpu.dma_semaphore, #tpu.memory_space<semaphore_mem>>) {add = true}
          %dma_wait3A_673 = arith.constant 0 : i32
          %dma_wait3A_674 = arith.constant 0 : i32
          %dma_wait3A_675 = tpu.memref_slice %arg8[%run_scoped3A_654, %dma_wait3A_673, %dma_wait3A_674] : memref<5x128x128xf32, #tpu.memory_space<vmem>> -> memref<1x128x128xf32, #tpu.memory_space<vmem>>
          %dma_wait3A_676 = tpu.memref_squeeze %dma_wait3A_675 : memref<1x128x128xf32, #tpu.memory_space<vmem>> -> memref<128x128xf32, #tpu.memory_space<vmem>>
          %dma_wait3A_677 = arith.constant 0 : i32
          %dma_wait3A_678 = tpu.memref_slice %arg9[%run_scoped3A_655, %run_scoped3A_656, %dma_wait3A_677] : memref<5x1x128xi32, #tpu.memory_space<vmem>> -> memref<1x1x128xi32, #tpu.memory_space<vmem>>
          %dma_wait3A_679 = tpu.memref_squeeze %dma_wait3A_678 : memref<1x1x128xi32, #tpu.memory_space<vmem>> -> memref<128xi32, #tpu.memory_space<vmem>>
          %dma_wait3A_680 = arith.constant 0 : i32
          %dma_wait3A_681 = arith.constant 0 : i32
          %dma_wait3A_682 = tpu.memref_slice %arg11[%dma_wait3A_680, %dma_wait3A_681] : memref<5128x128xf32, #tpu.memory_space<vmem_shared>> -> memref<5128x128xf32, #tpu.memory_space<vmem_shared>>
          tpu.wait_indirect_dma semaphore(%run_scoped3A_663 : memref<!tpu.dma_semaphore, #tpu.memory_space<semaphore_mem>>) src(%dma_wait3A_676 : memref<128x128xf32, #tpu.memory_space<vmem>>) dst(%dma_wait3A_682 : memref<5128x128xf32, #tpu.memory_space<vmem_shared>>)
          tpu.yield
        }) : () -> ()
        %add3A_657 = arith.constant 5 : i32
        %add3A_658 = arith.addi %add3A_360, %add3A_657 : i32
        %lt3A_659 = arith.cmpi slt, %add3A_658, %select_n3A_235 : i32
        %convert_element_type3A_660 = arith.extui %lt3A_659 : i1 to i32
        %cond3A_661 = arith.constant 0 : i32
        %cond3A_662 = arith.cmpi ne, %convert_element_type3A_660, %cond3A_661 : i32
        scf.if %cond3A_662 {
          %add3A_663 = arith.constant 5 : i32
          %add3A_664 = arith.addi %add3A_360, %add3A_663 : i32
          %mul3A_665 = arith.constant 128 : i32
          %mul3A_666 = arith.muli %add3A_664, %mul3A_665 : i32
          %add3A_667 = arith.addi %mul3A_180, %mul3A_666 : i32
          %min3A_668 = arith.constant 319872 : i32
          %min3A_669 = arith.minsi %add3A_667, %min3A_668 : i32
          %multiple_of3A = tpu.assume_multiple %min3A_669, 8 : i32
          %dma_start3A = arith.constant 2 : i32
          %dma_start3A_670 = arith.constant 2 : i32
          %dma_start3A_671 = arith.constant 0 : i32
          %dma_start3A_672 = arith.constant 0 : i32
          %dma_start3A_673 = tpu.memref_slice %arg8[%dma_start3A, %dma_start3A_671, %dma_start3A_672] : memref<5x128x128xf32, #tpu.memory_space<vmem>> -> memref<1x128x128xf32, #tpu.memory_space<vmem>>
          %dma_start3A_674 = tpu.memref_squeeze %dma_start3A_673 : memref<1x128x128xf32, #tpu.memory_space<vmem>> -> memref<128x128xf32, #tpu.memory_space<vmem>>
          %dma_start3A_675 = arith.constant 0 : i32
          %dma_start3A_676 = tpu.memref_slice %arg2[%multiple_of3A, %dma_start3A_675] : memref<320000x128xf32, #tpu.memory_space<hbm>> -> memref<128x128xf32, #tpu.memory_space<hbm>>
          %dma_start3A_677 = tpu.memref_slice %arg12[%dma_start3A_670] : memref<5x!tpu.dma_semaphore, #tpu.memory_space<semaphore_mem>> -> memref<1x!tpu.dma_semaphore, #tpu.memory_space<semaphore_mem>>
          %dma_start3A_678 = tpu.memref_squeeze %dma_start3A_677 : memref<1x!tpu.dma_semaphore, #tpu.memory_space<semaphore_mem>> -> memref<!tpu.dma_semaphore, #tpu.memory_space<semaphore_mem>>
          %dma_start3A_679 = arith.constant 0 : i32
          %dma_start3A_680 = arith.constant 0 : i32
          %dma_start3A_681 = tpu.memref_slice %arg8[%dma_start3A, %dma_start3A_679, %dma_start3A_680] : memref<5x128x128xf32, #tpu.memory_space<vmem>> -> memref<1x128x128xf32, #tpu.memory_space<vmem>>
          %dma_start3A_682 = tpu.memref_squeeze %dma_start3A_681 : memref<1x128x128xf32, #tpu.memory_space<vmem>> -> memref<128x128xf32, #tpu.memory_space<vmem>>
          %dma_start3A_683 = arith.constant 0 : i32
          %dma_start3A_684 = tpu.memref_slice %arg2[%multiple_of3A, %dma_start3A_683] : memref<320000x128xf32, #tpu.memory_space<hbm>> -> memref<128x128xf32, #tpu.memory_space<hbm>>
          tpu.enqueue_dma source(%dma_start3A_684 : memref<128x128xf32, #tpu.memory_space<hbm>>) target(%dma_start3A_682 : memref<128x128xf32, #tpu.memory_space<vmem>>) target_semaphore(%dma_start3A_678 : memref<!tpu.dma_semaphore, #tpu.memory_space<semaphore_mem>>)
          %dma_start3A_685 = arith.constant 2 : i32
          %dma_start3A_686 = arith.constant 2 : i32
          %dma_start3A_687 = arith.constant 0 : i32
          %dma_start3A_688 = tpu.memref_slice %arg10[%dma_start3A_685, %dma_start3A_687] : memref<5x128xi32, #tpu.memory_space<vmem>> -> memref<1x128xi32, #tpu.memory_space<vmem>>
          %dma_start3A_689 = tpu.memref_squeeze %dma_start3A_688 : memref<1x128xi32, #tpu.memory_space<vmem>> -> memref<128xi32, #tpu.memory_space<vmem>>
          %dma_start3A_690 = tpu.memref_slice %arg3[%multiple_of3A] : memref<320000xi32, #tpu.memory_space<hbm>> -> memref<128xi32, #tpu.memory_space<hbm>>
          %dma_start3A_691 = tpu.memref_slice %arg12[%dma_start3A_686] : memref<5x!tpu.dma_semaphore, #tpu.memory_space<semaphore_mem>> -> memref<1x!tpu.dma_semaphore, #tpu.memory_space<semaphore_mem>>
          %dma_start3A_692 = tpu.memref_squeeze %dma_start3A_691 : memref<1x!tpu.dma_semaphore, #tpu.memory_space<semaphore_mem>> -> memref<!tpu.dma_semaphore, #tpu.memory_space<semaphore_mem>>
          %dma_start3A_693 = arith.constant 0 : i32
          %dma_start3A_694 = tpu.memref_slice %arg10[%dma_start3A_685, %dma_start3A_693] : memref<5x128xi32, #tpu.memory_space<vmem>> -> memref<1x128xi32, #tpu.memory_space<vmem>>
          %dma_start3A_695 = tpu.memref_squeeze %dma_start3A_694 : memref<1x128xi32, #tpu.memory_space<vmem>> -> memref<128xi32, #tpu.memory_space<vmem>>
          %dma_start3A_696 = tpu.memref_slice %arg3[%multiple_of3A] : memref<320000xi32, #tpu.memory_space<hbm>> -> memref<128xi32, #tpu.memory_space<hbm>>
          tpu.enqueue_dma source(%dma_start3A_696 : memref<128xi32, #tpu.memory_space<hbm>>) target(%dma_start3A_695 : memref<128xi32, #tpu.memory_space<vmem>>) target_semaphore(%dma_start3A_692 : memref<!tpu.dma_semaphore, #tpu.memory_space<semaphore_mem>>)
        } else {
        }
      } else {
      }
      %mul3A_365 = arith.constant 5 : i32
      %mul3A_366 = arith.muli %while3A_340, %mul3A_365 : i32
      %add3A_367 = arith.constant 3 : i32
      %add3A_368 = arith.addi %mul3A_366, %add3A_367 : i32
      %lt3A_369 = arith.cmpi slt, %add3A_368, %select_n3A_235 : i32
      %convert_element_type3A_370 = arith.extui %lt3A_369 : i1 to i32
      %cond3A_371 = arith.constant 0 : i32
      %cond3A_372 = arith.cmpi ne, %convert_element_type3A_370, %cond3A_371 : i32
      scf.if %cond3A_372 {
        %dma_wait3A = arith.constant 3 : i32
        %dma_wait3A_381 = arith.constant 3 : i32
        %dma_wait3A_382 = arith.constant 0 : i32
        %dma_wait3A_383 = arith.constant 0 : i32
        %dma_wait3A_384 = tpu.memref_slice %arg8[%dma_wait3A, %dma_wait3A_382, %dma_wait3A_383] : memref<5x128x128xf32, #tpu.memory_space<vmem>> -> memref<1x128x128xf32, #tpu.memory_space<vmem>>
        %dma_wait3A_385 = tpu.memref_squeeze %dma_wait3A_384 : memref<1x128x128xf32, #tpu.memory_space<vmem>> -> memref<128x128xf32, #tpu.memory_space<vmem>>
        %dma_wait3A_386 = arith.constant 0 : i32
        %dma_wait3A_387 = arith.constant 0 : i32
        %dma_wait3A_388 = tpu.memref_slice %arg2[%dma_wait3A_386, %dma_wait3A_387] : memref<320000x128xf32, #tpu.memory_space<hbm>> -> memref<128x128xf32, #tpu.memory_space<hbm>>
        %dma_wait3A_389 = tpu.memref_slice %arg12[%dma_wait3A_381] : memref<5x!tpu.dma_semaphore, #tpu.memory_space<semaphore_mem>> -> memref<1x!tpu.dma_semaphore, #tpu.memory_space<semaphore_mem>>
        %dma_wait3A_390 = tpu.memref_squeeze %dma_wait3A_389 : memref<1x!tpu.dma_semaphore, #tpu.memory_space<semaphore_mem>> -> memref<!tpu.dma_semaphore, #tpu.memory_space<semaphore_mem>>
        %dma_wait3A_391 = arith.constant 0 : i32
        %dma_wait3A_392 = arith.constant 0 : i32
        %dma_wait3A_393 = tpu.memref_slice %arg8[%dma_wait3A, %dma_wait3A_391, %dma_wait3A_392] : memref<5x128x128xf32, #tpu.memory_space<vmem>> -> memref<1x128x128xf32, #tpu.memory_space<vmem>>
        %dma_wait3A_394 = tpu.memref_squeeze %dma_wait3A_393 : memref<1x128x128xf32, #tpu.memory_space<vmem>> -> memref<128x128xf32, #tpu.memory_space<vmem>>
        %dma_wait3A_395 = arith.constant 0 : i32
        %dma_wait3A_396 = arith.constant 0 : i32
        %dma_wait3A_397 = tpu.memref_slice %arg2[%dma_wait3A_395, %dma_wait3A_396] : memref<320000x128xf32, #tpu.memory_space<hbm>> -> memref<128x128xf32, #tpu.memory_space<hbm>>
        tpu.wait_dma2 semaphore(%dma_wait3A_390 : memref<!tpu.dma_semaphore, #tpu.memory_space<semaphore_mem>>) src(%dma_wait3A_397 : memref<128x128xf32, #tpu.memory_space<hbm>>) dst(%dma_wait3A_394 : memref<128x128xf32, #tpu.memory_space<vmem>>)
        %dma_wait3A_398 = arith.constant 3 : i32
        %dma_wait3A_399 = arith.constant 3 : i32
        %dma_wait3A_400 = arith.constant 0 : i32
        %dma_wait3A_401 = tpu.memref_slice %arg10[%dma_wait3A_398, %dma_wait3A_400] : memref<5x128xi32, #tpu.memory_space<vmem>> -> memref<1x128xi32, #tpu.memory_space<vmem>>
        %dma_wait3A_402 = tpu.memref_squeeze %dma_wait3A_401 : memref<1x128xi32, #tpu.memory_space<vmem>> -> memref<128xi32, #tpu.memory_space<vmem>>
        %dma_wait3A_403 = arith.constant 0 : i32
        %dma_wait3A_404 = tpu.memref_slice %arg3[%dma_wait3A_403] : memref<320000xi32, #tpu.memory_space<hbm>> -> memref<128xi32, #tpu.memory_space<hbm>>
        %dma_wait3A_405 = tpu.memref_slice %arg12[%dma_wait3A_399] : memref<5x!tpu.dma_semaphore, #tpu.memory_space<semaphore_mem>> -> memref<1x!tpu.dma_semaphore, #tpu.memory_space<semaphore_mem>>
        %dma_wait3A_406 = tpu.memref_squeeze %dma_wait3A_405 : memref<1x!tpu.dma_semaphore, #tpu.memory_space<semaphore_mem>> -> memref<!tpu.dma_semaphore, #tpu.memory_space<semaphore_mem>>
        %dma_wait3A_407 = arith.constant 0 : i32
        %dma_wait3A_408 = tpu.memref_slice %arg10[%dma_wait3A_398, %dma_wait3A_407] : memref<5x128xi32, #tpu.memory_space<vmem>> -> memref<1x128xi32, #tpu.memory_space<vmem>>
        %dma_wait3A_409 = tpu.memref_squeeze %dma_wait3A_408 : memref<1x128xi32, #tpu.memory_space<vmem>> -> memref<128xi32, #tpu.memory_space<vmem>>
        %dma_wait3A_410 = arith.constant 0 : i32
        %dma_wait3A_411 = tpu.memref_slice %arg3[%dma_wait3A_410] : memref<320000xi32, #tpu.memory_space<hbm>> -> memref<128xi32, #tpu.memory_space<hbm>>
        tpu.wait_dma2 semaphore(%dma_wait3A_406 : memref<!tpu.dma_semaphore, #tpu.memory_space<semaphore_mem>>) src(%dma_wait3A_411 : memref<128xi32, #tpu.memory_space<hbm>>) dst(%dma_wait3A_409 : memref<128xi32, #tpu.memory_space<vmem>>)
        %mul3A_412 = arith.constant 128 : i32
        %mul3A_413 = arith.muli %add3A_368, %mul3A_412 : i32
        %add3A_414 = arith.addi %mul3A_180, %mul3A_413 : i32
        %min3A_415 = arith.constant 319872 : i32
        %min3A_416 = arith.minsi %add3A_414, %min3A_415 : i32
        %get3A_417 = arith.constant 3 : i32
        %get3A_418 = arith.index_cast %get3A_417 : i32 to index
        %get3A_419 = arith.constant 0 : index
        %get3A_420 = tpu.vector_load %arg10[%get3A_418, %get3A_419] {strides = array<i32>} : memref<5x128xi32, #tpu.memory_space<vmem>>, vector<1x16xi32>,
        %get3A_421 = vector.shape_cast %get3A_420 : vector<1x16xi32> to vector<16xi32>
        %add3A_422 = arith.constant 0 : i32
        %add3A_423 = arith.addi %min3A_416, %add3A_422 : i32
        %add3A_424 = vector.broadcast %add3A_423 : i32 to vector<16xi32>
        %add3A_425 = arith.addi %add3A_424, %iota3A : vector<16xi32>
        %ge3A = vector.broadcast %mul3A_237 : i32 to vector<16xi32>
        %ge3A_426 = arith.cmpi sge, %get3A_421, %ge3A : vector<16xi32>
        %lt3A_427 = vector.broadcast %min3A_242 : i32 to vector<16xi32>
        %lt3A_428 = arith.cmpi slt, %get3A_421, %lt3A_427 : vector<16xi32>
        %and3A_429 = arith.andi %ge3A_426, %lt3A_428 : vector<16xi1>
        %ge3A_430 = vector.broadcast %add3A_414 : i32 to vector<16xi32>
        %ge3A_431 = arith.cmpi sge, %add3A_425, %ge3A_430 : vector<16xi32>
        %and3A_432 = arith.andi %and3A_429, %ge3A_431 : vector<16xi1>
        %sub3A_433 = vector.broadcast %mul3A_244 : i32 to vector<16xi32>
        %sub3A_434 = arith.subi %get3A_421, %sub3A_433 : vector<16xi32>
        %jit3A_435 = arith.constant 5120 : i32
        %broadcast_in_dim3A = vector.broadcast %jit3A_435 : i32 to vector<16xi32>
        %select_n3A_436 = arith.select %and3A_432, %sub3A_434, %broadcast_in_dim3A : vector<16xi1>, vector<16xi32>
        %swap3A = arith.constant 3 : i32
        %swap3A_437 = arith.constant 0 : i32
        %swap3A_438 = arith.index_cast %swap3A : i32 to index
        %swap3A_439 = arith.index_cast %swap3A_437 : i32 to index
        %swap3A_440 = arith.constant 0 : index
        %swap3A_441 = tpu.vector_load %arg9[%swap3A_438, %swap3A_439, %swap3A_440] {strides = array<i32>} : memref<5x1x128xi32, #tpu.memory_space<vmem>>, vector<1x1x16xi32>,
        %swap3A_442 = vector.shape_cast %swap3A_441 : vector<1x1x16xi32> to vector<16xi32>
        %swap3A_443 = vector.shape_cast %select_n3A_436 : vector<16xi32> to vector<1x1x16xi32>
        tpu.vector_store %arg9[%swap3A_438, %swap3A_439, %swap3A_440], %swap3A_443 {strides = array<i32>} : memref<5x1x128xi32, #tpu.memory_space<vmem>>, vector<1x1x16xi32>,
        %get3A_444 = arith.constant 3 : i32
        %get3A_445 = arith.index_cast %get3A_444 : i32 to index
        %get3A_446 = arith.constant 16 : index
        %get3A_447 = tpu.vector_load %arg10[%get3A_445, %get3A_446] {strides = array<i32>} : memref<5x128xi32, #tpu.memory_space<vmem>>, vector<1x16xi32>,
        %get3A_448 = vector.shape_cast %get3A_447 : vector<1x16xi32> to vector<16xi32>
        %add3A_449 = arith.constant 16 : i32
        %add3A_450 = arith.addi %min3A_416, %add3A_449 : i32
        %add3A_451 = vector.broadcast %add3A_450 : i32 to vector<16xi32>
        %add3A_452 = arith.addi %add3A_451, %iota3A : vector<16xi32>
        %ge3A_453 = vector.broadcast %mul3A_237 : i32 to vector<16xi32>
        %ge3A_454 = arith.cmpi sge, %get3A_448, %ge3A_453 : vector<16xi32>
        %lt3A_455 = vector.broadcast %min3A_242 : i32 to vector<16xi32>
        %lt3A_456 = arith.cmpi slt, %get3A_448, %lt3A_455 : vector<16xi32>
        %and3A_457 = arith.andi %ge3A_454, %lt3A_456 : vector<16xi1>
        %ge3A_458 = vector.broadcast %add3A_414 : i32 to vector<16xi32>
        %ge3A_459 = arith.cmpi sge, %add3A_452, %ge3A_458 : vector<16xi32>
        %and3A_460 = arith.andi %and3A_457, %ge3A_459 : vector<16xi1>
        %sub3A_461 = vector.broadcast %mul3A_244 : i32 to vector<16xi32>
        %sub3A_462 = arith.subi %get3A_448, %sub3A_461 : vector<16xi32>
        %jit3A_463 = arith.constant 5120 : i32
        %broadcast_in_dim3A_464 = vector.broadcast %jit3A_463 : i32 to vector<16xi32>
        %select_n3A_465 = arith.select %and3A_460, %sub3A_462, %broadcast_in_dim3A_464 : vector<16xi1>, vector<16xi32>
        %swap3A_466 = arith.constant 3 : i32
        %swap3A_467 = arith.constant 0 : i32
        %swap3A_468 = arith.index_cast %swap3A_466 : i32 to index
        %swap3A_469 = arith.index_cast %swap3A_467 : i32 to index
        %swap3A_470 = arith.constant 16 : index
        %swap3A_471 = tpu.vector_load %arg9[%swap3A_468, %swap3A_469, %swap3A_470] {strides = array<i32>} : memref<5x1x128xi32, #tpu.memory_space<vmem>>, vector<1x1x16xi32>,
        %swap3A_472 = vector.shape_cast %swap3A_471 : vector<1x1x16xi32> to vector<16xi32>
        %swap3A_473 = vector.shape_cast %select_n3A_465 : vector<16xi32> to vector<1x1x16xi32>
        tpu.vector_store %arg9[%swap3A_468, %swap3A_469, %swap3A_470], %swap3A_473 {strides = array<i32>} : memref<5x1x128xi32, #tpu.memory_space<vmem>>, vector<1x1x16xi32>,
        %get3A_474 = arith.constant 3 : i32
        %get3A_475 = arith.index_cast %get3A_474 : i32 to index
        %get3A_476 = arith.constant 32 : index
        %get3A_477 = tpu.vector_load %arg10[%get3A_475, %get3A_476] {strides = array<i32>} : memref<5x128xi32, #tpu.memory_space<vmem>>, vector<1x16xi32>,
        %get3A_478 = vector.shape_cast %get3A_477 : vector<1x16xi32> to vector<16xi32>
        %add3A_479 = arith.constant 32 : i32
        %add3A_480 = arith.addi %min3A_416, %add3A_479 : i32
        %add3A_481 = vector.broadcast %add3A_480 : i32 to vector<16xi32>
        %add3A_482 = arith.addi %add3A_481, %iota3A : vector<16xi32>
        %ge3A_483 = vector.broadcast %mul3A_237 : i32 to vector<16xi32>
        %ge3A_484 = arith.cmpi sge, %get3A_478, %ge3A_483 : vector<16xi32>
        %lt3A_485 = vector.broadcast %min3A_242 : i32 to vector<16xi32>
        %lt3A_486 = arith.cmpi slt, %get3A_478, %lt3A_485 : vector<16xi32>
        %and3A_487 = arith.andi %ge3A_484, %lt3A_486 : vector<16xi1>
        %ge3A_488 = vector.broadcast %add3A_414 : i32 to vector<16xi32>
        %ge3A_489 = arith.cmpi sge, %add3A_482, %ge3A_488 : vector<16xi32>
        %and3A_490 = arith.andi %and3A_487, %ge3A_489 : vector<16xi1>
        %sub3A_491 = vector.broadcast %mul3A_244 : i32 to vector<16xi32>
        %sub3A_492 = arith.subi %get3A_478, %sub3A_491 : vector<16xi32>
        %jit3A_493 = arith.constant 5120 : i32
        %broadcast_in_dim3A_494 = vector.broadcast %jit3A_493 : i32 to vector<16xi32>
        %select_n3A_495 = arith.select %and3A_490, %sub3A_492, %broadcast_in_dim3A_494 : vector<16xi1>, vector<16xi32>
        %swap3A_496 = arith.constant 3 : i32
        %swap3A_497 = arith.constant 0 : i32
        %swap3A_498 = arith.index_cast %swap3A_496 : i32 to index
        %swap3A_499 = arith.index_cast %swap3A_497 : i32 to index
        %swap3A_500 = arith.constant 32 : index
        %swap3A_501 = tpu.vector_load %arg9[%swap3A_498, %swap3A_499, %swap3A_500] {strides = array<i32>} : memref<5x1x128xi32, #tpu.memory_space<vmem>>, vector<1x1x16xi32>,
        %swap3A_502 = vector.shape_cast %swap3A_501 : vector<1x1x16xi32> to vector<16xi32>
        %swap3A_503 = vector.shape_cast %select_n3A_495 : vector<16xi32> to vector<1x1x16xi32>
        tpu.vector_store %arg9[%swap3A_498, %swap3A_499, %swap3A_500], %swap3A_503 {strides = array<i32>} : memref<5x1x128xi32, #tpu.memory_space<vmem>>, vector<1x1x16xi32>,
        %get3A_504 = arith.constant 3 : i32
        %get3A_505 = arith.index_cast %get3A_504 : i32 to index
        %get3A_506 = arith.constant 48 : index
        %get3A_507 = tpu.vector_load %arg10[%get3A_505, %get3A_506] {strides = array<i32>} : memref<5x128xi32, #tpu.memory_space<vmem>>, vector<1x16xi32>,
        %get3A_508 = vector.shape_cast %get3A_507 : vector<1x16xi32> to vector<16xi32>
        %add3A_509 = arith.constant 48 : i32
        %add3A_510 = arith.addi %min3A_416, %add3A_509 : i32
        %add3A_511 = vector.broadcast %add3A_510 : i32 to vector<16xi32>
        %add3A_512 = arith.addi %add3A_511, %iota3A : vector<16xi32>
        %ge3A_513 = vector.broadcast %mul3A_237 : i32 to vector<16xi32>
        %ge3A_514 = arith.cmpi sge, %get3A_508, %ge3A_513 : vector<16xi32>
        %lt3A_515 = vector.broadcast %min3A_242 : i32 to vector<16xi32>
        %lt3A_516 = arith.cmpi slt, %get3A_508, %lt3A_515 : vector<16xi32>
        %and3A_517 = arith.andi %ge3A_514, %lt3A_516 : vector<16xi1>
        %ge3A_518 = vector.broadcast %add3A_414 : i32 to vector<16xi32>
        %ge3A_519 = arith.cmpi sge, %add3A_512, %ge3A_518 : vector<16xi32>
        %and3A_520 = arith.andi %and3A_517, %ge3A_519 : vector<16xi1>
        %sub3A_521 = vector.broadcast %mul3A_244 : i32 to vector<16xi32>
        %sub3A_522 = arith.subi %get3A_508, %sub3A_521 : vector<16xi32>
        %jit3A_523 = arith.constant 5120 : i32
        %broadcast_in_dim3A_524 = vector.broadcast %jit3A_523 : i32 to vector<16xi32>
        %select_n3A_525 = arith.select %and3A_520, %sub3A_522, %broadcast_in_dim3A_524 : vector<16xi1>, vector<16xi32>
        %swap3A_526 = arith.constant 3 : i32
        %swap3A_527 = arith.constant 0 : i32
        %swap3A_528 = arith.index_cast %swap3A_526 : i32 to index
        %swap3A_529 = arith.index_cast %swap3A_527 : i32 to index
        %swap3A_530 = arith.constant 48 : index
        %swap3A_531 = tpu.vector_load %arg9[%swap3A_528, %swap3A_529, %swap3A_530] {strides = array<i32>} : memref<5x1x128xi32, #tpu.memory_space<vmem>>, vector<1x1x16xi32>,
        %swap3A_532 = vector.shape_cast %swap3A_531 : vector<1x1x16xi32> to vector<16xi32>
        %swap3A_533 = vector.shape_cast %select_n3A_525 : vector<16xi32> to vector<1x1x16xi32>
        tpu.vector_store %arg9[%swap3A_528, %swap3A_529, %swap3A_530], %swap3A_533 {strides = array<i32>} : memref<5x1x128xi32, #tpu.memory_space<vmem>>, vector<1x1x16xi32>,
        %get3A_534 = arith.constant 3 : i32
        %get3A_535 = arith.index_cast %get3A_534 : i32 to index
        %get3A_536 = arith.constant 64 : index
        %get3A_537 = tpu.vector_load %arg10[%get3A_535, %get3A_536] {strides = array<i32>} : memref<5x128xi32, #tpu.memory_space<vmem>>, vector<1x16xi32>,
        %get3A_538 = vector.shape_cast %get3A_537 : vector<1x16xi32> to vector<16xi32>
        %add3A_539 = arith.constant 64 : i32
        %add3A_540 = arith.addi %min3A_416, %add3A_539 : i32
        %add3A_541 = vector.broadcast %add3A_540 : i32 to vector<16xi32>
        %add3A_542 = arith.addi %add3A_541, %iota3A : vector<16xi32>
        %ge3A_543 = vector.broadcast %mul3A_237 : i32 to vector<16xi32>
        %ge3A_544 = arith.cmpi sge, %get3A_538, %ge3A_543 : vector<16xi32>
        %lt3A_545 = vector.broadcast %min3A_242 : i32 to vector<16xi32>
        %lt3A_546 = arith.cmpi slt, %get3A_538, %lt3A_545 : vector<16xi32>
        %and3A_547 = arith.andi %ge3A_544, %lt3A_546 : vector<16xi1>
        %ge3A_548 = vector.broadcast %add3A_414 : i32 to vector<16xi32>
        %ge3A_549 = arith.cmpi sge, %add3A_542, %ge3A_548 : vector<16xi32>
        %and3A_550 = arith.andi %and3A_547, %ge3A_549 : vector<16xi1>
        %sub3A_551 = vector.broadcast %mul3A_244 : i32 to vector<16xi32>
        %sub3A_552 = arith.subi %get3A_538, %sub3A_551 : vector<16xi32>
        %jit3A_553 = arith.constant 5120 : i32
        %broadcast_in_dim3A_554 = vector.broadcast %jit3A_553 : i32 to vector<16xi32>
        %select_n3A_555 = arith.select %and3A_550, %sub3A_552, %broadcast_in_dim3A_554 : vector<16xi1>, vector<16xi32>
        %swap3A_556 = arith.constant 3 : i32
        %swap3A_557 = arith.constant 0 : i32
        %swap3A_558 = arith.index_cast %swap3A_556 : i32 to index
        %swap3A_559 = arith.index_cast %swap3A_557 : i32 to index
        %swap3A_560 = arith.constant 64 : index
        %swap3A_561 = tpu.vector_load %arg9[%swap3A_558, %swap3A_559, %swap3A_560] {strides = array<i32>} : memref<5x1x128xi32, #tpu.memory_space<vmem>>, vector<1x1x16xi32>,
        %swap3A_562 = vector.shape_cast %swap3A_561 : vector<1x1x16xi32> to vector<16xi32>
        %swap3A_563 = vector.shape_cast %select_n3A_555 : vector<16xi32> to vector<1x1x16xi32>
        tpu.vector_store %arg9[%swap3A_558, %swap3A_559, %swap3A_560], %swap3A_563 {strides = array<i32>} : memref<5x1x128xi32, #tpu.memory_space<vmem>>, vector<1x1x16xi32>,
        %get3A_564 = arith.constant 3 : i32
        %get3A_565 = arith.index_cast %get3A_564 : i32 to index
        %get3A_566 = arith.constant 80 : index
        %get3A_567 = tpu.vector_load %arg10[%get3A_565, %get3A_566] {strides = array<i32>} : memref<5x128xi32, #tpu.memory_space<vmem>>, vector<1x16xi32>,
        %get3A_568 = vector.shape_cast %get3A_567 : vector<1x16xi32> to vector<16xi32>
        %add3A_569 = arith.constant 80 : i32
        %add3A_570 = arith.addi %min3A_416, %add3A_569 : i32
        %add3A_571 = vector.broadcast %add3A_570 : i32 to vector<16xi32>
        %add3A_572 = arith.addi %add3A_571, %iota3A : vector<16xi32>
        %ge3A_573 = vector.broadcast %mul3A_237 : i32 to vector<16xi32>
        %ge3A_574 = arith.cmpi sge, %get3A_568, %ge3A_573 : vector<16xi32>
        %lt3A_575 = vector.broadcast %min3A_242 : i32 to vector<16xi32>
        %lt3A_576 = arith.cmpi slt, %get3A_568, %lt3A_575 : vector<16xi32>
        %and3A_577 = arith.andi %ge3A_574, %lt3A_576 : vector<16xi1>
        %ge3A_578 = vector.broadcast %add3A_414 : i32 to vector<16xi32>
        %ge3A_579 = arith.cmpi sge, %add3A_572, %ge3A_578 : vector<16xi32>
        %and3A_580 = arith.andi %and3A_577, %ge3A_579 : vector<16xi1>
        %sub3A_581 = vector.broadcast %mul3A_244 : i32 to vector<16xi32>
        %sub3A_582 = arith.subi %get3A_568, %sub3A_581 : vector<16xi32>
        %jit3A_583 = arith.constant 5120 : i32
        %broadcast_in_dim3A_584 = vector.broadcast %jit3A_583 : i32 to vector<16xi32>
        %select_n3A_585 = arith.select %and3A_580, %sub3A_582, %broadcast_in_dim3A_584 : vector<16xi1>, vector<16xi32>
        %swap3A_586 = arith.constant 3 : i32
        %swap3A_587 = arith.constant 0 : i32
        %swap3A_588 = arith.index_cast %swap3A_586 : i32 to index
        %swap3A_589 = arith.index_cast %swap3A_587 : i32 to index
        %swap3A_590 = arith.constant 80 : index
        %swap3A_591 = tpu.vector_load %arg9[%swap3A_588, %swap3A_589, %swap3A_590] {strides = array<i32>} : memref<5x1x128xi32, #tpu.memory_space<vmem>>, vector<1x1x16xi32>,
        %swap3A_592 = vector.shape_cast %swap3A_591 : vector<1x1x16xi32> to vector<16xi32>
        %swap3A_593 = vector.shape_cast %select_n3A_585 : vector<16xi32> to vector<1x1x16xi32>
        tpu.vector_store %arg9[%swap3A_588, %swap3A_589, %swap3A_590], %swap3A_593 {strides = array<i32>} : memref<5x1x128xi32, #tpu.memory_space<vmem>>, vector<1x1x16xi32>,
        %get3A_594 = arith.constant 3 : i32
        %get3A_595 = arith.index_cast %get3A_594 : i32 to index
        %get3A_596 = arith.constant 96 : index
        %get3A_597 = tpu.vector_load %arg10[%get3A_595, %get3A_596] {strides = array<i32>} : memref<5x128xi32, #tpu.memory_space<vmem>>, vector<1x16xi32>,
        %get3A_598 = vector.shape_cast %get3A_597 : vector<1x16xi32> to vector<16xi32>
        %add3A_599 = arith.constant 96 : i32
        %add3A_600 = arith.addi %min3A_416, %add3A_599 : i32
        %add3A_601 = vector.broadcast %add3A_600 : i32 to vector<16xi32>
        %add3A_602 = arith.addi %add3A_601, %iota3A : vector<16xi32>
        %ge3A_603 = vector.broadcast %mul3A_237 : i32 to vector<16xi32>
        %ge3A_604 = arith.cmpi sge, %get3A_598, %ge3A_603 : vector<16xi32>
        %lt3A_605 = vector.broadcast %min3A_242 : i32 to vector<16xi32>
        %lt3A_606 = arith.cmpi slt, %get3A_598, %lt3A_605 : vector<16xi32>
        %and3A_607 = arith.andi %ge3A_604, %lt3A_606 : vector<16xi1>
        %ge3A_608 = vector.broadcast %add3A_414 : i32 to vector<16xi32>
        %ge3A_609 = arith.cmpi sge, %add3A_602, %ge3A_608 : vector<16xi32>
        %and3A_610 = arith.andi %and3A_607, %ge3A_609 : vector<16xi1>
        %sub3A_611 = vector.broadcast %mul3A_244 : i32 to vector<16xi32>
        %sub3A_612 = arith.subi %get3A_598, %sub3A_611 : vector<16xi32>
        %jit3A_613 = arith.constant 5120 : i32
        %broadcast_in_dim3A_614 = vector.broadcast %jit3A_613 : i32 to vector<16xi32>
        %select_n3A_615 = arith.select %and3A_610, %sub3A_612, %broadcast_in_dim3A_614 : vector<16xi1>, vector<16xi32>
        %swap3A_616 = arith.constant 3 : i32
        %swap3A_617 = arith.constant 0 : i32
        %swap3A_618 = arith.index_cast %swap3A_616 : i32 to index
        %swap3A_619 = arith.index_cast %swap3A_617 : i32 to index
        %swap3A_620 = arith.constant 96 : index
        %swap3A_621 = tpu.vector_load %arg9[%swap3A_618, %swap3A_619, %swap3A_620] {strides = array<i32>} : memref<5x1x128xi32, #tpu.memory_space<vmem>>, vector<1x1x16xi32>,
        %swap3A_622 = vector.shape_cast %swap3A_621 : vector<1x1x16xi32> to vector<16xi32>
        %swap3A_623 = vector.shape_cast %select_n3A_615 : vector<16xi32> to vector<1x1x16xi32>
        tpu.vector_store %arg9[%swap3A_618, %swap3A_619, %swap3A_620], %swap3A_623 {strides = array<i32>} : memref<5x1x128xi32, #tpu.memory_space<vmem>>, vector<1x1x16xi32>,
        %get3A_624 = arith.constant 3 : i32
        %get3A_625 = arith.index_cast %get3A_624 : i32 to index
        %get3A_626 = arith.constant 112 : index
        %get3A_627 = tpu.vector_load %arg10[%get3A_625, %get3A_626] {strides = array<i32>} : memref<5x128xi32, #tpu.memory_space<vmem>>, vector<1x16xi32>,
        %get3A_628 = vector.shape_cast %get3A_627 : vector<1x16xi32> to vector<16xi32>
        %add3A_629 = arith.constant 112 : i32
        %add3A_630 = arith.addi %min3A_416, %add3A_629 : i32
        %add3A_631 = vector.broadcast %add3A_630 : i32 to vector<16xi32>
        %add3A_632 = arith.addi %add3A_631, %iota3A : vector<16xi32>
        %ge3A_633 = vector.broadcast %mul3A_237 : i32 to vector<16xi32>
        %ge3A_634 = arith.cmpi sge, %get3A_628, %ge3A_633 : vector<16xi32>
        %lt3A_635 = vector.broadcast %min3A_242 : i32 to vector<16xi32>
        %lt3A_636 = arith.cmpi slt, %get3A_628, %lt3A_635 : vector<16xi32>
        %and3A_637 = arith.andi %ge3A_634, %lt3A_636 : vector<16xi1>
        %ge3A_638 = vector.broadcast %add3A_414 : i32 to vector<16xi32>
        %ge3A_639 = arith.cmpi sge, %add3A_632, %ge3A_638 : vector<16xi32>
        %and3A_640 = arith.andi %and3A_637, %ge3A_639 : vector<16xi1>
        %sub3A_641 = vector.broadcast %mul3A_244 : i32 to vector<16xi32>
        %sub3A_642 = arith.subi %get3A_628, %sub3A_641 : vector<16xi32>
        %jit3A_643 = arith.constant 5120 : i32
        %broadcast_in_dim3A_644 = vector.broadcast %jit3A_643 : i32 to vector<16xi32>
        %select_n3A_645 = arith.select %and3A_640, %sub3A_642, %broadcast_in_dim3A_644 : vector<16xi1>, vector<16xi32>
        %swap3A_646 = arith.constant 3 : i32
        %swap3A_647 = arith.constant 0 : i32
        %swap3A_648 = arith.index_cast %swap3A_646 : i32 to index
        %swap3A_649 = arith.index_cast %swap3A_647 : i32 to index
        %swap3A_650 = arith.constant 112 : index
        %swap3A_651 = tpu.vector_load %arg9[%swap3A_648, %swap3A_649, %swap3A_650] {strides = array<i32>} : memref<5x1x128xi32, #tpu.memory_space<vmem>>, vector<1x1x16xi32>,
        %swap3A_652 = vector.shape_cast %swap3A_651 : vector<1x1x16xi32> to vector<16xi32>
        %swap3A_653 = vector.shape_cast %select_n3A_645 : vector<16xi32> to vector<1x1x16xi32>
        tpu.vector_store %arg9[%swap3A_648, %swap3A_649, %swap3A_650], %swap3A_653 {strides = array<i32>} : memref<5x1x128xi32, #tpu.memory_space<vmem>>, vector<1x1x16xi32>,
        %run_scoped3A_654 = arith.constant 3 : i32
        %run_scoped3A_655 = arith.constant 3 : i32
        %run_scoped3A_656 = arith.constant 0 : i32
        "tpu.region"() ({
          %run_scoped3A_663 = tpu.sem_alloc : memref<!tpu.dma_semaphore, #tpu.memory_space<semaphore_mem>>
          %dma_start3A = arith.constant 0 : i32
          %dma_start3A_664 = arith.constant 0 : i32
          %dma_start3A_665 = tpu.memref_slice %arg8[%run_scoped3A_654, %dma_start3A, %dma_start3A_664] : memref<5x128x128xf32, #tpu.memory_space<vmem>> -> memref<1x128x128xf32, #tpu.memory_space<vmem>>
          %dma_start3A_666 = tpu.memref_squeeze %dma_start3A_665 : memref<1x128x128xf32, #tpu.memory_space<vmem>> -> memref<128x128xf32, #tpu.memory_space<vmem>>
          %dma_start3A_667 = arith.constant 0 : i32
          %dma_start3A_668 = tpu.memref_slice %arg9[%run_scoped3A_655, %run_scoped3A_656, %dma_start3A_667] : memref<5x1x128xi32, #tpu.memory_space<vmem>> -> memref<1x1x128xi32, #tpu.memory_space<vmem>>
          %dma_start3A_669 = tpu.memref_squeeze %dma_start3A_668 : memref<1x1x128xi32, #tpu.memory_space<vmem>> -> memref<128xi32, #tpu.memory_space<vmem>>
          %dma_start3A_670 = arith.constant 0 : i32
          %dma_start3A_671 = arith.constant 0 : i32
          %dma_start3A_672 = tpu.memref_slice %arg11[%dma_start3A_670, %dma_start3A_671] : memref<5128x128xf32, #tpu.memory_space<vmem_shared>> -> memref<5128x128xf32, #tpu.memory_space<vmem_shared>>
          tpu.enqueue_indirect_dma source(%dma_start3A_666 : memref<128x128xf32, #tpu.memory_space<vmem>>) target(%dma_start3A_672 : memref<5128x128xf32, #tpu.memory_space<vmem_shared>>) offsets(%dma_start3A_669 : memref<128xi32, #tpu.memory_space<vmem>>) semaphore(%run_scoped3A_663 : memref<!tpu.dma_semaphore, #tpu.memory_space<semaphore_mem>>) {add = true}
          %dma_wait3A_673 = arith.constant 0 : i32
          %dma_wait3A_674 = arith.constant 0 : i32
          %dma_wait3A_675 = tpu.memref_slice %arg8[%run_scoped3A_654, %dma_wait3A_673, %dma_wait3A_674] : memref<5x128x128xf32, #tpu.memory_space<vmem>> -> memref<1x128x128xf32, #tpu.memory_space<vmem>>
          %dma_wait3A_676 = tpu.memref_squeeze %dma_wait3A_675 : memref<1x128x128xf32, #tpu.memory_space<vmem>> -> memref<128x128xf32, #tpu.memory_space<vmem>>
          %dma_wait3A_677 = arith.constant 0 : i32
          %dma_wait3A_678 = tpu.memref_slice %arg9[%run_scoped3A_655, %run_scoped3A_656, %dma_wait3A_677] : memref<5x1x128xi32, #tpu.memory_space<vmem>> -> memref<1x1x128xi32, #tpu.memory_space<vmem>>
          %dma_wait3A_679 = tpu.memref_squeeze %dma_wait3A_678 : memref<1x1x128xi32, #tpu.memory_space<vmem>> -> memref<128xi32, #tpu.memory_space<vmem>>
          %dma_wait3A_680 = arith.constant 0 : i32
          %dma_wait3A_681 = arith.constant 0 : i32
          %dma_wait3A_682 = tpu.memref_slice %arg11[%dma_wait3A_680, %dma_wait3A_681] : memref<5128x128xf32, #tpu.memory_space<vmem_shared>> -> memref<5128x128xf32, #tpu.memory_space<vmem_shared>>
          tpu.wait_indirect_dma semaphore(%run_scoped3A_663 : memref<!tpu.dma_semaphore, #tpu.memory_space<semaphore_mem>>) src(%dma_wait3A_676 : memref<128x128xf32, #tpu.memory_space<vmem>>) dst(%dma_wait3A_682 : memref<5128x128xf32, #tpu.memory_space<vmem_shared>>)
          tpu.yield
        }) : () -> ()
        %add3A_657 = arith.constant 5 : i32
        %add3A_658 = arith.addi %add3A_368, %add3A_657 : i32
        %lt3A_659 = arith.cmpi slt, %add3A_658, %select_n3A_235 : i32
        %convert_element_type3A_660 = arith.extui %lt3A_659 : i1 to i32
        %cond3A_661 = arith.constant 0 : i32
        %cond3A_662 = arith.cmpi ne, %convert_element_type3A_660, %cond3A_661 : i32
        scf.if %cond3A_662 {
          %add3A_663 = arith.constant 5 : i32
          %add3A_664 = arith.addi %add3A_368, %add3A_663 : i32
          %mul3A_665 = arith.constant 128 : i32
          %mul3A_666 = arith.muli %add3A_664, %mul3A_665 : i32
          %add3A_667 = arith.addi %mul3A_180, %mul3A_666 : i32
          %min3A_668 = arith.constant 319872 : i32
          %min3A_669 = arith.minsi %add3A_667, %min3A_668 : i32
          %multiple_of3A = tpu.assume_multiple %min3A_669, 8 : i32
          %dma_start3A = arith.constant 3 : i32
          %dma_start3A_670 = arith.constant 3 : i32
          %dma_start3A_671 = arith.constant 0 : i32
          %dma_start3A_672 = arith.constant 0 : i32
          %dma_start3A_673 = tpu.memref_slice %arg8[%dma_start3A, %dma_start3A_671, %dma_start3A_672] : memref<5x128x128xf32, #tpu.memory_space<vmem>> -> memref<1x128x128xf32, #tpu.memory_space<vmem>>
          %dma_start3A_674 = tpu.memref_squeeze %dma_start3A_673 : memref<1x128x128xf32, #tpu.memory_space<vmem>> -> memref<128x128xf32, #tpu.memory_space<vmem>>
          %dma_start3A_675 = arith.constant 0 : i32
          %dma_start3A_676 = tpu.memref_slice %arg2[%multiple_of3A, %dma_start3A_675] : memref<320000x128xf32, #tpu.memory_space<hbm>> -> memref<128x128xf32, #tpu.memory_space<hbm>>
          %dma_start3A_677 = tpu.memref_slice %arg12[%dma_start3A_670] : memref<5x!tpu.dma_semaphore, #tpu.memory_space<semaphore_mem>> -> memref<1x!tpu.dma_semaphore, #tpu.memory_space<semaphore_mem>>
          %dma_start3A_678 = tpu.memref_squeeze %dma_start3A_677 : memref<1x!tpu.dma_semaphore, #tpu.memory_space<semaphore_mem>> -> memref<!tpu.dma_semaphore, #tpu.memory_space<semaphore_mem>>
          %dma_start3A_679 = arith.constant 0 : i32
          %dma_start3A_680 = arith.constant 0 : i32
          %dma_start3A_681 = tpu.memref_slice %arg8[%dma_start3A, %dma_start3A_679, %dma_start3A_680] : memref<5x128x128xf32, #tpu.memory_space<vmem>> -> memref<1x128x128xf32, #tpu.memory_space<vmem>>
          %dma_start3A_682 = tpu.memref_squeeze %dma_start3A_681 : memref<1x128x128xf32, #tpu.memory_space<vmem>> -> memref<128x128xf32, #tpu.memory_space<vmem>>
          %dma_start3A_683 = arith.constant 0 : i32
          %dma_start3A_684 = tpu.memref_slice %arg2[%multiple_of3A, %dma_start3A_683] : memref<320000x128xf32, #tpu.memory_space<hbm>> -> memref<128x128xf32, #tpu.memory_space<hbm>>
          tpu.enqueue_dma source(%dma_start3A_684 : memref<128x128xf32, #tpu.memory_space<hbm>>) target(%dma_start3A_682 : memref<128x128xf32, #tpu.memory_space<vmem>>) target_semaphore(%dma_start3A_678 : memref<!tpu.dma_semaphore, #tpu.memory_space<semaphore_mem>>)
          %dma_start3A_685 = arith.constant 3 : i32
          %dma_start3A_686 = arith.constant 3 : i32
          %dma_start3A_687 = arith.constant 0 : i32
          %dma_start3A_688 = tpu.memref_slice %arg10[%dma_start3A_685, %dma_start3A_687] : memref<5x128xi32, #tpu.memory_space<vmem>> -> memref<1x128xi32, #tpu.memory_space<vmem>>
          %dma_start3A_689 = tpu.memref_squeeze %dma_start3A_688 : memref<1x128xi32, #tpu.memory_space<vmem>> -> memref<128xi32, #tpu.memory_space<vmem>>
          %dma_start3A_690 = tpu.memref_slice %arg3[%multiple_of3A] : memref<320000xi32, #tpu.memory_space<hbm>> -> memref<128xi32, #tpu.memory_space<hbm>>
          %dma_start3A_691 = tpu.memref_slice %arg12[%dma_start3A_686] : memref<5x!tpu.dma_semaphore, #tpu.memory_space<semaphore_mem>> -> memref<1x!tpu.dma_semaphore, #tpu.memory_space<semaphore_mem>>
          %dma_start3A_692 = tpu.memref_squeeze %dma_start3A_691 : memref<1x!tpu.dma_semaphore, #tpu.memory_space<semaphore_mem>> -> memref<!tpu.dma_semaphore, #tpu.memory_space<semaphore_mem>>
          %dma_start3A_693 = arith.constant 0 : i32
          %dma_start3A_694 = tpu.memref_slice %arg10[%dma_start3A_685, %dma_start3A_693] : memref<5x128xi32, #tpu.memory_space<vmem>> -> memref<1x128xi32, #tpu.memory_space<vmem>>
          %dma_start3A_695 = tpu.memref_squeeze %dma_start3A_694 : memref<1x128xi32, #tpu.memory_space<vmem>> -> memref<128xi32, #tpu.memory_space<vmem>>
          %dma_start3A_696 = tpu.memref_slice %arg3[%multiple_of3A] : memref<320000xi32, #tpu.memory_space<hbm>> -> memref<128xi32, #tpu.memory_space<hbm>>
          tpu.enqueue_dma source(%dma_start3A_696 : memref<128xi32, #tpu.memory_space<hbm>>) target(%dma_start3A_695 : memref<128xi32, #tpu.memory_space<vmem>>) target_semaphore(%dma_start3A_692 : memref<!tpu.dma_semaphore, #tpu.memory_space<semaphore_mem>>)
        } else {
        }
      } else {
      }
      %mul3A_373 = arith.constant 5 : i32
      %mul3A_374 = arith.muli %while3A_340, %mul3A_373 : i32
      %add3A_375 = arith.constant 4 : i32
      %add3A_376 = arith.addi %mul3A_374, %add3A_375 : i32
      %lt3A_377 = arith.cmpi slt, %add3A_376, %select_n3A_235 : i32
      %convert_element_type3A_378 = arith.extui %lt3A_377 : i1 to i32
      %cond3A_379 = arith.constant 0 : i32
      %cond3A_380 = arith.cmpi ne, %convert_element_type3A_378, %cond3A_379 : i32
      scf.if %cond3A_380 {
        %dma_wait3A = arith.constant 4 : i32
        %dma_wait3A_381 = arith.constant 4 : i32
        %dma_wait3A_382 = arith.constant 0 : i32
        %dma_wait3A_383 = arith.constant 0 : i32
        %dma_wait3A_384 = tpu.memref_slice %arg8[%dma_wait3A, %dma_wait3A_382, %dma_wait3A_383] : memref<5x128x128xf32, #tpu.memory_space<vmem>> -> memref<1x128x128xf32, #tpu.memory_space<vmem>>
        %dma_wait3A_385 = tpu.memref_squeeze %dma_wait3A_384 : memref<1x128x128xf32, #tpu.memory_space<vmem>> -> memref<128x128xf32, #tpu.memory_space<vmem>>
        %dma_wait3A_386 = arith.constant 0 : i32
        %dma_wait3A_387 = arith.constant 0 : i32
        %dma_wait3A_388 = tpu.memref_slice %arg2[%dma_wait3A_386, %dma_wait3A_387] : memref<320000x128xf32, #tpu.memory_space<hbm>> -> memref<128x128xf32, #tpu.memory_space<hbm>>
        %dma_wait3A_389 = tpu.memref_slice %arg12[%dma_wait3A_381] : memref<5x!tpu.dma_semaphore, #tpu.memory_space<semaphore_mem>> -> memref<1x!tpu.dma_semaphore, #tpu.memory_space<semaphore_mem>>
        %dma_wait3A_390 = tpu.memref_squeeze %dma_wait3A_389 : memref<1x!tpu.dma_semaphore, #tpu.memory_space<semaphore_mem>> -> memref<!tpu.dma_semaphore, #tpu.memory_space<semaphore_mem>>
        %dma_wait3A_391 = arith.constant 0 : i32
        %dma_wait3A_392 = arith.constant 0 : i32
        %dma_wait3A_393 = tpu.memref_slice %arg8[%dma_wait3A, %dma_wait3A_391, %dma_wait3A_392] : memref<5x128x128xf32, #tpu.memory_space<vmem>> -> memref<1x128x128xf32, #tpu.memory_space<vmem>>
        %dma_wait3A_394 = tpu.memref_squeeze %dma_wait3A_393 : memref<1x128x128xf32, #tpu.memory_space<vmem>> -> memref<128x128xf32, #tpu.memory_space<vmem>>
        %dma_wait3A_395 = arith.constant 0 : i32
        %dma_wait3A_396 = arith.constant 0 : i32
        %dma_wait3A_397 = tpu.memref_slice %arg2[%dma_wait3A_395, %dma_wait3A_396] : memref<320000x128xf32, #tpu.memory_space<hbm>> -> memref<128x128xf32, #tpu.memory_space<hbm>>
        tpu.wait_dma2 semaphore(%dma_wait3A_390 : memref<!tpu.dma_semaphore, #tpu.memory_space<semaphore_mem>>) src(%dma_wait3A_397 : memref<128x128xf32, #tpu.memory_space<hbm>>) dst(%dma_wait3A_394 : memref<128x128xf32, #tpu.memory_space<vmem>>)
        %dma_wait3A_398 = arith.constant 4 : i32
        %dma_wait3A_399 = arith.constant 4 : i32
        %dma_wait3A_400 = arith.constant 0 : i32
        %dma_wait3A_401 = tpu.memref_slice %arg10[%dma_wait3A_398, %dma_wait3A_400] : memref<5x128xi32, #tpu.memory_space<vmem>> -> memref<1x128xi32, #tpu.memory_space<vmem>>
        %dma_wait3A_402 = tpu.memref_squeeze %dma_wait3A_401 : memref<1x128xi32, #tpu.memory_space<vmem>> -> memref<128xi32, #tpu.memory_space<vmem>>
        %dma_wait3A_403 = arith.constant 0 : i32
        %dma_wait3A_404 = tpu.memref_slice %arg3[%dma_wait3A_403] : memref<320000xi32, #tpu.memory_space<hbm>> -> memref<128xi32, #tpu.memory_space<hbm>>
        %dma_wait3A_405 = tpu.memref_slice %arg12[%dma_wait3A_399] : memref<5x!tpu.dma_semaphore, #tpu.memory_space<semaphore_mem>> -> memref<1x!tpu.dma_semaphore, #tpu.memory_space<semaphore_mem>>
        %dma_wait3A_406 = tpu.memref_squeeze %dma_wait3A_405 : memref<1x!tpu.dma_semaphore, #tpu.memory_space<semaphore_mem>> -> memref<!tpu.dma_semaphore, #tpu.memory_space<semaphore_mem>>
        %dma_wait3A_407 = arith.constant 0 : i32
        %dma_wait3A_408 = tpu.memref_slice %arg10[%dma_wait3A_398, %dma_wait3A_407] : memref<5x128xi32, #tpu.memory_space<vmem>> -> memref<1x128xi32, #tpu.memory_space<vmem>>
        %dma_wait3A_409 = tpu.memref_squeeze %dma_wait3A_408 : memref<1x128xi32, #tpu.memory_space<vmem>> -> memref<128xi32, #tpu.memory_space<vmem>>
        %dma_wait3A_410 = arith.constant 0 : i32
        %dma_wait3A_411 = tpu.memref_slice %arg3[%dma_wait3A_410] : memref<320000xi32, #tpu.memory_space<hbm>> -> memref<128xi32, #tpu.memory_space<hbm>>
        tpu.wait_dma2 semaphore(%dma_wait3A_406 : memref<!tpu.dma_semaphore, #tpu.memory_space<semaphore_mem>>) src(%dma_wait3A_411 : memref<128xi32, #tpu.memory_space<hbm>>) dst(%dma_wait3A_409 : memref<128xi32, #tpu.memory_space<vmem>>)
        %mul3A_412 = arith.constant 128 : i32
        %mul3A_413 = arith.muli %add3A_376, %mul3A_412 : i32
        %add3A_414 = arith.addi %mul3A_180, %mul3A_413 : i32
        %min3A_415 = arith.constant 319872 : i32
        %min3A_416 = arith.minsi %add3A_414, %min3A_415 : i32
        %get3A_417 = arith.constant 4 : i32
        %get3A_418 = arith.index_cast %get3A_417 : i32 to index
        %get3A_419 = arith.constant 0 : index
        %get3A_420 = tpu.vector_load %arg10[%get3A_418, %get3A_419] {strides = array<i32>} : memref<5x128xi32, #tpu.memory_space<vmem>>, vector<1x16xi32>,
        %get3A_421 = vector.shape_cast %get3A_420 : vector<1x16xi32> to vector<16xi32>
        %add3A_422 = arith.constant 0 : i32
        %add3A_423 = arith.addi %min3A_416, %add3A_422 : i32
        %add3A_424 = vector.broadcast %add3A_423 : i32 to vector<16xi32>
        %add3A_425 = arith.addi %add3A_424, %iota3A : vector<16xi32>
        %ge3A = vector.broadcast %mul3A_237 : i32 to vector<16xi32>
        %ge3A_426 = arith.cmpi sge, %get3A_421, %ge3A : vector<16xi32>
        %lt3A_427 = vector.broadcast %min3A_242 : i32 to vector<16xi32>
        %lt3A_428 = arith.cmpi slt, %get3A_421, %lt3A_427 : vector<16xi32>
        %and3A_429 = arith.andi %ge3A_426, %lt3A_428 : vector<16xi1>
        %ge3A_430 = vector.broadcast %add3A_414 : i32 to vector<16xi32>
        %ge3A_431 = arith.cmpi sge, %add3A_425, %ge3A_430 : vector<16xi32>
        %and3A_432 = arith.andi %and3A_429, %ge3A_431 : vector<16xi1>
        %sub3A_433 = vector.broadcast %mul3A_244 : i32 to vector<16xi32>
        %sub3A_434 = arith.subi %get3A_421, %sub3A_433 : vector<16xi32>
        %jit3A_435 = arith.constant 5120 : i32
        %broadcast_in_dim3A = vector.broadcast %jit3A_435 : i32 to vector<16xi32>
        %select_n3A_436 = arith.select %and3A_432, %sub3A_434, %broadcast_in_dim3A : vector<16xi1>, vector<16xi32>
        %swap3A = arith.constant 4 : i32
        %swap3A_437 = arith.constant 0 : i32
        %swap3A_438 = arith.index_cast %swap3A : i32 to index
        %swap3A_439 = arith.index_cast %swap3A_437 : i32 to index
        %swap3A_440 = arith.constant 0 : index
        %swap3A_441 = tpu.vector_load %arg9[%swap3A_438, %swap3A_439, %swap3A_440] {strides = array<i32>} : memref<5x1x128xi32, #tpu.memory_space<vmem>>, vector<1x1x16xi32>,
        %swap3A_442 = vector.shape_cast %swap3A_441 : vector<1x1x16xi32> to vector<16xi32>
        %swap3A_443 = vector.shape_cast %select_n3A_436 : vector<16xi32> to vector<1x1x16xi32>
        tpu.vector_store %arg9[%swap3A_438, %swap3A_439, %swap3A_440], %swap3A_443 {strides = array<i32>} : memref<5x1x128xi32, #tpu.memory_space<vmem>>, vector<1x1x16xi32>,
        %get3A_444 = arith.constant 4 : i32
        %get3A_445 = arith.index_cast %get3A_444 : i32 to index
        %get3A_446 = arith.constant 16 : index
        %get3A_447 = tpu.vector_load %arg10[%get3A_445, %get3A_446] {strides = array<i32>} : memref<5x128xi32, #tpu.memory_space<vmem>>, vector<1x16xi32>,
        %get3A_448 = vector.shape_cast %get3A_447 : vector<1x16xi32> to vector<16xi32>
        %add3A_449 = arith.constant 16 : i32
        %add3A_450 = arith.addi %min3A_416, %add3A_449 : i32
        %add3A_451 = vector.broadcast %add3A_450 : i32 to vector<16xi32>
        %add3A_452 = arith.addi %add3A_451, %iota3A : vector<16xi32>
        %ge3A_453 = vector.broadcast %mul3A_237 : i32 to vector<16xi32>
        %ge3A_454 = arith.cmpi sge, %get3A_448, %ge3A_453 : vector<16xi32>
        %lt3A_455 = vector.broadcast %min3A_242 : i32 to vector<16xi32>
        %lt3A_456 = arith.cmpi slt, %get3A_448, %lt3A_455 : vector<16xi32>
        %and3A_457 = arith.andi %ge3A_454, %lt3A_456 : vector<16xi1>
        %ge3A_458 = vector.broadcast %add3A_414 : i32 to vector<16xi32>
        %ge3A_459 = arith.cmpi sge, %add3A_452, %ge3A_458 : vector<16xi32>
        %and3A_460 = arith.andi %and3A_457, %ge3A_459 : vector<16xi1>
        %sub3A_461 = vector.broadcast %mul3A_244 : i32 to vector<16xi32>
        %sub3A_462 = arith.subi %get3A_448, %sub3A_461 : vector<16xi32>
        %jit3A_463 = arith.constant 5120 : i32
        %broadcast_in_dim3A_464 = vector.broadcast %jit3A_463 : i32 to vector<16xi32>
        %select_n3A_465 = arith.select %and3A_460, %sub3A_462, %broadcast_in_dim3A_464 : vector<16xi1>, vector<16xi32>
        %swap3A_466 = arith.constant 4 : i32
        %swap3A_467 = arith.constant 0 : i32
        %swap3A_468 = arith.index_cast %swap3A_466 : i32 to index
        %swap3A_469 = arith.index_cast %swap3A_467 : i32 to index
        %swap3A_470 = arith.constant 16 : index
        %swap3A_471 = tpu.vector_load %arg9[%swap3A_468, %swap3A_469, %swap3A_470] {strides = array<i32>} : memref<5x1x128xi32, #tpu.memory_space<vmem>>, vector<1x1x16xi32>,
        %swap3A_472 = vector.shape_cast %swap3A_471 : vector<1x1x16xi32> to vector<16xi32>
        %swap3A_473 = vector.shape_cast %select_n3A_465 : vector<16xi32> to vector<1x1x16xi32>
        tpu.vector_store %arg9[%swap3A_468, %swap3A_469, %swap3A_470], %swap3A_473 {strides = array<i32>} : memref<5x1x128xi32, #tpu.memory_space<vmem>>, vector<1x1x16xi32>,
        %get3A_474 = arith.constant 4 : i32
        %get3A_475 = arith.index_cast %get3A_474 : i32 to index
        %get3A_476 = arith.constant 32 : index
        %get3A_477 = tpu.vector_load %arg10[%get3A_475, %get3A_476] {strides = array<i32>} : memref<5x128xi32, #tpu.memory_space<vmem>>, vector<1x16xi32>,
        %get3A_478 = vector.shape_cast %get3A_477 : vector<1x16xi32> to vector<16xi32>
        %add3A_479 = arith.constant 32 : i32
        %add3A_480 = arith.addi %min3A_416, %add3A_479 : i32
        %add3A_481 = vector.broadcast %add3A_480 : i32 to vector<16xi32>
        %add3A_482 = arith.addi %add3A_481, %iota3A : vector<16xi32>
        %ge3A_483 = vector.broadcast %mul3A_237 : i32 to vector<16xi32>
        %ge3A_484 = arith.cmpi sge, %get3A_478, %ge3A_483 : vector<16xi32>
        %lt3A_485 = vector.broadcast %min3A_242 : i32 to vector<16xi32>
        %lt3A_486 = arith.cmpi slt, %get3A_478, %lt3A_485 : vector<16xi32>
        %and3A_487 = arith.andi %ge3A_484, %lt3A_486 : vector<16xi1>
        %ge3A_488 = vector.broadcast %add3A_414 : i32 to vector<16xi32>
        %ge3A_489 = arith.cmpi sge, %add3A_482, %ge3A_488 : vector<16xi32>
        %and3A_490 = arith.andi %and3A_487, %ge3A_489 : vector<16xi1>
        %sub3A_491 = vector.broadcast %mul3A_244 : i32 to vector<16xi32>
        %sub3A_492 = arith.subi %get3A_478, %sub3A_491 : vector<16xi32>
        %jit3A_493 = arith.constant 5120 : i32
        %broadcast_in_dim3A_494 = vector.broadcast %jit3A_493 : i32 to vector<16xi32>
        %select_n3A_495 = arith.select %and3A_490, %sub3A_492, %broadcast_in_dim3A_494 : vector<16xi1>, vector<16xi32>
        %swap3A_496 = arith.constant 4 : i32
        %swap3A_497 = arith.constant 0 : i32
        %swap3A_498 = arith.index_cast %swap3A_496 : i32 to index
        %swap3A_499 = arith.index_cast %swap3A_497 : i32 to index
        %swap3A_500 = arith.constant 32 : index
        %swap3A_501 = tpu.vector_load %arg9[%swap3A_498, %swap3A_499, %swap3A_500] {strides = array<i32>} : memref<5x1x128xi32, #tpu.memory_space<vmem>>, vector<1x1x16xi32>,
        %swap3A_502 = vector.shape_cast %swap3A_501 : vector<1x1x16xi32> to vector<16xi32>
        %swap3A_503 = vector.shape_cast %select_n3A_495 : vector<16xi32> to vector<1x1x16xi32>
        tpu.vector_store %arg9[%swap3A_498, %swap3A_499, %swap3A_500], %swap3A_503 {strides = array<i32>} : memref<5x1x128xi32, #tpu.memory_space<vmem>>, vector<1x1x16xi32>,
        %get3A_504 = arith.constant 4 : i32
        %get3A_505 = arith.index_cast %get3A_504 : i32 to index
        %get3A_506 = arith.constant 48 : index
        %get3A_507 = tpu.vector_load %arg10[%get3A_505, %get3A_506] {strides = array<i32>} : memref<5x128xi32, #tpu.memory_space<vmem>>, vector<1x16xi32>,
        %get3A_508 = vector.shape_cast %get3A_507 : vector<1x16xi32> to vector<16xi32>
        %add3A_509 = arith.constant 48 : i32
        %add3A_510 = arith.addi %min3A_416, %add3A_509 : i32
        %add3A_511 = vector.broadcast %add3A_510 : i32 to vector<16xi32>
        %add3A_512 = arith.addi %add3A_511, %iota3A : vector<16xi32>
        %ge3A_513 = vector.broadcast %mul3A_237 : i32 to vector<16xi32>
        %ge3A_514 = arith.cmpi sge, %get3A_508, %ge3A_513 : vector<16xi32>
        %lt3A_515 = vector.broadcast %min3A_242 : i32 to vector<16xi32>
        %lt3A_516 = arith.cmpi slt, %get3A_508, %lt3A_515 : vector<16xi32>
        %and3A_517 = arith.andi %ge3A_514, %lt3A_516 : vector<16xi1>
        %ge3A_518 = vector.broadcast %add3A_414 : i32 to vector<16xi32>
        %ge3A_519 = arith.cmpi sge, %add3A_512, %ge3A_518 : vector<16xi32>
        %and3A_520 = arith.andi %and3A_517, %ge3A_519 : vector<16xi1>
        %sub3A_521 = vector.broadcast %mul3A_244 : i32 to vector<16xi32>
        %sub3A_522 = arith.subi %get3A_508, %sub3A_521 : vector<16xi32>
        %jit3A_523 = arith.constant 5120 : i32
        %broadcast_in_dim3A_524 = vector.broadcast %jit3A_523 : i32 to vector<16xi32>
        %select_n3A_525 = arith.select %and3A_520, %sub3A_522, %broadcast_in_dim3A_524 : vector<16xi1>, vector<16xi32>
        %swap3A_526 = arith.constant 4 : i32
        %swap3A_527 = arith.constant 0 : i32
        %swap3A_528 = arith.index_cast %swap3A_526 : i32 to index
        %swap3A_529 = arith.index_cast %swap3A_527 : i32 to index
        %swap3A_530 = arith.constant 48 : index
        %swap3A_531 = tpu.vector_load %arg9[%swap3A_528, %swap3A_529, %swap3A_530] {strides = array<i32>} : memref<5x1x128xi32, #tpu.memory_space<vmem>>, vector<1x1x16xi32>,
        %swap3A_532 = vector.shape_cast %swap3A_531 : vector<1x1x16xi32> to vector<16xi32>
        %swap3A_533 = vector.shape_cast %select_n3A_525 : vector<16xi32> to vector<1x1x16xi32>
        tpu.vector_store %arg9[%swap3A_528, %swap3A_529, %swap3A_530], %swap3A_533 {strides = array<i32>} : memref<5x1x128xi32, #tpu.memory_space<vmem>>, vector<1x1x16xi32>,
        %get3A_534 = arith.constant 4 : i32
        %get3A_535 = arith.index_cast %get3A_534 : i32 to index
        %get3A_536 = arith.constant 64 : index
        %get3A_537 = tpu.vector_load %arg10[%get3A_535, %get3A_536] {strides = array<i32>} : memref<5x128xi32, #tpu.memory_space<vmem>>, vector<1x16xi32>,
        %get3A_538 = vector.shape_cast %get3A_537 : vector<1x16xi32> to vector<16xi32>
        %add3A_539 = arith.constant 64 : i32
        %add3A_540 = arith.addi %min3A_416, %add3A_539 : i32
        %add3A_541 = vector.broadcast %add3A_540 : i32 to vector<16xi32>
        %add3A_542 = arith.addi %add3A_541, %iota3A : vector<16xi32>
        %ge3A_543 = vector.broadcast %mul3A_237 : i32 to vector<16xi32>
        %ge3A_544 = arith.cmpi sge, %get3A_538, %ge3A_543 : vector<16xi32>
        %lt3A_545 = vector.broadcast %min3A_242 : i32 to vector<16xi32>
        %lt3A_546 = arith.cmpi slt, %get3A_538, %lt3A_545 : vector<16xi32>
        %and3A_547 = arith.andi %ge3A_544, %lt3A_546 : vector<16xi1>
        %ge3A_548 = vector.broadcast %add3A_414 : i32 to vector<16xi32>
        %ge3A_549 = arith.cmpi sge, %add3A_542, %ge3A_548 : vector<16xi32>
        %and3A_550 = arith.andi %and3A_547, %ge3A_549 : vector<16xi1>
        %sub3A_551 = vector.broadcast %mul3A_244 : i32 to vector<16xi32>
        %sub3A_552 = arith.subi %get3A_538, %sub3A_551 : vector<16xi32>
        %jit3A_553 = arith.constant 5120 : i32
        %broadcast_in_dim3A_554 = vector.broadcast %jit3A_553 : i32 to vector<16xi32>
        %select_n3A_555 = arith.select %and3A_550, %sub3A_552, %broadcast_in_dim3A_554 : vector<16xi1>, vector<16xi32>
        %swap3A_556 = arith.constant 4 : i32
        %swap3A_557 = arith.constant 0 : i32
        %swap3A_558 = arith.index_cast %swap3A_556 : i32 to index
        %swap3A_559 = arith.index_cast %swap3A_557 : i32 to index
        %swap3A_560 = arith.constant 64 : index
        %swap3A_561 = tpu.vector_load %arg9[%swap3A_558, %swap3A_559, %swap3A_560] {strides = array<i32>} : memref<5x1x128xi32, #tpu.memory_space<vmem>>, vector<1x1x16xi32>,
        %swap3A_562 = vector.shape_cast %swap3A_561 : vector<1x1x16xi32> to vector<16xi32>
        %swap3A_563 = vector.shape_cast %select_n3A_555 : vector<16xi32> to vector<1x1x16xi32>
        tpu.vector_store %arg9[%swap3A_558, %swap3A_559, %swap3A_560], %swap3A_563 {strides = array<i32>} : memref<5x1x128xi32, #tpu.memory_space<vmem>>, vector<1x1x16xi32>,
        %get3A_564 = arith.constant 4 : i32
        %get3A_565 = arith.index_cast %get3A_564 : i32 to index
        %get3A_566 = arith.constant 80 : index
        %get3A_567 = tpu.vector_load %arg10[%get3A_565, %get3A_566] {strides = array<i32>} : memref<5x128xi32, #tpu.memory_space<vmem>>, vector<1x16xi32>,
        %get3A_568 = vector.shape_cast %get3A_567 : vector<1x16xi32> to vector<16xi32>
        %add3A_569 = arith.constant 80 : i32
        %add3A_570 = arith.addi %min3A_416, %add3A_569 : i32
        %add3A_571 = vector.broadcast %add3A_570 : i32 to vector<16xi32>
        %add3A_572 = arith.addi %add3A_571, %iota3A : vector<16xi32>
        %ge3A_573 = vector.broadcast %mul3A_237 : i32 to vector<16xi32>
        %ge3A_574 = arith.cmpi sge, %get3A_568, %ge3A_573 : vector<16xi32>
        %lt3A_575 = vector.broadcast %min3A_242 : i32 to vector<16xi32>
        %lt3A_576 = arith.cmpi slt, %get3A_568, %lt3A_575 : vector<16xi32>
        %and3A_577 = arith.andi %ge3A_574, %lt3A_576 : vector<16xi1>
        %ge3A_578 = vector.broadcast %add3A_414 : i32 to vector<16xi32>
        %ge3A_579 = arith.cmpi sge, %add3A_572, %ge3A_578 : vector<16xi32>
        %and3A_580 = arith.andi %and3A_577, %ge3A_579 : vector<16xi1>
        %sub3A_581 = vector.broadcast %mul3A_244 : i32 to vector<16xi32>
        %sub3A_582 = arith.subi %get3A_568, %sub3A_581 : vector<16xi32>
        %jit3A_583 = arith.constant 5120 : i32
        %broadcast_in_dim3A_584 = vector.broadcast %jit3A_583 : i32 to vector<16xi32>
        %select_n3A_585 = arith.select %and3A_580, %sub3A_582, %broadcast_in_dim3A_584 : vector<16xi1>, vector<16xi32>
        %swap3A_586 = arith.constant 4 : i32
        %swap3A_587 = arith.constant 0 : i32
        %swap3A_588 = arith.index_cast %swap3A_586 : i32 to index
        %swap3A_589 = arith.index_cast %swap3A_587 : i32 to index
        %swap3A_590 = arith.constant 80 : index
        %swap3A_591 = tpu.vector_load %arg9[%swap3A_588, %swap3A_589, %swap3A_590] {strides = array<i32>} : memref<5x1x128xi32, #tpu.memory_space<vmem>>, vector<1x1x16xi32>,
        %swap3A_592 = vector.shape_cast %swap3A_591 : vector<1x1x16xi32> to vector<16xi32>
        %swap3A_593 = vector.shape_cast %select_n3A_585 : vector<16xi32> to vector<1x1x16xi32>
        tpu.vector_store %arg9[%swap3A_588, %swap3A_589, %swap3A_590], %swap3A_593 {strides = array<i32>} : memref<5x1x128xi32, #tpu.memory_space<vmem>>, vector<1x1x16xi32>,
        %get3A_594 = arith.constant 4 : i32
        %get3A_595 = arith.index_cast %get3A_594 : i32 to index
        %get3A_596 = arith.constant 96 : index
        %get3A_597 = tpu.vector_load %arg10[%get3A_595, %get3A_596] {strides = array<i32>} : memref<5x128xi32, #tpu.memory_space<vmem>>, vector<1x16xi32>,
        %get3A_598 = vector.shape_cast %get3A_597 : vector<1x16xi32> to vector<16xi32>
        %add3A_599 = arith.constant 96 : i32
        %add3A_600 = arith.addi %min3A_416, %add3A_599 : i32
        %add3A_601 = vector.broadcast %add3A_600 : i32 to vector<16xi32>
        %add3A_602 = arith.addi %add3A_601, %iota3A : vector<16xi32>
        %ge3A_603 = vector.broadcast %mul3A_237 : i32 to vector<16xi32>
        %ge3A_604 = arith.cmpi sge, %get3A_598, %ge3A_603 : vector<16xi32>
        %lt3A_605 = vector.broadcast %min3A_242 : i32 to vector<16xi32>
        %lt3A_606 = arith.cmpi slt, %get3A_598, %lt3A_605 : vector<16xi32>
        %and3A_607 = arith.andi %ge3A_604, %lt3A_606 : vector<16xi1>
        %ge3A_608 = vector.broadcast %add3A_414 : i32 to vector<16xi32>
        %ge3A_609 = arith.cmpi sge, %add3A_602, %ge3A_608 : vector<16xi32>
        %and3A_610 = arith.andi %and3A_607, %ge3A_609 : vector<16xi1>
        %sub3A_611 = vector.broadcast %mul3A_244 : i32 to vector<16xi32>
        %sub3A_612 = arith.subi %get3A_598, %sub3A_611 : vector<16xi32>
        %jit3A_613 = arith.constant 5120 : i32
        %broadcast_in_dim3A_614 = vector.broadcast %jit3A_613 : i32 to vector<16xi32>
        %select_n3A_615 = arith.select %and3A_610, %sub3A_612, %broadcast_in_dim3A_614 : vector<16xi1>, vector<16xi32>
        %swap3A_616 = arith.constant 4 : i32
        %swap3A_617 = arith.constant 0 : i32
        %swap3A_618 = arith.index_cast %swap3A_616 : i32 to index
        %swap3A_619 = arith.index_cast %swap3A_617 : i32 to index
        %swap3A_620 = arith.constant 96 : index
        %swap3A_621 = tpu.vector_load %arg9[%swap3A_618, %swap3A_619, %swap3A_620] {strides = array<i32>} : memref<5x1x128xi32, #tpu.memory_space<vmem>>, vector<1x1x16xi32>,
        %swap3A_622 = vector.shape_cast %swap3A_621 : vector<1x1x16xi32> to vector<16xi32>
        %swap3A_623 = vector.shape_cast %select_n3A_615 : vector<16xi32> to vector<1x1x16xi32>
        tpu.vector_store %arg9[%swap3A_618, %swap3A_619, %swap3A_620], %swap3A_623 {strides = array<i32>} : memref<5x1x128xi32, #tpu.memory_space<vmem>>, vector<1x1x16xi32>,
        %get3A_624 = arith.constant 4 : i32
        %get3A_625 = arith.index_cast %get3A_624 : i32 to index
        %get3A_626 = arith.constant 112 : index
        %get3A_627 = tpu.vector_load %arg10[%get3A_625, %get3A_626] {strides = array<i32>} : memref<5x128xi32, #tpu.memory_space<vmem>>, vector<1x16xi32>,
        %get3A_628 = vector.shape_cast %get3A_627 : vector<1x16xi32> to vector<16xi32>
        %add3A_629 = arith.constant 112 : i32
        %add3A_630 = arith.addi %min3A_416, %add3A_629 : i32
        %add3A_631 = vector.broadcast %add3A_630 : i32 to vector<16xi32>
        %add3A_632 = arith.addi %add3A_631, %iota3A : vector<16xi32>
        %ge3A_633 = vector.broadcast %mul3A_237 : i32 to vector<16xi32>
        %ge3A_634 = arith.cmpi sge, %get3A_628, %ge3A_633 : vector<16xi32>
        %lt3A_635 = vector.broadcast %min3A_242 : i32 to vector<16xi32>
        %lt3A_636 = arith.cmpi slt, %get3A_628, %lt3A_635 : vector<16xi32>
        %and3A_637 = arith.andi %ge3A_634, %lt3A_636 : vector<16xi1>
        %ge3A_638 = vector.broadcast %add3A_414 : i32 to vector<16xi32>
        %ge3A_639 = arith.cmpi sge, %add3A_632, %ge3A_638 : vector<16xi32>
        %and3A_640 = arith.andi %and3A_637, %ge3A_639 : vector<16xi1>
        %sub3A_641 = vector.broadcast %mul3A_244 : i32 to vector<16xi32>
        %sub3A_642 = arith.subi %get3A_628, %sub3A_641 : vector<16xi32>
        %jit3A_643 = arith.constant 5120 : i32
        %broadcast_in_dim3A_644 = vector.broadcast %jit3A_643 : i32 to vector<16xi32>
        %select_n3A_645 = arith.select %and3A_640, %sub3A_642, %broadcast_in_dim3A_644 : vector<16xi1>, vector<16xi32>
        %swap3A_646 = arith.constant 4 : i32
        %swap3A_647 = arith.constant 0 : i32
        %swap3A_648 = arith.index_cast %swap3A_646 : i32 to index
        %swap3A_649 = arith.index_cast %swap3A_647 : i32 to index
        %swap3A_650 = arith.constant 112 : index
        %swap3A_651 = tpu.vector_load %arg9[%swap3A_648, %swap3A_649, %swap3A_650] {strides = array<i32>} : memref<5x1x128xi32, #tpu.memory_space<vmem>>, vector<1x1x16xi32>,
        %swap3A_652 = vector.shape_cast %swap3A_651 : vector<1x1x16xi32> to vector<16xi32>
        %swap3A_653 = vector.shape_cast %select_n3A_645 : vector<16xi32> to vector<1x1x16xi32>
        tpu.vector_store %arg9[%swap3A_648, %swap3A_649, %swap3A_650], %swap3A_653 {strides = array<i32>} : memref<5x1x128xi32, #tpu.memory_space<vmem>>, vector<1x1x16xi32>,
        %run_scoped3A_654 = arith.constant 4 : i32
        %run_scoped3A_655 = arith.constant 4 : i32
        %run_scoped3A_656 = arith.constant 0 : i32
        "tpu.region"() ({
          %run_scoped3A_663 = tpu.sem_alloc : memref<!tpu.dma_semaphore, #tpu.memory_space<semaphore_mem>>
          %dma_start3A = arith.constant 0 : i32
          %dma_start3A_664 = arith.constant 0 : i32
          %dma_start3A_665 = tpu.memref_slice %arg8[%run_scoped3A_654, %dma_start3A, %dma_start3A_664] : memref<5x128x128xf32, #tpu.memory_space<vmem>> -> memref<1x128x128xf32, #tpu.memory_space<vmem>>
          %dma_start3A_666 = tpu.memref_squeeze %dma_start3A_665 : memref<1x128x128xf32, #tpu.memory_space<vmem>> -> memref<128x128xf32, #tpu.memory_space<vmem>>
          %dma_start3A_667 = arith.constant 0 : i32
          %dma_start3A_668 = tpu.memref_slice %arg9[%run_scoped3A_655, %run_scoped3A_656, %dma_start3A_667] : memref<5x1x128xi32, #tpu.memory_space<vmem>> -> memref<1x1x128xi32, #tpu.memory_space<vmem>>
          %dma_start3A_669 = tpu.memref_squeeze %dma_start3A_668 : memref<1x1x128xi32, #tpu.memory_space<vmem>> -> memref<128xi32, #tpu.memory_space<vmem>>
          %dma_start3A_670 = arith.constant 0 : i32
          %dma_start3A_671 = arith.constant 0 : i32
          %dma_start3A_672 = tpu.memref_slice %arg11[%dma_start3A_670, %dma_start3A_671] : memref<5128x128xf32, #tpu.memory_space<vmem_shared>> -> memref<5128x128xf32, #tpu.memory_space<vmem_shared>>
          tpu.enqueue_indirect_dma source(%dma_start3A_666 : memref<128x128xf32, #tpu.memory_space<vmem>>) target(%dma_start3A_672 : memref<5128x128xf32, #tpu.memory_space<vmem_shared>>) offsets(%dma_start3A_669 : memref<128xi32, #tpu.memory_space<vmem>>) semaphore(%run_scoped3A_663 : memref<!tpu.dma_semaphore, #tpu.memory_space<semaphore_mem>>) {add = true}
          %dma_wait3A_673 = arith.constant 0 : i32
          %dma_wait3A_674 = arith.constant 0 : i32
          %dma_wait3A_675 = tpu.memref_slice %arg8[%run_scoped3A_654, %dma_wait3A_673, %dma_wait3A_674] : memref<5x128x128xf32, #tpu.memory_space<vmem>> -> memref<1x128x128xf32, #tpu.memory_space<vmem>>
          %dma_wait3A_676 = tpu.memref_squeeze %dma_wait3A_675 : memref<1x128x128xf32, #tpu.memory_space<vmem>> -> memref<128x128xf32, #tpu.memory_space<vmem>>
          %dma_wait3A_677 = arith.constant 0 : i32
          %dma_wait3A_678 = tpu.memref_slice %arg9[%run_scoped3A_655, %run_scoped3A_656, %dma_wait3A_677] : memref<5x1x128xi32, #tpu.memory_space<vmem>> -> memref<1x1x128xi32, #tpu.memory_space<vmem>>
          %dma_wait3A_679 = tpu.memref_squeeze %dma_wait3A_678 : memref<1x1x128xi32, #tpu.memory_space<vmem>> -> memref<128xi32, #tpu.memory_space<vmem>>
          %dma_wait3A_680 = arith.constant 0 : i32
          %dma_wait3A_681 = arith.constant 0 : i32
          %dma_wait3A_682 = tpu.memref_slice %arg11[%dma_wait3A_680, %dma_wait3A_681] : memref<5128x128xf32, #tpu.memory_space<vmem_shared>> -> memref<5128x128xf32, #tpu.memory_space<vmem_shared>>
          tpu.wait_indirect_dma semaphore(%run_scoped3A_663 : memref<!tpu.dma_semaphore, #tpu.memory_space<semaphore_mem>>) src(%dma_wait3A_676 : memref<128x128xf32, #tpu.memory_space<vmem>>) dst(%dma_wait3A_682 : memref<5128x128xf32, #tpu.memory_space<vmem_shared>>)
          tpu.yield
        }) : () -> ()
        %add3A_657 = arith.constant 5 : i32
        %add3A_658 = arith.addi %add3A_376, %add3A_657 : i32
        %lt3A_659 = arith.cmpi slt, %add3A_658, %select_n3A_235 : i32
        %convert_element_type3A_660 = arith.extui %lt3A_659 : i1 to i32
        %cond3A_661 = arith.constant 0 : i32
        %cond3A_662 = arith.cmpi ne, %convert_element_type3A_660, %cond3A_661 : i32
        scf.if %cond3A_662 {
          %add3A_663 = arith.constant 5 : i32
          %add3A_664 = arith.addi %add3A_376, %add3A_663 : i32
          %mul3A_665 = arith.constant 128 : i32
          %mul3A_666 = arith.muli %add3A_664, %mul3A_665 : i32
          %add3A_667 = arith.addi %mul3A_180, %mul3A_666 : i32
          %min3A_668 = arith.constant 319872 : i32
          %min3A_669 = arith.minsi %add3A_667, %min3A_668 : i32
          %multiple_of3A = tpu.assume_multiple %min3A_669, 8 : i32
          %dma_start3A = arith.constant 4 : i32
          %dma_start3A_670 = arith.constant 4 : i32
          %dma_start3A_671 = arith.constant 0 : i32
          %dma_start3A_672 = arith.constant 0 : i32
          %dma_start3A_673 = tpu.memref_slice %arg8[%dma_start3A, %dma_start3A_671, %dma_start3A_672] : memref<5x128x128xf32, #tpu.memory_space<vmem>> -> memref<1x128x128xf32, #tpu.memory_space<vmem>>
          %dma_start3A_674 = tpu.memref_squeeze %dma_start3A_673 : memref<1x128x128xf32, #tpu.memory_space<vmem>> -> memref<128x128xf32, #tpu.memory_space<vmem>>
          %dma_start3A_675 = arith.constant 0 : i32
          %dma_start3A_676 = tpu.memref_slice %arg2[%multiple_of3A, %dma_start3A_675] : memref<320000x128xf32, #tpu.memory_space<hbm>> -> memref<128x128xf32, #tpu.memory_space<hbm>>
          %dma_start3A_677 = tpu.memref_slice %arg12[%dma_start3A_670] : memref<5x!tpu.dma_semaphore, #tpu.memory_space<semaphore_mem>> -> memref<1x!tpu.dma_semaphore, #tpu.memory_space<semaphore_mem>>
          %dma_start3A_678 = tpu.memref_squeeze %dma_start3A_677 : memref<1x!tpu.dma_semaphore, #tpu.memory_space<semaphore_mem>> -> memref<!tpu.dma_semaphore, #tpu.memory_space<semaphore_mem>>
          %dma_start3A_679 = arith.constant 0 : i32
          %dma_start3A_680 = arith.constant 0 : i32
          %dma_start3A_681 = tpu.memref_slice %arg8[%dma_start3A, %dma_start3A_679, %dma_start3A_680] : memref<5x128x128xf32, #tpu.memory_space<vmem>> -> memref<1x128x128xf32, #tpu.memory_space<vmem>>
          %dma_start3A_682 = tpu.memref_squeeze %dma_start3A_681 : memref<1x128x128xf32, #tpu.memory_space<vmem>> -> memref<128x128xf32, #tpu.memory_space<vmem>>
          %dma_start3A_683 = arith.constant 0 : i32
          %dma_start3A_684 = tpu.memref_slice %arg2[%multiple_of3A, %dma_start3A_683] : memref<320000x128xf32, #tpu.memory_space<hbm>> -> memref<128x128xf32, #tpu.memory_space<hbm>>
          tpu.enqueue_dma source(%dma_start3A_684 : memref<128x128xf32, #tpu.memory_space<hbm>>) target(%dma_start3A_682 : memref<128x128xf32, #tpu.memory_space<vmem>>) target_semaphore(%dma_start3A_678 : memref<!tpu.dma_semaphore, #tpu.memory_space<semaphore_mem>>)
          %dma_start3A_685 = arith.constant 4 : i32
          %dma_start3A_686 = arith.constant 4 : i32
          %dma_start3A_687 = arith.constant 0 : i32
          %dma_start3A_688 = tpu.memref_slice %arg10[%dma_start3A_685, %dma_start3A_687] : memref<5x128xi32, #tpu.memory_space<vmem>> -> memref<1x128xi32, #tpu.memory_space<vmem>>
          %dma_start3A_689 = tpu.memref_squeeze %dma_start3A_688 : memref<1x128xi32, #tpu.memory_space<vmem>> -> memref<128xi32, #tpu.memory_space<vmem>>
          %dma_start3A_690 = tpu.memref_slice %arg3[%multiple_of3A] : memref<320000xi32, #tpu.memory_space<hbm>> -> memref<128xi32, #tpu.memory_space<hbm>>
          %dma_start3A_691 = tpu.memref_slice %arg12[%dma_start3A_686] : memref<5x!tpu.dma_semaphore, #tpu.memory_space<semaphore_mem>> -> memref<1x!tpu.dma_semaphore, #tpu.memory_space<semaphore_mem>>
          %dma_start3A_692 = tpu.memref_squeeze %dma_start3A_691 : memref<1x!tpu.dma_semaphore, #tpu.memory_space<semaphore_mem>> -> memref<!tpu.dma_semaphore, #tpu.memory_space<semaphore_mem>>
          %dma_start3A_693 = arith.constant 0 : i32
          %dma_start3A_694 = tpu.memref_slice %arg10[%dma_start3A_685, %dma_start3A_693] : memref<5x128xi32, #tpu.memory_space<vmem>> -> memref<1x128xi32, #tpu.memory_space<vmem>>
          %dma_start3A_695 = tpu.memref_squeeze %dma_start3A_694 : memref<1x128xi32, #tpu.memory_space<vmem>> -> memref<128xi32, #tpu.memory_space<vmem>>
          %dma_start3A_696 = tpu.memref_slice %arg3[%multiple_of3A] : memref<320000xi32, #tpu.memory_space<hbm>> -> memref<128xi32, #tpu.memory_space<hbm>>
          tpu.enqueue_dma source(%dma_start3A_696 : memref<128xi32, #tpu.memory_space<hbm>>) target(%dma_start3A_695 : memref<128xi32, #tpu.memory_space<vmem>>) target_semaphore(%dma_start3A_692 : memref<!tpu.dma_semaphore, #tpu.memory_space<semaphore_mem>>)
        } else {
        }
      } else {
      }
    }
    %barrier3A_330 = arith.constant 0 : index
    tpu.barrier barrier_id(%barrier3A_330)
    %lt3A = arith.constant 31 : i32
    %lt3A_331 = arith.cmpi slt, %add3A, %lt3A : i32
    %convert_element_type3A_332 = arith.extui %lt3A_331 : i1 to i32
    %cond3A_333 = arith.constant 0 : i32
    %cond3A_334 = arith.cmpi ne, %convert_element_type3A_332, %cond3A_333 : i32
    scf.if %cond3A_334 {
      %mul3A_340 = arith.constant 320 : i32
      %mul3A_341 = arith.muli %arg1, %mul3A_340 : i32
      %mul3A_342 = arith.constant 320 : i32
      %mul3A_343 = arith.muli %add3A, %mul3A_342 : i32
      "tpu.region"() ({
        %run_scoped3A_344 = tpu.sem_alloc : memref<!tpu.dma_semaphore, #tpu.memory_space<semaphore_mem>>
        %dma_start3A = arith.constant 0 : i32
        %dma_start3A_345 = tpu.memref_slice %arg5[%mul3A_343, %dma_start3A] : memref<10000x128xf32, #tpu.memory_space<hbm>> -> memref<320x128xf32, #tpu.memory_space<hbm>>
        %dma_start3A_346 = arith.constant 0 : i32
        %dma_start3A_347 = tpu.memref_slice %arg11[%mul3A_341, %dma_start3A_346] : memref<5128x128xf32, #tpu.memory_space<vmem_shared>> -> memref<320x128xf32, #tpu.memory_space<vmem_shared>>
        tpu.enqueue_dma source(%dma_start3A_347 : memref<320x128xf32, #tpu.memory_space<vmem_shared>>) target(%dma_start3A_345 : memref<320x128xf32, #tpu.memory_space<hbm>>) target_semaphore(%run_scoped3A_344 : memref<!tpu.dma_semaphore, #tpu.memory_space<semaphore_mem>>)
        %dma_wait3A = arith.constant 0 : i32
        %dma_wait3A_348 = tpu.memref_slice %arg5[%mul3A_343, %dma_wait3A] : memref<10000x128xf32, #tpu.memory_space<hbm>> -> memref<320x128xf32, #tpu.memory_space<hbm>>
        %dma_wait3A_349 = arith.constant 0 : i32
        %dma_wait3A_350 = tpu.memref_slice %arg11[%mul3A_341, %dma_wait3A_349] : memref<5128x128xf32, #tpu.memory_space<vmem_shared>> -> memref<320x128xf32, #tpu.memory_space<vmem_shared>>
        tpu.wait_dma2 semaphore(%run_scoped3A_344 : memref<!tpu.dma_semaphore, #tpu.memory_space<semaphore_mem>>) src(%dma_wait3A_350 : memref<320x128xf32, #tpu.memory_space<vmem_shared>>) dst(%dma_wait3A_348 : memref<320x128xf32, #tpu.memory_space<hbm>>)
        tpu.yield
      }) : () -> ()
    } else {
    }
    %eq3A_335 = arith.constant 31 : i32
    %eq3A_336 = arith.cmpi eq, %add3A, %eq3A_335 : i32
    %convert_element_type3A_337 = arith.extui %eq3A_336 : i1 to i32
    %cond3A_338 = arith.constant 0 : i32
    %cond3A_339 = arith.cmpi ne, %convert_element_type3A_337, %cond3A_338 : i32
    scf.if %cond3A_339 {
      %mul3A_340 = arith.constant 320 : i32
      %mul3A_341 = arith.muli %arg1, %mul3A_340 : i32
      "tpu.region"() ({
        %run_scoped3A_342 = tpu.sem_alloc : memref<!tpu.dma_semaphore, #tpu.memory_space<semaphore_mem>>
        %dma_start3A = arith.constant 9920 : i32
        %dma_start3A_343 = arith.constant 0 : i32
        %dma_start3A_344 = tpu.memref_slice %arg5[%dma_start3A, %dma_start3A_343] : memref<10000x128xf32, #tpu.memory_space<hbm>> -> memref<80x128xf32, #tpu.memory_space<hbm>>
        %dma_start3A_345 = arith.constant 0 : i32
        %dma_start3A_346 = tpu.memref_slice %arg11[%mul3A_341, %dma_start3A_345] : memref<5128x128xf32, #tpu.memory_space<vmem_shared>> -> memref<80x128xf32, #tpu.memory_space<vmem_shared>>
        tpu.enqueue_dma source(%dma_start3A_346 : memref<80x128xf32, #tpu.memory_space<vmem_shared>>) target(%dma_start3A_344 : memref<80x128xf32, #tpu.memory_space<hbm>>) target_semaphore(%run_scoped3A_342 : memref<!tpu.dma_semaphore, #tpu.memory_space<semaphore_mem>>)
        %dma_wait3A = arith.constant 9920 : i32
        %dma_wait3A_347 = arith.constant 0 : i32
        %dma_wait3A_348 = tpu.memref_slice %arg5[%dma_wait3A, %dma_wait3A_347] : memref<10000x128xf32, #tpu.memory_space<hbm>> -> memref<80x128xf32, #tpu.memory_space<hbm>>
        %dma_wait3A_349 = arith.constant 0 : i32
        %dma_wait3A_350 = tpu.memref_slice %arg11[%mul3A_341, %dma_wait3A_349] : memref<5128x128xf32, #tpu.memory_space<vmem_shared>> -> memref<80x128xf32, #tpu.memory_space<vmem_shared>>
        tpu.wait_dma2 semaphore(%run_scoped3A_342 : memref<!tpu.dma_semaphore, #tpu.memory_space<semaphore_mem>>) src(%dma_wait3A_350 : memref<80x128xf32, #tpu.memory_space<vmem_shared>>) dst(%dma_wait3A_348 : memref<80x128xf32, #tpu.memory_space<hbm>>)
        tpu.yield
      }) : () -> ()
    } else {
    }
    return
  }
}

</mosaic_0001>

<sc_bundles>
// kernel: kernel.3.cloned.1.call-start
scs
__scs_entry_jumppad:
0x0: {  	(pc) =	sbr.rel $0x88, $3  }
0x1: {  	(tag) =	ssettag $0x0;
	lr =	simm.s32 $0x1  }
0x2: {  	[smem:$0x3F9F] =	sst lr;
	_ =	strace $0xD0000000  }
0x3: {  	_ = 	snop  }
0x4: {  	_ = 	snop  }
0x5: {  	_ = 	snop  }
0x6: {  	_ = 	snop  }
0x7: {  	_ = 	snop  }
__scs_overlays_trampoline_lowered:
0x8: {  	[smem:$0x3FAE] =	sst s0  }
0x9: {  	[smem:$0x3FAF] =	sst s1  }
0xa: {  	[smem:$0x3FB0] =	sst s2  }
0xb: {  	[smem:$0x3FB1] =	sst s3  }
0xc: {  	[smem:$0x3FB2] =	sst s4  }
0xd: {  	[smem:$0x3FB3] =	sst s5  }
0xe: {  	[smem:$0x3FB4] =	sst s6  }
0xf: {  	[smem:$0x3FB5] =	sst s7  }
0x10: {  	[smem:$0x3FB6] =	sst s8  }
0x11: {  	[smem:$0x3FB7] =	sst s9;
	s0 =	simm.s32 @!p0 $0x0  }
0x12: {  	s1 =	sld [smem:$0x3F9D];
	s0 =	simm.s32 @p0 $0x1  }
0x13: {  	[smem:$0x3FB8] =	sst s0;
	s0 =	simm.s32 @!p1 $0x0  }
0x14: {  	s2 =	sld [smem:$0x3F9C];
	s0 =	simm.s32 @p1 $0x1  }
0x15: {  	[smem:$0x3FB9] =	sst s0;
	s0 =	simm.s32 @!p2 $0x0  }
0x16: {  	s3 =	sld [smem:$0x3FDB];
	s0 =	simm.s32 @p2 $0x1  }
0x17: {  	s4 =	simm.s32 $0x1BF5;
	[smem:$0x3FBB] =	sst s0  }
0x18: {  	s0 =	sld [smem:$0x3F9E];
	_ =	swait.ge [sflag:s4], $0x0  }
0x19: {  	s7 =	sld [smem:$0x3F9F]  }
0x1a: {  	s8 =	sadd.s32 $0xFFFFE003, lr  }
0x1b: {  	s9 =	sadd.s32 $0xFFFFFEF7, lr;
	s5 =	simm.s32 $0xFFFFFFFF;
	p2 =	slt.u32 s8, $0xFFFFF086  }
0x1c: {  	p1 =	slt.u32 s9, $0xF7A;
	s5 =	simm.s32 @!p2 $0x0  }
0x1d: {  	s5 =	simm.s32 @p1 $0x1;
	p0 =	seq.s32 s7, s2  }
0x1e: {  	s7 =	smul.u32 @!p0 $0xF7A, s2;
	p2 =	seq.s32 @!p0 s5, $0x0  }
0x1f: {  	s9 =	smul.u32 $0xF7A, s1;
	s8 =	simm.s32 @!p0 $0x1BF5;
	p2 =	por !p2, p0  }
0x20: {  	[sflag:s8] =	ssyncset.s32 @!p0 $0xFFFFF086;
	s6 =	sadd.s32 @!p0 s3, s7;
	s7 =	simm.s32 @!p0 $0x108  }
0x21: {  	s3 =	sadd.s32 s3, s9;
	s6 =	sadd.s32 @!p0 $0x88, s6;
	s7 =	simm.s32 @p2 $0x1082  }
0x22: {  	[simem:s7], [sflag:s8] =	dma.local @!p0 [hbm:s6], $0xF7A  }
0x23: {  	s9 =	sor.u32 $0xD0000000, s2;
	s6 =	simm.s32 $0x108;
	_ =	swait.ge @!p0 [sflag:s8], $0x0  }
0x24: {  	s3 =	sadd.s32 $0x88, s3;
	s6 =	simm.s32 @!p1 $0x1082;
	[sflag:s4] =	ssyncset.s32 $0xFFFFF086  }
0x25: {  	[simem:s6], [sflag:s4] =	dma.local [hbm:s3], $0xF7A  }
0x26: {  	[smem:$0x3F9F] =	sst s1;
	(tag) =	ssettag s2;
	_ =	strace s9  }
0x27: {  	s1 =	sld [smem:$0x3FAF]  }
0x28: {  	s2 =	sld [smem:$0x3FB0]  }
0x29: {  	s4 =	sld [smem:$0x3FB2]  }
0x2a: {  	p0 =	seq.s32 s5, $0x0;
	s5 =	sld [smem:$0x3FB3]  }
0x2b: {  	s6 =	sld [smem:$0x3FB4]  }
0x2c: {  	s7 =	sld [smem:$0x3FB5]  }
0x2d: {  	s3 =	simm.s32 $0x108;
	s8 =	sld [smem:$0x3FB6]  }
0x2e: {  	s3 =	simm.s32 @!p0 $0x1082;
	s9 =	sld [smem:$0x3FB7]  }
0x2f: {  	lr =	sadd.s32 s0, s3;
	s0 =	sld [smem:$0x3FAE]  }
0x30: {  	s3 =	sld [smem:$0x3FB1]  }
0x31: {  	[smem:$0x3FBA] =	sst s10  }
0x32: {  	s10 =	sld [smem:$0x3FB8];
	_ =	sdelay $0x3  }
0x33: {  	p0 =	seq.s32 s10, $0x1;
	s10 =	sld [smem:$0x3FBA];
	_ =	sdelay $0x3  }
0x34: {  	[smem:$0x3FBA] =	sst s10  }
0x35: {  	s10 =	sld [smem:$0x3FB9];
	_ =	sdelay $0x3  }
0x36: {  	p1 =	seq.s32 s10, $0x1;
	s10 =	sld [smem:$0x3FBA];
	_ =	sdelay $0x3  }
0x37: {  	[smem:$0x3FBA] =	sst s10  }
0x38: {  	s10 =	sld [smem:$0x3FBB]  }
0x39: {  	_ = 	snop;
	(pc) =	sbr.ind lr, $3  }
0x3a: {  	_ = 	snop  }
0x3b: {  	_ = 	snop  }
0x3c: {  	p2 =	seq.s32 s10, $0x1;
	s10 =	sld [smem:$0x3FBA]  }
0x3d: {  	_ =	shalt  }
0x3e: {  	_ =	shalt  }
0x3f: {  	_ =	shalt  }
0x40: {  	_ =	shalt  }
0x41: {  	_ =	shalt  }
0x42: {  	_ =	shalt  }
0x43: {  	_ =	shalt  }
0x44: {  	_ =	shalt  }
0x45: {  	_ =	shalt  }
0x46: {  	_ =	shalt  }
0x47: {  	_ =	shalt  }
0x48: {  	_ =	shalt  }
0x49: {  	_ =	shalt  }
0x4a: {  	_ =	shalt  }
0x4b: {  	_ =	shalt  }
0x4c: {  	_ =	shalt  }
0x4d: {  	_ =	shalt  }
0x4e: {  	_ =	shalt  }
0x4f: {  	_ =	shalt  }
0x50: {  	_ =	shalt  }
0x51: {  	_ =	shalt  }
0x52: {  	_ =	shalt  }
0x53: {  	_ =	shalt  }
0x54: {  	_ =	shalt  }
0x55: {  	_ =	shalt  }
0x56: {  	_ =	shalt  }
0x57: {  	_ =	shalt  }
0x58: {  	_ =	shalt  }
0x59: {  	_ =	shalt  }
0x5a: {  	_ =	shalt  }
0x5b: {  	_ =	shalt  }
0x5c: {  	_ =	shalt  }
0x5d: {  	_ =	shalt  }
0x5e: {  	_ =	shalt  }
0x5f: {  	_ =	shalt  }
0x60: {  	_ =	shalt  }
0x61: {  	_ =	shalt  }
0x62: {  	_ =	shalt  }
0x63: {  	_ =	shalt  }
0x64: {  	_ =	shalt  }
0x65: {  	_ =	shalt  }
0x66: {  	_ =	shalt  }
0x67: {  	_ =	shalt  }
0x68: {  	_ =	shalt  }
0x69: {  	_ =	shalt  }
0x6a: {  	_ =	shalt  }
0x6b: {  	_ =	shalt  }
0x6c: {  	_ =	shalt  }
0x6d: {  	_ =	shalt  }
0x6e: {  	_ =	shalt  }
0x6f: {  	_ =	shalt  }
0x70: {  	_ =	shalt  }
0x71: {  	_ =	shalt  }
0x72: {  	_ =	shalt  }
0x73: {  	_ =	shalt  }
0x74: {  	_ =	shalt  }
0x75: {  	_ =	shalt  }
0x76: {  	_ =	shalt  }
0x77: {  	_ =	shalt  }
0x78: {  	_ =	shalt  }
0x79: {  	_ =	shalt  }
0x7a: {  	_ =	shalt  }
0x7b: {  	_ =	shalt  }
0x7c: {  	_ =	shalt  }
0x7d: {  	_ =	shalt  }
0x7e: {  	_ =	shalt  }
0x7f: {  	_ =	shalt  }
0x80: {  	_ =	shalt  }
0x81: {  	_ =	shalt  }
0x82: {  	_ =	shalt  }
0x83: {  	_ =	shalt  }
0x84: {  	_ =	shalt  }
0x85: {  	_ =	shalt  }
0x86: {  	_ =	shalt  }
0x87: {  	_ =	shalt  }
.Lfunc_end0:
.L_simem_size_0:
called_computation_lowered:
.L_overlay_start_0:
0x88: {  	s2 =	sld [smem:$0x3FD9]  }
0x89: {  	s3 =	sld [smem:$0x3FFE];
	_ =	sdelay $0x1  }
0x8a: {  	s1 =	srdreg.scid  }
0x8b: {  	s0 =	sand.u32 $0x1, s1  }
0x8c: {  	s17 =	sshll.u32 s0, $0xA;
	s2 =	sadd.s32 s3, s2  }
0x8d: {  	s2 =	sadd.s32 s2, s17  }
0x8e: {  	[smem:$0x3FC6] =	sst s2  }
0x8f: {  	_ = 	snop  }
0x90: {  	s2 =	sld [smem:$0x3FC9]  }
0x91: {  	s18 =	sld [smem:$0x3FC8]  }
0x92: {  	s4 =	sld [smem:$0x3FD0];
	(tm) =	ssettm $0x1  }
0x93: {  	s5 =	sld [smem:$0x3FFB];
	_ =	sdelay $0x3  }
0x94: {  	_ =	strace s5  }
0x95: {  	s5 =	sld [smem:$0x3FFC];
	_ =	sdelay $0x3  }
0x96: {  	_ =	strace s5  }
0x97: {  	s5 =	sld [smem:$0x3FFD];
	_ =	sdelay $0x3  }
0x98: {  	_ =	strace s5  }
0x99: {  	_ =	strace $0x8FFFFFFF  }
0x9a: {  	s19 =	sld [smem:$0x3FDB];
	_ =	sdelay $0x1  }
0x9b: {  	s6 =	simm.s32 $_scs_section_size  }
0x9c: {  	s7 =	simm.s32 $_size__tile_overlayer_lowered;
	s8 =	simm.s32 $_tile_overlayer_lowered  }
0x9d: {  	s22 =	simm.s32 $0x1BFF;
	s21 =	sshll.u32 s8, $0x1;
	s5 =	sadd.s32 s6, s19  }
0x9e: {  	s9 =	simm.s32 $0x0;
	s20 =	sshll.u32 s7, $0x1;
	s7 =	sadd.s32 s21, s5  }
0x9f: {  	[timem:s9], [sflag:s22] =	dma.local [hbm:s7], s20  }
0xa0: {  	_ =	swait.ge [sflag:s22], s20  }
0xa1: {  	s6 =	ssub.s32 $0x0, s20;
	[sflag:s22] =	ssyncset.done $0x0  }
0xa2: {  	[sflag:s22] =	ssyncadd.s32 s6;
	_ =	sdelay $0x1  }
0xa3: {  	s23 =	simm.s32 $0x1B8B  }
0xa4: {  	_ =	swait.ge [sflag:s23], $0x1  }
0xa5: {  	[sflag:s23] =	ssyncset.done $0x0  }
0xa6: {  	s25 =	simm.s32 $0x1B8E;
	s24 =	sld [smem:$0x3FFE];
	[sflag:s23] =	ssyncadd.s32 $0xFFFFFFFF  }
0xa7: {  	s26 =	simm.s32 $execute0_lowered;
	[smem:$0x3FD2] =	sst s25  }
0xa8: {  	s7 =	sshll.u32 s26, $0x1;
	_ =	strace $0x80000046;
	[dreg:$0x1] =	wrdreg $0xFFFFFFFF  }
0xa9: {  	s28 =	simm.s32 $_size_execute0_lowered;
	s5 =	sadd.s32 s5, s7;
	[dreg:$0x0] =	wrdreg $0x0  }
0xaa: {  	s7 =	sshll.u32 s28, $0x1;
	[dreg:$0x2] =	wrdreg s5  }
0xab: {  	[dreg:$0x3] =	wrdreg s7  }
0xac: {  	[dreg:$0x4] =	wrdreg $0xC0  }
0xad: {  	_ =	task [dreg:s9], $0x5FFFF  }
0xae: {  	[dreg:$0x1] =	wrdreg $0xFFFFFFFF  }
0xaf: {  	[dreg:$0x0] =	wrdreg $0x60  }
0xb0: {  	[dreg:$0x2] =	wrdreg s2  }
0xb1: {  	[dreg:$0x3] =	wrdreg s18  }
0xb2: {  	[dreg:$0x4] =	wrdreg s24  }
0xb3: {  	[dreg:$0x5] =	wrdreg s4  }
0xb4: {  	[dreg:$0x6] =	wrdreg $0x147000  }
0xb5: {  	[dreg:$0x7] =	wrdreg $0x9  }
0xb6: {  	_ =	task.clear_ibuf [dreg:s9], $0x8FFFF;
	_ =	strace $0x90000046  }
0xb7: {  	s29 =	simm.s32 $0x9;
	_ =	strace $0x80000048  }
0xb8: {  	_ =	swait.ge [sflag:s29], $0x1  }
0xb9: {  	[sflag:s29] =	ssyncadd.s32 $0xFFFFFFFF  }
0xba: {  	_ =	strace $0x90000048  }
0xbb: {  	_ =	sfence  }
0xbc: {  	s30 =	sld [smem:$0x0];
	_ =	sdelay $0x2  }
0xbd: {  	s31 =	sshll.u32 s1, $0xD;
	s1 =	sshrl.u32 s1, $0x2  }
0xbe: {  	s3 =	sand.u32 $0x4000, s31;
	s1 =	sadd.s32 s1, s30  }
0xbf: {  	s0 =	sor.u32 s3, s0;
	s1 =	sshll.u32 s1, $0x11  }
0xc0: {  	s0 =	sor.u32 s1, s0  }
0xc1: {  	s0 =	sadd.s32 $0x8F2B, s0  }
0xc2: {  	[sflag:s0] =	ssyncadd.remote.s32 $0x1  }
0xc3: {  	_ =	sfence.sel $0xFFFF  }
0xc4: {  	[dreg:$0x0] =	wrdreg $0xFFFFFFFF;
	(pc) =	sbr.abs _section_cstart, $3  }
0xc5: {  	[dreg:$0x1] =	wrdreg $0xFFFFFFFF  }
0xc6: {  	_ =	task.clear_ibuf [dreg:s9], $0x2FFFF;
	_ =	strace $0x9FFFFFFF  }
0xc7: {  	(tm) =	ssettm $0x7FFFFFFF  }
tec
execute0_lowered:
.L_overlay_start_1:
0x0: {  	(tag) =	ssettag $0x1  }
0x1: {  	s0 =	rddreg [dreg:$0x0];
	s2 =	srdreg.scid  }
0x2: {  	s1 =	rddreg [dreg:$0x1];
	s4 =	sand.u32 $0x1, s2;
	s2 =	stileid.u32  }
0x3: {  	s7 =	rddreg [dreg:$0x3];
	s3 =	sshll.u32 s4, $0x4;
	s9 =	smul.u32 $0x28000, s2  }
0x4: {  	s5 =	rddreg [dreg:$0x4];
	s8 =	simm.s32 $0x0;
	s6 =	sor.u32 s2, s3  }
0x5: {  	s9 =	sshrl.u32 s9, $0x2;
	s23 =	smul.u32 $0x1400, s6;
	p2 =	sgt.s32 s6, $0x1  }
0x6: {  	[smem:$0x7FF] =	sst s8;
	s8 =	sadd.s32 s9, s5;
	p0 =	seq.s32 @p2 s6, $0x2  }
0x7: {  	s9 =	sadd.s32 s7, s23;
	s7 =	sadd.s32 $0x26C00, s7;
	p1 =	por !p0, !p2  }
0x8: {  	_ =	strace $0x80000047;
	[dreg:$0xa] =	wrdreg s7;
	s7 =	simm.s32 @!p1 $0x0  }
0x9: {  	p0 =	por p0, !p2;
	s7 =	simm.s32 @p1 $0x1  }
0xa: {  	[smem:$0x7E6] =	sst s7;
	s7 =	simm.s32 @!p0 $0x0  }
0xb: {  	s7 =	simm.s32 @p0 $0x1;
	p0 =	seq.s32 @!p2 s6, $0x0  }
0xc: {  	p4 =	por !p0, p2  }
0xd: {  	[smem:$0x7E7] =	sst s7;
	s7 =	simm.s32 @!p4 $0x0  }
0xe: {  	s7 =	simm.s32 @p4 $0x1  }
0xf: {  	[smem:$0x7E8] =	sst s7;
	s7 =	simm.s32 @!p2 $0x0  }
0x10: {  	p3 =	sgt.s32 s6, $0x5;
	p0 =	por p0, p2;
	s7 =	simm.s32 @p2 $0x1  }
0x11: {  	p1 =	seq.s32 @p3 s6, $0x6;
	[smem:$0x7E9] =	sst s7;
	s7 =	simm.s32 @!p0 $0x0  }
0x12: {  	s7 =	simm.s32 @p0 $0x1;
	p0 =	por !p1, !p3  }
0x13: {  	[smem:$0x7EA] =	sst s7;
	s7 =	simm.s32 @!p0 $0x0  }
0x14: {  	s7 =	simm.s32 @p0 $0x1;
	p0 =	por p1, !p3  }
0x15: {  	[smem:$0x7EB] =	sst s7;
	s7 =	simm.s32 @!p0 $0x0  }
0x16: {  	s7 =	simm.s32 @p0 $0x1;
	p0 =	seq.s32 @!p3 s6, $0x4  }
0x17: {  	p1 =	por !p0, p3  }
0x18: {  	[smem:$0x7EC] =	sst s7;
	s7 =	simm.s32 @!p1 $0x0  }
0x19: {  	s7 =	simm.s32 @p1 $0x1  }
0x1a: {  	s15 =	simm.s32 $0x6;
	[smem:$0x7ED] =	sst s7;
	s7 =	simm.s32 @!p3 $0x0  }
0x1b: {  	s16 =	simm.s32 $0x1;
	p0 =	por p0, p3;
	s7 =	simm.s32 @p3 $0x1  }
0x1c: {  	p4 =	sgt.s32 s6, $0x9;
	[smem:$0x7EE] =	sst s7;
	s7 =	simm.s32 @!p0 $0x0  }
0x1d: {  	s17 =	simm.s32 $0x4080;
	s7 =	simm.s32 @p0 $0x1;
	p0 =	seq.s32 @p4 s6, $0xA  }
0x1e: {  	s19 =	simm.s32 $0x80;
	s20 =	simm.s32 $0x14080;
	p1 =	por !p0, !p4  }
0x1f: {  	s28 =	simm.s32 $0x14200;
	[smem:$0x7EF] =	sst s7;
	s7 =	simm.s32 @!p1 $0x0  }
0x20: {  	s29 =	simm.s32 $0xC080;
	p0 =	por p0, !p4;
	s7 =	simm.s32 @p1 $0x1  }
0x21: {  	p1 =	seq.s32 @!p4 s6, $0x8;
	[smem:$0x7F0] =	sst s7;
	s7 =	simm.s32 @!p0 $0x0  }
0x22: {  	s30 =	simm.s32 $0x5;
	s7 =	simm.s32 @p0 $0x1;
	p0 =	por !p1, p4  }
0x23: {  	s31 =	simm.s32 $0x14280;
	[smem:$0x7F1] =	sst s7;
	s7 =	simm.s32 @!p0 $0x0  }
0x24: {  	s18 =	simm.s32 $0x0;
	s25 =	sadd.s32 $0xA0000, s5;
	s7 =	simm.s32 @p0 $0x1  }
0x25: {  	s21 =	ssub.s32 $0x2, s4;
	[smem:$0x7F2] =	sst s7;
	s7 =	simm.s32 @!p4 $0x0  }
0x26: {  	p5 =	sgt.s32 s6, $0xD;
	p0 =	por p1, p4;
	s7 =	simm.s32 @p4 $0x1  }
0x27: {  	p2 =	seq.s32 @p5 s6, $0xE;
	[smem:$0x7F3] =	sst s7;
	s7 =	simm.s32 @!p0 $0x0  }
0x28: {  	[dreg:$0x8] =	wrdreg s25;
	s7 =	simm.s32 @p0 $0x1;
	p0 =	por !p2, !p5  }
0x29: {  	s4 =	smul.u32 $0x1400, s4;
	[smem:$0x7F4] =	sst s7;
	s7 =	simm.s32 @!p0 $0x0  }
0x2a: {  	s25 =	simm.s32 $0x8080;
	s7 =	simm.s32 @p0 $0x1;
	p0 =	por p2, !p5  }
0x2b: {  	p3 =	seq.s32 @!p5 s6, $0xC;
	[smem:$0x7F5] =	sst s7;
	s7 =	simm.s32 @!p0 $0x0  }
0x2c: {  	s10 =	sshrl.u32 s21, $0x1;
	s7 =	simm.s32 @p0 $0x1;
	p0 =	por !p3, p5  }
0x2d: {  	s3 =	smul.u32 $0x140, s6;
	[smem:$0x7F6] =	sst s7;
	s7 =	simm.s32 @!p0 $0x0  }
0x2e: {  	s10 =	ssub.s32 s21, s10;
	s21 =	simm.s32 $0x2;
	s7 =	simm.s32 @p0 $0x1  }
0x2f: {  	v2 =	vmov s4;
	s4 =	simm.s32 $0x10080;
	[smem:$0x7F7] =	sst s7;
	s7 =	simm.s32 @!p5 $0x0  }
0x30: {  	s26 =	smax.u32 s10, $0x1;
	p0 =	por p3, p5;
	s7 =	simm.s32 @p5 $0x1  }
0x31: {  	s22 =	smin.u32 s3, $0x25D0;
	[smem:$0x7F8] =	sst s7;
	s7 =	simm.s32 @!p0 $0x0  }
0x32: {  	s12 =	sadd.s32 $0x4000, s8;
	s7 =	simm.s32 @p0 $0x1;
	p0 =	sgt.s32 s6, $0xF  }
0x33: {  	s24 =	sadd.s32 $0x8000, s8;
	[smem:$0x7F9] =	sst s7;
	s7 =	simm.s32 @!p0 $0x0  }
0x34: {  	[dreg:$0xb] =	wrdreg s26;
	s7 =	simm.s32 @p0 $0x1;
	p0 =	sgt.s32 s6, $0x7  }
0x35: {  	s23 =	simm.s32 $0x3;
	[smem:$0x7FA] =	sst s7;
	s7 =	simm.s32 @!p0 $0x0  }
0x36: {  	[dreg:$0x6] =	wrdreg s12;
	s7 =	simm.s32 @p0 $0x1;
	p0 =	sgt.s32 s6, $0x3  }
.Ltmp0:
0x37: {  	[smem:$0x7FB] =	sst s7;
	s7 =	simm.s32 @!p0 $0x0;
	(pc) =	sbr.rel .LBB2_1-.Ltmp0, $4  }
0x38: {  	[dreg:$0x7] =	wrdreg s24;
	s7 =	simm.s32 @p0 $0x1;
	p0 =	sgt.s32 s6, $0xB  }
0x39: {  	s26 =	simm.s32 $0x4;
	[smem:$0x7FC] =	sst s7;
	s7 =	simm.s32 @!p0 $0x0  }
0x3a: {  	v3 =	vimm.f32 $0.0e+00;
	s11 =	sadd.s32 $0x140, s22;
	[dreg:$0x9] =	wrdreg s9;
	s7 =	simm.s32 @p0 $0x1  }
0x3b: {  	v4 =	vlaneseq.u32;
	v0 =	vmov s3;
	s22 =	simm.s32 $0x14100;
	s24 =	simm.s32 $0x14180;
	v1 =	vmov s11;
	[smem:$0x7FD] =	sst s7  }
.LBB2_32:
0x3c: {  	p0 =	seq.s32 s6, $0x1F  }
0x3d: {  	[bflag:$0x0] =	sbarrier.arrive $0xFFFF;
	s3 =	sshll.u32 @!p0 s2, $0x6  }
0x3e: {  	s7 =	sshrl.u32 @!p0 s8, $0x3;
	s9 =	rddreg [dreg:$0x9];
	s3 =	sor.u32 @!p0 $0x1C06, s3  }
0x3f: {  	[hbm:s9], [sflag:s3] =	dma.local @!p0 [spmem:s7], $0x1400  }
0x40: {  	s3 =	simm.s32 @!p0 $0x6  }
0x41: {  	_ =	swait.ge @!p0 [sflag:s3], $0x1400  }
0x42: {  	s7 =	sshll.u32 @p4 s2, $0x6;
	[sflag:s3] =	ssyncset.done @!p0 $0x0;
	s9 =	rddreg [dreg:$0xa]  }
0x43: {  	[sflag:s3] =	ssyncadd.s32 @!p0 $0xFFFFEC00;
	s3 =	sor.u32 @p4 $0x1C06, s7;
	s7 =	sshrl.u32 @p4 s8, $0x3  }
0x44: {  	[hbm:s9], [sflag:s3] =	dma.local @p4 [spmem:s7], $0x500  }
0x45: {  	s3 =	simm.s32 @p4 $0x6  }
0x46: {  	_ =	swait.ge @p4 [sflag:s3], $0x500  }
0x47: {  	s18 =	sadd.s32 $0x1, s18;
	s14 =	rddreg [dreg:$0xb]  }
0x48: {  	p0 =	sne.s32 s18, s14  }
.Ltmp1:
0x49: {  	_ = 	snop;
	(pc) =	sbr.rel @!p0 .LBB2_33-.Ltmp1, $3  }
0x4a: {  	_ =	sdelay $0x1  }
0x4b: {  	[sflag:s3] =	ssyncset.done @p4 $0x0  }
0x4c: {  	[sflag:s3] =	ssyncadd.s32 @p4 $0xFFFFFB00  }
.LBB2_1:
0x4d: {  	s3 =	rddreg [dreg:$0x2];
	s7 =	simm.s32 $0x0  }
0x4e: {  	[tilespmem:s7], [sflag:$0x6] =	stream.linear.gather [hbm4b:s3+s7], $0x80, $0x38;
	[tilespmem:$0x1E740] =	vst v63  }
0x4f: {  	_ =	swait.ge [sflag:s15], $0x80  }
0x50: {  	s14 =	sld [smem:$0x7FA];
	_ =	sdelay $0x2  }
0x51: {  	p0 =	seq.s32 s14, $0x1  }
.Ltmp2:
0x52: {  	_ = 	snop;
	(pc) =	sbr.rel @p0 .LBB2_9-.Ltmp2, $3  }
0x53: {  	_ =	sdelay $0x1  }
0x54: {  	[sflag:s15] =	ssyncset.done $0x0  }
0x55: {  	[sflag:s15] =	ssyncadd.s32 $0xFFFFFF80  }
0x56: {  	s3 =	sld [smem:$0x7FB];
	_ =	sdelay $0x2  }
0x57: {  	p0 =	seq.s32 s3, $0x1  }
.Ltmp3:
0x58: {  	_ = 	snop;
	(pc) =	sbr.rel @p0 .LBB2_6-.Ltmp3, $1  }
0x59: {  	_ =	sdelay $0x3  }
0x5a: {  	s3 =	sld [smem:$0x7FC];
	_ =	sdelay $0x2  }
0x5b: {  	p0 =	seq.s32 s3, $0x1  }
.Ltmp4:
0x5c: {  	_ = 	snop;
	(pc) =	sbr.rel @p0 .LBB2_5-.Ltmp4, $1  }
0x5d: {  	_ =	sdelay $0x3  }
0x5e: {  	s3 =	sld [smem:$0x7E6];
	_ =	sdelay $0x1  }
0x5f: {  	s12 =	sld [smem:$0x7E7]  }
0x60: {  	p1 =	seq.s32 s3, $0x1  }
0x61: {  	s13 =	sld [smem:$0x7E8];
	v5 =	vld @!p1 [tilespmem:$0x0]  }
0x62: {  	p5 =	seq.s32 s12, $0x1  }
0x63: {  	s14 =	sld [smem:$0x7EA];
	v6 =	vld @!p5 [tilespmem:$0x0]  }
0x64: {  	p6 =	seq.s32 s13, $0x1  }
0x65: {  	v7 =	vld @!p6 [tilespmem:$0x0]  }
0x66: {  	p2 =	seq.s32 s14, $0x1;
	(v2sf) =	vpush @!p1 v5, $0x2  }
0x67: {  	(v2sf) =	vpush @!p1 v5, $0x3;
	v5 =	vld @!p2 [tilespmem:$0x0]  }
0x68: {  	(v2sf) =	vpush @!p5 v6, $0x3  }
0x69: {  	(v2sf) =	vpush @!p5 v6, $0x4  }
0x6a: {  	(v2sf) =	vpush @!p6 v7, $0x0  }
0x6b: {  	(v2sf) =	vpush @!p6 v7, $0x1  }
0x6c: {  	(v2sf) =	vpush @!p2 v5, $0x1  }
0x6d: {  	(v2sf) =	vpush @!p2 v5, $0x2;
	_ =	sdelay $0x7  }
0x6e: {  	s9 =	spop @!p1 (v2sf)  }
0x6f: {  	s7 =	sld [smem:$0x7E9];
	p0 =	por @!p1 $0x0, $0x0;
	s10 =	spop @!p1 (v2sf)  }
0x70: {  	p4 =	por @!p5 $0x0, $0x0;
	p3 =	por @!p2 $0x0, $0x0;
	s11 =	spop @!p5 (v2sf)  }
0x71: {  	p4 =	por @!p1 p0, p0;
	p0 =	por @!p6 $0x0, $0x0;
	s12 =	spop @!p5 (v2sf)  }
0x72: {  	p3 =	por @!p6 p0, p0;
	p0 =	seq.s32 s7, $0x1;
	s3 =	spop @!p6 (v2sf)  }
.Ltmp5:
0x73: {  	p4 =	por @!p0 p3, p3;
	s7 =	spop @!p6 (v2sf);
	(pc) =	sbr.rel .LBB2_16-.Ltmp5, $4  }
0x74: {  	[smem:$0x0] =	sst @!p1 s9;
	s10 =	smov.u32 @p1 s12;
	s12 =	spop @!p2 (v2sf)  }
0x75: {  	[smem:$0x0] =	sst @!p5 s11;
	s9 =	smov.u32 @p1 s11;
	s11 =	spop @!p2 (v2sf)  }
0x76: {  	[smem:$0x0] =	sst @!p6 s3;
	s3 =	smov.u32 @p6 s12;
	s7 =	smov.u32 @p6 s11  }
0x77: {  	[smem:$0x0] =	sst @!p2 s12;
	s3 =	smov.u32 @p0 s9;
	s7 =	smov.u32 @p0 s10  }
.LBB2_9:
0x78: {  	p2 =	sgt.s32 s6, $0x17  }
.Ltmp6:
0x79: {  	_ = 	snop;
	(pc) =	sbr.rel @p2 .LBB2_13-.Ltmp6, $1  }
0x7a: {  	_ =	sdelay $0x3  }
0x7b: {  	p2 =	sgt.s32 s6, $0x13  }
.Ltmp7:
0x7c: {  	_ = 	snop;
	(pc) =	sbr.rel @p2 .LBB2_12-.Ltmp7, $1  }
0x7d: {  	_ =	sdelay $0x3  }
0x7e: {  	p6 =	sgt.s32 s6, $0x11  }
0x7f: {  	p2 =	seq.s32 @p6 s6, $0x12  }
0x80: {  	p5 =	por !p2, !p6  }
0x81: {  	v5 =	vld @!p5 [tilespmem:$0x10]  }
0x82: {  	p4 =	por p2, !p6  }
0x83: {  	p3 =	seq.s32 @!p6 s6, $0x10;
	v6 =	vld @!p4 [tilespmem:$0x10]  }
0x84: {  	p2 =	por !p3, p6  }
0x85: {  	v7 =	vld @!p2 [tilespmem:$0x10]  }
0x86: {  	p3 =	por p3, p6;
	(v2sf) =	vpush @!p5 v5, $0x2  }
0x87: {  	(v2sf) =	vpush @!p5 v5, $0x3;
	v5 =	vld @!p3 [tilespmem:$0x10]  }
0x88: {  	(v2sf) =	vpush @!p4 v6, $0x3  }
0x89: {  	(v2sf) =	vpush @!p4 v6, $0x4  }
0x8a: {  	(v2sf) =	vpush @!p2 v7, $0x0  }
0x8b: {  	(v2sf) =	vpush @!p2 v7, $0x1  }
0x8c: {  	(v2sf) =	vpush @!p3 v5, $0x1  }
0x8d: {  	(v2sf) =	vpush @!p3 v5, $0x2;
	_ =	sdelay $0x7  }
0x8e: {  	s9 =	spop @!p5 (v2sf)  }
0x8f: {  	s10 =	spop @!p5 (v2sf)  }
0x90: {  	p0 =	por @!p5 $0x0, $0x0;
	[smem:$0x0] =	sst @!p5 s9;
	s11 =	spop @!p4 (v2sf)  }
0x91: {  	s12 =	spop @!p4 (v2sf);
	[smem:$0x0] =	sst @!p4 s11;
	p4 =	por @!p4 $0x0, $0x0  }
0x92: {  	s9 =	smov.u32 @p5 s11;
	s3 =	spop @!p2 (v2sf);
	p4 =	por @!p5 p0, p0  }
.Ltmp8:
0x93: {  	s10 =	smov.u32 @p5 s12;
	s7 =	spop @!p2 (v2sf);
	(pc) =	sbr.rel .LBB2_16-.Ltmp8, $4  }
0x94: {  	p0 =	por @!p2 $0x0, $0x0;
	[smem:$0x0] =	sst @!p2 s3;
	s12 =	spop @!p3 (v2sf)  }
0x95: {  	[smem:$0x0] =	sst @!p3 s12;
	s11 =	spop @!p3 (v2sf);
	p3 =	por @!p3 $0x0, $0x0  }
0x96: {  	s3 =	smov.u32 @p2 s12;
	s7 =	smov.u32 @p2 s11;
	p3 =	por @!p2 p0, p0  }
0x97: {  	s3 =	smov.u32 @p6 s9;
	s7 =	smov.u32 @p6 s10;
	p4 =	por @!p6 p3, p3  }
.LBB2_6:
0x98: {  	s3 =	sld [smem:$0x7FD];
	_ =	sdelay $0x2  }
0x99: {  	p0 =	seq.s32 s3, $0x1  }
.Ltmp9:
0x9a: {  	_ = 	snop;
	(pc) =	sbr.rel @p0 .LBB2_8-.Ltmp9, $1  }
0x9b: {  	_ =	sdelay $0x3  }
0x9c: {  	s3 =	sld [smem:$0x7F0];
	_ =	sdelay $0x1  }
0x9d: {  	s12 =	sld [smem:$0x7F1]  }
0x9e: {  	p1 =	seq.s32 s3, $0x1  }
0x9f: {  	s13 =	sld [smem:$0x7F2];
	v5 =	vld @!p1 [tilespmem:$0x0]  }
0xa0: {  	p5 =	seq.s32 s12, $0x1  }
0xa1: {  	s14 =	sld [smem:$0x7F4];
	v6 =	vld @!p5 [tilespmem:$0x0]  }
0xa2: {  	p6 =	seq.s32 s13, $0x1  }
0xa3: {  	v7 =	vld @!p6 [tilespmem:$0x0]  }
0xa4: {  	p2 =	seq.s32 s14, $0x1;
	(v2sf) =	vpush @!p1 v5, $0xA  }
0xa5: {  	(v2sf) =	vpush @!p1 v5, $0xB;
	v5 =	vld @!p2 [tilespmem:$0x0]  }
0xa6: {  	(v2sf) =	vpush @!p5 v6, $0xB  }
0xa7: {  	(v2sf) =	vpush @!p5 v6, $0xC  }
0xa8: {  	(v2sf) =	vpush @!p6 v7, $0x8  }
0xa9: {  	(v2sf) =	vpush @!p6 v7, $0x9  }
0xaa: {  	(v2sf) =	vpush @!p2 v5, $0x9  }
0xab: {  	(v2sf) =	vpush @!p2 v5, $0xA;
	_ =	sdelay $0x7  }
0xac: {  	s9 =	spop @!p1 (v2sf)  }
0xad: {  	s7 =	sld [smem:$0x7F3];
	p0 =	por @!p1 $0x0, $0x0;
	s10 =	spop @!p1 (v2sf)  }
0xae: {  	p4 =	por @!p5 $0x0, $0x0;
	p3 =	por @!p2 $0x0, $0x0;
	s11 =	spop @!p5 (v2sf)  }
0xaf: {  	p4 =	por @!p1 p0, p0;
	p0 =	por @!p6 $0x0, $0x0;
	s12 =	spop @!p5 (v2sf)  }
0xb0: {  	p3 =	por @!p6 p0, p0;
	p0 =	seq.s32 s7, $0x1;
	s3 =	spop @!p6 (v2sf)  }
.Ltmp10:
0xb1: {  	p4 =	por @!p0 p3, p3;
	s7 =	spop @!p6 (v2sf);
	(pc) =	sbr.rel .LBB2_16-.Ltmp10, $4  }
0xb2: {  	[smem:$0x0] =	sst @!p1 s9;
	s10 =	smov.u32 @p1 s12;
	s12 =	spop @!p2 (v2sf)  }
0xb3: {  	[smem:$0x0] =	sst @!p5 s11;
	s9 =	smov.u32 @p1 s11;
	s11 =	spop @!p2 (v2sf)  }
0xb4: {  	[smem:$0x0] =	sst @!p6 s3;
	s3 =	smov.u32 @p6 s12;
	s7 =	smov.u32 @p6 s11  }
0xb5: {  	[smem:$0x0] =	sst @!p2 s12;
	s3 =	smov.u32 @p0 s9;
	s7 =	smov.u32 @p0 s10  }
.LBB2_13:
0xb6: {  	p0 =	sgt.s32 s6, $0x1B  }
.Ltmp11:
0xb7: {  	_ = 	snop;
	(pc) =	sbr.rel @p0 .LBB2_15-.Ltmp11, $1  }
0xb8: {  	_ =	sdelay $0x3  }
0xb9: {  	p6 =	sgt.s32 s6, $0x19  }
0xba: {  	p0 =	seq.s32 @p6 s6, $0x1A  }
0xbb: {  	p5 =	por !p0, !p6  }
0xbc: {  	v5 =	vld @!p5 [tilespmem:$0x10]  }
0xbd: {  	p4 =	por p0, !p6  }
0xbe: {  	p0 =	seq.s32 @!p6 s6, $0x18;
	v6 =	vld @!p4 [tilespmem:$0x10]  }
0xbf: {  	p2 =	por !p0, p6  }
0xc0: {  	v7 =	vld @!p2 [tilespmem:$0x10]  }
0xc1: {  	p3 =	por p0, p6;
	(v2sf) =	vpush @!p5 v5, $0xA  }
0xc2: {  	(v2sf) =	vpush @!p5 v5, $0xB;
	v5 =	vld @!p3 [tilespmem:$0x10]  }
0xc3: {  	(v2sf) =	vpush @!p4 v6, $0xB  }
0xc4: {  	(v2sf) =	vpush @!p4 v6, $0xC  }
0xc5: {  	(v2sf) =	vpush @!p2 v7, $0x8  }
0xc6: {  	(v2sf) =	vpush @!p2 v7, $0x9  }
0xc7: {  	(v2sf) =	vpush @!p3 v5, $0x9  }
0xc8: {  	(v2sf) =	vpush @!p3 v5, $0xA;
	_ =	sdelay $0x7  }
0xc9: {  	s9 =	spop @!p5 (v2sf)  }
0xca: {  	s10 =	spop @!p5 (v2sf)  }
0xcb: {  	p0 =	por @!p5 $0x0, $0x0;
	[smem:$0x0] =	sst @!p5 s9;
	s11 =	spop @!p4 (v2sf)  }
0xcc: {  	s12 =	spop @!p4 (v2sf);
	[smem:$0x0] =	sst @!p4 s11;
	p4 =	por @!p4 $0x0, $0x0  }
0xcd: {  	s9 =	smov.u32 @p5 s11;
	s3 =	spop @!p2 (v2sf);
	p4 =	por @!p5 p0, p0  }
.Ltmp12:
0xce: {  	s10 =	smov.u32 @p5 s12;
	s7 =	spop @!p2 (v2sf);
	(pc) =	sbr.rel .LBB2_16-.Ltmp12, $4  }
0xcf: {  	p0 =	por @!p2 $0x0, $0x0;
	[smem:$0x0] =	sst @!p2 s3;
	s12 =	spop @!p3 (v2sf)  }
0xd0: {  	[smem:$0x0] =	sst @!p3 s12;
	s11 =	spop @!p3 (v2sf);
	p3 =	por @!p3 $0x0, $0x0  }
0xd1: {  	s3 =	smov.u32 @p2 s12;
	s7 =	smov.u32 @p2 s11;
	p3 =	por @!p2 p0, p0  }
0xd2: {  	s3 =	smov.u32 @p6 s9;
	s7 =	smov.u32 @p6 s10;
	p4 =	por @!p6 p3, p3  }
.LBB2_5:
0xd3: {  	s3 =	sld [smem:$0x7EB];
	_ =	sdelay $0x1  }
0xd4: {  	s12 =	sld [smem:$0x7EC]  }
0xd5: {  	p1 =	seq.s32 s3, $0x1  }
0xd6: {  	s13 =	sld [smem:$0x7ED];
	v5 =	vld @!p1 [tilespmem:$0x0]  }
0xd7: {  	p5 =	seq.s32 s12, $0x1  }
0xd8: {  	s14 =	sld [smem:$0x7EF];
	v6 =	vld @!p5 [tilespmem:$0x0]  }
0xd9: {  	p6 =	seq.s32 s13, $0x1  }
0xda: {  	v7 =	vld @!p6 [tilespmem:$0x0]  }
0xdb: {  	p2 =	seq.s32 s14, $0x1;
	(v2sf) =	vpush @!p1 v5, $0x6  }
0xdc: {  	(v2sf) =	vpush @!p1 v5, $0x7;
	v5 =	vld @!p2 [tilespmem:$0x0]  }
0xdd: {  	(v2sf) =	vpush @!p5 v6, $0x7  }
0xde: {  	(v2sf) =	vpush @!p5 v6, $0x8  }
0xdf: {  	(v2sf) =	vpush @!p6 v7, $0x4  }
0xe0: {  	(v2sf) =	vpush @!p6 v7, $0x5  }
0xe1: {  	(v2sf) =	vpush @!p2 v5, $0x5  }
0xe2: {  	(v2sf) =	vpush @!p2 v5, $0x6;
	_ =	sdelay $0x7  }
0xe3: {  	s9 =	spop @!p1 (v2sf)  }
0xe4: {  	s7 =	sld [smem:$0x7EE];
	p0 =	por @!p1 $0x0, $0x0;
	s10 =	spop @!p1 (v2sf)  }
0xe5: {  	p4 =	por @!p5 $0x0, $0x0;
	p3 =	por @!p2 $0x0, $0x0;
	s11 =	spop @!p5 (v2sf)  }
0xe6: {  	p4 =	por @!p1 p0, p0;
	p0 =	por @!p6 $0x0, $0x0;
	s12 =	spop @!p5 (v2sf)  }
0xe7: {  	p3 =	por @!p6 p0, p0;
	p0 =	seq.s32 s7, $0x1;
	s3 =	spop @!p6 (v2sf)  }
.Ltmp13:
0xe8: {  	p4 =	por @!p0 p3, p3;
	s7 =	spop @!p6 (v2sf);
	(pc) =	sbr.rel .LBB2_16-.Ltmp13, $4  }
0xe9: {  	[smem:$0x0] =	sst @!p1 s9;
	s10 =	smov.u32 @p1 s12;
	s12 =	spop @!p2 (v2sf)  }
0xea: {  	[smem:$0x0] =	sst @!p5 s11;
	s9 =	smov.u32 @p1 s11;
	s11 =	spop @!p2 (v2sf)  }
0xeb: {  	[smem:$0x0] =	sst @!p6 s3;
	s3 =	smov.u32 @p6 s12;
	s7 =	smov.u32 @p6 s11  }
0xec: {  	[smem:$0x0] =	sst @!p2 s12;
	s3 =	smov.u32 @p0 s9;
	s7 =	smov.u32 @p0 s10  }
.LBB2_12:
0xed: {  	p6 =	sgt.s32 s6, $0x15  }
0xee: {  	p0 =	seq.s32 @p6 s6, $0x16  }
0xef: {  	p5 =	por !p0, !p6  }
0xf0: {  	v5 =	vld @!p5 [tilespmem:$0x10]  }
0xf1: {  	p4 =	por p0, !p6  }
0xf2: {  	p0 =	seq.s32 @!p6 s6, $0x14;
	v6 =	vld @!p4 [tilespmem:$0x10]  }
0xf3: {  	p2 =	por !p0, p6  }
0xf4: {  	v7 =	vld @!p2 [tilespmem:$0x10]  }
0xf5: {  	p3 =	por p0, p6;
	(v2sf) =	vpush @!p5 v5, $0x6  }
0xf6: {  	(v2sf) =	vpush @!p5 v5, $0x7;
	v5 =	vld @!p3 [tilespmem:$0x10]  }
0xf7: {  	(v2sf) =	vpush @!p4 v6, $0x7  }
0xf8: {  	(v2sf) =	vpush @!p4 v6, $0x8  }
0xf9: {  	(v2sf) =	vpush @!p2 v7, $0x4  }
0xfa: {  	(v2sf) =	vpush @!p2 v7, $0x5  }
0xfb: {  	(v2sf) =	vpush @!p3 v5, $0x5  }
0xfc: {  	(v2sf) =	vpush @!p3 v5, $0x6;
	_ =	sdelay $0x7  }
0xfd: {  	s9 =	spop @!p5 (v2sf)  }
0xfe: {  	s10 =	spop @!p5 (v2sf)  }
0xff: {  	p0 =	por @!p5 $0x0, $0x0;
	[smem:$0x0] =	sst @!p5 s9;
	s11 =	spop @!p4 (v2sf)  }
0x100: {  	s12 =	spop @!p4 (v2sf);
	[smem:$0x0] =	sst @!p4 s11;
	p4 =	por @!p4 $0x0, $0x0  }
0x101: {  	s9 =	smov.u32 @p5 s11;
	s3 =	spop @!p2 (v2sf);
	p4 =	por @!p5 p0, p0  }
.Ltmp14:
0x102: {  	s10 =	smov.u32 @p5 s12;
	s7 =	spop @!p2 (v2sf);
	(pc) =	sbr.rel .LBB2_16-.Ltmp14, $4  }
0x103: {  	p0 =	por @!p2 $0x0, $0x0;
	[smem:$0x0] =	sst @!p2 s3;
	s12 =	spop @!p3 (v2sf)  }
0x104: {  	[smem:$0x0] =	sst @!p3 s12;
	s11 =	spop @!p3 (v2sf);
	p3 =	por @!p3 $0x0, $0x0  }
0x105: {  	s3 =	smov.u32 @p2 s12;
	s7 =	smov.u32 @p2 s11;
	p3 =	por @!p2 p0, p0  }
0x106: {  	s3 =	smov.u32 @p6 s9;
	s7 =	smov.u32 @p6 s10;
	p4 =	por @!p6 p3, p3  }
.LBB2_8:
0x107: {  	s3 =	sld [smem:$0x7F5];
	_ =	sdelay $0x1  }
0x108: {  	s12 =	sld [smem:$0x7F6]  }
0x109: {  	p1 =	seq.s32 s3, $0x1  }
0x10a: {  	s13 =	sld [smem:$0x7F7];
	v5 =	vld @!p1 [tilespmem:$0x0]  }
0x10b: {  	p5 =	seq.s32 s12, $0x1  }
0x10c: {  	s14 =	sld [smem:$0x7F9];
	v6 =	vld @!p5 [tilespmem:$0x0]  }
0x10d: {  	p6 =	seq.s32 s13, $0x1;
	v7 =	vld @!p5 [tilespmem:$0x10]  }
0x10e: {  	v8 =	vld @!p6 [tilespmem:$0x0]  }
0x10f: {  	p2 =	seq.s32 s14, $0x1;
	(v2sf) =	vpush @!p1 v5, $0xE  }
0x110: {  	(v2sf) =	vpush @!p1 v5, $0xF;
	v5 =	vld @!p2 [tilespmem:$0x0]  }
0x111: {  	(v2sf) =	vpush @!p5 v6, $0xF  }
0x112: {  	(v2sf) =	vpush @!p5 v7, $0x0  }
0x113: {  	(v2sf) =	vpush @!p6 v8, $0xC  }
0x114: {  	(v2sf) =	vpush @!p6 v8, $0xD  }
0x115: {  	(v2sf) =	vpush @!p2 v5, $0xD  }
0x116: {  	(v2sf) =	vpush @!p2 v5, $0xE;
	_ =	sdelay $0x7  }
0x117: {  	s9 =	spop @!p1 (v2sf)  }
0x118: {  	s7 =	sld [smem:$0x7F8];
	p0 =	por @!p1 $0x0, $0x0;
	s10 =	spop @!p1 (v2sf)  }
0x119: {  	p4 =	por @!p5 $0x0, $0x0;
	p3 =	por @!p2 $0x0, $0x0;
	s11 =	spop @!p5 (v2sf)  }
0x11a: {  	p4 =	por @!p1 p0, p0;
	p0 =	por @!p6 $0x0, $0x0;
	s12 =	spop @!p5 (v2sf)  }
0x11b: {  	p3 =	por @!p6 p0, p0;
	p0 =	seq.s32 s7, $0x1;
	s3 =	spop @!p6 (v2sf)  }
.Ltmp15:
0x11c: {  	p4 =	por @!p0 p3, p3;
	s7 =	spop @!p6 (v2sf);
	(pc) =	sbr.rel .LBB2_16-.Ltmp15, $4  }
0x11d: {  	[smem:$0x0] =	sst @!p1 s9;
	s10 =	smov.u32 @p1 s12;
	s12 =	spop @!p2 (v2sf)  }
0x11e: {  	[smem:$0x0] =	sst @!p5 s11;
	s9 =	smov.u32 @p1 s11;
	s11 =	spop @!p2 (v2sf)  }
0x11f: {  	[smem:$0x0] =	sst @!p6 s3;
	s3 =	smov.u32 @p6 s12;
	s7 =	smov.u32 @p6 s11  }
0x120: {  	[smem:$0x0] =	sst @!p2 s12;
	s3 =	smov.u32 @p0 s9;
	s7 =	smov.u32 @p0 s10  }
.LBB2_15:
0x121: {  	p6 =	sgt.s32 s6, $0x1D  }
0x122: {  	p0 =	seq.s32 @p6 s6, $0x1E  }
0x123: {  	p5 =	por !p0, !p6  }
0x124: {  	v5 =	vld @!p5 [tilespmem:$0x10]  }
0x125: {  	p4 =	por p0, !p6  }
0x126: {  	p0 =	seq.s32 @!p6 s6, $0x1C;
	v6 =	vld @!p4 [tilespmem:$0x10]  }
0x127: {  	v7 =	vld @!p4 [tilespmem:$0x20];
	p2 =	por !p0, p6  }
0x128: {  	v8 =	vld @!p2 [tilespmem:$0x10]  }
0x129: {  	p3 =	por p0, p6;
	(v2sf) =	vpush @!p5 v5, $0xE  }
0x12a: {  	(v2sf) =	vpush @!p5 v5, $0xF;
	v5 =	vld @!p3 [tilespmem:$0x10]  }
0x12b: {  	(v2sf) =	vpush @!p4 v6, $0xF  }
0x12c: {  	(v2sf) =	vpush @!p4 v7, $0x0  }
0x12d: {  	(v2sf) =	vpush @!p2 v8, $0xC  }
0x12e: {  	(v2sf) =	vpush @!p2 v8, $0xD  }
0x12f: {  	(v2sf) =	vpush @!p3 v5, $0xD  }
0x130: {  	(v2sf) =	vpush @!p3 v5, $0xE;
	_ =	sdelay $0x7  }
0x131: {  	s9 =	spop @!p5 (v2sf)  }
0x132: {  	s10 =	spop @!p5 (v2sf)  }
0x133: {  	[smem:$0x0] =	sst @!p5 s9;
	s11 =	spop @!p4 (v2sf)  }
0x134: {  	p0 =	por @!p5 $0x0, $0x0;
	s12 =	spop @!p4 (v2sf);
	[smem:$0x0] =	sst @!p4 s11  }
0x135: {  	p4 =	por @!p4 $0x1, $0x1;
	s9 =	smov.u32 @p5 s11;
	s3 =	spop @!p2 (v2sf)  }
0x136: {  	p4 =	por @!p5 p0, p0;
	s10 =	smov.u32 @p5 s12;
	s7 =	spop @!p2 (v2sf)  }
0x137: {  	p0 =	por @!p2 $0x0, $0x0;
	[smem:$0x0] =	sst @!p2 s3;
	s12 =	spop @!p3 (v2sf)  }
0x138: {  	[smem:$0x0] =	sst @!p3 s12;
	s11 =	spop @!p3 (v2sf);
	p3 =	por @!p3 $0x0, $0x0  }
0x139: {  	s3 =	smov.u32 @p2 s12;
	s7 =	smov.u32 @p2 s11;
	p3 =	por @!p2 p0, p0  }
0x13a: {  	s3 =	smov.u32 @p6 s9;
	s7 =	smov.u32 @p6 s10;
	p4 =	por @!p6 p3, p3  }
.LBB2_16:
0x13b: {  	s9 =	sshra.s32 s3, $0x1F;
	s10 =	sand.u32 $0x7, s3  }
0x13c: {  	p0 =	slt.s32 s3, $0x1;
	s12 =	sadd.s32 $0x7, s7;
	s9 =	sshrl.u32 s9, $0x1D  }
0x13d: {  	p2 =	sne.s32 s10, $0x0;
	s13 =	sand.u32 $0x7, s12;
	s14 =	sshra.s32 s12, $0x1F  }
0x13e: {  	p6 =	slt.s32 s12, $0x1;
	s11 =	sadd.s32 s9, s3;
	p0 =	por !p0, !p2  }
0x13f: {  	p5 =	sne.s32 s13, $0x0;
	s10 =	sshrl.u32 s14, $0x1D;
	s9 =	simm.s32 $0x1  }
0x140: {  	s3 =	sshra.s32 s11, $0x3;
	p0 =	por !p0, !p0;
	s11 =	simm.s32 $0x1  }
0x141: {  	s12 =	sadd.s32 s10, s12;
	s11 =	simm.s32 @!p0 $0x0;
	p0 =	por !p6, !p5  }
0x142: {  	s11 =	ssub.s32 s3, s11;
	s3 =	sshrl.u32 s12, $0x3;
	p0 =	por !p0, !p0  }
0x143: {  	s3 =	ssub.s32 s3, s11;
	s9 =	simm.s32 @!p0 $0x0  }
0x144: {  	s3 =	ssub.s32 s3, s9  }
0x145: {  	s3 =	sshll.u32 s3, $0x3  }
0x146: {  	s3 =	sadd.s32 $0x7F, s3  }
0x147: {  	s13 =	sshra.s32 s3, $0x1F  }
0x148: {  	s14 =	sshrl.u32 s13, $0x19  }
0x149: {  	s3 =	sadd.s32 s14, s3  }
0x14a: {  	s3 =	sshra.s32 s3, $0x7  }
0x14b: {  	s3 =	sadd.s32 s13, s3  }
0x14c: {  	p0 =	slt.s32 s3, $0x2  }
.Ltmp16:
0x14d: {  	_ = 	snop;
	(pc) =	sbr.rel @p0 .LBB2_18-.Ltmp16, $2  }
0x14e: {  	_ =	sdelay $0x2  }
0x14f: {  	[smem:$0x1] =	sst s7;
	s7 =	sshll.u32 s11, $0x3  }
0x150: {  	s9 =	sadd.s32 $0x80, s7  }
0x151: {  	p0 =	slt.s32 s9, $0x4E180  }
0x152: {  	s9 =	simm.s32 @!p0 $0x4E180  }
0x153: {  	s10 =	sshll.u32 s9, $0x4  }
0x154: {  	s11 =	simm.s32 $0x0;
	s9 =	sshrl.u32 s9, $0x3;
	s10 =	sadd.s32 s0, s10  }
0x155: {  	[tilespmem:s17], [sflag:$0x2] =	stream.linear.gather [hbm4b:s10+s11], $0x4000, $0x38;
	[tilespmem:$0x1E740] =	vst v63  }
0x156: {  	s14 =	simm.s32 $0x14380;
	p6 =	seq.s32 s3, $0x2;
	s9 =	sadd.s32 s1, s9  }
0x157: {  	[tilespmem:s14], [sflag:$0x2] =	stream.linear.gather [hbm4b:s9+s11], $0x80, $0x38;
	[tilespmem:$0x1E740] =	vst v63  }
0x158: {  	s9 =	sadd.s32 @!p6 $0x100, s7  }
0x159: {  	p0 =	slt.s32 @!p6 s9, $0x4E180  }
0x15a: {  	p0 =	por !p0, p6  }
0x15b: {  	s9 =	simm.s32 @p0 $0x4E180  }
0x15c: {  	s12 =	simm.s32 @!p6 $0x8080;
	p2 =	slt.u32 @!p6 s3, $0x4;
	s10 =	sshll.u32 @!p6 s9, $0x4  }
0x15d: {  	s11 =	simm.s32 @!p6 $0x0;
	s9 =	sshrl.u32 @!p6 s9, $0x3;
	s10 =	sadd.s32 @!p6 s0, s10  }
0x15e: {  	[tilespmem:s12], [sflag:$0x3] =	stream.linear.gather @!p6 [hbm4b:s10+s11], $0x4000, $0x38;
	[tilespmem:$0x1E740] =	vst v63  }
0x15f: {  	p3 =	por p2, p6;
	s9 =	sadd.s32 @!p6 s1, s9;
	s10 =	simm.s32 @!p6 $0x14400  }
0x160: {  	[tilespmem:s10], [sflag:$0x3] =	stream.linear.gather @!p6 [hbm4b:s9+s11], $0x80, $0x38;
	[tilespmem:$0x1E740] =	vst v63  }
0x161: {  	s9 =	sadd.s32 @!p3 $0x180, s7  }
0x162: {  	p0 =	slt.s32 @!p3 s9, $0x4E180  }
0x163: {  	p0 =	por @!p6 !p0, p2  }
0x164: {  	p0 =	por !p0, p6  }
0x165: {  	s12 =	simm.s32 @!p3 $0xC080;
	s9 =	simm.s32 @!p0 $0x4E180  }
0x166: {  	s11 =	simm.s32 @!p3 $0x0;
	p0 =	seq.s32 @!p3 s3, $0x4;
	s10 =	sshll.u32 @!p3 s9, $0x4  }
0x167: {  	s9 =	sshrl.u32 @!p3 s9, $0x3;
	p5 =	por @!p6 p0, p2;
	s10 =	sadd.s32 @!p3 s0, s10  }
0x168: {  	[tilespmem:s12], [sflag:$0x4] =	stream.linear.gather @!p3 [hbm4b:s10+s11], $0x4000, $0x38;
	[tilespmem:$0x1E740] =	vst v63  }
0x169: {  	s9 =	sadd.s32 @!p3 s1, s9;
	p5 =	por p5, p6;
	s10 =	simm.s32 @!p3 $0x14480  }
0x16a: {  	[tilespmem:s10], [sflag:$0x4] =	stream.linear.gather @!p3 [hbm4b:s9+s11], $0x80, $0x38;
	[tilespmem:$0x1E740] =	vst v63  }
0x16b: {  	s9 =	sadd.s32 @!p5 $0x200, s7  }
0x16c: {  	p1 =	slt.s32 @!p5 s9, $0x4E180  }
0x16d: {  	p0 =	por @!p3 !p1, p0  }
0x16e: {  	p0 =	por @!p6 !p0, p2  }
0x16f: {  	p0 =	por !p0, p6  }
0x170: {  	s9 =	simm.s32 @p0 $0x4E180  }
0x171: {  	s12 =	simm.s32 @!p5 $0x10080;
	s10 =	sshll.u32 @!p5 s9, $0x4  }
0x172: {  	s11 =	simm.s32 @!p5 $0x0;
	s9 =	sshrl.u32 @!p5 s9, $0x3;
	s10 =	sadd.s32 @!p5 s0, s10  }
0x173: {  	[tilespmem:s12], [sflag:$0x5] =	stream.linear.gather @!p5 [hbm4b:s10+s11], $0x4000, $0x38;
	[tilespmem:$0x1E740] =	vst v63  }
0x174: {  	s9 =	sadd.s32 @!p5 s1, s9;
	s10 =	simm.s32 @!p5 $0x14500  }
0x175: {  	[tilespmem:s10], [sflag:$0x5] =	stream.linear.gather @!p5 [hbm4b:s9+s11], $0x80, $0x38;
	[tilespmem:$0x1E740] =	vst v63  }
.LBB2_18:
0x176: {  	s9 =	simm.s32 $0x0;
	s10 =	simm.s32 $0x200  }
.LBB2_19:
0x177: {  	p2 =	sne.s32 s10, $0xFE00;
	[tilespmem:s9+$0xF0] =	vst v3  }
0x178: {  	[tilespmem:s9+$0x80] =	vst v3  }
0x179: {  	[tilespmem:s9+$0x90] =	vst v3  }
.Ltmp17:
0x17a: {  	[tilespmem:s9+$0xA0] =	vst v3;
	(pc) =	sbr.rel @p2 .LBB2_19-.Ltmp17, $4  }
0x17b: {  	[tilespmem:s9+$0xB0] =	vst v3  }
0x17c: {  	[tilespmem:s9+$0xC0] =	vst v3  }
0x17d: {  	[tilespmem:s9+$0xD0] =	vst v3  }
0x17e: {  	[tilespmem:s9+$0xE0] =	vst v3;
	s9 =	sshra.s32 s10, $0x2;
	s10 =	sadd.s32 $0x200, s10  }
0x17f: {  	[tilespmem:s9+$0xF0] =	vst v3  }
0x180: {  	[tilespmem:s9+$0x80] =	vst v3  }
0x181: {  	[tilespmem:s9+$0x90] =	vst v3  }
0x182: {  	[tilespmem:s9+$0xA0] =	vst v3  }
0x183: {  	[tilespmem:s9+$0xB0] =	vst v3  }
0x184: {  	[tilespmem:s9+$0xC0] =	vst v3  }
0x185: {  	[tilespmem:s9+$0xD0] =	vst v3  }
0x186: {  	[tilespmem:s9+$0xE0] =	vst v3  }
0x187: {  	[spmem:s8] =	stream.linear.scatter [tilespmem:s19], [sflag:$0x6], $0x4000, $0x38;
	[tilespmem:$0x1E740] =	vst v63  }
0x188: {  	_ =	swait.ge [sflag:s15], $0x4000  }
0x189: {  	[sflag:s15] =	ssyncset.done $0x0  }
0x18a: {  	s11 =	rddreg [dreg:$0x6];
	[sflag:s15] =	ssyncadd.s32 $0xFFFFC000  }
0x18b: {  	[spmem:s11] =	stream.linear.scatter [tilespmem:s19], [sflag:$0x6], $0x4000, $0x38;
	[tilespmem:$0x1E740] =	vst v63  }
0x18c: {  	_ =	swait.ge [sflag:s15], $0x4000  }
0x18d: {  	[sflag:s15] =	ssyncset.done $0x0  }
0x18e: {  	s12 =	rddreg [dreg:$0x7];
	[sflag:s15] =	ssyncadd.s32 $0xFFFFC000  }
0x18f: {  	[spmem:s12] =	stream.linear.scatter [tilespmem:s19], [sflag:$0x6], $0x2000, $0x38;
	[tilespmem:$0x1E740] =	vst v63  }
0x190: {  	_ =	swait.ge [sflag:s15], $0x2000  }
0x191: {  	p0 =	sne.s32 s2, $0xF;
	p2 =	slt.s32 s3, $0x1;
	[sflag:s15] =	ssyncset.done $0x0  }
0x192: {  	s9 =	simm.s32 @!p0 $0x80;
	s10 =	rddreg [dreg:$0x8];
	[sflag:s15] =	ssyncadd.s32 $0xFFFFE000  }
0x193: {  	[spmem:s10] =	stream.linear.scatter @!p0 [tilespmem:s9], [sflag:$0x6], $0x400, $0x38;
	[tilespmem:$0x1E740] =	vst v63  }
0x194: {  	p1 =	slt.s32 @!p2 s7, $0x4E180;
	s9 =	simm.s32 @!p0 $0x6  }
0x195: {  	p1 =	por !p1, p2;
	s10 =	smov.u32 s7;
	_ =	swait.ge @!p0 [sflag:s9], $0x400  }
0x196: {  	s13 =	sadd.s32 $0x4, s3;
	s10 =	simm.s32 @p1 $0x4E180;
	[sflag:s9] =	ssyncset.done @!p0 $0x0  }
0x197: {  	s11 =	simm.s32 @!p2 $0x0;
	[sflag:s9] =	ssyncadd.s32 @!p0 $0xFFFFFC00;
	s9 =	sshll.u32 @!p2 s10, $0x4  }
0x198: {  	s12 =	simm.s32 @!p2 $0x80;
	[bflag:$0x0] =	sbarrier.arrive $0xFFFF;
	s9 =	sadd.s32 @!p2 s0, s9  }
0x199: {  	[tilespmem:s12], [sflag:$0x1] =	stream.linear.gather @!p2 [hbm4b:s9+s11], $0x4000, $0x38;
	[tilespmem:$0x1E740] =	vst v63  }
0x19a: {  	s14 =	smulhi.u32 $0x66666667, s13;
	s10 =	sshrl.u32 @!p2 s10, $0x3;
	s9 =	sshra.s32 s13, $0x1F  }
0x19b: {  	s10 =	sadd.s32 @!p2 s1, s10;
	s13 =	simm.s32 @!p2 $0x14300;
	s9 =	smul.u32 $0x66666667, s9  }
0x19c: {  	[tilespmem:s13], [sflag:$0x1] =	stream.linear.gather @!p2 [hbm4b:s10+s11], $0x80, $0x38;
	[tilespmem:$0x1E740] =	vst v63  }
0x19d: {  	s9 =	sadd.s32 s9, s14  }
0x19e: {  	s13 =	sshrl.u32 s9, $0x1F;
	s9 =	sshra.s32 s9, $0x1  }
0x19f: {  	s9 =	sadd.s32 s13, s9  }
0x1a0: {  	s10 =	smul.u32 $0xFFFFFFFB, s9  }
0x1a1: {  	s14 =	ssub.s32 $0xFFFFFFFC, s3  }
0x1a2: {  	p5 =	slt.s32 s3, $0xFFFFFFFD;
	p6 =	sne.s32 s10, s14  }
0x1a3: {  	p0 =	por !p5, !p6  }
0x1a4: {  	s10 =	simm.s32 $0x1;
	p0 =	por !p0, !p0  }
0x1a5: {  	s10 =	simm.s32 @!p0 $0x0  }
0x1a6: {  	s9 =	ssub.s32 s9, s10  }
0x1a7: {  	p0 =	slt.s32 s9, $0x1  }
.Ltmp18:
0x1a8: {  	_ = 	snop;
	(pc) =	sbr.rel @!p0 .LBB2_21-.Ltmp18, $4  }
.Ltmp19:
0x1a9: {  	_ = 	snop;
	(pc) =	sbr.rel @p0 .LBB2_32-.Ltmp19, $4  }
0x1aa: {  	_ = 	snop  }
0x1ab: {  	_ = 	snop  }
0x1ac: {  	s10 =	simm.s32 $0x9  }
0x1ad: {  	_ = 	snop  }
.LBB2_31:
0x1ae: {  	s9 =	sadd.s32 $0xFFFFFFFF, s9  }
0x1af: {  	p0 =	sne.s32 s9, $0x0  }
.Ltmp20:
0x1b0: {  	_ = 	snop;
	(pc) =	sbr.rel @!p0 .LBB2_32-.Ltmp20, $2  }
0x1b1: {  	_ =	sdelay $0x2  }
0x1b2: {  	s7 =	sadd.s32 $0x280, s7;
	s10 =	sadd.s32 $0x5, s10  }
.LBB2_21:
0x1b3: {  	s11 =	sadd.s32 $0xFFFFFFF7, s10  }
0x1b4: {  	p0 =	sge.s32 s11, s3  }
.Ltmp21:
0x1b5: {  	_ = 	snop;
	(pc) =	sbr.rel @p0 .LBB2_23-.Ltmp21, $1  }
0x1b6: {  	_ =	sdelay $0x3  }
0x1b7: {  	_ =	swait.ge [sflag:s16], $0x4000  }
0x1b8: {  	[sflag:s16] =	ssyncset.done $0x0  }
0x1b9: {  	[sflag:s16] =	ssyncadd.s32 $0xFFFFC000  }
0x1ba: {  	_ =	swait.ge [sflag:s16], $0x80  }
0x1bb: {  	[sflag:s16] =	ssyncset.done $0x0  }
0x1bc: {  	p0 =	slt.s32 s7, $0x4E180;
	s11 =	smov.u32 s7;
	[sflag:s16] =	ssyncadd.s32 $0xFFFFFF80  }
0x1bd: {  	s11 =	simm.s32 @!p0 $0x4E180;
	v5 =	vld [tilespmem:$0x14300]  }
0x1be: {  	v7 =	vadd.s32 s11, v4;
	s12 =	sadd.s32 $0x10, s11;
	v6 =	vld [tilespmem:$0x14310]  }
0x1bf: {  	s13 =	sadd.s32 $0x20, s11;
	s14 =	sadd.s32 $0x30, s11;
	vm1 =	vge.s32 v7, s7;
	v8 =	vadd.s32 s12, v4;
	v7 =	vld [tilespmem:$0x14320]  }
0x1c0: {  	v9 =	vadd.s32 s13, v4;
	v60 =	vadd.s32 s14, v4;
	s13 =	sadd.s32 $0x40, s11;
	vm15 =	vge.s32 v8, s7;
	v59 =	vld [tilespmem:$0x14330]  }
0x1c1: {  	s14 =	sadd.s32 $0x50, s11;
	vm9 =	vge.s32 v9, s7;
	vm11 =	vge.s32 v60, s7;
	v11 =	vadd.s32 s13, v4;
	s13 =	sadd.s32 $0x60, s11;
	v10 =	vld [tilespmem:$0x14340]  }
0x1c2: {  	v62 =	vadd.s32 s14, v4;
	v13 =	vadd.s32 s13, v4;
	v61 =	vld [tilespmem:$0x14350];
	vm0 =	vge.s32 v5, v0  }
0x1c3: {  	vm2 =	vlt.s32 v5, v1;
	vm14 =	vge.s32 v6, v0;
	v5 =	vsub.s32 v5, v2  }
0x1c4: {  	v12 =	vld [tilespmem:$0x14360];
	vm3 =	vlt.s32 v6, v1;
	v6 =	vsub.s32 v6, v2;
	vm7 =	vge.s32 v7, v0  }
0x1c5: {  	vm8 =	vlt.s32 v7, v1;
	vm10 =	vge.s32 v59, v0;
	vm12 =	vlt.s32 v59, v1  }
0x1c6: {  	v7 =	vsub.s32 v7, v2;
	v8 =	vsub.s32 v59, v2;
	vm13 =	vge.s32 v10, v0  }
0x1c7: {  	v9 =	vsub.s32 v61, v2;
	vm0 =	vmand vm0, vm1;
	vm1 =	vmand vm14, vm15  }
0x1c8: {  	vm14 =	vge.s32 v11, s7;
	vm15 =	vge.s32 v61, v0;
	vm0 =	vmand vm0, vm2  }
0x1c9: {  	vm6 =	vmand vm1, vm3;
	vm2 =	vmand vm10, vm11;
	vm10 =	vge.s32 v12, v0  }
0x1ca: {  	v63 =	vld [tilespmem:$0x14370];
	vm11 =	vlt.s32 v12, v1;
	v5 =	vnsel vm0, $0x1400, v5;
	v6 =	vnsel vm6, $0x1400, v6  }
0x1cb: {  	vm0 =	vmand vm7, vm9;
	vm1 =	vmand vm2, vm12;
	vm6 =	vge.s32 v62, s7  }
0x1cc: {  	vm7 =	vlt.s32 v10, v1;
	vm9 =	vge.s32 v13, s7;
	vm0 =	vmand vm0, vm8  }
0x1cd: {  	v8 =	vnsel vm1, $0x1400, v8;
	vm1 =	vmand vm15, vm6;
	vm8 =	vlt.s32 v61, v1  }
0x1ce: {  	[tilespmem:$0x14080] =	vst v5;
	v5 =	vsub.s32 v10, v2;
	v7 =	vnsel vm0, $0x1400, v7;
	vm0 =	vmand vm13, vm14  }
0x1cf: {  	s11 =	sadd.s32 $0x70, s11;
	[tilespmem:$0x14090] =	vst v6;
	vm1 =	vmand vm1, vm8;
	vm13 =	vge.s32 v63, v0;
	vm14 =	vlt.s32 v63, v1  }
0x1d0: {  	vm0 =	vmand vm0, vm7;
	v6 =	vnsel vm1, $0x1400, v9;
	[tilespmem:$0x140A0] =	vst v7;
	v7 =	vadd.s32 s11, v4  }
0x1d1: {  	s14 =	sadd.s32 $0xFFFFFFFC, s10;
	[tilespmem:$0x140B0] =	vst v8;
	v5 =	vnsel vm0, $0x1400, v5;
	vm0 =	vmand vm10, vm9;
	vm12 =	vge.s32 v7, s7  }
0x1d2: {  	p2 =	sge.u32 s14, s3;
	vm0 =	vmand vm0, vm11;
	[tilespmem:$0x140C0] =	vst v5;
	v5 =	vsub.s32 v12, v2;
	vm1 =	vmand vm13, vm12  }
0x1d3: {  	s11 =	sadd.s32 @!p2 $0x280, s7;
	[tilespmem:$0x140D0] =	vst v6;
	v6 =	vsub.s32 v63, v2;
	v5 =	vnsel vm0, $0x1400, v5;
	vm15 =	vmand vm1, vm14  }
0x1d4: {  	p0 =	slt.s32 @!p2 s11, $0x4E180;
	[tilespmem:$0x140E0] =	vst v5;
	v5 =	vnsel vm15, $0x1400, v6  }
0x1d5: {  	p0 =	por !p0, p2;
	[tilespmem:$0x140F0] =	vst v5  }
0x1d6: {  	[spmem:s5] =	stream.indirect.scatter.add.f32 [tilespmem:s19], [sflag:$0x6], $0x80, s20, s19, $0xb8;
	[tilespmem:$0x1E740] =	vst v63  }
0x1d7: {  	s13 =	simm.s32 @!p2 $0x0;
	s11 =	simm.s32 @p0 $0x4E180;
	_ =	swait.ge [sflag:s15], $0x4000  }
0x1d8: {  	s14 =	simm.s32 @!p2 $0x80;
	s12 =	sshll.u32 @!p2 s11, $0x4;
	[sflag:s15] =	ssyncset.done $0x0  }
0x1d9: {  	s11 =	sshrl.u32 @!p2 s11, $0x3;
	s12 =	sadd.s32 @!p2 s0, s12;
	[sflag:s15] =	ssyncadd.s32 $0xFFFFC000  }
0x1da: {  	[tilespmem:s14], [sflag:$0x1] =	stream.linear.gather @!p2 [hbm4b:s12+s13], $0x4000, $0x38;
	[tilespmem:$0x1E740] =	vst v63  }
0x1db: {  	s11 =	sadd.s32 @!p2 s1, s11;
	s12 =	simm.s32 @!p2 $0x14300  }
0x1dc: {  	[tilespmem:s12], [sflag:$0x1] =	stream.linear.gather @!p2 [hbm4b:s11+s13], $0x80, $0x38;
	[tilespmem:$0x1E740] =	vst v63  }
.LBB2_23:
0x1dd: {  	s11 =	sadd.s32 $0xFFFFFFF8, s10  }
0x1de: {  	p0 =	sge.s32 s11, s3  }
.Ltmp22:
0x1df: {  	_ = 	snop;
	(pc) =	sbr.rel @p0 .LBB2_25-.Ltmp22, $1  }
0x1e0: {  	_ =	sdelay $0x3  }
0x1e1: {  	_ =	swait.ge [sflag:s21], $0x4000  }
0x1e2: {  	[sflag:s21] =	ssyncset.done $0x0  }
0x1e3: {  	[sflag:s21] =	ssyncadd.s32 $0xFFFFC000  }
0x1e4: {  	s12 =	sadd.s32 $0x80, s7;
	_ =	swait.ge [sflag:s21], $0x80  }
0x1e5: {  	p0 =	slt.s32 s12, $0x4E180;
	s11 =	smov.u32 s12;
	[sflag:s21] =	ssyncset.done $0x0  }
0x1e6: {  	s11 =	simm.s32 @!p0 $0x4E180;
	[sflag:s21] =	ssyncadd.s32 $0xFFFFFF80  }
0x1e7: {  	s14 =	sadd.s32 $0x20, s11;
	v5 =	vld [tilespmem:$0x14380]  }
0x1e8: {  	v7 =	vadd.s32 s11, v4;
	v9 =	vadd.s32 s14, v4;
	s14 =	sadd.s32 $0x30, s11;
	v6 =	vld [tilespmem:$0x14390]  }
0x1e9: {  	s13 =	sadd.s32 $0x10, s11;
	vm1 =	vge.s32 v7, s12;
	v60 =	vadd.s32 s14, v4;
	s14 =	sadd.s32 $0x40, s11;
	v7 =	vld [tilespmem:$0x143A0]  }
0x1ea: {  	v8 =	vadd.s32 s13, v4;
	v59 =	vld [tilespmem:$0x143B0];
	v11 =	vadd.s32 s14, v4;
	s14 =	sadd.s32 $0x50, s11  }
0x1eb: {  	vm15 =	vge.s32 v8, s12;
	vm9 =	vge.s32 v9, s12;
	v10 =	vld [tilespmem:$0x143C0];
	v62 =	vadd.s32 s14, v4;
	s14 =	sadd.s32 $0x60, s11  }
0x1ec: {  	vm11 =	vge.s32 v60, s12;
	v61 =	vld [tilespmem:$0x143D0];
	v13 =	vadd.s32 s14, v4;
	vm0 =	vge.s32 v5, v0  }
0x1ed: {  	vm2 =	vlt.s32 v5, v1;
	vm14 =	vge.s32 v6, v0;
	v5 =	vsub.s32 v5, v2  }
0x1ee: {  	v12 =	vld [tilespmem:$0x143E0];
	vm3 =	vlt.s32 v6, v1;
	v6 =	vsub.s32 v6, v2;
	vm7 =	vge.s32 v7, v0  }
0x1ef: {  	vm8 =	vlt.s32 v7, v1;
	vm10 =	vge.s32 v59, v0;
	vm12 =	vlt.s32 v59, v1  }
0x1f0: {  	v7 =	vsub.s32 v7, v2;
	v8 =	vsub.s32 v59, v2;
	vm13 =	vge.s32 v10, v0  }
0x1f1: {  	v9 =	vsub.s32 v61, v2;
	vm0 =	vmand vm0, vm1;
	vm1 =	vmand vm14, vm15  }
0x1f2: {  	vm14 =	vge.s32 v11, s12;
	vm15 =	vge.s32 v61, v0;
	vm0 =	vmand vm0, vm2  }
0x1f3: {  	vm6 =	vmand vm1, vm3;
	vm2 =	vmand vm10, vm11;
	vm10 =	vge.s32 v12, v0  }
0x1f4: {  	v63 =	vld [tilespmem:$0x143F0];
	vm11 =	vlt.s32 v12, v1;
	v5 =	vnsel vm0, $0x1400, v5;
	v6 =	vnsel vm6, $0x1400, v6  }
0x1f5: {  	vm0 =	vmand vm7, vm9;
	vm1 =	vmand vm2, vm12;
	vm6 =	vge.s32 v62, s12  }
0x1f6: {  	vm7 =	vlt.s32 v10, v1;
	vm9 =	vge.s32 v13, s12;
	vm0 =	vmand vm0, vm8  }
0x1f7: {  	v8 =	vnsel vm1, $0x1400, v8;
	vm1 =	vmand vm15, vm6;
	vm8 =	vlt.s32 v61, v1  }
0x1f8: {  	[tilespmem:$0x14100] =	vst v5;
	v5 =	vsub.s32 v10, v2;
	v7 =	vnsel vm0, $0x1400, v7;
	vm0 =	vmand vm13, vm14  }
0x1f9: {  	s11 =	sadd.s32 $0x70, s11;
	[tilespmem:$0x14110] =	vst v6;
	vm1 =	vmand vm1, vm8;
	vm13 =	vge.s32 v63, v0;
	vm14 =	vlt.s32 v63, v1  }
0x1fa: {  	vm0 =	vmand vm0, vm7;
	v6 =	vnsel vm1, $0x1400, v9;
	[tilespmem:$0x14120] =	vst v7;
	v7 =	vadd.s32 s11, v4  }
0x1fb: {  	s14 =	sadd.s32 $0xFFFFFFFD, s10;
	[tilespmem:$0x14130] =	vst v8;
	v5 =	vnsel vm0, $0x1400, v5;
	vm0 =	vmand vm10, vm9;
	vm12 =	vge.s32 v7, s12  }
0x1fc: {  	p2 =	sge.s32 s14, s3;
	vm0 =	vmand vm0, vm11;
	[tilespmem:$0x14140] =	vst v5;
	v5 =	vsub.s32 v12, v2;
	vm1 =	vmand vm13, vm12  }
0x1fd: {  	s11 =	sadd.s32 @!p2 $0x300, s7;
	[tilespmem:$0x14150] =	vst v6;
	v6 =	vsub.s32 v63, v2;
	v5 =	vnsel vm0, $0x1400, v5;
	vm15 =	vmand vm1, vm14  }
0x1fe: {  	p0 =	slt.s32 @!p2 s11, $0x4E180;
	[tilespmem:$0x14160] =	vst v5;
	v5 =	vnsel vm15, $0x1400, v6  }
0x1ff: {  	p0 =	por !p0, p2;
	[tilespmem:$0x14170] =	vst v5  }
0x200: {  	[spmem:s5] =	stream.indirect.scatter.add.f32 [tilespmem:s17], [sflag:$0x6], $0x80, s22, s19, $0xb8;
	[tilespmem:$0x1E740] =	vst v63  }
0x201: {  	s13 =	simm.s32 @!p2 $0x0;
	s11 =	simm.s32 @p0 $0x4E180;
	_ =	swait.ge [sflag:s15], $0x4000  }
0x202: {  	s14 =	simm.s32 @!p2 $0x4080;
	s12 =	sshll.u32 @!p2 s11, $0x4;
	[sflag:s15] =	ssyncset.done $0x0  }
0x203: {  	s11 =	sshrl.u32 @!p2 s11, $0x3;
	s12 =	sadd.s32 @!p2 s0, s12;
	[sflag:s15] =	ssyncadd.s32 $0xFFFFC000  }
0x204: {  	[tilespmem:s14], [sflag:$0x2] =	stream.linear.gather @!p2 [hbm4b:s12+s13], $0x4000, $0x38;
	[tilespmem:$0x1E740] =	vst v63  }
0x205: {  	s11 =	sadd.s32 @!p2 s1, s11;
	s12 =	simm.s32 @!p2 $0x14380  }
0x206: {  	[tilespmem:s12], [sflag:$0x2] =	stream.linear.gather @!p2 [hbm4b:s11+s13], $0x80, $0x38;
	[tilespmem:$0x1E740] =	vst v63  }
.LBB2_25:
0x207: {  	s11 =	sadd.s32 $0xFFFFFFF9, s10  }
0x208: {  	p0 =	sge.s32 s11, s3  }
.Ltmp23:
0x209: {  	_ = 	snop;
	(pc) =	sbr.rel @p0 .LBB2_27-.Ltmp23, $1  }
0x20a: {  	_ =	sdelay $0x3  }
0x20b: {  	_ =	swait.ge [sflag:s23], $0x4000  }
0x20c: {  	[sflag:s23] =	ssyncset.done $0x0  }
0x20d: {  	[sflag:s23] =	ssyncadd.s32 $0xFFFFC000  }
0x20e: {  	s11 =	sadd.s32 $0x100, s7;
	_ =	swait.ge [sflag:s23], $0x80  }
0x20f: {  	p0 =	slt.s32 s11, $0x4E180;
	s12 =	smov.u32 s11;
	[sflag:s23] =	ssyncset.done $0x0  }
0x210: {  	s12 =	simm.s32 @!p0 $0x4E180;
	[sflag:s23] =	ssyncadd.s32 $0xFFFFFF80  }
0x211: {  	s14 =	sadd.s32 $0x20, s12;
	v5 =	vld [tilespmem:$0x14400]  }
0x212: {  	v7 =	vadd.s32 s12, v4;
	v9 =	vadd.s32 s14, v4;
	s14 =	sadd.s32 $0x30, s12;
	v6 =	vld [tilespmem:$0x14410]  }
0x213: {  	s13 =	sadd.s32 $0x10, s12;
	vm1 =	vge.s32 v7, s11;
	v60 =	vadd.s32 s14, v4;
	s14 =	sadd.s32 $0x40, s12;
	v7 =	vld [tilespmem:$0x14420]  }
0x214: {  	v8 =	vadd.s32 s13, v4;
	v59 =	vld [tilespmem:$0x14430];
	v11 =	vadd.s32 s14, v4;
	s14 =	sadd.s32 $0x50, s12  }
0x215: {  	vm15 =	vge.s32 v8, s11;
	vm9 =	vge.s32 v9, s11;
	v10 =	vld [tilespmem:$0x14440];
	v62 =	vadd.s32 s14, v4;
	s14 =	sadd.s32 $0x60, s12  }
0x216: {  	vm11 =	vge.s32 v60, s11;
	v61 =	vld [tilespmem:$0x14450];
	v13 =	vadd.s32 s14, v4;
	vm0 =	vge.s32 v5, v0  }
0x217: {  	vm2 =	vlt.s32 v5, v1;
	vm14 =	vge.s32 v6, v0;
	v5 =	vsub.s32 v5, v2  }
0x218: {  	v12 =	vld [tilespmem:$0x14460];
	vm3 =	vlt.s32 v6, v1;
	v6 =	vsub.s32 v6, v2;
	vm7 =	vge.s32 v7, v0  }
0x219: {  	vm8 =	vlt.s32 v7, v1;
	vm10 =	vge.s32 v59, v0;
	vm12 =	vlt.s32 v59, v1  }
0x21a: {  	v7 =	vsub.s32 v7, v2;
	v8 =	vsub.s32 v59, v2;
	vm13 =	vge.s32 v10, v0  }
0x21b: {  	v9 =	vsub.s32 v61, v2;
	vm0 =	vmand vm0, vm1;
	vm1 =	vmand vm14, vm15  }
0x21c: {  	vm14 =	vge.s32 v11, s11;
	vm15 =	vge.s32 v61, v0;
	vm0 =	vmand vm0, vm2  }
0x21d: {  	vm6 =	vmand vm1, vm3;
	vm2 =	vmand vm10, vm11;
	vm10 =	vge.s32 v12, v0  }
0x21e: {  	v63 =	vld [tilespmem:$0x14470];
	vm11 =	vlt.s32 v12, v1;
	v5 =	vnsel vm0, $0x1400, v5;
	v6 =	vnsel vm6, $0x1400, v6  }
0x21f: {  	vm0 =	vmand vm7, vm9;
	vm1 =	vmand vm2, vm12;
	vm6 =	vge.s32 v62, s11  }
0x220: {  	vm7 =	vlt.s32 v10, v1;
	vm9 =	vge.s32 v13, s11;
	vm0 =	vmand vm0, vm8  }
0x221: {  	v8 =	vnsel vm1, $0x1400, v8;
	vm1 =	vmand vm15, vm6;
	vm8 =	vlt.s32 v61, v1  }
0x222: {  	[tilespmem:$0x14180] =	vst v5;
	v5 =	vsub.s32 v10, v2;
	v7 =	vnsel vm0, $0x1400, v7;
	vm0 =	vmand vm13, vm14  }
0x223: {  	s12 =	sadd.s32 $0x70, s12;
	[tilespmem:$0x14190] =	vst v6;
	vm1 =	vmand vm1, vm8;
	vm13 =	vge.s32 v63, v0;
	vm14 =	vlt.s32 v63, v1  }
0x224: {  	vm0 =	vmand vm0, vm7;
	v6 =	vnsel vm1, $0x1400, v9;
	[tilespmem:$0x141A0] =	vst v7;
	v7 =	vadd.s32 s12, v4  }
0x225: {  	s14 =	sadd.s32 $0xFFFFFFFE, s10;
	[tilespmem:$0x141B0] =	vst v8;
	v5 =	vnsel vm0, $0x1400, v5;
	vm0 =	vmand vm10, vm9;
	vm12 =	vge.s32 v7, s11  }
0x226: {  	p2 =	sge.s32 s14, s3;
	vm0 =	vmand vm0, vm11;
	[tilespmem:$0x141C0] =	vst v5;
	v5 =	vsub.s32 v12, v2;
	vm1 =	vmand vm13, vm12  }
0x227: {  	[tilespmem:$0x141D0] =	vst v6;
	v6 =	vsub.s32 v63, v2;
	s11 =	sadd.s32 @!p2 $0x380, s7;
	v5 =	vnsel vm0, $0x1400, v5;
	vm15 =	vmand vm1, vm14  }
0x228: {  	p0 =	slt.s32 @!p2 s11, $0x4E180;
	[tilespmem:$0x141E0] =	vst v5;
	v5 =	vnsel vm15, $0x1400, v6  }
0x229: {  	p0 =	por !p0, p2;
	[tilespmem:$0x141F0] =	vst v5  }
0x22a: {  	[spmem:s5] =	stream.indirect.scatter.add.f32 [tilespmem:s25], [sflag:$0x6], $0x80, s24, s19, $0xb8;
	[tilespmem:$0x1E740] =	vst v63  }
0x22b: {  	s13 =	simm.s32 @!p2 $0x0;
	s11 =	simm.s32 @p0 $0x4E180;
	_ =	swait.ge [sflag:s15], $0x4000  }
0x22c: {  	s14 =	simm.s32 @!p2 $0x8080;
	s12 =	sshll.u32 @!p2 s11, $0x4;
	[sflag:s15] =	ssyncset.done $0x0  }
0x22d: {  	s11 =	sshrl.u32 @!p2 s11, $0x3;
	s12 =	sadd.s32 @!p2 s0, s12;
	[sflag:s15] =	ssyncadd.s32 $0xFFFFC000  }
0x22e: {  	[tilespmem:s14], [sflag:$0x3] =	stream.linear.gather @!p2 [hbm4b:s12+s13], $0x4000, $0x38;
	[tilespmem:$0x1E740] =	vst v63  }
0x22f: {  	s11 =	sadd.s32 @!p2 s1, s11;
	s12 =	simm.s32 @!p2 $0x14400  }
0x230: {  	[tilespmem:s12], [sflag:$0x3] =	stream.linear.gather @!p2 [hbm4b:s11+s13], $0x80, $0x38;
	[tilespmem:$0x1E740] =	vst v63  }
.LBB2_27:
0x231: {  	s11 =	sadd.s32 $0xFFFFFFFA, s10  }
0x232: {  	p0 =	sge.s32 s11, s3  }
.Ltmp24:
0x233: {  	_ = 	snop;
	(pc) =	sbr.rel @p0 .LBB2_29-.Ltmp24, $1  }
0x234: {  	_ =	sdelay $0x3  }
0x235: {  	_ =	swait.ge [sflag:s26], $0x4000  }
0x236: {  	[sflag:s26] =	ssyncset.done $0x0  }
0x237: {  	[sflag:s26] =	ssyncadd.s32 $0xFFFFC000  }
0x238: {  	s11 =	sadd.s32 $0x180, s7;
	_ =	swait.ge [sflag:s26], $0x80  }
0x239: {  	p0 =	slt.s32 s11, $0x4E180;
	s12 =	smov.u32 s11;
	[sflag:s26] =	ssyncset.done $0x0  }
0x23a: {  	s12 =	simm.s32 @!p0 $0x4E180;
	[sflag:s26] =	ssyncadd.s32 $0xFFFFFF80  }
0x23b: {  	s14 =	sadd.s32 $0x20, s12;
	v5 =	vld [tilespmem:$0x14480]  }
0x23c: {  	v7 =	vadd.s32 s12, v4;
	v9 =	vadd.s32 s14, v4;
	s14 =	sadd.s32 $0x30, s12;
	v6 =	vld [tilespmem:$0x14490]  }
0x23d: {  	s13 =	sadd.s32 $0x10, s12;
	vm1 =	vge.s32 v7, s11;
	v60 =	vadd.s32 s14, v4;
	s14 =	sadd.s32 $0x40, s12;
	v7 =	vld [tilespmem:$0x144A0]  }
0x23e: {  	v8 =	vadd.s32 s13, v4;
	v59 =	vld [tilespmem:$0x144B0];
	v11 =	vadd.s32 s14, v4;
	s14 =	sadd.s32 $0x50, s12  }
0x23f: {  	vm15 =	vge.s32 v8, s11;
	vm9 =	vge.s32 v9, s11;
	v10 =	vld [tilespmem:$0x144C0];
	v62 =	vadd.s32 s14, v4;
	s14 =	sadd.s32 $0x60, s12  }
0x240: {  	vm11 =	vge.s32 v60, s11;
	v61 =	vld [tilespmem:$0x144D0];
	v13 =	vadd.s32 s14, v4;
	vm0 =	vge.s32 v5, v0  }
0x241: {  	vm2 =	vlt.s32 v5, v1;
	vm14 =	vge.s32 v6, v0;
	v5 =	vsub.s32 v5, v2  }
0x242: {  	v12 =	vld [tilespmem:$0x144E0];
	vm3 =	vlt.s32 v6, v1;
	v6 =	vsub.s32 v6, v2;
	vm7 =	vge.s32 v7, v0  }
0x243: {  	vm8 =	vlt.s32 v7, v1;
	vm10 =	vge.s32 v59, v0;
	vm12 =	vlt.s32 v59, v1  }
0x244: {  	v7 =	vsub.s32 v7, v2;
	v8 =	vsub.s32 v59, v2;
	vm13 =	vge.s32 v10, v0  }
0x245: {  	v9 =	vsub.s32 v61, v2;
	vm0 =	vmand vm0, vm1;
	vm1 =	vmand vm14, vm15  }
0x246: {  	vm14 =	vge.s32 v11, s11;
	vm15 =	vge.s32 v61, v0;
	vm0 =	vmand vm0, vm2  }
0x247: {  	vm6 =	vmand vm1, vm3;
	vm2 =	vmand vm10, vm11;
	vm10 =	vge.s32 v12, v0  }
0x248: {  	v63 =	vld [tilespmem:$0x144F0];
	vm11 =	vlt.s32 v12, v1;
	v5 =	vnsel vm0, $0x1400, v5;
	v6 =	vnsel vm6, $0x1400, v6  }
0x249: {  	vm0 =	vmand vm7, vm9;
	vm1 =	vmand vm2, vm12;
	vm6 =	vge.s32 v62, s11  }
0x24a: {  	vm7 =	vlt.s32 v10, v1;
	vm9 =	vge.s32 v13, s11;
	vm0 =	vmand vm0, vm8  }
0x24b: {  	v8 =	vnsel vm1, $0x1400, v8;
	vm1 =	vmand vm15, vm6;
	vm8 =	vlt.s32 v61, v1  }
0x24c: {  	[tilespmem:$0x14200] =	vst v5;
	v5 =	vsub.s32 v10, v2;
	v7 =	vnsel vm0, $0x1400, v7;
	vm0 =	vmand vm13, vm14  }
0x24d: {  	s12 =	sadd.s32 $0x70, s12;
	[tilespmem:$0x14210] =	vst v6;
	vm1 =	vmand vm1, vm8;
	vm13 =	vge.s32 v63, v0;
	vm14 =	vlt.s32 v63, v1  }
0x24e: {  	vm0 =	vmand vm0, vm7;
	v6 =	vnsel vm1, $0x1400, v9;
	[tilespmem:$0x14220] =	vst v7;
	v7 =	vadd.s32 s12, v4  }
0x24f: {  	s14 =	sadd.s32 $0xFFFFFFFF, s10;
	[tilespmem:$0x14230] =	vst v8;
	v5 =	vnsel vm0, $0x1400, v5;
	vm0 =	vmand vm10, vm9;
	vm12 =	vge.s32 v7, s11  }
0x250: {  	p2 =	sge.s32 s14, s3;
	vm0 =	vmand vm0, vm11;
	[tilespmem:$0x14240] =	vst v5;
	v5 =	vsub.s32 v12, v2;
	vm1 =	vmand vm13, vm12  }
0x251: {  	[tilespmem:$0x14250] =	vst v6;
	v6 =	vsub.s32 v63, v2;
	s11 =	sadd.s32 @!p2 $0x400, s7;
	v5 =	vnsel vm0, $0x1400, v5;
	vm15 =	vmand vm1, vm14  }
0x252: {  	p0 =	slt.s32 @!p2 s11, $0x4E180;
	[tilespmem:$0x14260] =	vst v5;
	v5 =	vnsel vm15, $0x1400, v6  }
0x253: {  	p0 =	por !p0, p2;
	[tilespmem:$0x14270] =	vst v5  }
0x254: {  	[spmem:s5] =	stream.indirect.scatter.add.f32 [tilespmem:s29], [sflag:$0x6], $0x80, s28, s19, $0xb8;
	[tilespmem:$0x1E740] =	vst v63  }
0x255: {  	s13 =	simm.s32 @!p2 $0x0;
	s11 =	simm.s32 @p0 $0x4E180;
	_ =	swait.ge [sflag:s15], $0x4000  }
0x256: {  	s14 =	simm.s32 @!p2 $0xC080;
	s12 =	sshll.u32 @!p2 s11, $0x4;
	[sflag:s15] =	ssyncset.done $0x0  }
0x257: {  	s11 =	sshrl.u32 @!p2 s11, $0x3;
	s12 =	sadd.s32 @!p2 s0, s12;
	[sflag:s15] =	ssyncadd.s32 $0xFFFFC000  }
0x258: {  	[tilespmem:s14], [sflag:$0x4] =	stream.linear.gather @!p2 [hbm4b:s12+s13], $0x4000, $0x38;
	[tilespmem:$0x1E740] =	vst v63  }
0x259: {  	s11 =	sadd.s32 @!p2 s1, s11;
	s12 =	simm.s32 @!p2 $0x14480  }
0x25a: {  	[tilespmem:s12], [sflag:$0x4] =	stream.linear.gather @!p2 [hbm4b:s11+s13], $0x80, $0x38;
	[tilespmem:$0x1E740] =	vst v63  }
.LBB2_29:
0x25b: {  	s11 =	sadd.s32 $0xFFFFFFFB, s10  }
0x25c: {  	p0 =	sge.s32 s11, s3  }
.Ltmp25:
0x25d: {  	_ = 	snop;
	(pc) =	sbr.rel @p0 .LBB2_31-.Ltmp25, $1  }
0x25e: {  	_ =	sdelay $0x3  }
0x25f: {  	_ =	swait.ge [sflag:s30], $0x4000  }
0x260: {  	[sflag:s30] =	ssyncset.done $0x0  }
0x261: {  	[sflag:s30] =	ssyncadd.s32 $0xFFFFC000  }
0x262: {  	s11 =	sadd.s32 $0x200, s7;
	_ =	swait.ge [sflag:s30], $0x80  }
0x263: {  	p0 =	slt.s32 s11, $0x4E180;
	s12 =	smov.u32 s11;
	[sflag:s30] =	ssyncset.done $0x0  }
0x264: {  	s12 =	simm.s32 @!p0 $0x4E180;
	[sflag:s30] =	ssyncadd.s32 $0xFFFFFF80  }
0x265: {  	s14 =	sadd.s32 $0x20, s12;
	v5 =	vld [tilespmem:$0x14500]  }
0x266: {  	v7 =	vadd.s32 s12, v4;
	v9 =	vadd.s32 s14, v4;
	s14 =	sadd.s32 $0x30, s12;
	v6 =	vld [tilespmem:$0x14510]  }
0x267: {  	s13 =	sadd.s32 $0x10, s12;
	vm1 =	vge.s32 v7, s11;
	v60 =	vadd.s32 s14, v4;
	s14 =	sadd.s32 $0x40, s12;
	v7 =	vld [tilespmem:$0x14520]  }
0x268: {  	v8 =	vadd.s32 s13, v4;
	v59 =	vld [tilespmem:$0x14530];
	v11 =	vadd.s32 s14, v4;
	s14 =	sadd.s32 $0x50, s12  }
0x269: {  	vm15 =	vge.s32 v8, s11;
	vm9 =	vge.s32 v9, s11;
	v10 =	vld [tilespmem:$0x14540];
	v62 =	vadd.s32 s14, v4;
	s14 =	sadd.s32 $0x60, s12  }
0x26a: {  	vm11 =	vge.s32 v60, s11;
	v61 =	vld [tilespmem:$0x14550];
	v13 =	vadd.s32 s14, v4;
	vm0 =	vge.s32 v5, v0  }
0x26b: {  	vm2 =	vlt.s32 v5, v1;
	vm14 =	vge.s32 v6, v0;
	v5 =	vsub.s32 v5, v2  }
0x26c: {  	v12 =	vld [tilespmem:$0x14560];
	vm3 =	vlt.s32 v6, v1;
	v6 =	vsub.s32 v6, v2;
	vm7 =	vge.s32 v7, v0  }
0x26d: {  	vm8 =	vlt.s32 v7, v1;
	vm10 =	vge.s32 v59, v0;
	vm12 =	vlt.s32 v59, v1  }
0x26e: {  	v7 =	vsub.s32 v7, v2;
	v8 =	vsub.s32 v59, v2;
	vm13 =	vge.s32 v10, v0  }
0x26f: {  	v9 =	vsub.s32 v61, v2;
	vm0 =	vmand vm0, vm1;
	vm1 =	vmand vm14, vm15  }
0x270: {  	vm14 =	vge.s32 v11, s11;
	vm15 =	vge.s32 v61, v0;
	vm0 =	vmand vm0, vm2  }
0x271: {  	vm6 =	vmand vm1, vm3;
	vm2 =	vmand vm10, vm11;
	vm10 =	vge.s32 v12, v0  }
0x272: {  	v63 =	vld [tilespmem:$0x14570];
	vm11 =	vlt.s32 v12, v1;
	v5 =	vnsel vm0, $0x1400, v5;
	v6 =	vnsel vm6, $0x1400, v6  }
0x273: {  	vm0 =	vmand vm7, vm9;
	vm1 =	vmand vm2, vm12;
	vm6 =	vge.s32 v62, s11  }
0x274: {  	vm7 =	vlt.s32 v10, v1;
	vm9 =	vge.s32 v13, s11;
	vm0 =	vmand vm0, vm8  }
0x275: {  	v8 =	vnsel vm1, $0x1400, v8;
	vm1 =	vmand vm15, vm6;
	vm8 =	vlt.s32 v61, v1  }
0x276: {  	[tilespmem:$0x14280] =	vst v5;
	v5 =	vsub.s32 v10, v2;
	v7 =	vnsel vm0, $0x1400, v7;
	vm0 =	vmand vm13, vm14  }
0x277: {  	s12 =	sadd.s32 $0x70, s12;
	[tilespmem:$0x14290] =	vst v6;
	vm1 =	vmand vm1, vm8;
	vm13 =	vge.s32 v63, v0;
	vm14 =	vlt.s32 v63, v1  }
0x278: {  	vm0 =	vmand vm0, vm7;
	v6 =	vnsel vm1, $0x1400, v9;
	[tilespmem:$0x142A0] =	vst v7;
	v7 =	vadd.s32 s12, v4  }
0x279: {  	[tilespmem:$0x142B0] =	vst v8;
	v5 =	vnsel vm0, $0x1400, v5;
	vm0 =	vmand vm10, vm9;
	vm12 =	vge.s32 v7, s11  }
0x27a: {  	p2 =	sge.s32 s10, s3;
	vm0 =	vmand vm0, vm11;
	[tilespmem:$0x142C0] =	vst v5;
	v5 =	vsub.s32 v12, v2;
	vm1 =	vmand vm13, vm12  }
0x27b: {  	[tilespmem:$0x142D0] =	vst v6;
	v6 =	vsub.s32 v63, v2;
	s11 =	sadd.s32 @!p2 $0x480, s7;
	v5 =	vnsel vm0, $0x1400, v5;
	vm15 =	vmand vm1, vm14  }
0x27c: {  	p0 =	slt.s32 @!p2 s11, $0x4E180;
	[tilespmem:$0x142E0] =	vst v5;
	v5 =	vnsel vm15, $0x1400, v6  }
0x27d: {  	s13 =	simm.s32 @!p2 $0x0;
	p0 =	por !p0, p2;
	[tilespmem:$0x142F0] =	vst v5  }
0x27e: {  	[spmem:s5] =	stream.indirect.scatter.add.f32 [tilespmem:s4], [sflag:$0x6], $0x80, s31, s19, $0xb8;
	[tilespmem:$0x1E740] =	vst v63  }
0x27f: {  	s14 =	simm.s32 @!p2 $0x10080;
	s11 =	simm.s32 @p0 $0x4E180;
	_ =	swait.ge [sflag:s15], $0x4000  }
.Ltmp26:
0x280: {  	s12 =	sshll.u32 @!p2 s11, $0x4;
	[sflag:s15] =	ssyncset.done $0x0;
	(pc) =	sbr.rel .LBB2_31-.Ltmp26, $4  }
0x281: {  	s11 =	sshrl.u32 @!p2 s11, $0x3;
	s12 =	sadd.s32 @!p2 s0, s12;
	[sflag:s15] =	ssyncadd.s32 $0xFFFFC000  }
0x282: {  	[tilespmem:s14], [sflag:$0x5] =	stream.linear.gather @!p2 [hbm4b:s12+s13], $0x4000, $0x38;
	[tilespmem:$0x1E740] =	vst v63  }
0x283: {  	s11 =	sadd.s32 @!p2 s1, s11;
	s12 =	simm.s32 @!p2 $0x14500  }
0x284: {  	[tilespmem:s12], [sflag:$0x5] =	stream.linear.gather @!p2 [hbm4b:s11+s13], $0x80, $0x38;
	[tilespmem:$0x1E740] =	vst v63  }
.LBB2_33:
0x285: {  	_ =	sfence.sel $0x180000  }
0x286: {  	[bflag:$0x0] =	sbarrier.arrive $0xFFFF  }
0x287: {  	_ =	strace $0x90000047  }
0x288: {  	[bflag:$0x2] =	sbarrier.arrive $0xFFFF  }
0x289: {  	p0 =	sne.s32 s2, $0x0;
	s0 =	rddreg [dreg:$0x5]  }
0x28a: {  	s0 =	sadd.s32 @!p0 $0x100000, s0  }
0x28b: {  	[sflag:s0] =	ssyncadd.tile.s32 @!p0 $0x1;
	_ =	shalt  }
.Lfunc_end2:
_tile_overlayer_lowered:
.L_overlay_start_2:
0x28c: {  	(tag) =	ssettag $0x2  }
0x28d: {  	s0 =	rddreg [dreg:$0x0];
	s2 =	stileid.u32  }
0x28e: {  	s1 =	rddreg [dreg:$0x1];
	p0 =	sne.s32 s2, $0x0  }
0x28f: {  	s3 =	rddreg [dreg:$0x2];
	[bflag:$0x3] =	sbarrier.arrive $0xFFFF;
	s2 =	simm.s32 @!p0 $0x1C06  }
0x290: {  	[timem:s3], [sflag:s2] =	dma.local @!p0 [hbm:s0], s1  }
0x291: {  	s0 =	simm.s32 @!p0 $0x6  }
0x292: {  	_ =	swait.ge @!p0 [sflag:s0], s1  }
0x293: {  	s1 =	ssub.s32 @!p0 $0x0, s1;
	[sflag:s0] =	ssyncset.done @!p0 $0x0  }
0x294: {  	[sflag:s0] =	ssyncadd.s32 @!p0 s1  }
0x295: {  	[bflag:$0x3] =	sbarrier.arrive $0xFFFF  }
0x296: {  	_ =	shalt  }

</sc_bundles>
